<compile_context>
chip_gen: v7x
topology: tpu7x:2x2x1
jax: 0.10.2.dev20260603
libtpu: 0.0.44.dev20260713+nightly
codegen_flags: <defaults>
</compile_context>

<pallas_src>
import jax
import jax.numpy as jnp
from jax import lax
from jax.experimental import pallas as pl
from jax.experimental.pallas import tpu as pltpu
from jax.experimental.pallas import tpu_sc as plsc

N = 10000
E = 320000
DIN = 128
DE = 16
DIM = 256
B = 64
HALF = DIM // 2
NSUB = 16
NCORE = 2
AGG_ROWS = 10112
ROWS_PER_TILE = AGG_ROWS // NSUB
E_PER_TILE = E // NSUB
EK = 80
NBATCH = E_PER_TILE // EK


def _node_pre_body(x_ref, w0_ref, b0_ref, wmt_ref, bm_ref,
                   out_ref, xm0_ref, xm1_ref):
    h = jnp.maximum(jnp.dot(x_ref[...], w0_ref[...],
                            preferred_element_type=jnp.float32) + b0_ref[...], 0.0)
    out_ref[...] = h
    xm = jnp.dot(h, wmt_ref[...], preferred_element_type=jnp.float32) + bm_ref[...]
    xm0_ref[...] = xm[:, :HALF]
    xm1_ref[...] = xm[:, HALF:]


def _node_pre(x, w0, b0, wmt, bm):
    blk = 400
    grid = (N // blk,)
    return pl.pallas_call(
        _node_pre_body,
        grid=grid,
        in_specs=[
            pl.BlockSpec((blk, DIN), lambda i: (i, 0)),
            pl.BlockSpec((DIN, DIM), lambda i: (0, 0)),
            pl.BlockSpec((1, DIM), lambda i: (0, 0)),
            pl.BlockSpec((DIM, DIM), lambda i: (0, 0)),
            pl.BlockSpec((1, DIM), lambda i: (0, 0)),
        ],
        out_specs=[
            pl.BlockSpec((blk, DIM), lambda i: (i, 0)),
            pl.BlockSpec((blk, HALF), lambda i: (i, 0)),
            pl.BlockSpec((blk, HALF), lambda i: (i, 0)),
        ],
        out_shape=[
            jax.ShapeDtypeStruct((N, DIM), jnp.float32),
            jax.ShapeDtypeStruct((N, HALF), jnp.float32),
            jax.ShapeDtypeStruct((N, HALF), jnp.float32),
        ],
    )(x, w0, b0, wmt, bm)


def _edge_pre_body(ea_ref, wmb_ref, eam0_ref, eam1_ref):
    m = jnp.dot(ea_ref[...], wmb_ref[...], preferred_element_type=jnp.float32)
    eam0_ref[...] = m[:, :HALF]
    eam1_ref[...] = m[:, HALF:]


def _edge_pre(ea, wmb):
    blk = 2000
    grid = (E // blk,)
    return pl.pallas_call(
        _edge_pre_body,
        grid=grid,
        in_specs=[
            pl.BlockSpec((blk, DE), lambda i: (i, 0)),
            pl.BlockSpec((DE, DIM), lambda i: (0, 0)),
        ],
        out_specs=[
            pl.BlockSpec((blk, HALF), lambda i: (i, 0)),
            pl.BlockSpec((blk, HALF), lambda i: (i, 0)),
        ],
        out_shape=[
            jax.ShapeDtypeStruct((E, HALF), jnp.float32),
            jax.ShapeDtypeStruct((E, HALF), jnp.float32),
        ],
    )(ea, wmb)


def _sc_body(xm0, xm1, eam0, eam1, src, dst, zeros, aggout,
             agg_sh,
             srcv0, srcv1, dstv0, dstv1, eamv0, eamv1, rowv0, rowv1,
             isem0, isem1, gsem0, gsem1, dsem0, dsem1):
    c = lax.axis_index("c")
    s = lax.axis_index("s")
    srcv = [srcv0, srcv1]
    dstv = [dstv0, dstv1]
    eamv = [eamv0, eamv1]
    rowv = [rowv0, rowv1]
    isem = [isem0, isem1]
    gsem = [gsem0, gsem1]
    dsem = [dsem0, dsem1]

    pltpu.sync_copy(zeros, agg_sh.at[pl.ds(s * ROWS_PER_TILE, ROWS_PER_TILE)])
    plsc.subcore_barrier()

    ebase = s * E_PER_TILE

    def process(xm_ref, eam_ref):
        def iload_se(g, j):
            base = ebase + g * EK
            pltpu.async_copy(src.at[pl.ds(base, EK)], srcv[j], isem[j])
            pltpu.async_copy(eam_ref.at[pl.ds(base, EK)], eamv[j], isem[j])

        def iload_se_wait(g, j):
            base = ebase + g * EK
            pltpu.make_async_copy(src.at[pl.ds(base, EK)], srcv[j], isem[j]).wait()
            pltpu.make_async_copy(eam_ref.at[pl.ds(base, EK)], eamv[j], isem[j]).wait()

        def dload(g, j):
            pltpu.async_copy(dst.at[pl.ds(ebase + g * EK, EK)], dstv[j], dsem[j])

        def dload_wait(g, j):
            pltpu.make_async_copy(dst.at[pl.ds(ebase + g * EK, EK)], dstv[j],
                                  dsem[j]).wait()

        def compute(j):
            def row_body(i, _):
                for rr in range(4):
                    for k in range(HALF // 16):
                        sl = pl.ds(k * 16, 16)
                        ii = i * 4 + rr
                        rowv[j][ii, sl] = jnp.maximum(
                            rowv[j][ii, sl] + eamv[j][ii, sl], 0.0)
                return 0

            lax.fori_loop(0, EK // 4, row_body, 0)

        iload_se(0, 0)
        iload_se(1, 1)
        dload(0, 0)
        iload_se_wait(0, 0)
        pltpu.async_copy(xm_ref.at[srcv[0]], rowv[0], gsem[0])

        def outer(o, carry):
            for j in range(2):
                g = o * 2 + j
                j1 = 1 - j

                @pl.when(g < NBATCH - 1)
                def _():
                    iload_se_wait(g + 1, j1)
                    dload(g + 1, j1)
                    pltpu.async_copy(xm_ref.at[srcv[j1]], rowv[j1], gsem[j1])

                pltpu.make_async_copy(xm_ref.at[srcv[j]], rowv[j],
                                      gsem[j]).wait()

                compute(j)

                dload_wait(g, j)
                pltpu.sync_copy(rowv[j], agg_sh.at[dstv[j]], add=True)

                @pl.when(g < NBATCH - 2)
                def _():
                    iload_se(g + 2, j)
            return 0

        lax.fori_loop(0, NBATCH // 2, outer, 0)

    @pl.when(c == 0)
    def _():
        process(xm0, eam0)

    @pl.when(c == 1)
    def _():
        process(xm1, eam1)

    plsc.subcore_barrier()

    @pl.when(c == 0)
    def _():
        pltpu.sync_copy(agg_sh.at[pl.ds(s * ROWS_PER_TILE, ROWS_PER_TILE)],
                        aggout.at[0, pl.ds(s * ROWS_PER_TILE, ROWS_PER_TILE)])

    @pl.when(c == 1)
    def _():
        pltpu.sync_copy(agg_sh.at[pl.ds(s * ROWS_PER_TILE, ROWS_PER_TILE)],
                        aggout.at[1, pl.ds(s * ROWS_PER_TILE, ROWS_PER_TILE)])


def _edge_agg(xm0, xm1, eam0, eam1, src, dst):
    zeros = jnp.zeros((ROWS_PER_TILE, HALF), jnp.float32)
    mesh = plsc.VectorSubcoreMesh(core_axis_name="c", subcore_axis_name="s")
    fn = pl.kernel(
        _sc_body,
        out_type=jax.ShapeDtypeStruct((NCORE, AGG_ROWS, HALF), jnp.float32),
        mesh=mesh,
        scratch_types=(
            [pltpu.VMEM_SHARED((AGG_ROWS, HALF), jnp.float32)]
            + [pltpu.VMEM((EK,), jnp.int32)] * 4
            + [pltpu.VMEM((EK, HALF), jnp.float32)] * 4
            + [pltpu.SemaphoreType.DMA] * 6
        ),
    )
    return fn(xm0, xm1, eam0, eam1, src, dst, zeros)


def _node_upd_body(out_ref, a0_ref, a1_ref, wut_ref, wua0_ref, wua1_ref, bu_ref,
                   h2_ref):
    acc = jnp.dot(out_ref[...], wut_ref[...], preferred_element_type=jnp.float32)
    acc += jnp.dot(a0_ref[...], wua0_ref[...], preferred_element_type=jnp.float32)
    acc += jnp.dot(a1_ref[...], wua1_ref[...], preferred_element_type=jnp.float32)
    h2_ref[...] = jnp.maximum(acc + bu_ref[...], 0.0)


def _node_upd(out, agg0, agg1, wut, wua0, wua1, bu):
    blk = 400
    grid = (N // blk,)
    return pl.pallas_call(
        _node_upd_body,
        grid=grid,
        in_specs=[
            pl.BlockSpec((blk, DIM), lambda i: (i, 0)),
            pl.BlockSpec((blk, HALF), lambda i: (i, 0)),
            pl.BlockSpec((blk, HALF), lambda i: (i, 0)),
            pl.BlockSpec((DIM, DIM), lambda i: (0, 0)),
            pl.BlockSpec((HALF, DIM), lambda i: (0, 0)),
            pl.BlockSpec((HALF, DIM), lambda i: (0, 0)),
            pl.BlockSpec((1, DIM), lambda i: (0, 0)),
        ],
        out_specs=pl.BlockSpec((blk, DIM), lambda i: (i, 0)),
        out_shape=jax.ShapeDtypeStruct((N, DIM), jnp.float32),
    )(out, agg0, agg1, wut, wua0, wua1, bu)


def _sig(x):
    return 1.0 / (1.0 + jnp.exp(-x))


NCHUNK = 10
CHROWS = N // NCHUNK


def _s2s_body(h2_ref, batch_ref, wi_ref, wh_ref, bl_ref,
              w1_ref, b1_ref, w2_ref, b2_ref, o_ref, e_scr, aw_scr):
    bcol = batch_ref[...]
    gidx = lax.broadcasted_iota(jnp.int32, (N, B), 1)
    msk = bcol == gidx

    wi = wi_ref[...]
    wh = wh_ref[...]
    bl = bl_ref[...]

    hh = jnp.zeros((B, DIM), jnp.float32)
    cc = jnp.zeros((B, DIM), jnp.float32)
    qs = jnp.zeros((B, 2 * DIM), jnp.float32)
    for _ in range(3):
        gates = (jnp.dot(qs, wi, preferred_element_type=jnp.float32)
                 + jnp.dot(hh, wh, preferred_element_type=jnp.float32) + bl)
        ig = gates[:, :DIM]
        fg = gates[:, DIM:2 * DIM]
        gg = gates[:, 2 * DIM:3 * DIM]
        og = gates[:, 3 * DIM:]
        cc = _sig(fg) * cc + _sig(ig) * jnp.tanh(gg)
        hh = _sig(og) * jnp.tanh(cc)
        def echunk(ci, carry):
            rs = pl.ds(ci * CHROWS, CHROWS)
            h2b = h2_ref[rs, :]
            mb = batch_ref[rs, :] == lax.broadcasted_iota(
                jnp.int32, (CHROWS, B), 1)
            p = lax.dot_general(h2b, hh, (((1,), (1,)), ((), ())),
                                preferred_element_type=jnp.float32,
                                precision=jax.lax.Precision.HIGHEST)
            e_scr[rs, :] = jnp.sum(jnp.where(mb, p, 0.0), axis=1,
                                   keepdims=True)
            return 0

        lax.fori_loop(0, NCHUNK, echunk, 0)
        e = e_scr[...]
        emax = jnp.max(jnp.where(msk, e, -1e30), axis=0, keepdims=True)
        egat = jnp.sum(jnp.where(msk, emax, 0.0), axis=1, keepdims=True)
        au = jnp.exp(e - egat)
        asum = jnp.sum(jnp.where(msk, au, 0.0), axis=0, keepdims=True)
        agat = jnp.sum(jnp.where(msk, asum, 0.0), axis=1, keepdims=True)
        aw_scr[...] = au / agat

        def rchunk(ci, racc):
            rs = pl.ds(ci * CHROWS, CHROWS)
            h2b = h2_ref[rs, :]
            mb = (batch_ref[rs, :] == lax.broadcasted_iota(
                jnp.int32, (CHROWS, B), 1)).astype(jnp.float32)
            wab = mb * aw_scr[rs, :]
            return racc + lax.dot_general(
                wab, h2b, (((0,), (0,)), ((), ())),
                preferred_element_type=jnp.float32,
                precision=jax.lax.Precision.HIGHEST)

        r = lax.fori_loop(0, NCHUNK, rchunk, jnp.zeros((B, DIM), jnp.float32))
        qs = jnp.concatenate([hh, r], axis=1)

    o1 = jnp.maximum(jnp.dot(qs, w1_ref[...],
                             preferred_element_type=jnp.float32) + b1_ref[...], 0.0)
    o_ref[...] = (jnp.dot(o1, w2_ref[...], preferred_element_type=jnp.float32)
                  + b2_ref[...])


def _set2set(h2, batch2d, wi, wh, bl, w1, b1, w2, b2):
    return pl.pallas_call(
        _s2s_body,
        out_shape=jax.ShapeDtypeStruct((B, 1), jnp.float32),
        scratch_shapes=[pltpu.VMEM((N, 1), jnp.float32),
                        pltpu.VMEM((N, 1), jnp.float32)],
    )(h2, batch2d, wi, wh, bl, w1, b1, w2, b2)


@jax.jit
def kernel(x, edge_index, edge_attr, batch, W0, b0, Wm, bm, Wu, bu,
           Wi_lstm, Wh_lstm, b_lstm, W1, b1, W2, b2):
    src = edge_index[0]
    dst = edge_index[1]

    out, xm0, xm1 = _node_pre(x, W0, b0.reshape(1, DIM), Wm[:DIM],
                              bm.reshape(1, DIM))
    eam0, eam1 = _edge_pre(edge_attr, Wm[DIM:])
    agg = _edge_agg(xm0, xm1, eam0, eam1, src, dst)
    h2 = _node_upd(out, agg[0, :N], agg[1, :N], Wu[:DIM], Wu[DIM:DIM + HALF],
                   Wu[DIM + HALF:], bu.reshape(1, DIM))
    o = _set2set(h2, batch.reshape(N, 1), Wi_lstm, Wh_lstm,
                 b_lstm.reshape(1, 4 * DIM), W1, b1.reshape(1, DIM),
                 W2, b2.reshape(1, 1))
    return o.reshape(-1)

# --- scband reference (transcript-rebuilt; emitter-appended) ---
"""Pipeline reference for scband-dmpnn-change-678604832935 (READ-ONLY COPY).

The authoritative reference and input builder live on the scoring server;
editing this copy changes nothing except your own understanding.
"""

import jax, jax.numpy as jnp
import numpy as np

N = 10000
E = 320000
DIN = 128
DE = 16
DIM = 256
B = 64

def setup_inputs(seed: int = 0):
    key = jax.random.key(seed)
    ks = jax.random.split(key, 20)
    s = lambda i, shape: jax.random.normal(ks[i], shape, jnp.float32) * 0.05
    inp = {}
    inp["x"] = jax.random.normal(ks[0], (N, DIN), jnp.float32)
    inp["edge_index"] = jax.random.randint(ks[1], (2, E), 0, N, jnp.int32)
    inp["edge_attr"] = jax.random.normal(ks[2], (E, DE), jnp.float32)
    inp["batch"] = jnp.sort(jax.random.randint(ks[3], (N,), 0, B, jnp.int32))
    inp["W0"] = s(4, (DIN, DIM)); inp["b0"] = jnp.zeros((DIM,), jnp.float32)
    inp["Wm"] = s(5, (DIM + DE, DIM)); inp["bm"] = jnp.zeros((DIM,), jnp.float32)
    inp["Wu"] = s(6, (2 * DIM, DIM)); inp["bu"] = jnp.zeros((DIM,), jnp.float32)
    inp["Wi_lstm"] = s(7, (2 * DIM, 4 * DIM)); inp["Wh_lstm"] = s(8, (DIM, 4 * DIM)); inp["b_lstm"] = jnp.zeros((4 * DIM,), jnp.float32)
    inp["W1"] = s(9, (2 * DIM, DIM)); inp["b1"] = jnp.zeros((DIM,), jnp.float32)
    inp["W2"] = s(10, (DIM, 1)); inp["b2"] = jnp.zeros((1,), jnp.float32)
    return inp

def _forward(x, edge_attr, W0, b0, Wm, bm, Wu, bu, Wi_lstm, Wh_lstm, b_lstm, W1, b1, W2, b2, edge_index, batch):
    # lin0 + relu
    out = jax.nn.relu(x @ W0 + b0)
    # DMPNNLayer2: edge message from (src node feat, edge_attr), scatter-add to dst, node update
    src = edge_index[0]
    dst = edge_index[1]
    msg = jax.nn.relu(jnp.concatenate([out[src], edge_attr], axis=1) @ Wm + bm)
    agg = jax.ops.segment_sum(msg, dst, num_segments=N)
    out = jax.nn.relu(jnp.concatenate([out, agg], axis=1) @ Wu + bu)
    # outer F.relu in forward (massage_depth=1)
    out = jax.nn.relu(out)
    # Set2Set with processing_steps=3 (single-layer LSTM, input 2*DIM, hidden DIM)
    h = jnp.zeros((B, DIM), out.dtype)
    c = jnp.zeros((B, DIM), out.dtype)
    q_star = jnp.zeros((B, 2 * DIM), out.dtype)
    for _ in range(3):
        gates = q_star @ Wi_lstm + h @ Wh_lstm + b_lstm
        ig, fg, gg, og = jnp.split(gates, 4, axis=1)
        c = jax.nn.sigmoid(fg) * c + jax.nn.sigmoid(ig) * jnp.tanh(gg)
        h = jax.nn.sigmoid(og) * jnp.tanh(c)
        q = h
        e = jnp.sum(out * q[batch], axis=1)
        emax = jax.ops.segment_max(e, batch, num_segments=B)
        a = jnp.exp(e - emax[batch])
        asum = jax.ops.segment_sum(a, batch, num_segments=B)
        a = a / asum[batch]
        r = jax.ops.segment_sum(out * a[:, None], batch, num_segments=B)
        q_star = jnp.concatenate([q, r], axis=1)
    # lin1 + relu (dropout = identity for deterministic reference), lin2
    o = jax.nn.relu(q_star @ W1 + b1)
    o = o @ W2 + b2
    return o.reshape(-1)

def reference(x, edge_index, edge_attr, batch, W0, b0, Wm, bm, Wu, bu, Wi_lstm, Wh_lstm, b_lstm, W1, b1, W2, b2):
    return _forward(x, edge_attr, W0, b0, Wm, bm, Wu, bu, Wi_lstm, Wh_lstm, b_lstm, W1, b1, W2, b2, edge_index, batch)

if __name__ == "__main__":
    import jax
    _d = setup_inputs()
    print(jax.jit(kernel)(*tuple(_d.values())))

</pallas_src>

<mosaic_0001>
#map = affine_map<(d0, d1) -> (0, 0)>
#map1 = affine_map<(d0, d1) -> (0)>
#map2 = affine_map<(d0, d1) -> (0, 0, 0)>
module attributes {stable_mosaic.version = 14 : i64} {
  func.func @_sc_body(%arg0: i32, %arg1: i32, %arg2: memref<10000x128xf32, #tpu.memory_space<hbm>>, %arg3: memref<10000x128xf32, #tpu.memory_space<hbm>>, %arg4: memref<320000x128xf32, #tpu.memory_space<hbm>>, %arg5: memref<320000x128xf32, #tpu.memory_space<hbm>>, %arg6: memref<320000xi32, #tpu.memory_space<hbm>>, %arg7: memref<320000xi32, #tpu.memory_space<hbm>>, %arg8: memref<632x128xf32, #tpu.memory_space<hbm>>, %arg9: memref<2x10112x128xf32, #tpu.memory_space<hbm>>, %arg10: memref<10112x128xf32, #tpu.memory_space<vmem_shared>>, %arg11: memref<80xi32, #tpu.memory_space<vmem>>, %arg12: memref<80xi32, #tpu.memory_space<vmem>>, %arg13: memref<80xi32, #tpu.memory_space<vmem>>, %arg14: memref<80xi32, #tpu.memory_space<vmem>>, %arg15: memref<80x128xf32, #tpu.memory_space<vmem>>, %arg16: memref<80x128xf32, #tpu.memory_space<vmem>>, %arg17: memref<80x128xf32, #tpu.memory_space<vmem>>, %arg18: memref<80x128xf32, #tpu.memory_space<vmem>>, %arg19: memref<!tpu.dma_semaphore, #tpu.memory_space<semaphore_mem>>, %arg20: memref<!tpu.dma_semaphore, #tpu.memory_space<semaphore_mem>>, %arg21: memref<!tpu.dma_semaphore, #tpu.memory_space<semaphore_mem>>, %arg22: memref<!tpu.dma_semaphore, #tpu.memory_space<semaphore_mem>>, %arg23: memref<!tpu.dma_semaphore, #tpu.memory_space<semaphore_mem>>, %arg24: memref<!tpu.dma_semaphore, #tpu.memory_space<semaphore_mem>>) attributes {dimension_semantics = [#tpu.dimension_semantics<core_parallel>, #tpu.dimension_semantics<subcore_parallel>], iteration_bounds = array<i64: 2, 16>, scalar_prefetch = 0 : i64, scratch_operands = 15 : i64, tpu.core_type = #tpu.core_type<sc_vector_subcore>, window_params = [{transform_indices = #map}, {transform_indices = #map}, {transform_indices = #map}, {transform_indices = #map}, {transform_indices = #map1}, {transform_indices = #map1}, {transform_indices = #map}, {transform_indices = #map2}]} {
    %mul3A = arith.constant 632 : i32
    %mul3A_0 = arith.muli %arg1, %mul3A : i32
    "tpu.region"() ({
      %run_scoped3A = tpu.sem_alloc : memref<!tpu.dma_semaphore, #tpu.memory_space<semaphore_mem>>
      %dma_start3A = arith.constant 0 : i32
      %dma_start3A_21 = tpu.memref_slice %arg10[%mul3A_0, %dma_start3A] : memref<10112x128xf32, #tpu.memory_space<vmem_shared>> -> memref<632x128xf32, #tpu.memory_space<vmem_shared>>
      tpu.enqueue_dma source(%arg8 : memref<632x128xf32, #tpu.memory_space<hbm>>) target(%dma_start3A_21 : memref<632x128xf32, #tpu.memory_space<vmem_shared>>) target_semaphore(%run_scoped3A : memref<!tpu.dma_semaphore, #tpu.memory_space<semaphore_mem>>)
      %dma_wait3A = arith.constant 0 : i32
      %dma_wait3A_22 = tpu.memref_slice %arg10[%mul3A_0, %dma_wait3A] : memref<10112x128xf32, #tpu.memory_space<vmem_shared>> -> memref<632x128xf32, #tpu.memory_space<vmem_shared>>
      tpu.wait_dma2 semaphore(%run_scoped3A : memref<!tpu.dma_semaphore, #tpu.memory_space<semaphore_mem>>) src(%arg8 : memref<632x128xf32, #tpu.memory_space<hbm>>) dst(%dma_wait3A_22 : memref<632x128xf32, #tpu.memory_space<vmem_shared>>)
      tpu.yield
    }) : () -> ()
    %barrier3A = arith.constant 0 : index
    tpu.barrier barrier_id(%barrier3A)
    %mul3A_1 = arith.constant 20000 : i32
    %mul3A_2 = arith.muli %arg1, %mul3A_1 : i32
    %eq3A = arith.constant 0 : i32
    %eq3A_3 = arith.cmpi eq, %arg0, %eq3A : i32
    %convert_element_type3A = arith.extui %eq3A_3 : i1 to i32
    %cond3A = arith.constant 0 : i32
    %cond3A_4 = arith.cmpi ne, %convert_element_type3A, %cond3A : i32
    scf.if %cond3A_4 {
      %add3A = arith.constant 0 : i32
      %add3A_21 = arith.addi %mul3A_2, %add3A : i32
      %dma_start3A = tpu.memref_slice %arg6[%add3A_21] : memref<320000xi32, #tpu.memory_space<hbm>> -> memref<80xi32, #tpu.memory_space<hbm>>
      %dma_start3A_22 = tpu.memref_slice %arg6[%add3A_21] : memref<320000xi32, #tpu.memory_space<hbm>> -> memref<80xi32, #tpu.memory_space<hbm>>
      tpu.enqueue_dma source(%dma_start3A_22 : memref<80xi32, #tpu.memory_space<hbm>>) target(%arg11 : memref<80xi32, #tpu.memory_space<vmem>>) target_semaphore(%arg19 : memref<!tpu.dma_semaphore, #tpu.memory_space<semaphore_mem>>)
      %dma_start3A_23 = arith.constant 0 : i32
      %dma_start3A_24 = tpu.memref_slice %arg4[%add3A_21, %dma_start3A_23] : memref<320000x128xf32, #tpu.memory_space<hbm>> -> memref<80x128xf32, #tpu.memory_space<hbm>>
      %dma_start3A_25 = arith.constant 0 : i32
      %dma_start3A_26 = tpu.memref_slice %arg4[%add3A_21, %dma_start3A_25] : memref<320000x128xf32, #tpu.memory_space<hbm>> -> memref<80x128xf32, #tpu.memory_space<hbm>>
      tpu.enqueue_dma source(%dma_start3A_26 : memref<80x128xf32, #tpu.memory_space<hbm>>) target(%arg15 : memref<80x128xf32, #tpu.memory_space<vmem>>) target_semaphore(%arg19 : memref<!tpu.dma_semaphore, #tpu.memory_space<semaphore_mem>>)
      %add3A_27 = arith.constant 80 : i32
      %add3A_28 = arith.addi %mul3A_2, %add3A_27 : i32
      %dma_start3A_29 = tpu.memref_slice %arg6[%add3A_28] : memref<320000xi32, #tpu.memory_space<hbm>> -> memref<80xi32, #tpu.memory_space<hbm>>
      %dma_start3A_30 = tpu.memref_slice %arg6[%add3A_28] : memref<320000xi32, #tpu.memory_space<hbm>> -> memref<80xi32, #tpu.memory_space<hbm>>
      tpu.enqueue_dma source(%dma_start3A_30 : memref<80xi32, #tpu.memory_space<hbm>>) target(%arg12 : memref<80xi32, #tpu.memory_space<vmem>>) target_semaphore(%arg20 : memref<!tpu.dma_semaphore, #tpu.memory_space<semaphore_mem>>)
      %dma_start3A_31 = arith.constant 0 : i32
      %dma_start3A_32 = tpu.memref_slice %arg4[%add3A_28, %dma_start3A_31] : memref<320000x128xf32, #tpu.memory_space<hbm>> -> memref<80x128xf32, #tpu.memory_space<hbm>>
      %dma_start3A_33 = arith.constant 0 : i32
      %dma_start3A_34 = tpu.memref_slice %arg4[%add3A_28, %dma_start3A_33] : memref<320000x128xf32, #tpu.memory_space<hbm>> -> memref<80x128xf32, #tpu.memory_space<hbm>>
      tpu.enqueue_dma source(%dma_start3A_34 : memref<80x128xf32, #tpu.memory_space<hbm>>) target(%arg16 : memref<80x128xf32, #tpu.memory_space<vmem>>) target_semaphore(%arg20 : memref<!tpu.dma_semaphore, #tpu.memory_space<semaphore_mem>>)
      %add3A_35 = arith.constant 0 : i32
      %add3A_36 = arith.addi %mul3A_2, %add3A_35 : i32
      %dma_start3A_37 = tpu.memref_slice %arg7[%add3A_36] : memref<320000xi32, #tpu.memory_space<hbm>> -> memref<80xi32, #tpu.memory_space<hbm>>
      %dma_start3A_38 = tpu.memref_slice %arg7[%add3A_36] : memref<320000xi32, #tpu.memory_space<hbm>> -> memref<80xi32, #tpu.memory_space<hbm>>
      tpu.enqueue_dma source(%dma_start3A_38 : memref<80xi32, #tpu.memory_space<hbm>>) target(%arg13 : memref<80xi32, #tpu.memory_space<vmem>>) target_semaphore(%arg23 : memref<!tpu.dma_semaphore, #tpu.memory_space<semaphore_mem>>)
      %add3A_39 = arith.constant 0 : i32
      %add3A_40 = arith.addi %mul3A_2, %add3A_39 : i32
      %dma_wait3A = tpu.memref_slice %arg6[%add3A_40] : memref<320000xi32, #tpu.memory_space<hbm>> -> memref<80xi32, #tpu.memory_space<hbm>>
      %dma_wait3A_41 = tpu.memref_slice %arg6[%add3A_40] : memref<320000xi32, #tpu.memory_space<hbm>> -> memref<80xi32, #tpu.memory_space<hbm>>
      tpu.wait_dma2 semaphore(%arg19 : memref<!tpu.dma_semaphore, #tpu.memory_space<semaphore_mem>>) src(%dma_wait3A_41 : memref<80xi32, #tpu.memory_space<hbm>>) dst(%arg11 : memref<80xi32, #tpu.memory_space<vmem>>)
      %dma_wait3A_42 = arith.constant 0 : i32
      %dma_wait3A_43 = tpu.memref_slice %arg4[%add3A_40, %dma_wait3A_42] : memref<320000x128xf32, #tpu.memory_space<hbm>> -> memref<80x128xf32, #tpu.memory_space<hbm>>
      %dma_wait3A_44 = arith.constant 0 : i32
      %dma_wait3A_45 = tpu.memref_slice %arg4[%add3A_40, %dma_wait3A_44] : memref<320000x128xf32, #tpu.memory_space<hbm>> -> memref<80x128xf32, #tpu.memory_space<hbm>>
      tpu.wait_dma2 semaphore(%arg19 : memref<!tpu.dma_semaphore, #tpu.memory_space<semaphore_mem>>) src(%dma_wait3A_45 : memref<80x128xf32, #tpu.memory_space<hbm>>) dst(%arg15 : memref<80x128xf32, #tpu.memory_space<vmem>>)
      %dma_start3A_46 = arith.constant 0 : i32
      %dma_start3A_47 = arith.constant 0 : i32
      %dma_start3A_48 = tpu.memref_slice %arg2[%dma_start3A_46, %dma_start3A_47] : memref<10000x128xf32, #tpu.memory_space<hbm>> -> memref<10000x128xf32, #tpu.memory_space<hbm>>
      tpu.enqueue_indirect_dma source(%dma_start3A_48 : memref<10000x128xf32, #tpu.memory_space<hbm>>) target(%arg17 : memref<80x128xf32, #tpu.memory_space<vmem>>) offsets(%arg11 : memref<80xi32, #tpu.memory_space<vmem>>) semaphore(%arg21 : memref<!tpu.dma_semaphore, #tpu.memory_space<semaphore_mem>>)
      %scan3A = arith.constant 0 : i32
      %scan3A_49 = arith.constant 0 : i32
      %scan3A_50 = arith.constant 125 : i32
      %scan3A_51 = arith.addi %scan3A_49, %scan3A_50 : i32
      %scan3A_52 = arith.constant 1 : i32
      %scan3A_53 = scf.for %scan3A_55 = %scan3A_49 to %scan3A_51 step %scan3A_52 iter_args(%scan3A_56 = %scan3A) -> (i32)  : i32 {
        %mul3A_57 = arith.constant 2 : i32
        %mul3A_58 = arith.muli %scan3A_55, %mul3A_57 : i32
        %add3A_59 = arith.constant 0 : i32
        %add3A_60 = arith.addi %mul3A_58, %add3A_59 : i32
        %lt3A = arith.constant 249 : i32
        %lt3A_61 = arith.cmpi slt, %add3A_60, %lt3A : i32
        %convert_element_type3A_62 = arith.extui %lt3A_61 : i1 to i32
        %cond3A_63 = arith.constant 0 : i32
        %cond3A_64 = arith.cmpi ne, %convert_element_type3A_62, %cond3A_63 : i32
        scf.if %cond3A_64 {
          %add3A_115 = arith.constant 1 : i32
          %add3A_116 = arith.addi %add3A_60, %add3A_115 : i32
          %mul3A_117 = arith.constant 80 : i32
          %mul3A_118 = arith.muli %add3A_116, %mul3A_117 : i32
          %add3A_119 = arith.addi %mul3A_2, %mul3A_118 : i32
          %dma_wait3A_120 = tpu.memref_slice %arg6[%add3A_119] : memref<320000xi32, #tpu.memory_space<hbm>> -> memref<80xi32, #tpu.memory_space<hbm>>
          %dma_wait3A_121 = tpu.memref_slice %arg6[%add3A_119] : memref<320000xi32, #tpu.memory_space<hbm>> -> memref<80xi32, #tpu.memory_space<hbm>>
          tpu.wait_dma2 semaphore(%arg20 : memref<!tpu.dma_semaphore, #tpu.memory_space<semaphore_mem>>) src(%dma_wait3A_121 : memref<80xi32, #tpu.memory_space<hbm>>) dst(%arg12 : memref<80xi32, #tpu.memory_space<vmem>>)
          %dma_wait3A_122 = arith.constant 0 : i32
          %dma_wait3A_123 = tpu.memref_slice %arg4[%add3A_119, %dma_wait3A_122] : memref<320000x128xf32, #tpu.memory_space<hbm>> -> memref<80x128xf32, #tpu.memory_space<hbm>>
          %dma_wait3A_124 = arith.constant 0 : i32
          %dma_wait3A_125 = tpu.memref_slice %arg4[%add3A_119, %dma_wait3A_124] : memref<320000x128xf32, #tpu.memory_space<hbm>> -> memref<80x128xf32, #tpu.memory_space<hbm>>
          tpu.wait_dma2 semaphore(%arg20 : memref<!tpu.dma_semaphore, #tpu.memory_space<semaphore_mem>>) src(%dma_wait3A_125 : memref<80x128xf32, #tpu.memory_space<hbm>>) dst(%arg16 : memref<80x128xf32, #tpu.memory_space<vmem>>)
          %add3A_126 = arith.constant 1 : i32
          %add3A_127 = arith.addi %add3A_60, %add3A_126 : i32
          %mul3A_128 = arith.constant 80 : i32
          %mul3A_129 = arith.muli %add3A_127, %mul3A_128 : i32
          %add3A_130 = arith.addi %mul3A_2, %mul3A_129 : i32
          %dma_start3A_131 = tpu.memref_slice %arg7[%add3A_130] : memref<320000xi32, #tpu.memory_space<hbm>> -> memref<80xi32, #tpu.memory_space<hbm>>
          %dma_start3A_132 = tpu.memref_slice %arg7[%add3A_130] : memref<320000xi32, #tpu.memory_space<hbm>> -> memref<80xi32, #tpu.memory_space<hbm>>
          tpu.enqueue_dma source(%dma_start3A_132 : memref<80xi32, #tpu.memory_space<hbm>>) target(%arg14 : memref<80xi32, #tpu.memory_space<vmem>>) target_semaphore(%arg24 : memref<!tpu.dma_semaphore, #tpu.memory_space<semaphore_mem>>)
          %dma_start3A_133 = arith.constant 0 : i32
          %dma_start3A_134 = arith.constant 0 : i32
          %dma_start3A_135 = tpu.memref_slice %arg2[%dma_start3A_133, %dma_start3A_134] : memref<10000x128xf32, #tpu.memory_space<hbm>> -> memref<10000x128xf32, #tpu.memory_space<hbm>>
          tpu.enqueue_indirect_dma source(%dma_start3A_135 : memref<10000x128xf32, #tpu.memory_space<hbm>>) target(%arg18 : memref<80x128xf32, #tpu.memory_space<vmem>>) offsets(%arg12 : memref<80xi32, #tpu.memory_space<vmem>>) semaphore(%arg22 : memref<!tpu.dma_semaphore, #tpu.memory_space<semaphore_mem>>)
        } else {
        }
        %dma_wait3A_65 = arith.constant 0 : i32
        %dma_wait3A_66 = arith.constant 0 : i32
        %dma_wait3A_67 = tpu.memref_slice %arg2[%dma_wait3A_65, %dma_wait3A_66] : memref<10000x128xf32, #tpu.memory_space<hbm>> -> memref<10000x128xf32, #tpu.memory_space<hbm>>
        tpu.wait_indirect_dma semaphore(%arg21 : memref<!tpu.dma_semaphore, #tpu.memory_space<semaphore_mem>>) src(%dma_wait3A_67 : memref<10000x128xf32, #tpu.memory_space<hbm>>) dst(%arg17 : memref<80x128xf32, #tpu.memory_space<vmem>>)
        %scan3A_68 = arith.constant 0 : i32
        %scan3A_69 = arith.constant 0 : i32
        %scan3A_70 = arith.constant 20 : i32
        %scan3A_71 = arith.addi %scan3A_69, %scan3A_70 : i32
        %scan3A_72 = arith.constant 1 : i32
        %scan3A_73 = scf.for %scan3A_115 = %scan3A_69 to %scan3A_71 step %scan3A_72 iter_args(%scan3A_116 = %scan3A_68) -> (i32)  : i32 {
          %mul3A_117 = arith.constant 4 : i32
          %mul3A_118 = arith.muli %scan3A_115, %mul3A_117 : i32
          %add3A_119 = arith.constant 0 : i32
          %add3A_120 = arith.addi %mul3A_118, %add3A_119 : i32
          %get3A = arith.index_cast %add3A_120 : i32 to index
          %get3A_121 = arith.constant 0 : index
          %get3A_122 = tpu.vector_load %arg17[%get3A, %get3A_121] {strides = array<i32>} : memref<80x128xf32, #tpu.memory_space<vmem>>, vector<1x16xf32>,
          %get3A_123 = vector.shape_cast %get3A_122 : vector<1x16xf32> to vector<16xf32>
          %get3A_124 = arith.index_cast %add3A_120 : i32 to index
          %get3A_125 = arith.constant 0 : index
          %get3A_126 = tpu.vector_load %arg15[%get3A_124, %get3A_125] {strides = array<i32>} : memref<80x128xf32, #tpu.memory_space<vmem>>, vector<1x16xf32>,
          %get3A_127 = vector.shape_cast %get3A_126 : vector<1x16xf32> to vector<16xf32>
          %add3A_128 = arith.addf %get3A_123, %get3A_127 : vector<16xf32>
          %max3A = arith.constant 0.000000e+00 : f32
          %max3A_129 = vector.broadcast %max3A : f32 to vector<16xf32>
          %max3A_130 = arith.maximumf %add3A_128, %max3A_129 : vector<16xf32>
          %swap3A = arith.index_cast %add3A_120 : i32 to index
          %swap3A_131 = arith.constant 0 : index
          %swap3A_132 = tpu.vector_load %arg17[%swap3A, %swap3A_131] {strides = array<i32>} : memref<80x128xf32, #tpu.memory_space<vmem>>, vector<1x16xf32>,
          %swap3A_133 = vector.shape_cast %swap3A_132 : vector<1x16xf32> to vector<16xf32>
          %swap3A_134 = vector.shape_cast %max3A_130 : vector<16xf32> to vector<1x16xf32>
          tpu.vector_store %arg17[%swap3A, %swap3A_131], %swap3A_134 {strides = array<i32>} : memref<80x128xf32, #tpu.memory_space<vmem>>, vector<1x16xf32>,
          %mul3A_135 = arith.constant 4 : i32
          %mul3A_136 = arith.muli %scan3A_115, %mul3A_135 : i32
          %add3A_137 = arith.constant 0 : i32
          %add3A_138 = arith.addi %mul3A_136, %add3A_137 : i32
          %get3A_139 = arith.index_cast %add3A_138 : i32 to index
          %get3A_140 = arith.constant 16 : index
          %get3A_141 = tpu.vector_load %arg17[%get3A_139, %get3A_140] {strides = array<i32>} : memref<80x128xf32, #tpu.memory_space<vmem>>, vector<1x16xf32>,
          %get3A_142 = vector.shape_cast %get3A_141 : vector<1x16xf32> to vector<16xf32>
          %get3A_143 = arith.index_cast %add3A_138 : i32 to index
          %get3A_144 = arith.constant 16 : index
          %get3A_145 = tpu.vector_load %arg15[%get3A_143, %get3A_144] {strides = array<i32>} : memref<80x128xf32, #tpu.memory_space<vmem>>, vector<1x16xf32>,
          %get3A_146 = vector.shape_cast %get3A_145 : vector<1x16xf32> to vector<16xf32>
          %add3A_147 = arith.addf %get3A_142, %get3A_146 : vector<16xf32>
          %max3A_148 = arith.constant 0.000000e+00 : f32
          %max3A_149 = vector.broadcast %max3A_148 : f32 to vector<16xf32>
          %max3A_150 = arith.maximumf %add3A_147, %max3A_149 : vector<16xf32>
          %swap3A_151 = arith.index_cast %add3A_138 : i32 to index
          %swap3A_152 = arith.constant 16 : index
          %swap3A_153 = tpu.vector_load %arg17[%swap3A_151, %swap3A_152] {strides = array<i32>} : memref<80x128xf32, #tpu.memory_space<vmem>>, vector<1x16xf32>,
          %swap3A_154 = vector.shape_cast %swap3A_153 : vector<1x16xf32> to vector<16xf32>
          %swap3A_155 = vector.shape_cast %max3A_150 : vector<16xf32> to vector<1x16xf32>
          tpu.vector_store %arg17[%swap3A_151, %swap3A_152], %swap3A_155 {strides = array<i32>} : memref<80x128xf32, #tpu.memory_space<vmem>>, vector<1x16xf32>,
          %mul3A_156 = arith.constant 4 : i32
          %mul3A_157 = arith.muli %scan3A_115, %mul3A_156 : i32
          %add3A_158 = arith.constant 0 : i32
          %add3A_159 = arith.addi %mul3A_157, %add3A_158 : i32
          %get3A_160 = arith.index_cast %add3A_159 : i32 to index
          %get3A_161 = arith.constant 32 : index
          %get3A_162 = tpu.vector_load %arg17[%get3A_160, %get3A_161] {strides = array<i32>} : memref<80x128xf32, #tpu.memory_space<vmem>>, vector<1x16xf32>,
          %get3A_163 = vector.shape_cast %get3A_162 : vector<1x16xf32> to vector<16xf32>
          %get3A_164 = arith.index_cast %add3A_159 : i32 to index
          %get3A_165 = arith.constant 32 : index
          %get3A_166 = tpu.vector_load %arg15[%get3A_164, %get3A_165] {strides = array<i32>} : memref<80x128xf32, #tpu.memory_space<vmem>>, vector<1x16xf32>,
          %get3A_167 = vector.shape_cast %get3A_166 : vector<1x16xf32> to vector<16xf32>
          %add3A_168 = arith.addf %get3A_163, %get3A_167 : vector<16xf32>
          %max3A_169 = arith.constant 0.000000e+00 : f32
          %max3A_170 = vector.broadcast %max3A_169 : f32 to vector<16xf32>
          %max3A_171 = arith.maximumf %add3A_168, %max3A_170 : vector<16xf32>
          %swap3A_172 = arith.index_cast %add3A_159 : i32 to index
          %swap3A_173 = arith.constant 32 : index
          %swap3A_174 = tpu.vector_load %arg17[%swap3A_172, %swap3A_173] {strides = array<i32>} : memref<80x128xf32, #tpu.memory_space<vmem>>, vector<1x16xf32>,
          %swap3A_175 = vector.shape_cast %swap3A_174 : vector<1x16xf32> to vector<16xf32>
          %swap3A_176 = vector.shape_cast %max3A_171 : vector<16xf32> to vector<1x16xf32>
          tpu.vector_store %arg17[%swap3A_172, %swap3A_173], %swap3A_176 {strides = array<i32>} : memref<80x128xf32, #tpu.memory_space<vmem>>, vector<1x16xf32>,
          %mul3A_177 = arith.constant 4 : i32
          %mul3A_178 = arith.muli %scan3A_115, %mul3A_177 : i32
          %add3A_179 = arith.constant 0 : i32
          %add3A_180 = arith.addi %mul3A_178, %add3A_179 : i32
          %get3A_181 = arith.index_cast %add3A_180 : i32 to index
          %get3A_182 = arith.constant 48 : index
          %get3A_183 = tpu.vector_load %arg17[%get3A_181, %get3A_182] {strides = array<i32>} : memref<80x128xf32, #tpu.memory_space<vmem>>, vector<1x16xf32>,
          %get3A_184 = vector.shape_cast %get3A_183 : vector<1x16xf32> to vector<16xf32>
          %get3A_185 = arith.index_cast %add3A_180 : i32 to index
          %get3A_186 = arith.constant 48 : index
          %get3A_187 = tpu.vector_load %arg15[%get3A_185, %get3A_186] {strides = array<i32>} : memref<80x128xf32, #tpu.memory_space<vmem>>, vector<1x16xf32>,
          %get3A_188 = vector.shape_cast %get3A_187 : vector<1x16xf32> to vector<16xf32>
          %add3A_189 = arith.addf %get3A_184, %get3A_188 : vector<16xf32>
          %max3A_190 = arith.constant 0.000000e+00 : f32
          %max3A_191 = vector.broadcast %max3A_190 : f32 to vector<16xf32>
          %max3A_192 = arith.maximumf %add3A_189, %max3A_191 : vector<16xf32>
          %swap3A_193 = arith.index_cast %add3A_180 : i32 to index
          %swap3A_194 = arith.constant 48 : index
          %swap3A_195 = tpu.vector_load %arg17[%swap3A_193, %swap3A_194] {strides = array<i32>} : memref<80x128xf32, #tpu.memory_space<vmem>>, vector<1x16xf32>,
          %swap3A_196 = vector.shape_cast %swap3A_195 : vector<1x16xf32> to vector<16xf32>
          %swap3A_197 = vector.shape_cast %max3A_192 : vector<16xf32> to vector<1x16xf32>
          tpu.vector_store %arg17[%swap3A_193, %swap3A_194], %swap3A_197 {strides = array<i32>} : memref<80x128xf32, #tpu.memory_space<vmem>>, vector<1x16xf32>,
          %mul3A_198 = arith.constant 4 : i32
          %mul3A_199 = arith.muli %scan3A_115, %mul3A_198 : i32
          %add3A_200 = arith.constant 0 : i32
          %add3A_201 = arith.addi %mul3A_199, %add3A_200 : i32
          %get3A_202 = arith.index_cast %add3A_201 : i32 to index
          %get3A_203 = arith.constant 64 : index
          %get3A_204 = tpu.vector_load %arg17[%get3A_202, %get3A_203] {strides = array<i32>} : memref<80x128xf32, #tpu.memory_space<vmem>>, vector<1x16xf32>,
          %get3A_205 = vector.shape_cast %get3A_204 : vector<1x16xf32> to vector<16xf32>
          %get3A_206 = arith.index_cast %add3A_201 : i32 to index
          %get3A_207 = arith.constant 64 : index
          %get3A_208 = tpu.vector_load %arg15[%get3A_206, %get3A_207] {strides = array<i32>} : memref<80x128xf32, #tpu.memory_space<vmem>>, vector<1x16xf32>,
          %get3A_209 = vector.shape_cast %get3A_208 : vector<1x16xf32> to vector<16xf32>
          %add3A_210 = arith.addf %get3A_205, %get3A_209 : vector<16xf32>
          %max3A_211 = arith.constant 0.000000e+00 : f32
          %max3A_212 = vector.broadcast %max3A_211 : f32 to vector<16xf32>
          %max3A_213 = arith.maximumf %add3A_210, %max3A_212 : vector<16xf32>
          %swap3A_214 = arith.index_cast %add3A_201 : i32 to index
          %swap3A_215 = arith.constant 64 : index
          %swap3A_216 = tpu.vector_load %arg17[%swap3A_214, %swap3A_215] {strides = array<i32>} : memref<80x128xf32, #tpu.memory_space<vmem>>, vector<1x16xf32>,
          %swap3A_217 = vector.shape_cast %swap3A_216 : vector<1x16xf32> to vector<16xf32>
          %swap3A_218 = vector.shape_cast %max3A_213 : vector<16xf32> to vector<1x16xf32>
          tpu.vector_store %arg17[%swap3A_214, %swap3A_215], %swap3A_218 {strides = array<i32>} : memref<80x128xf32, #tpu.memory_space<vmem>>, vector<1x16xf32>,
          %mul3A_219 = arith.constant 4 : i32
          %mul3A_220 = arith.muli %scan3A_115, %mul3A_219 : i32
          %add3A_221 = arith.constant 0 : i32
          %add3A_222 = arith.addi %mul3A_220, %add3A_221 : i32
          %get3A_223 = arith.index_cast %add3A_222 : i32 to index
          %get3A_224 = arith.constant 80 : index
          %get3A_225 = tpu.vector_load %arg17[%get3A_223, %get3A_224] {strides = array<i32>} : memref<80x128xf32, #tpu.memory_space<vmem>>, vector<1x16xf32>,
          %get3A_226 = vector.shape_cast %get3A_225 : vector<1x16xf32> to vector<16xf32>
          %get3A_227 = arith.index_cast %add3A_222 : i32 to index
          %get3A_228 = arith.constant 80 : index
          %get3A_229 = tpu.vector_load %arg15[%get3A_227, %get3A_228] {strides = array<i32>} : memref<80x128xf32, #tpu.memory_space<vmem>>, vector<1x16xf32>,
          %get3A_230 = vector.shape_cast %get3A_229 : vector<1x16xf32> to vector<16xf32>
          %add3A_231 = arith.addf %get3A_226, %get3A_230 : vector<16xf32>
          %max3A_232 = arith.constant 0.000000e+00 : f32
          %max3A_233 = vector.broadcast %max3A_232 : f32 to vector<16xf32>
          %max3A_234 = arith.maximumf %add3A_231, %max3A_233 : vector<16xf32>
          %swap3A_235 = arith.index_cast %add3A_222 : i32 to index
          %swap3A_236 = arith.constant 80 : index
          %swap3A_237 = tpu.vector_load %arg17[%swap3A_235, %swap3A_236] {strides = array<i32>} : memref<80x128xf32, #tpu.memory_space<vmem>>, vector<1x16xf32>,
          %swap3A_238 = vector.shape_cast %swap3A_237 : vector<1x16xf32> to vector<16xf32>
          %swap3A_239 = vector.shape_cast %max3A_234 : vector<16xf32> to vector<1x16xf32>
          tpu.vector_store %arg17[%swap3A_235, %swap3A_236], %swap3A_239 {strides = array<i32>} : memref<80x128xf32, #tpu.memory_space<vmem>>, vector<1x16xf32>,
          %mul3A_240 = arith.constant 4 : i32
          %mul3A_241 = arith.muli %scan3A_115, %mul3A_240 : i32
          %add3A_242 = arith.constant 0 : i32
          %add3A_243 = arith.addi %mul3A_241, %add3A_242 : i32
          %get3A_244 = arith.index_cast %add3A_243 : i32 to index
          %get3A_245 = arith.constant 96 : index
          %get3A_246 = tpu.vector_load %arg17[%get3A_244, %get3A_245] {strides = array<i32>} : memref<80x128xf32, #tpu.memory_space<vmem>>, vector<1x16xf32>,
          %get3A_247 = vector.shape_cast %get3A_246 : vector<1x16xf32> to vector<16xf32>
          %get3A_248 = arith.index_cast %add3A_243 : i32 to index
          %get3A_249 = arith.constant 96 : index
          %get3A_250 = tpu.vector_load %arg15[%get3A_248, %get3A_249] {strides = array<i32>} : memref<80x128xf32, #tpu.memory_space<vmem>>, vector<1x16xf32>,
          %get3A_251 = vector.shape_cast %get3A_250 : vector<1x16xf32> to vector<16xf32>
          %add3A_252 = arith.addf %get3A_247, %get3A_251 : vector<16xf32>
          %max3A_253 = arith.constant 0.000000e+00 : f32
          %max3A_254 = vector.broadcast %max3A_253 : f32 to vector<16xf32>
          %max3A_255 = arith.maximumf %add3A_252, %max3A_254 : vector<16xf32>
          %swap3A_256 = arith.index_cast %add3A_243 : i32 to index
          %swap3A_257 = arith.constant 96 : index
          %swap3A_258 = tpu.vector_load %arg17[%swap3A_256, %swap3A_257] {strides = array<i32>} : memref<80x128xf32, #tpu.memory_space<vmem>>, vector<1x16xf32>,
          %swap3A_259 = vector.shape_cast %swap3A_258 : vector<1x16xf32> to vector<16xf32>
          %swap3A_260 = vector.shape_cast %max3A_255 : vector<16xf32> to vector<1x16xf32>
          tpu.vector_store %arg17[%swap3A_256, %swap3A_257], %swap3A_260 {strides = array<i32>} : memref<80x128xf32, #tpu.memory_space<vmem>>, vector<1x16xf32>,
          %mul3A_261 = arith.constant 4 : i32
          %mul3A_262 = arith.muli %scan3A_115, %mul3A_261 : i32
          %add3A_263 = arith.constant 0 : i32
          %add3A_264 = arith.addi %mul3A_262, %add3A_263 : i32
          %get3A_265 = arith.index_cast %add3A_264 : i32 to index
          %get3A_266 = arith.constant 112 : index
          %get3A_267 = tpu.vector_load %arg17[%get3A_265, %get3A_266] {strides = array<i32>} : memref<80x128xf32, #tpu.memory_space<vmem>>, vector<1x16xf32>,
          %get3A_268 = vector.shape_cast %get3A_267 : vector<1x16xf32> to vector<16xf32>
          %get3A_269 = arith.index_cast %add3A_264 : i32 to index
          %get3A_270 = arith.constant 112 : index
          %get3A_271 = tpu.vector_load %arg15[%get3A_269, %get3A_270] {strides = array<i32>} : memref<80x128xf32, #tpu.memory_space<vmem>>, vector<1x16xf32>,
          %get3A_272 = vector.shape_cast %get3A_271 : vector<1x16xf32> to vector<16xf32>
          %add3A_273 = arith.addf %get3A_268, %get3A_272 : vector<16xf32>
          %max3A_274 = arith.constant 0.000000e+00 : f32
          %max3A_275 = vector.broadcast %max3A_274 : f32 to vector<16xf32>
          %max3A_276 = arith.maximumf %add3A_273, %max3A_275 : vector<16xf32>
          %swap3A_277 = arith.index_cast %add3A_264 : i32 to index
          %swap3A_278 = arith.constant 112 : index
          %swap3A_279 = tpu.vector_load %arg17[%swap3A_277, %swap3A_278] {strides = array<i32>} : memref<80x128xf32, #tpu.memory_space<vmem>>, vector<1x16xf32>,
          %swap3A_280 = vector.shape_cast %swap3A_279 : vector<1x16xf32> to vector<16xf32>
          %swap3A_281 = vector.shape_cast %max3A_276 : vector<16xf32> to vector<1x16xf32>
          tpu.vector_store %arg17[%swap3A_277, %swap3A_278], %swap3A_281 {strides = array<i32>} : memref<80x128xf32, #tpu.memory_space<vmem>>, vector<1x16xf32>,
          %mul3A_282 = arith.constant 4 : i32
          %mul3A_283 = arith.muli %scan3A_115, %mul3A_282 : i32
          %add3A_284 = arith.constant 1 : i32
          %add3A_285 = arith.addi %mul3A_283, %add3A_284 : i32
          %get3A_286 = arith.index_cast %add3A_285 : i32 to index
          %get3A_287 = arith.constant 0 : index
          %get3A_288 = tpu.vector_load %arg17[%get3A_286, %get3A_287] {strides = array<i32>} : memref<80x128xf32, #tpu.memory_space<vmem>>, vector<1x16xf32>,
          %get3A_289 = vector.shape_cast %get3A_288 : vector<1x16xf32> to vector<16xf32>
          %get3A_290 = arith.index_cast %add3A_285 : i32 to index
          %get3A_291 = arith.constant 0 : index
          %get3A_292 = tpu.vector_load %arg15[%get3A_290, %get3A_291] {strides = array<i32>} : memref<80x128xf32, #tpu.memory_space<vmem>>, vector<1x16xf32>,
          %get3A_293 = vector.shape_cast %get3A_292 : vector<1x16xf32> to vector<16xf32>
          %add3A_294 = arith.addf %get3A_289, %get3A_293 : vector<16xf32>
          %max3A_295 = arith.constant 0.000000e+00 : f32
          %max3A_296 = vector.broadcast %max3A_295 : f32 to vector<16xf32>
          %max3A_297 = arith.maximumf %add3A_294, %max3A_296 : vector<16xf32>
          %swap3A_298 = arith.index_cast %add3A_285 : i32 to index
          %swap3A_299 = arith.constant 0 : index
          %swap3A_300 = tpu.vector_load %arg17[%swap3A_298, %swap3A_299] {strides = array<i32>} : memref<80x128xf32, #tpu.memory_space<vmem>>, vector<1x16xf32>,
          %swap3A_301 = vector.shape_cast %swap3A_300 : vector<1x16xf32> to vector<16xf32>
          %swap3A_302 = vector.shape_cast %max3A_297 : vector<16xf32> to vector<1x16xf32>
          tpu.vector_store %arg17[%swap3A_298, %swap3A_299], %swap3A_302 {strides = array<i32>} : memref<80x128xf32, #tpu.memory_space<vmem>>, vector<1x16xf32>,
          %mul3A_303 = arith.constant 4 : i32
          %mul3A_304 = arith.muli %scan3A_115, %mul3A_303 : i32
          %add3A_305 = arith.constant 1 : i32
          %add3A_306 = arith.addi %mul3A_304, %add3A_305 : i32
          %get3A_307 = arith.index_cast %add3A_306 : i32 to index
          %get3A_308 = arith.constant 16 : index
          %get3A_309 = tpu.vector_load %arg17[%get3A_307, %get3A_308] {strides = array<i32>} : memref<80x128xf32, #tpu.memory_space<vmem>>, vector<1x16xf32>,
          %get3A_310 = vector.shape_cast %get3A_309 : vector<1x16xf32> to vector<16xf32>
          %get3A_311 = arith.index_cast %add3A_306 : i32 to index
          %get3A_312 = arith.constant 16 : index
          %get3A_313 = tpu.vector_load %arg15[%get3A_311, %get3A_312] {strides = array<i32>} : memref<80x128xf32, #tpu.memory_space<vmem>>, vector<1x16xf32>,
          %get3A_314 = vector.shape_cast %get3A_313 : vector<1x16xf32> to vector<16xf32>
          %add3A_315 = arith.addf %get3A_310, %get3A_314 : vector<16xf32>
          %max3A_316 = arith.constant 0.000000e+00 : f32
          %max3A_317 = vector.broadcast %max3A_316 : f32 to vector<16xf32>
          %max3A_318 = arith.maximumf %add3A_315, %max3A_317 : vector<16xf32>
          %swap3A_319 = arith.index_cast %add3A_306 : i32 to index
          %swap3A_320 = arith.constant 16 : index
          %swap3A_321 = tpu.vector_load %arg17[%swap3A_319, %swap3A_320] {strides = array<i32>} : memref<80x128xf32, #tpu.memory_space<vmem>>, vector<1x16xf32>,
          %swap3A_322 = vector.shape_cast %swap3A_321 : vector<1x16xf32> to vector<16xf32>
          %swap3A_323 = vector.shape_cast %max3A_318 : vector<16xf32> to vector<1x16xf32>
          tpu.vector_store %arg17[%swap3A_319, %swap3A_320], %swap3A_323 {strides = array<i32>} : memref<80x128xf32, #tpu.memory_space<vmem>>, vector<1x16xf32>,
          %mul3A_324 = arith.constant 4 : i32
          %mul3A_325 = arith.muli %scan3A_115, %mul3A_324 : i32
          %add3A_326 = arith.constant 1 : i32
          %add3A_327 = arith.addi %mul3A_325, %add3A_326 : i32
          %get3A_328 = arith.index_cast %add3A_327 : i32 to index
          %get3A_329 = arith.constant 32 : index
          %get3A_330 = tpu.vector_load %arg17[%get3A_328, %get3A_329] {strides = array<i32>} : memref<80x128xf32, #tpu.memory_space<vmem>>, vector<1x16xf32>,
          %get3A_331 = vector.shape_cast %get3A_330 : vector<1x16xf32> to vector<16xf32>
          %get3A_332 = arith.index_cast %add3A_327 : i32 to index
          %get3A_333 = arith.constant 32 : index
          %get3A_334 = tpu.vector_load %arg15[%get3A_332, %get3A_333] {strides = array<i32>} : memref<80x128xf32, #tpu.memory_space<vmem>>, vector<1x16xf32>,
          %get3A_335 = vector.shape_cast %get3A_334 : vector<1x16xf32> to vector<16xf32>
          %add3A_336 = arith.addf %get3A_331, %get3A_335 : vector<16xf32>
          %max3A_337 = arith.constant 0.000000e+00 : f32
          %max3A_338 = vector.broadcast %max3A_337 : f32 to vector<16xf32>
          %max3A_339 = arith.maximumf %add3A_336, %max3A_338 : vector<16xf32>
          %swap3A_340 = arith.index_cast %add3A_327 : i32 to index
          %swap3A_341 = arith.constant 32 : index
          %swap3A_342 = tpu.vector_load %arg17[%swap3A_340, %swap3A_341] {strides = array<i32>} : memref<80x128xf32, #tpu.memory_space<vmem>>, vector<1x16xf32>,
          %swap3A_343 = vector.shape_cast %swap3A_342 : vector<1x16xf32> to vector<16xf32>
          %swap3A_344 = vector.shape_cast %max3A_339 : vector<16xf32> to vector<1x16xf32>
          tpu.vector_store %arg17[%swap3A_340, %swap3A_341], %swap3A_344 {strides = array<i32>} : memref<80x128xf32, #tpu.memory_space<vmem>>, vector<1x16xf32>,
          %mul3A_345 = arith.constant 4 : i32
          %mul3A_346 = arith.muli %scan3A_115, %mul3A_345 : i32
          %add3A_347 = arith.constant 1 : i32
          %add3A_348 = arith.addi %mul3A_346, %add3A_347 : i32
          %get3A_349 = arith.index_cast %add3A_348 : i32 to index
          %get3A_350 = arith.constant 48 : index
          %get3A_351 = tpu.vector_load %arg17[%get3A_349, %get3A_350] {strides = array<i32>} : memref<80x128xf32, #tpu.memory_space<vmem>>, vector<1x16xf32>,
          %get3A_352 = vector.shape_cast %get3A_351 : vector<1x16xf32> to vector<16xf32>
          %get3A_353 = arith.index_cast %add3A_348 : i32 to index
          %get3A_354 = arith.constant 48 : index
          %get3A_355 = tpu.vector_load %arg15[%get3A_353, %get3A_354] {strides = array<i32>} : memref<80x128xf32, #tpu.memory_space<vmem>>, vector<1x16xf32>,
          %get3A_356 = vector.shape_cast %get3A_355 : vector<1x16xf32> to vector<16xf32>
          %add3A_357 = arith.addf %get3A_352, %get3A_356 : vector<16xf32>
          %max3A_358 = arith.constant 0.000000e+00 : f32
          %max3A_359 = vector.broadcast %max3A_358 : f32 to vector<16xf32>
          %max3A_360 = arith.maximumf %add3A_357, %max3A_359 : vector<16xf32>
          %swap3A_361 = arith.index_cast %add3A_348 : i32 to index
          %swap3A_362 = arith.constant 48 : index
          %swap3A_363 = tpu.vector_load %arg17[%swap3A_361, %swap3A_362] {strides = array<i32>} : memref<80x128xf32, #tpu.memory_space<vmem>>, vector<1x16xf32>,
          %swap3A_364 = vector.shape_cast %swap3A_363 : vector<1x16xf32> to vector<16xf32>
          %swap3A_365 = vector.shape_cast %max3A_360 : vector<16xf32> to vector<1x16xf32>
          tpu.vector_store %arg17[%swap3A_361, %swap3A_362], %swap3A_365 {strides = array<i32>} : memref<80x128xf32, #tpu.memory_space<vmem>>, vector<1x16xf32>,
          %mul3A_366 = arith.constant 4 : i32
          %mul3A_367 = arith.muli %scan3A_115, %mul3A_366 : i32
          %add3A_368 = arith.constant 1 : i32
          %add3A_369 = arith.addi %mul3A_367, %add3A_368 : i32
          %get3A_370 = arith.index_cast %add3A_369 : i32 to index
          %get3A_371 = arith.constant 64 : index
          %get3A_372 = tpu.vector_load %arg17[%get3A_370, %get3A_371] {strides = array<i32>} : memref<80x128xf32, #tpu.memory_space<vmem>>, vector<1x16xf32>,
          %get3A_373 = vector.shape_cast %get3A_372 : vector<1x16xf32> to vector<16xf32>
          %get3A_374 = arith.index_cast %add3A_369 : i32 to index
          %get3A_375 = arith.constant 64 : index
          %get3A_376 = tpu.vector_load %arg15[%get3A_374, %get3A_375] {strides = array<i32>} : memref<80x128xf32, #tpu.memory_space<vmem>>, vector<1x16xf32>,
          %get3A_377 = vector.shape_cast %get3A_376 : vector<1x16xf32> to vector<16xf32>
          %add3A_378 = arith.addf %get3A_373, %get3A_377 : vector<16xf32>
          %max3A_379 = arith.constant 0.000000e+00 : f32
          %max3A_380 = vector.broadcast %max3A_379 : f32 to vector<16xf32>
          %max3A_381 = arith.maximumf %add3A_378, %max3A_380 : vector<16xf32>
          %swap3A_382 = arith.index_cast %add3A_369 : i32 to index
          %swap3A_383 = arith.constant 64 : index
          %swap3A_384 = tpu.vector_load %arg17[%swap3A_382, %swap3A_383] {strides = array<i32>} : memref<80x128xf32, #tpu.memory_space<vmem>>, vector<1x16xf32>,
          %swap3A_385 = vector.shape_cast %swap3A_384 : vector<1x16xf32> to vector<16xf32>
          %swap3A_386 = vector.shape_cast %max3A_381 : vector<16xf32> to vector<1x16xf32>
          tpu.vector_store %arg17[%swap3A_382, %swap3A_383], %swap3A_386 {strides = array<i32>} : memref<80x128xf32, #tpu.memory_space<vmem>>, vector<1x16xf32>,
          %mul3A_387 = arith.constant 4 : i32
          %mul3A_388 = arith.muli %scan3A_115, %mul3A_387 : i32
          %add3A_389 = arith.constant 1 : i32
          %add3A_390 = arith.addi %mul3A_388, %add3A_389 : i32
          %get3A_391 = arith.index_cast %add3A_390 : i32 to index
          %get3A_392 = arith.constant 80 : index
          %get3A_393 = tpu.vector_load %arg17[%get3A_391, %get3A_392] {strides = array<i32>} : memref<80x128xf32, #tpu.memory_space<vmem>>, vector<1x16xf32>,
          %get3A_394 = vector.shape_cast %get3A_393 : vector<1x16xf32> to vector<16xf32>
          %get3A_395 = arith.index_cast %add3A_390 : i32 to index
          %get3A_396 = arith.constant 80 : index
          %get3A_397 = tpu.vector_load %arg15[%get3A_395, %get3A_396] {strides = array<i32>} : memref<80x128xf32, #tpu.memory_space<vmem>>, vector<1x16xf32>,
          %get3A_398 = vector.shape_cast %get3A_397 : vector<1x16xf32> to vector<16xf32>
          %add3A_399 = arith.addf %get3A_394, %get3A_398 : vector<16xf32>
          %max3A_400 = arith.constant 0.000000e+00 : f32
          %max3A_401 = vector.broadcast %max3A_400 : f32 to vector<16xf32>
          %max3A_402 = arith.maximumf %add3A_399, %max3A_401 : vector<16xf32>
          %swap3A_403 = arith.index_cast %add3A_390 : i32 to index
          %swap3A_404 = arith.constant 80 : index
          %swap3A_405 = tpu.vector_load %arg17[%swap3A_403, %swap3A_404] {strides = array<i32>} : memref<80x128xf32, #tpu.memory_space<vmem>>, vector<1x16xf32>,
          %swap3A_406 = vector.shape_cast %swap3A_405 : vector<1x16xf32> to vector<16xf32>
          %swap3A_407 = vector.shape_cast %max3A_402 : vector<16xf32> to vector<1x16xf32>
          tpu.vector_store %arg17[%swap3A_403, %swap3A_404], %swap3A_407 {strides = array<i32>} : memref<80x128xf32, #tpu.memory_space<vmem>>, vector<1x16xf32>,
          %mul3A_408 = arith.constant 4 : i32
          %mul3A_409 = arith.muli %scan3A_115, %mul3A_408 : i32
          %add3A_410 = arith.constant 1 : i32
          %add3A_411 = arith.addi %mul3A_409, %add3A_410 : i32
          %get3A_412 = arith.index_cast %add3A_411 : i32 to index
          %get3A_413 = arith.constant 96 : index
          %get3A_414 = tpu.vector_load %arg17[%get3A_412, %get3A_413] {strides = array<i32>} : memref<80x128xf32, #tpu.memory_space<vmem>>, vector<1x16xf32>,
          %get3A_415 = vector.shape_cast %get3A_414 : vector<1x16xf32> to vector<16xf32>
          %get3A_416 = arith.index_cast %add3A_411 : i32 to index
          %get3A_417 = arith.constant 96 : index
          %get3A_418 = tpu.vector_load %arg15[%get3A_416, %get3A_417] {strides = array<i32>} : memref<80x128xf32, #tpu.memory_space<vmem>>, vector<1x16xf32>,
          %get3A_419 = vector.shape_cast %get3A_418 : vector<1x16xf32> to vector<16xf32>
          %add3A_420 = arith.addf %get3A_415, %get3A_419 : vector<16xf32>
          %max3A_421 = arith.constant 0.000000e+00 : f32
          %max3A_422 = vector.broadcast %max3A_421 : f32 to vector<16xf32>
          %max3A_423 = arith.maximumf %add3A_420, %max3A_422 : vector<16xf32>
          %swap3A_424 = arith.index_cast %add3A_411 : i32 to index
          %swap3A_425 = arith.constant 96 : index
          %swap3A_426 = tpu.vector_load %arg17[%swap3A_424, %swap3A_425] {strides = array<i32>} : memref<80x128xf32, #tpu.memory_space<vmem>>, vector<1x16xf32>,
          %swap3A_427 = vector.shape_cast %swap3A_426 : vector<1x16xf32> to vector<16xf32>
          %swap3A_428 = vector.shape_cast %max3A_423 : vector<16xf32> to vector<1x16xf32>
          tpu.vector_store %arg17[%swap3A_424, %swap3A_425], %swap3A_428 {strides = array<i32>} : memref<80x128xf32, #tpu.memory_space<vmem>>, vector<1x16xf32>,
          %mul3A_429 = arith.constant 4 : i32
          %mul3A_430 = arith.muli %scan3A_115, %mul3A_429 : i32
          %add3A_431 = arith.constant 1 : i32
          %add3A_432 = arith.addi %mul3A_430, %add3A_431 : i32
          %get3A_433 = arith.index_cast %add3A_432 : i32 to index
          %get3A_434 = arith.constant 112 : index
          %get3A_435 = tpu.vector_load %arg17[%get3A_433, %get3A_434] {strides = array<i32>} : memref<80x128xf32, #tpu.memory_space<vmem>>, vector<1x16xf32>,
          %get3A_436 = vector.shape_cast %get3A_435 : vector<1x16xf32> to vector<16xf32>
          %get3A_437 = arith.index_cast %add3A_432 : i32 to index
          %get3A_438 = arith.constant 112 : index
          %get3A_439 = tpu.vector_load %arg15[%get3A_437, %get3A_438] {strides = array<i32>} : memref<80x128xf32, #tpu.memory_space<vmem>>, vector<1x16xf32>,
          %get3A_440 = vector.shape_cast %get3A_439 : vector<1x16xf32> to vector<16xf32>
          %add3A_441 = arith.addf %get3A_436, %get3A_440 : vector<16xf32>
          %max3A_442 = arith.constant 0.000000e+00 : f32
          %max3A_443 = vector.broadcast %max3A_442 : f32 to vector<16xf32>
          %max3A_444 = arith.maximumf %add3A_441, %max3A_443 : vector<16xf32>
          %swap3A_445 = arith.index_cast %add3A_432 : i32 to index
          %swap3A_446 = arith.constant 112 : index
          %swap3A_447 = tpu.vector_load %arg17[%swap3A_445, %swap3A_446] {strides = array<i32>} : memref<80x128xf32, #tpu.memory_space<vmem>>, vector<1x16xf32>,
          %swap3A_448 = vector.shape_cast %swap3A_447 : vector<1x16xf32> to vector<16xf32>
          %swap3A_449 = vector.shape_cast %max3A_444 : vector<16xf32> to vector<1x16xf32>
          tpu.vector_store %arg17[%swap3A_445, %swap3A_446], %swap3A_449 {strides = array<i32>} : memref<80x128xf32, #tpu.memory_space<vmem>>, vector<1x16xf32>,
          %mul3A_450 = arith.constant 4 : i32
          %mul3A_451 = arith.muli %scan3A_115, %mul3A_450 : i32
          %add3A_452 = arith.constant 2 : i32
          %add3A_453 = arith.addi %mul3A_451, %add3A_452 : i32
          %get3A_454 = arith.index_cast %add3A_453 : i32 to index
          %get3A_455 = arith.constant 0 : index
          %get3A_456 = tpu.vector_load %arg17[%get3A_454, %get3A_455] {strides = array<i32>} : memref<80x128xf32, #tpu.memory_space<vmem>>, vector<1x16xf32>,
          %get3A_457 = vector.shape_cast %get3A_456 : vector<1x16xf32> to vector<16xf32>
          %get3A_458 = arith.index_cast %add3A_453 : i32 to index
          %get3A_459 = arith.constant 0 : index
          %get3A_460 = tpu.vector_load %arg15[%get3A_458, %get3A_459] {strides = array<i32>} : memref<80x128xf32, #tpu.memory_space<vmem>>, vector<1x16xf32>,
          %get3A_461 = vector.shape_cast %get3A_460 : vector<1x16xf32> to vector<16xf32>
          %add3A_462 = arith.addf %get3A_457, %get3A_461 : vector<16xf32>
          %max3A_463 = arith.constant 0.000000e+00 : f32
          %max3A_464 = vector.broadcast %max3A_463 : f32 to vector<16xf32>
          %max3A_465 = arith.maximumf %add3A_462, %max3A_464 : vector<16xf32>
          %swap3A_466 = arith.index_cast %add3A_453 : i32 to index
          %swap3A_467 = arith.constant 0 : index
          %swap3A_468 = tpu.vector_load %arg17[%swap3A_466, %swap3A_467] {strides = array<i32>} : memref<80x128xf32, #tpu.memory_space<vmem>>, vector<1x16xf32>,
          %swap3A_469 = vector.shape_cast %swap3A_468 : vector<1x16xf32> to vector<16xf32>
          %swap3A_470 = vector.shape_cast %max3A_465 : vector<16xf32> to vector<1x16xf32>
          tpu.vector_store %arg17[%swap3A_466, %swap3A_467], %swap3A_470 {strides = array<i32>} : memref<80x128xf32, #tpu.memory_space<vmem>>, vector<1x16xf32>,
          %mul3A_471 = arith.constant 4 : i32
          %mul3A_472 = arith.muli %scan3A_115, %mul3A_471 : i32
          %add3A_473 = arith.constant 2 : i32
          %add3A_474 = arith.addi %mul3A_472, %add3A_473 : i32
          %get3A_475 = arith.index_cast %add3A_474 : i32 to index
          %get3A_476 = arith.constant 16 : index
          %get3A_477 = tpu.vector_load %arg17[%get3A_475, %get3A_476] {strides = array<i32>} : memref<80x128xf32, #tpu.memory_space<vmem>>, vector<1x16xf32>,
          %get3A_478 = vector.shape_cast %get3A_477 : vector<1x16xf32> to vector<16xf32>
          %get3A_479 = arith.index_cast %add3A_474 : i32 to index
          %get3A_480 = arith.constant 16 : index
          %get3A_481 = tpu.vector_load %arg15[%get3A_479, %get3A_480] {strides = array<i32>} : memref<80x128xf32, #tpu.memory_space<vmem>>, vector<1x16xf32>,
          %get3A_482 = vector.shape_cast %get3A_481 : vector<1x16xf32> to vector<16xf32>
          %add3A_483 = arith.addf %get3A_478, %get3A_482 : vector<16xf32>
          %max3A_484 = arith.constant 0.000000e+00 : f32
          %max3A_485 = vector.broadcast %max3A_484 : f32 to vector<16xf32>
          %max3A_486 = arith.maximumf %add3A_483, %max3A_485 : vector<16xf32>
          %swap3A_487 = arith.index_cast %add3A_474 : i32 to index
          %swap3A_488 = arith.constant 16 : index
          %swap3A_489 = tpu.vector_load %arg17[%swap3A_487, %swap3A_488] {strides = array<i32>} : memref<80x128xf32, #tpu.memory_space<vmem>>, vector<1x16xf32>,
          %swap3A_490 = vector.shape_cast %swap3A_489 : vector<1x16xf32> to vector<16xf32>
          %swap3A_491 = vector.shape_cast %max3A_486 : vector<16xf32> to vector<1x16xf32>
          tpu.vector_store %arg17[%swap3A_487, %swap3A_488], %swap3A_491 {strides = array<i32>} : memref<80x128xf32, #tpu.memory_space<vmem>>, vector<1x16xf32>,
          %mul3A_492 = arith.constant 4 : i32
          %mul3A_493 = arith.muli %scan3A_115, %mul3A_492 : i32
          %add3A_494 = arith.constant 2 : i32
          %add3A_495 = arith.addi %mul3A_493, %add3A_494 : i32
          %get3A_496 = arith.index_cast %add3A_495 : i32 to index
          %get3A_497 = arith.constant 32 : index
          %get3A_498 = tpu.vector_load %arg17[%get3A_496, %get3A_497] {strides = array<i32>} : memref<80x128xf32, #tpu.memory_space<vmem>>, vector<1x16xf32>,
          %get3A_499 = vector.shape_cast %get3A_498 : vector<1x16xf32> to vector<16xf32>
          %get3A_500 = arith.index_cast %add3A_495 : i32 to index
          %get3A_501 = arith.constant 32 : index
          %get3A_502 = tpu.vector_load %arg15[%get3A_500, %get3A_501] {strides = array<i32>} : memref<80x128xf32, #tpu.memory_space<vmem>>, vector<1x16xf32>,
          %get3A_503 = vector.shape_cast %get3A_502 : vector<1x16xf32> to vector<16xf32>
          %add3A_504 = arith.addf %get3A_499, %get3A_503 : vector<16xf32>
          %max3A_505 = arith.constant 0.000000e+00 : f32
          %max3A_506 = vector.broadcast %max3A_505 : f32 to vector<16xf32>
          %max3A_507 = arith.maximumf %add3A_504, %max3A_506 : vector<16xf32>
          %swap3A_508 = arith.index_cast %add3A_495 : i32 to index
          %swap3A_509 = arith.constant 32 : index
          %swap3A_510 = tpu.vector_load %arg17[%swap3A_508, %swap3A_509] {strides = array<i32>} : memref<80x128xf32, #tpu.memory_space<vmem>>, vector<1x16xf32>,
          %swap3A_511 = vector.shape_cast %swap3A_510 : vector<1x16xf32> to vector<16xf32>
          %swap3A_512 = vector.shape_cast %max3A_507 : vector<16xf32> to vector<1x16xf32>
          tpu.vector_store %arg17[%swap3A_508, %swap3A_509], %swap3A_512 {strides = array<i32>} : memref<80x128xf32, #tpu.memory_space<vmem>>, vector<1x16xf32>,
          %mul3A_513 = arith.constant 4 : i32
          %mul3A_514 = arith.muli %scan3A_115, %mul3A_513 : i32
          %add3A_515 = arith.constant 2 : i32
          %add3A_516 = arith.addi %mul3A_514, %add3A_515 : i32
          %get3A_517 = arith.index_cast %add3A_516 : i32 to index
          %get3A_518 = arith.constant 48 : index
          %get3A_519 = tpu.vector_load %arg17[%get3A_517, %get3A_518] {strides = array<i32>} : memref<80x128xf32, #tpu.memory_space<vmem>>, vector<1x16xf32>,
          %get3A_520 = vector.shape_cast %get3A_519 : vector<1x16xf32> to vector<16xf32>
          %get3A_521 = arith.index_cast %add3A_516 : i32 to index
          %get3A_522 = arith.constant 48 : index
          %get3A_523 = tpu.vector_load %arg15[%get3A_521, %get3A_522] {strides = array<i32>} : memref<80x128xf32, #tpu.memory_space<vmem>>, vector<1x16xf32>,
          %get3A_524 = vector.shape_cast %get3A_523 : vector<1x16xf32> to vector<16xf32>
          %add3A_525 = arith.addf %get3A_520, %get3A_524 : vector<16xf32>
          %max3A_526 = arith.constant 0.000000e+00 : f32
          %max3A_527 = vector.broadcast %max3A_526 : f32 to vector<16xf32>
          %max3A_528 = arith.maximumf %add3A_525, %max3A_527 : vector<16xf32>
          %swap3A_529 = arith.index_cast %add3A_516 : i32 to index
          %swap3A_530 = arith.constant 48 : index
          %swap3A_531 = tpu.vector_load %arg17[%swap3A_529, %swap3A_530] {strides = array<i32>} : memref<80x128xf32, #tpu.memory_space<vmem>>, vector<1x16xf32>,
          %swap3A_532 = vector.shape_cast %swap3A_531 : vector<1x16xf32> to vector<16xf32>
          %swap3A_533 = vector.shape_cast %max3A_528 : vector<16xf32> to vector<1x16xf32>
          tpu.vector_store %arg17[%swap3A_529, %swap3A_530], %swap3A_533 {strides = array<i32>} : memref<80x128xf32, #tpu.memory_space<vmem>>, vector<1x16xf32>,
          %mul3A_534 = arith.constant 4 : i32
          %mul3A_535 = arith.muli %scan3A_115, %mul3A_534 : i32
          %add3A_536 = arith.constant 2 : i32
          %add3A_537 = arith.addi %mul3A_535, %add3A_536 : i32
          %get3A_538 = arith.index_cast %add3A_537 : i32 to index
          %get3A_539 = arith.constant 64 : index
          %get3A_540 = tpu.vector_load %arg17[%get3A_538, %get3A_539] {strides = array<i32>} : memref<80x128xf32, #tpu.memory_space<vmem>>, vector<1x16xf32>,
          %get3A_541 = vector.shape_cast %get3A_540 : vector<1x16xf32> to vector<16xf32>
          %get3A_542 = arith.index_cast %add3A_537 : i32 to index
          %get3A_543 = arith.constant 64 : index
          %get3A_544 = tpu.vector_load %arg15[%get3A_542, %get3A_543] {strides = array<i32>} : memref<80x128xf32, #tpu.memory_space<vmem>>, vector<1x16xf32>,
          %get3A_545 = vector.shape_cast %get3A_544 : vector<1x16xf32> to vector<16xf32>
          %add3A_546 = arith.addf %get3A_541, %get3A_545 : vector<16xf32>
          %max3A_547 = arith.constant 0.000000e+00 : f32
          %max3A_548 = vector.broadcast %max3A_547 : f32 to vector<16xf32>
          %max3A_549 = arith.maximumf %add3A_546, %max3A_548 : vector<16xf32>
          %swap3A_550 = arith.index_cast %add3A_537 : i32 to index
          %swap3A_551 = arith.constant 64 : index
          %swap3A_552 = tpu.vector_load %arg17[%swap3A_550, %swap3A_551] {strides = array<i32>} : memref<80x128xf32, #tpu.memory_space<vmem>>, vector<1x16xf32>,
          %swap3A_553 = vector.shape_cast %swap3A_552 : vector<1x16xf32> to vector<16xf32>
          %swap3A_554 = vector.shape_cast %max3A_549 : vector<16xf32> to vector<1x16xf32>
          tpu.vector_store %arg17[%swap3A_550, %swap3A_551], %swap3A_554 {strides = array<i32>} : memref<80x128xf32, #tpu.memory_space<vmem>>, vector<1x16xf32>,
          %mul3A_555 = arith.constant 4 : i32
          %mul3A_556 = arith.muli %scan3A_115, %mul3A_555 : i32
          %add3A_557 = arith.constant 2 : i32
          %add3A_558 = arith.addi %mul3A_556, %add3A_557 : i32
          %get3A_559 = arith.index_cast %add3A_558 : i32 to index
          %get3A_560 = arith.constant 80 : index
          %get3A_561 = tpu.vector_load %arg17[%get3A_559, %get3A_560] {strides = array<i32>} : memref<80x128xf32, #tpu.memory_space<vmem>>, vector<1x16xf32>,
          %get3A_562 = vector.shape_cast %get3A_561 : vector<1x16xf32> to vector<16xf32>
          %get3A_563 = arith.index_cast %add3A_558 : i32 to index
          %get3A_564 = arith.constant 80 : index
          %get3A_565 = tpu.vector_load %arg15[%get3A_563, %get3A_564] {strides = array<i32>} : memref<80x128xf32, #tpu.memory_space<vmem>>, vector<1x16xf32>,
          %get3A_566 = vector.shape_cast %get3A_565 : vector<1x16xf32> to vector<16xf32>
          %add3A_567 = arith.addf %get3A_562, %get3A_566 : vector<16xf32>
          %max3A_568 = arith.constant 0.000000e+00 : f32
          %max3A_569 = vector.broadcast %max3A_568 : f32 to vector<16xf32>
          %max3A_570 = arith.maximumf %add3A_567, %max3A_569 : vector<16xf32>
          %swap3A_571 = arith.index_cast %add3A_558 : i32 to index
          %swap3A_572 = arith.constant 80 : index
          %swap3A_573 = tpu.vector_load %arg17[%swap3A_571, %swap3A_572] {strides = array<i32>} : memref<80x128xf32, #tpu.memory_space<vmem>>, vector<1x16xf32>,
          %swap3A_574 = vector.shape_cast %swap3A_573 : vector<1x16xf32> to vector<16xf32>
          %swap3A_575 = vector.shape_cast %max3A_570 : vector<16xf32> to vector<1x16xf32>
          tpu.vector_store %arg17[%swap3A_571, %swap3A_572], %swap3A_575 {strides = array<i32>} : memref<80x128xf32, #tpu.memory_space<vmem>>, vector<1x16xf32>,
          %mul3A_576 = arith.constant 4 : i32
          %mul3A_577 = arith.muli %scan3A_115, %mul3A_576 : i32
          %add3A_578 = arith.constant 2 : i32
          %add3A_579 = arith.addi %mul3A_577, %add3A_578 : i32
          %get3A_580 = arith.index_cast %add3A_579 : i32 to index
          %get3A_581 = arith.constant 96 : index
          %get3A_582 = tpu.vector_load %arg17[%get3A_580, %get3A_581] {strides = array<i32>} : memref<80x128xf32, #tpu.memory_space<vmem>>, vector<1x16xf32>,
          %get3A_583 = vector.shape_cast %get3A_582 : vector<1x16xf32> to vector<16xf32>
          %get3A_584 = arith.index_cast %add3A_579 : i32 to index
          %get3A_585 = arith.constant 96 : index
          %get3A_586 = tpu.vector_load %arg15[%get3A_584, %get3A_585] {strides = array<i32>} : memref<80x128xf32, #tpu.memory_space<vmem>>, vector<1x16xf32>,
          %get3A_587 = vector.shape_cast %get3A_586 : vector<1x16xf32> to vector<16xf32>
          %add3A_588 = arith.addf %get3A_583, %get3A_587 : vector<16xf32>
          %max3A_589 = arith.constant 0.000000e+00 : f32
          %max3A_590 = vector.broadcast %max3A_589 : f32 to vector<16xf32>
          %max3A_591 = arith.maximumf %add3A_588, %max3A_590 : vector<16xf32>
          %swap3A_592 = arith.index_cast %add3A_579 : i32 to index
          %swap3A_593 = arith.constant 96 : index
          %swap3A_594 = tpu.vector_load %arg17[%swap3A_592, %swap3A_593] {strides = array<i32>} : memref<80x128xf32, #tpu.memory_space<vmem>>, vector<1x16xf32>,
          %swap3A_595 = vector.shape_cast %swap3A_594 : vector<1x16xf32> to vector<16xf32>
          %swap3A_596 = vector.shape_cast %max3A_591 : vector<16xf32> to vector<1x16xf32>
          tpu.vector_store %arg17[%swap3A_592, %swap3A_593], %swap3A_596 {strides = array<i32>} : memref<80x128xf32, #tpu.memory_space<vmem>>, vector<1x16xf32>,
          %mul3A_597 = arith.constant 4 : i32
          %mul3A_598 = arith.muli %scan3A_115, %mul3A_597 : i32
          %add3A_599 = arith.constant 2 : i32
          %add3A_600 = arith.addi %mul3A_598, %add3A_599 : i32
          %get3A_601 = arith.index_cast %add3A_600 : i32 to index
          %get3A_602 = arith.constant 112 : index
          %get3A_603 = tpu.vector_load %arg17[%get3A_601, %get3A_602] {strides = array<i32>} : memref<80x128xf32, #tpu.memory_space<vmem>>, vector<1x16xf32>,
          %get3A_604 = vector.shape_cast %get3A_603 : vector<1x16xf32> to vector<16xf32>
          %get3A_605 = arith.index_cast %add3A_600 : i32 to index
          %get3A_606 = arith.constant 112 : index
          %get3A_607 = tpu.vector_load %arg15[%get3A_605, %get3A_606] {strides = array<i32>} : memref<80x128xf32, #tpu.memory_space<vmem>>, vector<1x16xf32>,
          %get3A_608 = vector.shape_cast %get3A_607 : vector<1x16xf32> to vector<16xf32>
          %add3A_609 = arith.addf %get3A_604, %get3A_608 : vector<16xf32>
          %max3A_610 = arith.constant 0.000000e+00 : f32
          %max3A_611 = vector.broadcast %max3A_610 : f32 to vector<16xf32>
          %max3A_612 = arith.maximumf %add3A_609, %max3A_611 : vector<16xf32>
          %swap3A_613 = arith.index_cast %add3A_600 : i32 to index
          %swap3A_614 = arith.constant 112 : index
          %swap3A_615 = tpu.vector_load %arg17[%swap3A_613, %swap3A_614] {strides = array<i32>} : memref<80x128xf32, #tpu.memory_space<vmem>>, vector<1x16xf32>,
          %swap3A_616 = vector.shape_cast %swap3A_615 : vector<1x16xf32> to vector<16xf32>
          %swap3A_617 = vector.shape_cast %max3A_612 : vector<16xf32> to vector<1x16xf32>
          tpu.vector_store %arg17[%swap3A_613, %swap3A_614], %swap3A_617 {strides = array<i32>} : memref<80x128xf32, #tpu.memory_space<vmem>>, vector<1x16xf32>,
          %mul3A_618 = arith.constant 4 : i32
          %mul3A_619 = arith.muli %scan3A_115, %mul3A_618 : i32
          %add3A_620 = arith.constant 3 : i32
          %add3A_621 = arith.addi %mul3A_619, %add3A_620 : i32
          %get3A_622 = arith.index_cast %add3A_621 : i32 to index
          %get3A_623 = arith.constant 0 : index
          %get3A_624 = tpu.vector_load %arg17[%get3A_622, %get3A_623] {strides = array<i32>} : memref<80x128xf32, #tpu.memory_space<vmem>>, vector<1x16xf32>,
          %get3A_625 = vector.shape_cast %get3A_624 : vector<1x16xf32> to vector<16xf32>
          %get3A_626 = arith.index_cast %add3A_621 : i32 to index
          %get3A_627 = arith.constant 0 : index
          %get3A_628 = tpu.vector_load %arg15[%get3A_626, %get3A_627] {strides = array<i32>} : memref<80x128xf32, #tpu.memory_space<vmem>>, vector<1x16xf32>,
          %get3A_629 = vector.shape_cast %get3A_628 : vector<1x16xf32> to vector<16xf32>
          %add3A_630 = arith.addf %get3A_625, %get3A_629 : vector<16xf32>
          %max3A_631 = arith.constant 0.000000e+00 : f32
          %max3A_632 = vector.broadcast %max3A_631 : f32 to vector<16xf32>
          %max3A_633 = arith.maximumf %add3A_630, %max3A_632 : vector<16xf32>
          %swap3A_634 = arith.index_cast %add3A_621 : i32 to index
          %swap3A_635 = arith.constant 0 : index
          %swap3A_636 = tpu.vector_load %arg17[%swap3A_634, %swap3A_635] {strides = array<i32>} : memref<80x128xf32, #tpu.memory_space<vmem>>, vector<1x16xf32>,
          %swap3A_637 = vector.shape_cast %swap3A_636 : vector<1x16xf32> to vector<16xf32>
          %swap3A_638 = vector.shape_cast %max3A_633 : vector<16xf32> to vector<1x16xf32>
          tpu.vector_store %arg17[%swap3A_634, %swap3A_635], %swap3A_638 {strides = array<i32>} : memref<80x128xf32, #tpu.memory_space<vmem>>, vector<1x16xf32>,
          %mul3A_639 = arith.constant 4 : i32
          %mul3A_640 = arith.muli %scan3A_115, %mul3A_639 : i32
          %add3A_641 = arith.constant 3 : i32
          %add3A_642 = arith.addi %mul3A_640, %add3A_641 : i32
          %get3A_643 = arith.index_cast %add3A_642 : i32 to index
          %get3A_644 = arith.constant 16 : index
          %get3A_645 = tpu.vector_load %arg17[%get3A_643, %get3A_644] {strides = array<i32>} : memref<80x128xf32, #tpu.memory_space<vmem>>, vector<1x16xf32>,
          %get3A_646 = vector.shape_cast %get3A_645 : vector<1x16xf32> to vector<16xf32>
          %get3A_647 = arith.index_cast %add3A_642 : i32 to index
          %get3A_648 = arith.constant 16 : index
          %get3A_649 = tpu.vector_load %arg15[%get3A_647, %get3A_648] {strides = array<i32>} : memref<80x128xf32, #tpu.memory_space<vmem>>, vector<1x16xf32>,
          %get3A_650 = vector.shape_cast %get3A_649 : vector<1x16xf32> to vector<16xf32>
          %add3A_651 = arith.addf %get3A_646, %get3A_650 : vector<16xf32>
          %max3A_652 = arith.constant 0.000000e+00 : f32
          %max3A_653 = vector.broadcast %max3A_652 : f32 to vector<16xf32>
          %max3A_654 = arith.maximumf %add3A_651, %max3A_653 : vector<16xf32>
          %swap3A_655 = arith.index_cast %add3A_642 : i32 to index
          %swap3A_656 = arith.constant 16 : index
          %swap3A_657 = tpu.vector_load %arg17[%swap3A_655, %swap3A_656] {strides = array<i32>} : memref<80x128xf32, #tpu.memory_space<vmem>>, vector<1x16xf32>,
          %swap3A_658 = vector.shape_cast %swap3A_657 : vector<1x16xf32> to vector<16xf32>
          %swap3A_659 = vector.shape_cast %max3A_654 : vector<16xf32> to vector<1x16xf32>
          tpu.vector_store %arg17[%swap3A_655, %swap3A_656], %swap3A_659 {strides = array<i32>} : memref<80x128xf32, #tpu.memory_space<vmem>>, vector<1x16xf32>,
          %mul3A_660 = arith.constant 4 : i32
          %mul3A_661 = arith.muli %scan3A_115, %mul3A_660 : i32
          %add3A_662 = arith.constant 3 : i32
          %add3A_663 = arith.addi %mul3A_661, %add3A_662 : i32
          %get3A_664 = arith.index_cast %add3A_663 : i32 to index
          %get3A_665 = arith.constant 32 : index
          %get3A_666 = tpu.vector_load %arg17[%get3A_664, %get3A_665] {strides = array<i32>} : memref<80x128xf32, #tpu.memory_space<vmem>>, vector<1x16xf32>,
          %get3A_667 = vector.shape_cast %get3A_666 : vector<1x16xf32> to vector<16xf32>
          %get3A_668 = arith.index_cast %add3A_663 : i32 to index
          %get3A_669 = arith.constant 32 : index
          %get3A_670 = tpu.vector_load %arg15[%get3A_668, %get3A_669] {strides = array<i32>} : memref<80x128xf32, #tpu.memory_space<vmem>>, vector<1x16xf32>,
          %get3A_671 = vector.shape_cast %get3A_670 : vector<1x16xf32> to vector<16xf32>
          %add3A_672 = arith.addf %get3A_667, %get3A_671 : vector<16xf32>
          %max3A_673 = arith.constant 0.000000e+00 : f32
          %max3A_674 = vector.broadcast %max3A_673 : f32 to vector<16xf32>
          %max3A_675 = arith.maximumf %add3A_672, %max3A_674 : vector<16xf32>
          %swap3A_676 = arith.index_cast %add3A_663 : i32 to index
          %swap3A_677 = arith.constant 32 : index
          %swap3A_678 = tpu.vector_load %arg17[%swap3A_676, %swap3A_677] {strides = array<i32>} : memref<80x128xf32, #tpu.memory_space<vmem>>, vector<1x16xf32>,
          %swap3A_679 = vector.shape_cast %swap3A_678 : vector<1x16xf32> to vector<16xf32>
          %swap3A_680 = vector.shape_cast %max3A_675 : vector<16xf32> to vector<1x16xf32>
          tpu.vector_store %arg17[%swap3A_676, %swap3A_677], %swap3A_680 {strides = array<i32>} : memref<80x128xf32, #tpu.memory_space<vmem>>, vector<1x16xf32>,
          %mul3A_681 = arith.constant 4 : i32
          %mul3A_682 = arith.muli %scan3A_115, %mul3A_681 : i32
          %add3A_683 = arith.constant 3 : i32
          %add3A_684 = arith.addi %mul3A_682, %add3A_683 : i32
          %get3A_685 = arith.index_cast %add3A_684 : i32 to index
          %get3A_686 = arith.constant 48 : index
          %get3A_687 = tpu.vector_load %arg17[%get3A_685, %get3A_686] {strides = array<i32>} : memref<80x128xf32, #tpu.memory_space<vmem>>, vector<1x16xf32>,
          %get3A_688 = vector.shape_cast %get3A_687 : vector<1x16xf32> to vector<16xf32>
          %get3A_689 = arith.index_cast %add3A_684 : i32 to index
          %get3A_690 = arith.constant 48 : index
          %get3A_691 = tpu.vector_load %arg15[%get3A_689, %get3A_690] {strides = array<i32>} : memref<80x128xf32, #tpu.memory_space<vmem>>, vector<1x16xf32>,
          %get3A_692 = vector.shape_cast %get3A_691 : vector<1x16xf32> to vector<16xf32>
          %add3A_693 = arith.addf %get3A_688, %get3A_692 : vector<16xf32>
          %max3A_694 = arith.constant 0.000000e+00 : f32
          %max3A_695 = vector.broadcast %max3A_694 : f32 to vector<16xf32>
          %max3A_696 = arith.maximumf %add3A_693, %max3A_695 : vector<16xf32>
          %swap3A_697 = arith.index_cast %add3A_684 : i32 to index
          %swap3A_698 = arith.constant 48 : index
          %swap3A_699 = tpu.vector_load %arg17[%swap3A_697, %swap3A_698] {strides = array<i32>} : memref<80x128xf32, #tpu.memory_space<vmem>>, vector<1x16xf32>,
          %swap3A_700 = vector.shape_cast %swap3A_699 : vector<1x16xf32> to vector<16xf32>
          %swap3A_701 = vector.shape_cast %max3A_696 : vector<16xf32> to vector<1x16xf32>
          tpu.vector_store %arg17[%swap3A_697, %swap3A_698], %swap3A_701 {strides = array<i32>} : memref<80x128xf32, #tpu.memory_space<vmem>>, vector<1x16xf32>,
          %mul3A_702 = arith.constant 4 : i32
          %mul3A_703 = arith.muli %scan3A_115, %mul3A_702 : i32
          %add3A_704 = arith.constant 3 : i32
          %add3A_705 = arith.addi %mul3A_703, %add3A_704 : i32
          %get3A_706 = arith.index_cast %add3A_705 : i32 to index
          %get3A_707 = arith.constant 64 : index
          %get3A_708 = tpu.vector_load %arg17[%get3A_706, %get3A_707] {strides = array<i32>} : memref<80x128xf32, #tpu.memory_space<vmem>>, vector<1x16xf32>,
          %get3A_709 = vector.shape_cast %get3A_708 : vector<1x16xf32> to vector<16xf32>
          %get3A_710 = arith.index_cast %add3A_705 : i32 to index
          %get3A_711 = arith.constant 64 : index
          %get3A_712 = tpu.vector_load %arg15[%get3A_710, %get3A_711] {strides = array<i32>} : memref<80x128xf32, #tpu.memory_space<vmem>>, vector<1x16xf32>,
          %get3A_713 = vector.shape_cast %get3A_712 : vector<1x16xf32> to vector<16xf32>
          %add3A_714 = arith.addf %get3A_709, %get3A_713 : vector<16xf32>
          %max3A_715 = arith.constant 0.000000e+00 : f32
          %max3A_716 = vector.broadcast %max3A_715 : f32 to vector<16xf32>
          %max3A_717 = arith.maximumf %add3A_714, %max3A_716 : vector<16xf32>
          %swap3A_718 = arith.index_cast %add3A_705 : i32 to index
          %swap3A_719 = arith.constant 64 : index
          %swap3A_720 = tpu.vector_load %arg17[%swap3A_718, %swap3A_719] {strides = array<i32>} : memref<80x128xf32, #tpu.memory_space<vmem>>, vector<1x16xf32>,
          %swap3A_721 = vector.shape_cast %swap3A_720 : vector<1x16xf32> to vector<16xf32>
          %swap3A_722 = vector.shape_cast %max3A_717 : vector<16xf32> to vector<1x16xf32>
          tpu.vector_store %arg17[%swap3A_718, %swap3A_719], %swap3A_722 {strides = array<i32>} : memref<80x128xf32, #tpu.memory_space<vmem>>, vector<1x16xf32>,
          %mul3A_723 = arith.constant 4 : i32
          %mul3A_724 = arith.muli %scan3A_115, %mul3A_723 : i32
          %add3A_725 = arith.constant 3 : i32
          %add3A_726 = arith.addi %mul3A_724, %add3A_725 : i32
          %get3A_727 = arith.index_cast %add3A_726 : i32 to index
          %get3A_728 = arith.constant 80 : index
          %get3A_729 = tpu.vector_load %arg17[%get3A_727, %get3A_728] {strides = array<i32>} : memref<80x128xf32, #tpu.memory_space<vmem>>, vector<1x16xf32>,
          %get3A_730 = vector.shape_cast %get3A_729 : vector<1x16xf32> to vector<16xf32>
          %get3A_731 = arith.index_cast %add3A_726 : i32 to index
          %get3A_732 = arith.constant 80 : index
          %get3A_733 = tpu.vector_load %arg15[%get3A_731, %get3A_732] {strides = array<i32>} : memref<80x128xf32, #tpu.memory_space<vmem>>, vector<1x16xf32>,
          %get3A_734 = vector.shape_cast %get3A_733 : vector<1x16xf32> to vector<16xf32>
          %add3A_735 = arith.addf %get3A_730, %get3A_734 : vector<16xf32>
          %max3A_736 = arith.constant 0.000000e+00 : f32
          %max3A_737 = vector.broadcast %max3A_736 : f32 to vector<16xf32>
          %max3A_738 = arith.maximumf %add3A_735, %max3A_737 : vector<16xf32>
          %swap3A_739 = arith.index_cast %add3A_726 : i32 to index
          %swap3A_740 = arith.constant 80 : index
          %swap3A_741 = tpu.vector_load %arg17[%swap3A_739, %swap3A_740] {strides = array<i32>} : memref<80x128xf32, #tpu.memory_space<vmem>>, vector<1x16xf32>,
          %swap3A_742 = vector.shape_cast %swap3A_741 : vector<1x16xf32> to vector<16xf32>
          %swap3A_743 = vector.shape_cast %max3A_738 : vector<16xf32> to vector<1x16xf32>
          tpu.vector_store %arg17[%swap3A_739, %swap3A_740], %swap3A_743 {strides = array<i32>} : memref<80x128xf32, #tpu.memory_space<vmem>>, vector<1x16xf32>,
          %mul3A_744 = arith.constant 4 : i32
          %mul3A_745 = arith.muli %scan3A_115, %mul3A_744 : i32
          %add3A_746 = arith.constant 3 : i32
          %add3A_747 = arith.addi %mul3A_745, %add3A_746 : i32
          %get3A_748 = arith.index_cast %add3A_747 : i32 to index
          %get3A_749 = arith.constant 96 : index
          %get3A_750 = tpu.vector_load %arg17[%get3A_748, %get3A_749] {strides = array<i32>} : memref<80x128xf32, #tpu.memory_space<vmem>>, vector<1x16xf32>,
          %get3A_751 = vector.shape_cast %get3A_750 : vector<1x16xf32> to vector<16xf32>
          %get3A_752 = arith.index_cast %add3A_747 : i32 to index
          %get3A_753 = arith.constant 96 : index
          %get3A_754 = tpu.vector_load %arg15[%get3A_752, %get3A_753] {strides = array<i32>} : memref<80x128xf32, #tpu.memory_space<vmem>>, vector<1x16xf32>,
          %get3A_755 = vector.shape_cast %get3A_754 : vector<1x16xf32> to vector<16xf32>
          %add3A_756 = arith.addf %get3A_751, %get3A_755 : vector<16xf32>
          %max3A_757 = arith.constant 0.000000e+00 : f32
          %max3A_758 = vector.broadcast %max3A_757 : f32 to vector<16xf32>
          %max3A_759 = arith.maximumf %add3A_756, %max3A_758 : vector<16xf32>
          %swap3A_760 = arith.index_cast %add3A_747 : i32 to index
          %swap3A_761 = arith.constant 96 : index
          %swap3A_762 = tpu.vector_load %arg17[%swap3A_760, %swap3A_761] {strides = array<i32>} : memref<80x128xf32, #tpu.memory_space<vmem>>, vector<1x16xf32>,
          %swap3A_763 = vector.shape_cast %swap3A_762 : vector<1x16xf32> to vector<16xf32>
          %swap3A_764 = vector.shape_cast %max3A_759 : vector<16xf32> to vector<1x16xf32>
          tpu.vector_store %arg17[%swap3A_760, %swap3A_761], %swap3A_764 {strides = array<i32>} : memref<80x128xf32, #tpu.memory_space<vmem>>, vector<1x16xf32>,
          %mul3A_765 = arith.constant 4 : i32
          %mul3A_766 = arith.muli %scan3A_115, %mul3A_765 : i32
          %add3A_767 = arith.constant 3 : i32
          %add3A_768 = arith.addi %mul3A_766, %add3A_767 : i32
          %get3A_769 = arith.index_cast %add3A_768 : i32 to index
          %get3A_770 = arith.constant 112 : index
          %get3A_771 = tpu.vector_load %arg17[%get3A_769, %get3A_770] {strides = array<i32>} : memref<80x128xf32, #tpu.memory_space<vmem>>, vector<1x16xf32>,
          %get3A_772 = vector.shape_cast %get3A_771 : vector<1x16xf32> to vector<16xf32>
          %get3A_773 = arith.index_cast %add3A_768 : i32 to index
          %get3A_774 = arith.constant 112 : index
          %get3A_775 = tpu.vector_load %arg15[%get3A_773, %get3A_774] {strides = array<i32>} : memref<80x128xf32, #tpu.memory_space<vmem>>, vector<1x16xf32>,
          %get3A_776 = vector.shape_cast %get3A_775 : vector<1x16xf32> to vector<16xf32>
          %add3A_777 = arith.addf %get3A_772, %get3A_776 : vector<16xf32>
          %max3A_778 = arith.constant 0.000000e+00 : f32
          %max3A_779 = vector.broadcast %max3A_778 : f32 to vector<16xf32>
          %max3A_780 = arith.maximumf %add3A_777, %max3A_779 : vector<16xf32>
          %swap3A_781 = arith.index_cast %add3A_768 : i32 to index
          %swap3A_782 = arith.constant 112 : index
          %swap3A_783 = tpu.vector_load %arg17[%swap3A_781, %swap3A_782] {strides = array<i32>} : memref<80x128xf32, #tpu.memory_space<vmem>>, vector<1x16xf32>,
          %swap3A_784 = vector.shape_cast %swap3A_783 : vector<1x16xf32> to vector<16xf32>
          %swap3A_785 = vector.shape_cast %max3A_780 : vector<16xf32> to vector<1x16xf32>
          tpu.vector_store %arg17[%swap3A_781, %swap3A_782], %swap3A_785 {strides = array<i32>} : memref<80x128xf32, #tpu.memory_space<vmem>>, vector<1x16xf32>,
          %scan3A_786 = arith.constant 0 : i32
          scf.yield %scan3A_786 : i32
        }
        %scan3A_74 = arith.constant 20 : i32
        %mul3A_75 = arith.constant 80 : i32
        %mul3A_76 = arith.muli %add3A_60, %mul3A_75 : i32
        %add3A_77 = arith.addi %mul3A_2, %mul3A_76 : i32
        %dma_wait3A_78 = tpu.memref_slice %arg7[%add3A_77] : memref<320000xi32, #tpu.memory_space<hbm>> -> memref<80xi32, #tpu.memory_space<hbm>>
        %dma_wait3A_79 = tpu.memref_slice %arg7[%add3A_77] : memref<320000xi32, #tpu.memory_space<hbm>> -> memref<80xi32, #tpu.memory_space<hbm>>
        tpu.wait_dma2 semaphore(%arg23 : memref<!tpu.dma_semaphore, #tpu.memory_space<semaphore_mem>>) src(%dma_wait3A_79 : memref<80xi32, #tpu.memory_space<hbm>>) dst(%arg13 : memref<80xi32, #tpu.memory_space<vmem>>)
        "tpu.region"() ({
          %run_scoped3A = tpu.sem_alloc : memref<!tpu.dma_semaphore, #tpu.memory_space<semaphore_mem>>
          %dma_start3A_115 = arith.constant 0 : i32
          %dma_start3A_116 = arith.constant 0 : i32
          %dma_start3A_117 = tpu.memref_slice %arg10[%dma_start3A_115, %dma_start3A_116] : memref<10112x128xf32, #tpu.memory_space<vmem_shared>> -> memref<10112x128xf32, #tpu.memory_space<vmem_shared>>
          tpu.enqueue_indirect_dma source(%arg17 : memref<80x128xf32, #tpu.memory_space<vmem>>) target(%dma_start3A_117 : memref<10112x128xf32, #tpu.memory_space<vmem_shared>>) offsets(%arg13 : memref<80xi32, #tpu.memory_space<vmem>>) semaphore(%run_scoped3A : memref<!tpu.dma_semaphore, #tpu.memory_space<semaphore_mem>>) {add = true}
          %dma_wait3A_118 = arith.constant 0 : i32
          %dma_wait3A_119 = arith.constant 0 : i32
          %dma_wait3A_120 = tpu.memref_slice %arg10[%dma_wait3A_118, %dma_wait3A_119] : memref<10112x128xf32, #tpu.memory_space<vmem_shared>> -> memref<10112x128xf32, #tpu.memory_space<vmem_shared>>
          tpu.wait_indirect_dma semaphore(%run_scoped3A : memref<!tpu.dma_semaphore, #tpu.memory_space<semaphore_mem>>) src(%arg17 : memref<80x128xf32, #tpu.memory_space<vmem>>) dst(%dma_wait3A_120 : memref<10112x128xf32, #tpu.memory_space<vmem_shared>>)
          tpu.yield
        }) : () -> ()
        %lt3A_80 = arith.constant 248 : i32
        %lt3A_81 = arith.cmpi slt, %add3A_60, %lt3A_80 : i32
        %convert_element_type3A_82 = arith.extui %lt3A_81 : i1 to i32
        %cond3A_83 = arith.constant 0 : i32
        %cond3A_84 = arith.cmpi ne, %convert_element_type3A_82, %cond3A_83 : i32
        scf.if %cond3A_84 {
          %add3A_115 = arith.constant 2 : i32
          %add3A_116 = arith.addi %add3A_60, %add3A_115 : i32
          %mul3A_117 = arith.constant 80 : i32
          %mul3A_118 = arith.muli %add3A_116, %mul3A_117 : i32
          %add3A_119 = arith.addi %mul3A_2, %mul3A_118 : i32
          %dma_start3A_120 = tpu.memref_slice %arg6[%add3A_119] : memref<320000xi32, #tpu.memory_space<hbm>> -> memref<80xi32, #tpu.memory_space<hbm>>
          %dma_start3A_121 = tpu.memref_slice %arg6[%add3A_119] : memref<320000xi32, #tpu.memory_space<hbm>> -> memref<80xi32, #tpu.memory_space<hbm>>
          tpu.enqueue_dma source(%dma_start3A_121 : memref<80xi32, #tpu.memory_space<hbm>>) target(%arg11 : memref<80xi32, #tpu.memory_space<vmem>>) target_semaphore(%arg19 : memref<!tpu.dma_semaphore, #tpu.memory_space<semaphore_mem>>)
          %dma_start3A_122 = arith.constant 0 : i32
          %dma_start3A_123 = tpu.memref_slice %arg4[%add3A_119, %dma_start3A_122] : memref<320000x128xf32, #tpu.memory_space<hbm>> -> memref<80x128xf32, #tpu.memory_space<hbm>>
          %dma_start3A_124 = arith.constant 0 : i32
          %dma_start3A_125 = tpu.memref_slice %arg4[%add3A_119, %dma_start3A_124] : memref<320000x128xf32, #tpu.memory_space<hbm>> -> memref<80x128xf32, #tpu.memory_space<hbm>>
          tpu.enqueue_dma source(%dma_start3A_125 : memref<80x128xf32, #tpu.memory_space<hbm>>) target(%arg15 : memref<80x128xf32, #tpu.memory_space<vmem>>) target_semaphore(%arg19 : memref<!tpu.dma_semaphore, #tpu.memory_space<semaphore_mem>>)
        } else {
        }
        %mul3A_85 = arith.constant 2 : i32
        %mul3A_86 = arith.muli %scan3A_55, %mul3A_85 : i32
        %add3A_87 = arith.constant 1 : i32
        %add3A_88 = arith.addi %mul3A_86, %add3A_87 : i32
        %lt3A_89 = arith.constant 249 : i32
        %lt3A_90 = arith.cmpi slt, %add3A_88, %lt3A_89 : i32
        %convert_element_type3A_91 = arith.extui %lt3A_90 : i1 to i32
        %cond3A_92 = arith.constant 0 : i32
        %cond3A_93 = arith.cmpi ne, %convert_element_type3A_91, %cond3A_92 : i32
        scf.if %cond3A_93 {
          %add3A_115 = arith.constant 1 : i32
          %add3A_116 = arith.addi %add3A_88, %add3A_115 : i32
          %mul3A_117 = arith.constant 80 : i32
          %mul3A_118 = arith.muli %add3A_116, %mul3A_117 : i32
          %add3A_119 = arith.addi %mul3A_2, %mul3A_118 : i32
          %dma_wait3A_120 = tpu.memref_slice %arg6[%add3A_119] : memref<320000xi32, #tpu.memory_space<hbm>> -> memref<80xi32, #tpu.memory_space<hbm>>
          %dma_wait3A_121 = tpu.memref_slice %arg6[%add3A_119] : memref<320000xi32, #tpu.memory_space<hbm>> -> memref<80xi32, #tpu.memory_space<hbm>>
          tpu.wait_dma2 semaphore(%arg19 : memref<!tpu.dma_semaphore, #tpu.memory_space<semaphore_mem>>) src(%dma_wait3A_121 : memref<80xi32, #tpu.memory_space<hbm>>) dst(%arg11 : memref<80xi32, #tpu.memory_space<vmem>>)
          %dma_wait3A_122 = arith.constant 0 : i32
          %dma_wait3A_123 = tpu.memref_slice %arg4[%add3A_119, %dma_wait3A_122] : memref<320000x128xf32, #tpu.memory_space<hbm>> -> memref<80x128xf32, #tpu.memory_space<hbm>>
          %dma_wait3A_124 = arith.constant 0 : i32
          %dma_wait3A_125 = tpu.memref_slice %arg4[%add3A_119, %dma_wait3A_124] : memref<320000x128xf32, #tpu.memory_space<hbm>> -> memref<80x128xf32, #tpu.memory_space<hbm>>
          tpu.wait_dma2 semaphore(%arg19 : memref<!tpu.dma_semaphore, #tpu.memory_space<semaphore_mem>>) src(%dma_wait3A_125 : memref<80x128xf32, #tpu.memory_space<hbm>>) dst(%arg15 : memref<80x128xf32, #tpu.memory_space<vmem>>)
          %add3A_126 = arith.constant 1 : i32
          %add3A_127 = arith.addi %add3A_88, %add3A_126 : i32
          %mul3A_128 = arith.constant 80 : i32
          %mul3A_129 = arith.muli %add3A_127, %mul3A_128 : i32
          %add3A_130 = arith.addi %mul3A_2, %mul3A_129 : i32
          %dma_start3A_131 = tpu.memref_slice %arg7[%add3A_130] : memref<320000xi32, #tpu.memory_space<hbm>> -> memref<80xi32, #tpu.memory_space<hbm>>
          %dma_start3A_132 = tpu.memref_slice %arg7[%add3A_130] : memref<320000xi32, #tpu.memory_space<hbm>> -> memref<80xi32, #tpu.memory_space<hbm>>
          tpu.enqueue_dma source(%dma_start3A_132 : memref<80xi32, #tpu.memory_space<hbm>>) target(%arg13 : memref<80xi32, #tpu.memory_space<vmem>>) target_semaphore(%arg23 : memref<!tpu.dma_semaphore, #tpu.memory_space<semaphore_mem>>)
          %dma_start3A_133 = arith.constant 0 : i32
          %dma_start3A_134 = arith.constant 0 : i32
          %dma_start3A_135 = tpu.memref_slice %arg2[%dma_start3A_133, %dma_start3A_134] : memref<10000x128xf32, #tpu.memory_space<hbm>> -> memref<10000x128xf32, #tpu.memory_space<hbm>>
          tpu.enqueue_indirect_dma source(%dma_start3A_135 : memref<10000x128xf32, #tpu.memory_space<hbm>>) target(%arg17 : memref<80x128xf32, #tpu.memory_space<vmem>>) offsets(%arg11 : memref<80xi32, #tpu.memory_space<vmem>>) semaphore(%arg21 : memref<!tpu.dma_semaphore, #tpu.memory_space<semaphore_mem>>)
        } else {
        }
        %dma_wait3A_94 = arith.constant 0 : i32
        %dma_wait3A_95 = arith.constant 0 : i32
        %dma_wait3A_96 = tpu.memref_slice %arg2[%dma_wait3A_94, %dma_wait3A_95] : memref<10000x128xf32, #tpu.memory_space<hbm>> -> memref<10000x128xf32, #tpu.memory_space<hbm>>
        tpu.wait_indirect_dma semaphore(%arg22 : memref<!tpu.dma_semaphore, #tpu.memory_space<semaphore_mem>>) src(%dma_wait3A_96 : memref<10000x128xf32, #tpu.memory_space<hbm>>) dst(%arg18 : memref<80x128xf32, #tpu.memory_space<vmem>>)
        %scan3A_97 = arith.constant 0 : i32
        %scan3A_98 = arith.constant 0 : i32
        %scan3A_99 = arith.constant 20 : i32
        %scan3A_100 = arith.addi %scan3A_98, %scan3A_99 : i32
        %scan3A_101 = arith.constant 1 : i32
        %scan3A_102 = scf.for %scan3A_115 = %scan3A_98 to %scan3A_100 step %scan3A_101 iter_args(%scan3A_116 = %scan3A_97) -> (i32)  : i32 {
          %mul3A_117 = arith.constant 4 : i32
          %mul3A_118 = arith.muli %scan3A_115, %mul3A_117 : i32
          %add3A_119 = arith.constant 0 : i32
          %add3A_120 = arith.addi %mul3A_118, %add3A_119 : i32
          %get3A = arith.index_cast %add3A_120 : i32 to index
          %get3A_121 = arith.constant 0 : index
          %get3A_122 = tpu.vector_load %arg18[%get3A, %get3A_121] {strides = array<i32>} : memref<80x128xf32, #tpu.memory_space<vmem>>, vector<1x16xf32>,
          %get3A_123 = vector.shape_cast %get3A_122 : vector<1x16xf32> to vector<16xf32>
          %get3A_124 = arith.index_cast %add3A_120 : i32 to index
          %get3A_125 = arith.constant 0 : index
          %get3A_126 = tpu.vector_load %arg16[%get3A_124, %get3A_125] {strides = array<i32>} : memref<80x128xf32, #tpu.memory_space<vmem>>, vector<1x16xf32>,
          %get3A_127 = vector.shape_cast %get3A_126 : vector<1x16xf32> to vector<16xf32>
          %add3A_128 = arith.addf %get3A_123, %get3A_127 : vector<16xf32>
          %max3A = arith.constant 0.000000e+00 : f32
          %max3A_129 = vector.broadcast %max3A : f32 to vector<16xf32>
          %max3A_130 = arith.maximumf %add3A_128, %max3A_129 : vector<16xf32>
          %swap3A = arith.index_cast %add3A_120 : i32 to index
          %swap3A_131 = arith.constant 0 : index
          %swap3A_132 = tpu.vector_load %arg18[%swap3A, %swap3A_131] {strides = array<i32>} : memref<80x128xf32, #tpu.memory_space<vmem>>, vector<1x16xf32>,
          %swap3A_133 = vector.shape_cast %swap3A_132 : vector<1x16xf32> to vector<16xf32>
          %swap3A_134 = vector.shape_cast %max3A_130 : vector<16xf32> to vector<1x16xf32>
          tpu.vector_store %arg18[%swap3A, %swap3A_131], %swap3A_134 {strides = array<i32>} : memref<80x128xf32, #tpu.memory_space<vmem>>, vector<1x16xf32>,
          %mul3A_135 = arith.constant 4 : i32
          %mul3A_136 = arith.muli %scan3A_115, %mul3A_135 : i32
          %add3A_137 = arith.constant 0 : i32
          %add3A_138 = arith.addi %mul3A_136, %add3A_137 : i32
          %get3A_139 = arith.index_cast %add3A_138 : i32 to index
          %get3A_140 = arith.constant 16 : index
          %get3A_141 = tpu.vector_load %arg18[%get3A_139, %get3A_140] {strides = array<i32>} : memref<80x128xf32, #tpu.memory_space<vmem>>, vector<1x16xf32>,
          %get3A_142 = vector.shape_cast %get3A_141 : vector<1x16xf32> to vector<16xf32>
          %get3A_143 = arith.index_cast %add3A_138 : i32 to index
          %get3A_144 = arith.constant 16 : index
          %get3A_145 = tpu.vector_load %arg16[%get3A_143, %get3A_144] {strides = array<i32>} : memref<80x128xf32, #tpu.memory_space<vmem>>, vector<1x16xf32>,
          %get3A_146 = vector.shape_cast %get3A_145 : vector<1x16xf32> to vector<16xf32>
          %add3A_147 = arith.addf %get3A_142, %get3A_146 : vector<16xf32>
          %max3A_148 = arith.constant 0.000000e+00 : f32
          %max3A_149 = vector.broadcast %max3A_148 : f32 to vector<16xf32>
          %max3A_150 = arith.maximumf %add3A_147, %max3A_149 : vector<16xf32>
          %swap3A_151 = arith.index_cast %add3A_138 : i32 to index
          %swap3A_152 = arith.constant 16 : index
          %swap3A_153 = tpu.vector_load %arg18[%swap3A_151, %swap3A_152] {strides = array<i32>} : memref<80x128xf32, #tpu.memory_space<vmem>>, vector<1x16xf32>,
          %swap3A_154 = vector.shape_cast %swap3A_153 : vector<1x16xf32> to vector<16xf32>
          %swap3A_155 = vector.shape_cast %max3A_150 : vector<16xf32> to vector<1x16xf32>
          tpu.vector_store %arg18[%swap3A_151, %swap3A_152], %swap3A_155 {strides = array<i32>} : memref<80x128xf32, #tpu.memory_space<vmem>>, vector<1x16xf32>,
          %mul3A_156 = arith.constant 4 : i32
          %mul3A_157 = arith.muli %scan3A_115, %mul3A_156 : i32
          %add3A_158 = arith.constant 0 : i32
          %add3A_159 = arith.addi %mul3A_157, %add3A_158 : i32
          %get3A_160 = arith.index_cast %add3A_159 : i32 to index
          %get3A_161 = arith.constant 32 : index
          %get3A_162 = tpu.vector_load %arg18[%get3A_160, %get3A_161] {strides = array<i32>} : memref<80x128xf32, #tpu.memory_space<vmem>>, vector<1x16xf32>,
          %get3A_163 = vector.shape_cast %get3A_162 : vector<1x16xf32> to vector<16xf32>
          %get3A_164 = arith.index_cast %add3A_159 : i32 to index
          %get3A_165 = arith.constant 32 : index
          %get3A_166 = tpu.vector_load %arg16[%get3A_164, %get3A_165] {strides = array<i32>} : memref<80x128xf32, #tpu.memory_space<vmem>>, vector<1x16xf32>,
          %get3A_167 = vector.shape_cast %get3A_166 : vector<1x16xf32> to vector<16xf32>
          %add3A_168 = arith.addf %get3A_163, %get3A_167 : vector<16xf32>
          %max3A_169 = arith.constant 0.000000e+00 : f32
          %max3A_170 = vector.broadcast %max3A_169 : f32 to vector<16xf32>
          %max3A_171 = arith.maximumf %add3A_168, %max3A_170 : vector<16xf32>
          %swap3A_172 = arith.index_cast %add3A_159 : i32 to index
          %swap3A_173 = arith.constant 32 : index
          %swap3A_174 = tpu.vector_load %arg18[%swap3A_172, %swap3A_173] {strides = array<i32>} : memref<80x128xf32, #tpu.memory_space<vmem>>, vector<1x16xf32>,
          %swap3A_175 = vector.shape_cast %swap3A_174 : vector<1x16xf32> to vector<16xf32>
          %swap3A_176 = vector.shape_cast %max3A_171 : vector<16xf32> to vector<1x16xf32>
          tpu.vector_store %arg18[%swap3A_172, %swap3A_173], %swap3A_176 {strides = array<i32>} : memref<80x128xf32, #tpu.memory_space<vmem>>, vector<1x16xf32>,
          %mul3A_177 = arith.constant 4 : i32
          %mul3A_178 = arith.muli %scan3A_115, %mul3A_177 : i32
          %add3A_179 = arith.constant 0 : i32
          %add3A_180 = arith.addi %mul3A_178, %add3A_179 : i32
          %get3A_181 = arith.index_cast %add3A_180 : i32 to index
          %get3A_182 = arith.constant 48 : index
          %get3A_183 = tpu.vector_load %arg18[%get3A_181, %get3A_182] {strides = array<i32>} : memref<80x128xf32, #tpu.memory_space<vmem>>, vector<1x16xf32>,
          %get3A_184 = vector.shape_cast %get3A_183 : vector<1x16xf32> to vector<16xf32>
          %get3A_185 = arith.index_cast %add3A_180 : i32 to index
          %get3A_186 = arith.constant 48 : index
          %get3A_187 = tpu.vector_load %arg16[%get3A_185, %get3A_186] {strides = array<i32>} : memref<80x128xf32, #tpu.memory_space<vmem>>, vector<1x16xf32>,
          %get3A_188 = vector.shape_cast %get3A_187 : vector<1x16xf32> to vector<16xf32>
          %add3A_189 = arith.addf %get3A_184, %get3A_188 : vector<16xf32>
          %max3A_190 = arith.constant 0.000000e+00 : f32
          %max3A_191 = vector.broadcast %max3A_190 : f32 to vector<16xf32>
          %max3A_192 = arith.maximumf %add3A_189, %max3A_191 : vector<16xf32>
          %swap3A_193 = arith.index_cast %add3A_180 : i32 to index
          %swap3A_194 = arith.constant 48 : index
          %swap3A_195 = tpu.vector_load %arg18[%swap3A_193, %swap3A_194] {strides = array<i32>} : memref<80x128xf32, #tpu.memory_space<vmem>>, vector<1x16xf32>,
          %swap3A_196 = vector.shape_cast %swap3A_195 : vector<1x16xf32> to vector<16xf32>
          %swap3A_197 = vector.shape_cast %max3A_192 : vector<16xf32> to vector<1x16xf32>
          tpu.vector_store %arg18[%swap3A_193, %swap3A_194], %swap3A_197 {strides = array<i32>} : memref<80x128xf32, #tpu.memory_space<vmem>>, vector<1x16xf32>,
          %mul3A_198 = arith.constant 4 : i32
          %mul3A_199 = arith.muli %scan3A_115, %mul3A_198 : i32
          %add3A_200 = arith.constant 0 : i32
          %add3A_201 = arith.addi %mul3A_199, %add3A_200 : i32
          %get3A_202 = arith.index_cast %add3A_201 : i32 to index
          %get3A_203 = arith.constant 64 : index
          %get3A_204 = tpu.vector_load %arg18[%get3A_202, %get3A_203] {strides = array<i32>} : memref<80x128xf32, #tpu.memory_space<vmem>>, vector<1x16xf32>,
          %get3A_205 = vector.shape_cast %get3A_204 : vector<1x16xf32> to vector<16xf32>
          %get3A_206 = arith.index_cast %add3A_201 : i32 to index
          %get3A_207 = arith.constant 64 : index
          %get3A_208 = tpu.vector_load %arg16[%get3A_206, %get3A_207] {strides = array<i32>} : memref<80x128xf32, #tpu.memory_space<vmem>>, vector<1x16xf32>,
          %get3A_209 = vector.shape_cast %get3A_208 : vector<1x16xf32> to vector<16xf32>
          %add3A_210 = arith.addf %get3A_205, %get3A_209 : vector<16xf32>
          %max3A_211 = arith.constant 0.000000e+00 : f32
          %max3A_212 = vector.broadcast %max3A_211 : f32 to vector<16xf32>
          %max3A_213 = arith.maximumf %add3A_210, %max3A_212 : vector<16xf32>
          %swap3A_214 = arith.index_cast %add3A_201 : i32 to index
          %swap3A_215 = arith.constant 64 : index
          %swap3A_216 = tpu.vector_load %arg18[%swap3A_214, %swap3A_215] {strides = array<i32>} : memref<80x128xf32, #tpu.memory_space<vmem>>, vector<1x16xf32>,
          %swap3A_217 = vector.shape_cast %swap3A_216 : vector<1x16xf32> to vector<16xf32>
          %swap3A_218 = vector.shape_cast %max3A_213 : vector<16xf32> to vector<1x16xf32>
          tpu.vector_store %arg18[%swap3A_214, %swap3A_215], %swap3A_218 {strides = array<i32>} : memref<80x128xf32, #tpu.memory_space<vmem>>, vector<1x16xf32>,
          %mul3A_219 = arith.constant 4 : i32
          %mul3A_220 = arith.muli %scan3A_115, %mul3A_219 : i32
          %add3A_221 = arith.constant 0 : i32
          %add3A_222 = arith.addi %mul3A_220, %add3A_221 : i32
          %get3A_223 = arith.index_cast %add3A_222 : i32 to index
          %get3A_224 = arith.constant 80 : index
          %get3A_225 = tpu.vector_load %arg18[%get3A_223, %get3A_224] {strides = array<i32>} : memref<80x128xf32, #tpu.memory_space<vmem>>, vector<1x16xf32>,
          %get3A_226 = vector.shape_cast %get3A_225 : vector<1x16xf32> to vector<16xf32>
          %get3A_227 = arith.index_cast %add3A_222 : i32 to index
          %get3A_228 = arith.constant 80 : index
          %get3A_229 = tpu.vector_load %arg16[%get3A_227, %get3A_228] {strides = array<i32>} : memref<80x128xf32, #tpu.memory_space<vmem>>, vector<1x16xf32>,
          %get3A_230 = vector.shape_cast %get3A_229 : vector<1x16xf32> to vector<16xf32>
          %add3A_231 = arith.addf %get3A_226, %get3A_230 : vector<16xf32>
          %max3A_232 = arith.constant 0.000000e+00 : f32
          %max3A_233 = vector.broadcast %max3A_232 : f32 to vector<16xf32>
          %max3A_234 = arith.maximumf %add3A_231, %max3A_233 : vector<16xf32>
          %swap3A_235 = arith.index_cast %add3A_222 : i32 to index
          %swap3A_236 = arith.constant 80 : index
          %swap3A_237 = tpu.vector_load %arg18[%swap3A_235, %swap3A_236] {strides = array<i32>} : memref<80x128xf32, #tpu.memory_space<vmem>>, vector<1x16xf32>,
          %swap3A_238 = vector.shape_cast %swap3A_237 : vector<1x16xf32> to vector<16xf32>
          %swap3A_239 = vector.shape_cast %max3A_234 : vector<16xf32> to vector<1x16xf32>
          tpu.vector_store %arg18[%swap3A_235, %swap3A_236], %swap3A_239 {strides = array<i32>} : memref<80x128xf32, #tpu.memory_space<vmem>>, vector<1x16xf32>,
          %mul3A_240 = arith.constant 4 : i32
          %mul3A_241 = arith.muli %scan3A_115, %mul3A_240 : i32
          %add3A_242 = arith.constant 0 : i32
          %add3A_243 = arith.addi %mul3A_241, %add3A_242 : i32
          %get3A_244 = arith.index_cast %add3A_243 : i32 to index
          %get3A_245 = arith.constant 96 : index
          %get3A_246 = tpu.vector_load %arg18[%get3A_244, %get3A_245] {strides = array<i32>} : memref<80x128xf32, #tpu.memory_space<vmem>>, vector<1x16xf32>,
          %get3A_247 = vector.shape_cast %get3A_246 : vector<1x16xf32> to vector<16xf32>
          %get3A_248 = arith.index_cast %add3A_243 : i32 to index
          %get3A_249 = arith.constant 96 : index
          %get3A_250 = tpu.vector_load %arg16[%get3A_248, %get3A_249] {strides = array<i32>} : memref<80x128xf32, #tpu.memory_space<vmem>>, vector<1x16xf32>,
          %get3A_251 = vector.shape_cast %get3A_250 : vector<1x16xf32> to vector<16xf32>
          %add3A_252 = arith.addf %get3A_247, %get3A_251 : vector<16xf32>
          %max3A_253 = arith.constant 0.000000e+00 : f32
          %max3A_254 = vector.broadcast %max3A_253 : f32 to vector<16xf32>
          %max3A_255 = arith.maximumf %add3A_252, %max3A_254 : vector<16xf32>
          %swap3A_256 = arith.index_cast %add3A_243 : i32 to index
          %swap3A_257 = arith.constant 96 : index
          %swap3A_258 = tpu.vector_load %arg18[%swap3A_256, %swap3A_257] {strides = array<i32>} : memref<80x128xf32, #tpu.memory_space<vmem>>, vector<1x16xf32>,
          %swap3A_259 = vector.shape_cast %swap3A_258 : vector<1x16xf32> to vector<16xf32>
          %swap3A_260 = vector.shape_cast %max3A_255 : vector<16xf32> to vector<1x16xf32>
          tpu.vector_store %arg18[%swap3A_256, %swap3A_257], %swap3A_260 {strides = array<i32>} : memref<80x128xf32, #tpu.memory_space<vmem>>, vector<1x16xf32>,
          %mul3A_261 = arith.constant 4 : i32
          %mul3A_262 = arith.muli %scan3A_115, %mul3A_261 : i32
          %add3A_263 = arith.constant 0 : i32
          %add3A_264 = arith.addi %mul3A_262, %add3A_263 : i32
          %get3A_265 = arith.index_cast %add3A_264 : i32 to index
          %get3A_266 = arith.constant 112 : index
          %get3A_267 = tpu.vector_load %arg18[%get3A_265, %get3A_266] {strides = array<i32>} : memref<80x128xf32, #tpu.memory_space<vmem>>, vector<1x16xf32>,
          %get3A_268 = vector.shape_cast %get3A_267 : vector<1x16xf32> to vector<16xf32>
          %get3A_269 = arith.index_cast %add3A_264 : i32 to index
          %get3A_270 = arith.constant 112 : index
          %get3A_271 = tpu.vector_load %arg16[%get3A_269, %get3A_270] {strides = array<i32>} : memref<80x128xf32, #tpu.memory_space<vmem>>, vector<1x16xf32>,
          %get3A_272 = vector.shape_cast %get3A_271 : vector<1x16xf32> to vector<16xf32>
          %add3A_273 = arith.addf %get3A_268, %get3A_272 : vector<16xf32>
          %max3A_274 = arith.constant 0.000000e+00 : f32
          %max3A_275 = vector.broadcast %max3A_274 : f32 to vector<16xf32>
          %max3A_276 = arith.maximumf %add3A_273, %max3A_275 : vector<16xf32>
          %swap3A_277 = arith.index_cast %add3A_264 : i32 to index
          %swap3A_278 = arith.constant 112 : index
          %swap3A_279 = tpu.vector_load %arg18[%swap3A_277, %swap3A_278] {strides = array<i32>} : memref<80x128xf32, #tpu.memory_space<vmem>>, vector<1x16xf32>,
          %swap3A_280 = vector.shape_cast %swap3A_279 : vector<1x16xf32> to vector<16xf32>
          %swap3A_281 = vector.shape_cast %max3A_276 : vector<16xf32> to vector<1x16xf32>
          tpu.vector_store %arg18[%swap3A_277, %swap3A_278], %swap3A_281 {strides = array<i32>} : memref<80x128xf32, #tpu.memory_space<vmem>>, vector<1x16xf32>,
          %mul3A_282 = arith.constant 4 : i32
          %mul3A_283 = arith.muli %scan3A_115, %mul3A_282 : i32
          %add3A_284 = arith.constant 1 : i32
          %add3A_285 = arith.addi %mul3A_283, %add3A_284 : i32
          %get3A_286 = arith.index_cast %add3A_285 : i32 to index
          %get3A_287 = arith.constant 0 : index
          %get3A_288 = tpu.vector_load %arg18[%get3A_286, %get3A_287] {strides = array<i32>} : memref<80x128xf32, #tpu.memory_space<vmem>>, vector<1x16xf32>,
          %get3A_289 = vector.shape_cast %get3A_288 : vector<1x16xf32> to vector<16xf32>
          %get3A_290 = arith.index_cast %add3A_285 : i32 to index
          %get3A_291 = arith.constant 0 : index
          %get3A_292 = tpu.vector_load %arg16[%get3A_290, %get3A_291] {strides = array<i32>} : memref<80x128xf32, #tpu.memory_space<vmem>>, vector<1x16xf32>,
          %get3A_293 = vector.shape_cast %get3A_292 : vector<1x16xf32> to vector<16xf32>
          %add3A_294 = arith.addf %get3A_289, %get3A_293 : vector<16xf32>
          %max3A_295 = arith.constant 0.000000e+00 : f32
          %max3A_296 = vector.broadcast %max3A_295 : f32 to vector<16xf32>
          %max3A_297 = arith.maximumf %add3A_294, %max3A_296 : vector<16xf32>
          %swap3A_298 = arith.index_cast %add3A_285 : i32 to index
          %swap3A_299 = arith.constant 0 : index
          %swap3A_300 = tpu.vector_load %arg18[%swap3A_298, %swap3A_299] {strides = array<i32>} : memref<80x128xf32, #tpu.memory_space<vmem>>, vector<1x16xf32>,
          %swap3A_301 = vector.shape_cast %swap3A_300 : vector<1x16xf32> to vector<16xf32>
          %swap3A_302 = vector.shape_cast %max3A_297 : vector<16xf32> to vector<1x16xf32>
          tpu.vector_store %arg18[%swap3A_298, %swap3A_299], %swap3A_302 {strides = array<i32>} : memref<80x128xf32, #tpu.memory_space<vmem>>, vector<1x16xf32>,
          %mul3A_303 = arith.constant 4 : i32
          %mul3A_304 = arith.muli %scan3A_115, %mul3A_303 : i32
          %add3A_305 = arith.constant 1 : i32
          %add3A_306 = arith.addi %mul3A_304, %add3A_305 : i32
          %get3A_307 = arith.index_cast %add3A_306 : i32 to index
          %get3A_308 = arith.constant 16 : index
          %get3A_309 = tpu.vector_load %arg18[%get3A_307, %get3A_308] {strides = array<i32>} : memref<80x128xf32, #tpu.memory_space<vmem>>, vector<1x16xf32>,
          %get3A_310 = vector.shape_cast %get3A_309 : vector<1x16xf32> to vector<16xf32>
          %get3A_311 = arith.index_cast %add3A_306 : i32 to index
          %get3A_312 = arith.constant 16 : index
          %get3A_313 = tpu.vector_load %arg16[%get3A_311, %get3A_312] {strides = array<i32>} : memref<80x128xf32, #tpu.memory_space<vmem>>, vector<1x16xf32>,
          %get3A_314 = vector.shape_cast %get3A_313 : vector<1x16xf32> to vector<16xf32>
          %add3A_315 = arith.addf %get3A_310, %get3A_314 : vector<16xf32>
          %max3A_316 = arith.constant 0.000000e+00 : f32
          %max3A_317 = vector.broadcast %max3A_316 : f32 to vector<16xf32>
          %max3A_318 = arith.maximumf %add3A_315, %max3A_317 : vector<16xf32>
          %swap3A_319 = arith.index_cast %add3A_306 : i32 to index
          %swap3A_320 = arith.constant 16 : index
          %swap3A_321 = tpu.vector_load %arg18[%swap3A_319, %swap3A_320] {strides = array<i32>} : memref<80x128xf32, #tpu.memory_space<vmem>>, vector<1x16xf32>,
          %swap3A_322 = vector.shape_cast %swap3A_321 : vector<1x16xf32> to vector<16xf32>
          %swap3A_323 = vector.shape_cast %max3A_318 : vector<16xf32> to vector<1x16xf32>
          tpu.vector_store %arg18[%swap3A_319, %swap3A_320], %swap3A_323 {strides = array<i32>} : memref<80x128xf32, #tpu.memory_space<vmem>>, vector<1x16xf32>,
          %mul3A_324 = arith.constant 4 : i32
          %mul3A_325 = arith.muli %scan3A_115, %mul3A_324 : i32
          %add3A_326 = arith.constant 1 : i32
          %add3A_327 = arith.addi %mul3A_325, %add3A_326 : i32
          %get3A_328 = arith.index_cast %add3A_327 : i32 to index
          %get3A_329 = arith.constant 32 : index
          %get3A_330 = tpu.vector_load %arg18[%get3A_328, %get3A_329] {strides = array<i32>} : memref<80x128xf32, #tpu.memory_space<vmem>>, vector<1x16xf32>,
          %get3A_331 = vector.shape_cast %get3A_330 : vector<1x16xf32> to vector<16xf32>
          %get3A_332 = arith.index_cast %add3A_327 : i32 to index
          %get3A_333 = arith.constant 32 : index
          %get3A_334 = tpu.vector_load %arg16[%get3A_332, %get3A_333] {strides = array<i32>} : memref<80x128xf32, #tpu.memory_space<vmem>>, vector<1x16xf32>,
          %get3A_335 = vector.shape_cast %get3A_334 : vector<1x16xf32> to vector<16xf32>
          %add3A_336 = arith.addf %get3A_331, %get3A_335 : vector<16xf32>
          %max3A_337 = arith.constant 0.000000e+00 : f32
          %max3A_338 = vector.broadcast %max3A_337 : f32 to vector<16xf32>
          %max3A_339 = arith.maximumf %add3A_336, %max3A_338 : vector<16xf32>
          %swap3A_340 = arith.index_cast %add3A_327 : i32 to index
          %swap3A_341 = arith.constant 32 : index
          %swap3A_342 = tpu.vector_load %arg18[%swap3A_340, %swap3A_341] {strides = array<i32>} : memref<80x128xf32, #tpu.memory_space<vmem>>, vector<1x16xf32>,
          %swap3A_343 = vector.shape_cast %swap3A_342 : vector<1x16xf32> to vector<16xf32>
          %swap3A_344 = vector.shape_cast %max3A_339 : vector<16xf32> to vector<1x16xf32>
          tpu.vector_store %arg18[%swap3A_340, %swap3A_341], %swap3A_344 {strides = array<i32>} : memref<80x128xf32, #tpu.memory_space<vmem>>, vector<1x16xf32>,
          %mul3A_345 = arith.constant 4 : i32
          %mul3A_346 = arith.muli %scan3A_115, %mul3A_345 : i32
          %add3A_347 = arith.constant 1 : i32
          %add3A_348 = arith.addi %mul3A_346, %add3A_347 : i32
          %get3A_349 = arith.index_cast %add3A_348 : i32 to index
          %get3A_350 = arith.constant 48 : index
          %get3A_351 = tpu.vector_load %arg18[%get3A_349, %get3A_350] {strides = array<i32>} : memref<80x128xf32, #tpu.memory_space<vmem>>, vector<1x16xf32>,
          %get3A_352 = vector.shape_cast %get3A_351 : vector<1x16xf32> to vector<16xf32>
          %get3A_353 = arith.index_cast %add3A_348 : i32 to index
          %get3A_354 = arith.constant 48 : index
          %get3A_355 = tpu.vector_load %arg16[%get3A_353, %get3A_354] {strides = array<i32>} : memref<80x128xf32, #tpu.memory_space<vmem>>, vector<1x16xf32>,
          %get3A_356 = vector.shape_cast %get3A_355 : vector<1x16xf32> to vector<16xf32>
          %add3A_357 = arith.addf %get3A_352, %get3A_356 : vector<16xf32>
          %max3A_358 = arith.constant 0.000000e+00 : f32
          %max3A_359 = vector.broadcast %max3A_358 : f32 to vector<16xf32>
          %max3A_360 = arith.maximumf %add3A_357, %max3A_359 : vector<16xf32>
          %swap3A_361 = arith.index_cast %add3A_348 : i32 to index
          %swap3A_362 = arith.constant 48 : index
          %swap3A_363 = tpu.vector_load %arg18[%swap3A_361, %swap3A_362] {strides = array<i32>} : memref<80x128xf32, #tpu.memory_space<vmem>>, vector<1x16xf32>,
          %swap3A_364 = vector.shape_cast %swap3A_363 : vector<1x16xf32> to vector<16xf32>
          %swap3A_365 = vector.shape_cast %max3A_360 : vector<16xf32> to vector<1x16xf32>
          tpu.vector_store %arg18[%swap3A_361, %swap3A_362], %swap3A_365 {strides = array<i32>} : memref<80x128xf32, #tpu.memory_space<vmem>>, vector<1x16xf32>,
          %mul3A_366 = arith.constant 4 : i32
          %mul3A_367 = arith.muli %scan3A_115, %mul3A_366 : i32
          %add3A_368 = arith.constant 1 : i32
          %add3A_369 = arith.addi %mul3A_367, %add3A_368 : i32
          %get3A_370 = arith.index_cast %add3A_369 : i32 to index
          %get3A_371 = arith.constant 64 : index
          %get3A_372 = tpu.vector_load %arg18[%get3A_370, %get3A_371] {strides = array<i32>} : memref<80x128xf32, #tpu.memory_space<vmem>>, vector<1x16xf32>,
          %get3A_373 = vector.shape_cast %get3A_372 : vector<1x16xf32> to vector<16xf32>
          %get3A_374 = arith.index_cast %add3A_369 : i32 to index
          %get3A_375 = arith.constant 64 : index
          %get3A_376 = tpu.vector_load %arg16[%get3A_374, %get3A_375] {strides = array<i32>} : memref<80x128xf32, #tpu.memory_space<vmem>>, vector<1x16xf32>,
          %get3A_377 = vector.shape_cast %get3A_376 : vector<1x16xf32> to vector<16xf32>
          %add3A_378 = arith.addf %get3A_373, %get3A_377 : vector<16xf32>
          %max3A_379 = arith.constant 0.000000e+00 : f32
          %max3A_380 = vector.broadcast %max3A_379 : f32 to vector<16xf32>
          %max3A_381 = arith.maximumf %add3A_378, %max3A_380 : vector<16xf32>
          %swap3A_382 = arith.index_cast %add3A_369 : i32 to index
          %swap3A_383 = arith.constant 64 : index
          %swap3A_384 = tpu.vector_load %arg18[%swap3A_382, %swap3A_383] {strides = array<i32>} : memref<80x128xf32, #tpu.memory_space<vmem>>, vector<1x16xf32>,
          %swap3A_385 = vector.shape_cast %swap3A_384 : vector<1x16xf32> to vector<16xf32>
          %swap3A_386 = vector.shape_cast %max3A_381 : vector<16xf32> to vector<1x16xf32>
          tpu.vector_store %arg18[%swap3A_382, %swap3A_383], %swap3A_386 {strides = array<i32>} : memref<80x128xf32, #tpu.memory_space<vmem>>, vector<1x16xf32>,
          %mul3A_387 = arith.constant 4 : i32
          %mul3A_388 = arith.muli %scan3A_115, %mul3A_387 : i32
          %add3A_389 = arith.constant 1 : i32
          %add3A_390 = arith.addi %mul3A_388, %add3A_389 : i32
          %get3A_391 = arith.index_cast %add3A_390 : i32 to index
          %get3A_392 = arith.constant 80 : index
          %get3A_393 = tpu.vector_load %arg18[%get3A_391, %get3A_392] {strides = array<i32>} : memref<80x128xf32, #tpu.memory_space<vmem>>, vector<1x16xf32>,
          %get3A_394 = vector.shape_cast %get3A_393 : vector<1x16xf32> to vector<16xf32>
          %get3A_395 = arith.index_cast %add3A_390 : i32 to index
          %get3A_396 = arith.constant 80 : index
          %get3A_397 = tpu.vector_load %arg16[%get3A_395, %get3A_396] {strides = array<i32>} : memref<80x128xf32, #tpu.memory_space<vmem>>, vector<1x16xf32>,
          %get3A_398 = vector.shape_cast %get3A_397 : vector<1x16xf32> to vector<16xf32>
          %add3A_399 = arith.addf %get3A_394, %get3A_398 : vector<16xf32>
          %max3A_400 = arith.constant 0.000000e+00 : f32
          %max3A_401 = vector.broadcast %max3A_400 : f32 to vector<16xf32>
          %max3A_402 = arith.maximumf %add3A_399, %max3A_401 : vector<16xf32>
          %swap3A_403 = arith.index_cast %add3A_390 : i32 to index
          %swap3A_404 = arith.constant 80 : index
          %swap3A_405 = tpu.vector_load %arg18[%swap3A_403, %swap3A_404] {strides = array<i32>} : memref<80x128xf32, #tpu.memory_space<vmem>>, vector<1x16xf32>,
          %swap3A_406 = vector.shape_cast %swap3A_405 : vector<1x16xf32> to vector<16xf32>
          %swap3A_407 = vector.shape_cast %max3A_402 : vector<16xf32> to vector<1x16xf32>
          tpu.vector_store %arg18[%swap3A_403, %swap3A_404], %swap3A_407 {strides = array<i32>} : memref<80x128xf32, #tpu.memory_space<vmem>>, vector<1x16xf32>,
          %mul3A_408 = arith.constant 4 : i32
          %mul3A_409 = arith.muli %scan3A_115, %mul3A_408 : i32
          %add3A_410 = arith.constant 1 : i32
          %add3A_411 = arith.addi %mul3A_409, %add3A_410 : i32
          %get3A_412 = arith.index_cast %add3A_411 : i32 to index
          %get3A_413 = arith.constant 96 : index
          %get3A_414 = tpu.vector_load %arg18[%get3A_412, %get3A_413] {strides = array<i32>} : memref<80x128xf32, #tpu.memory_space<vmem>>, vector<1x16xf32>,
          %get3A_415 = vector.shape_cast %get3A_414 : vector<1x16xf32> to vector<16xf32>
          %get3A_416 = arith.index_cast %add3A_411 : i32 to index
          %get3A_417 = arith.constant 96 : index
          %get3A_418 = tpu.vector_load %arg16[%get3A_416, %get3A_417] {strides = array<i32>} : memref<80x128xf32, #tpu.memory_space<vmem>>, vector<1x16xf32>,
          %get3A_419 = vector.shape_cast %get3A_418 : vector<1x16xf32> to vector<16xf32>
          %add3A_420 = arith.addf %get3A_415, %get3A_419 : vector<16xf32>
          %max3A_421 = arith.constant 0.000000e+00 : f32
          %max3A_422 = vector.broadcast %max3A_421 : f32 to vector<16xf32>
          %max3A_423 = arith.maximumf %add3A_420, %max3A_422 : vector<16xf32>
          %swap3A_424 = arith.index_cast %add3A_411 : i32 to index
          %swap3A_425 = arith.constant 96 : index
          %swap3A_426 = tpu.vector_load %arg18[%swap3A_424, %swap3A_425] {strides = array<i32>} : memref<80x128xf32, #tpu.memory_space<vmem>>, vector<1x16xf32>,
          %swap3A_427 = vector.shape_cast %swap3A_426 : vector<1x16xf32> to vector<16xf32>
          %swap3A_428 = vector.shape_cast %max3A_423 : vector<16xf32> to vector<1x16xf32>
          tpu.vector_store %arg18[%swap3A_424, %swap3A_425], %swap3A_428 {strides = array<i32>} : memref<80x128xf32, #tpu.memory_space<vmem>>, vector<1x16xf32>,
          %mul3A_429 = arith.constant 4 : i32
          %mul3A_430 = arith.muli %scan3A_115, %mul3A_429 : i32
          %add3A_431 = arith.constant 1 : i32
          %add3A_432 = arith.addi %mul3A_430, %add3A_431 : i32
          %get3A_433 = arith.index_cast %add3A_432 : i32 to index
          %get3A_434 = arith.constant 112 : index
          %get3A_435 = tpu.vector_load %arg18[%get3A_433, %get3A_434] {strides = array<i32>} : memref<80x128xf32, #tpu.memory_space<vmem>>, vector<1x16xf32>,
          %get3A_436 = vector.shape_cast %get3A_435 : vector<1x16xf32> to vector<16xf32>
          %get3A_437 = arith.index_cast %add3A_432 : i32 to index
          %get3A_438 = arith.constant 112 : index
          %get3A_439 = tpu.vector_load %arg16[%get3A_437, %get3A_438] {strides = array<i32>} : memref<80x128xf32, #tpu.memory_space<vmem>>, vector<1x16xf32>,
          %get3A_440 = vector.shape_cast %get3A_439 : vector<1x16xf32> to vector<16xf32>
          %add3A_441 = arith.addf %get3A_436, %get3A_440 : vector<16xf32>
          %max3A_442 = arith.constant 0.000000e+00 : f32
          %max3A_443 = vector.broadcast %max3A_442 : f32 to vector<16xf32>
          %max3A_444 = arith.maximumf %add3A_441, %max3A_443 : vector<16xf32>
          %swap3A_445 = arith.index_cast %add3A_432 : i32 to index
          %swap3A_446 = arith.constant 112 : index
          %swap3A_447 = tpu.vector_load %arg18[%swap3A_445, %swap3A_446] {strides = array<i32>} : memref<80x128xf32, #tpu.memory_space<vmem>>, vector<1x16xf32>,
          %swap3A_448 = vector.shape_cast %swap3A_447 : vector<1x16xf32> to vector<16xf32>
          %swap3A_449 = vector.shape_cast %max3A_444 : vector<16xf32> to vector<1x16xf32>
          tpu.vector_store %arg18[%swap3A_445, %swap3A_446], %swap3A_449 {strides = array<i32>} : memref<80x128xf32, #tpu.memory_space<vmem>>, vector<1x16xf32>,
          %mul3A_450 = arith.constant 4 : i32
          %mul3A_451 = arith.muli %scan3A_115, %mul3A_450 : i32
          %add3A_452 = arith.constant 2 : i32
          %add3A_453 = arith.addi %mul3A_451, %add3A_452 : i32
          %get3A_454 = arith.index_cast %add3A_453 : i32 to index
          %get3A_455 = arith.constant 0 : index
          %get3A_456 = tpu.vector_load %arg18[%get3A_454, %get3A_455] {strides = array<i32>} : memref<80x128xf32, #tpu.memory_space<vmem>>, vector<1x16xf32>,
          %get3A_457 = vector.shape_cast %get3A_456 : vector<1x16xf32> to vector<16xf32>
          %get3A_458 = arith.index_cast %add3A_453 : i32 to index
          %get3A_459 = arith.constant 0 : index
          %get3A_460 = tpu.vector_load %arg16[%get3A_458, %get3A_459] {strides = array<i32>} : memref<80x128xf32, #tpu.memory_space<vmem>>, vector<1x16xf32>,
          %get3A_461 = vector.shape_cast %get3A_460 : vector<1x16xf32> to vector<16xf32>
          %add3A_462 = arith.addf %get3A_457, %get3A_461 : vector<16xf32>
          %max3A_463 = arith.constant 0.000000e+00 : f32
          %max3A_464 = vector.broadcast %max3A_463 : f32 to vector<16xf32>
          %max3A_465 = arith.maximumf %add3A_462, %max3A_464 : vector<16xf32>
          %swap3A_466 = arith.index_cast %add3A_453 : i32 to index
          %swap3A_467 = arith.constant 0 : index
          %swap3A_468 = tpu.vector_load %arg18[%swap3A_466, %swap3A_467] {strides = array<i32>} : memref<80x128xf32, #tpu.memory_space<vmem>>, vector<1x16xf32>,
          %swap3A_469 = vector.shape_cast %swap3A_468 : vector<1x16xf32> to vector<16xf32>
          %swap3A_470 = vector.shape_cast %max3A_465 : vector<16xf32> to vector<1x16xf32>
          tpu.vector_store %arg18[%swap3A_466, %swap3A_467], %swap3A_470 {strides = array<i32>} : memref<80x128xf32, #tpu.memory_space<vmem>>, vector<1x16xf32>,
          %mul3A_471 = arith.constant 4 : i32
          %mul3A_472 = arith.muli %scan3A_115, %mul3A_471 : i32
          %add3A_473 = arith.constant 2 : i32
          %add3A_474 = arith.addi %mul3A_472, %add3A_473 : i32
          %get3A_475 = arith.index_cast %add3A_474 : i32 to index
          %get3A_476 = arith.constant 16 : index
          %get3A_477 = tpu.vector_load %arg18[%get3A_475, %get3A_476] {strides = array<i32>} : memref<80x128xf32, #tpu.memory_space<vmem>>, vector<1x16xf32>,
          %get3A_478 = vector.shape_cast %get3A_477 : vector<1x16xf32> to vector<16xf32>
          %get3A_479 = arith.index_cast %add3A_474 : i32 to index
          %get3A_480 = arith.constant 16 : index
          %get3A_481 = tpu.vector_load %arg16[%get3A_479, %get3A_480] {strides = array<i32>} : memref<80x128xf32, #tpu.memory_space<vmem>>, vector<1x16xf32>,
          %get3A_482 = vector.shape_cast %get3A_481 : vector<1x16xf32> to vector<16xf32>
          %add3A_483 = arith.addf %get3A_478, %get3A_482 : vector<16xf32>
          %max3A_484 = arith.constant 0.000000e+00 : f32
          %max3A_485 = vector.broadcast %max3A_484 : f32 to vector<16xf32>
          %max3A_486 = arith.maximumf %add3A_483, %max3A_485 : vector<16xf32>
          %swap3A_487 = arith.index_cast %add3A_474 : i32 to index
          %swap3A_488 = arith.constant 16 : index
          %swap3A_489 = tpu.vector_load %arg18[%swap3A_487, %swap3A_488] {strides = array<i32>} : memref<80x128xf32, #tpu.memory_space<vmem>>, vector<1x16xf32>,
          %swap3A_490 = vector.shape_cast %swap3A_489 : vector<1x16xf32> to vector<16xf32>
          %swap3A_491 = vector.shape_cast %max3A_486 : vector<16xf32> to vector<1x16xf32>
          tpu.vector_store %arg18[%swap3A_487, %swap3A_488], %swap3A_491 {strides = array<i32>} : memref<80x128xf32, #tpu.memory_space<vmem>>, vector<1x16xf32>,
          %mul3A_492 = arith.constant 4 : i32
          %mul3A_493 = arith.muli %scan3A_115, %mul3A_492 : i32
          %add3A_494 = arith.constant 2 : i32
          %add3A_495 = arith.addi %mul3A_493, %add3A_494 : i32
          %get3A_496 = arith.index_cast %add3A_495 : i32 to index
          %get3A_497 = arith.constant 32 : index
          %get3A_498 = tpu.vector_load %arg18[%get3A_496, %get3A_497] {strides = array<i32>} : memref<80x128xf32, #tpu.memory_space<vmem>>, vector<1x16xf32>,
          %get3A_499 = vector.shape_cast %get3A_498 : vector<1x16xf32> to vector<16xf32>
          %get3A_500 = arith.index_cast %add3A_495 : i32 to index
          %get3A_501 = arith.constant 32 : index
          %get3A_502 = tpu.vector_load %arg16[%get3A_500, %get3A_501] {strides = array<i32>} : memref<80x128xf32, #tpu.memory_space<vmem>>, vector<1x16xf32>,
          %get3A_503 = vector.shape_cast %get3A_502 : vector<1x16xf32> to vector<16xf32>
          %add3A_504 = arith.addf %get3A_499, %get3A_503 : vector<16xf32>
          %max3A_505 = arith.constant 0.000000e+00 : f32
          %max3A_506 = vector.broadcast %max3A_505 : f32 to vector<16xf32>
          %max3A_507 = arith.maximumf %add3A_504, %max3A_506 : vector<16xf32>
          %swap3A_508 = arith.index_cast %add3A_495 : i32 to index
          %swap3A_509 = arith.constant 32 : index
          %swap3A_510 = tpu.vector_load %arg18[%swap3A_508, %swap3A_509] {strides = array<i32>} : memref<80x128xf32, #tpu.memory_space<vmem>>, vector<1x16xf32>,
          %swap3A_511 = vector.shape_cast %swap3A_510 : vector<1x16xf32> to vector<16xf32>
          %swap3A_512 = vector.shape_cast %max3A_507 : vector<16xf32> to vector<1x16xf32>
          tpu.vector_store %arg18[%swap3A_508, %swap3A_509], %swap3A_512 {strides = array<i32>} : memref<80x128xf32, #tpu.memory_space<vmem>>, vector<1x16xf32>,
          %mul3A_513 = arith.constant 4 : i32
          %mul3A_514 = arith.muli %scan3A_115, %mul3A_513 : i32
          %add3A_515 = arith.constant 2 : i32
          %add3A_516 = arith.addi %mul3A_514, %add3A_515 : i32
          %get3A_517 = arith.index_cast %add3A_516 : i32 to index
          %get3A_518 = arith.constant 48 : index
          %get3A_519 = tpu.vector_load %arg18[%get3A_517, %get3A_518] {strides = array<i32>} : memref<80x128xf32, #tpu.memory_space<vmem>>, vector<1x16xf32>,
          %get3A_520 = vector.shape_cast %get3A_519 : vector<1x16xf32> to vector<16xf32>
          %get3A_521 = arith.index_cast %add3A_516 : i32 to index
          %get3A_522 = arith.constant 48 : index
          %get3A_523 = tpu.vector_load %arg16[%get3A_521, %get3A_522] {strides = array<i32>} : memref<80x128xf32, #tpu.memory_space<vmem>>, vector<1x16xf32>,
          %get3A_524 = vector.shape_cast %get3A_523 : vector<1x16xf32> to vector<16xf32>
          %add3A_525 = arith.addf %get3A_520, %get3A_524 : vector<16xf32>
          %max3A_526 = arith.constant 0.000000e+00 : f32
          %max3A_527 = vector.broadcast %max3A_526 : f32 to vector<16xf32>
          %max3A_528 = arith.maximumf %add3A_525, %max3A_527 : vector<16xf32>
          %swap3A_529 = arith.index_cast %add3A_516 : i32 to index
          %swap3A_530 = arith.constant 48 : index
          %swap3A_531 = tpu.vector_load %arg18[%swap3A_529, %swap3A_530] {strides = array<i32>} : memref<80x128xf32, #tpu.memory_space<vmem>>, vector<1x16xf32>,
          %swap3A_532 = vector.shape_cast %swap3A_531 : vector<1x16xf32> to vector<16xf32>
          %swap3A_533 = vector.shape_cast %max3A_528 : vector<16xf32> to vector<1x16xf32>
          tpu.vector_store %arg18[%swap3A_529, %swap3A_530], %swap3A_533 {strides = array<i32>} : memref<80x128xf32, #tpu.memory_space<vmem>>, vector<1x16xf32>,
          %mul3A_534 = arith.constant 4 : i32
          %mul3A_535 = arith.muli %scan3A_115, %mul3A_534 : i32
          %add3A_536 = arith.constant 2 : i32
          %add3A_537 = arith.addi %mul3A_535, %add3A_536 : i32
          %get3A_538 = arith.index_cast %add3A_537 : i32 to index
          %get3A_539 = arith.constant 64 : index
          %get3A_540 = tpu.vector_load %arg18[%get3A_538, %get3A_539] {strides = array<i32>} : memref<80x128xf32, #tpu.memory_space<vmem>>, vector<1x16xf32>,
          %get3A_541 = vector.shape_cast %get3A_540 : vector<1x16xf32> to vector<16xf32>
          %get3A_542 = arith.index_cast %add3A_537 : i32 to index
          %get3A_543 = arith.constant 64 : index
          %get3A_544 = tpu.vector_load %arg16[%get3A_542, %get3A_543] {strides = array<i32>} : memref<80x128xf32, #tpu.memory_space<vmem>>, vector<1x16xf32>,
          %get3A_545 = vector.shape_cast %get3A_544 : vector<1x16xf32> to vector<16xf32>
          %add3A_546 = arith.addf %get3A_541, %get3A_545 : vector<16xf32>
          %max3A_547 = arith.constant 0.000000e+00 : f32
          %max3A_548 = vector.broadcast %max3A_547 : f32 to vector<16xf32>
          %max3A_549 = arith.maximumf %add3A_546, %max3A_548 : vector<16xf32>
          %swap3A_550 = arith.index_cast %add3A_537 : i32 to index
          %swap3A_551 = arith.constant 64 : index
          %swap3A_552 = tpu.vector_load %arg18[%swap3A_550, %swap3A_551] {strides = array<i32>} : memref<80x128xf32, #tpu.memory_space<vmem>>, vector<1x16xf32>,
          %swap3A_553 = vector.shape_cast %swap3A_552 : vector<1x16xf32> to vector<16xf32>
          %swap3A_554 = vector.shape_cast %max3A_549 : vector<16xf32> to vector<1x16xf32>
          tpu.vector_store %arg18[%swap3A_550, %swap3A_551], %swap3A_554 {strides = array<i32>} : memref<80x128xf32, #tpu.memory_space<vmem>>, vector<1x16xf32>,
          %mul3A_555 = arith.constant 4 : i32
          %mul3A_556 = arith.muli %scan3A_115, %mul3A_555 : i32
          %add3A_557 = arith.constant 2 : i32
          %add3A_558 = arith.addi %mul3A_556, %add3A_557 : i32
          %get3A_559 = arith.index_cast %add3A_558 : i32 to index
          %get3A_560 = arith.constant 80 : index
          %get3A_561 = tpu.vector_load %arg18[%get3A_559, %get3A_560] {strides = array<i32>} : memref<80x128xf32, #tpu.memory_space<vmem>>, vector<1x16xf32>,
          %get3A_562 = vector.shape_cast %get3A_561 : vector<1x16xf32> to vector<16xf32>
          %get3A_563 = arith.index_cast %add3A_558 : i32 to index
          %get3A_564 = arith.constant 80 : index
          %get3A_565 = tpu.vector_load %arg16[%get3A_563, %get3A_564] {strides = array<i32>} : memref<80x128xf32, #tpu.memory_space<vmem>>, vector<1x16xf32>,
          %get3A_566 = vector.shape_cast %get3A_565 : vector<1x16xf32> to vector<16xf32>
          %add3A_567 = arith.addf %get3A_562, %get3A_566 : vector<16xf32>
          %max3A_568 = arith.constant 0.000000e+00 : f32
          %max3A_569 = vector.broadcast %max3A_568 : f32 to vector<16xf32>
          %max3A_570 = arith.maximumf %add3A_567, %max3A_569 : vector<16xf32>
          %swap3A_571 = arith.index_cast %add3A_558 : i32 to index
          %swap3A_572 = arith.constant 80 : index
          %swap3A_573 = tpu.vector_load %arg18[%swap3A_571, %swap3A_572] {strides = array<i32>} : memref<80x128xf32, #tpu.memory_space<vmem>>, vector<1x16xf32>,
          %swap3A_574 = vector.shape_cast %swap3A_573 : vector<1x16xf32> to vector<16xf32>
          %swap3A_575 = vector.shape_cast %max3A_570 : vector<16xf32> to vector<1x16xf32>
          tpu.vector_store %arg18[%swap3A_571, %swap3A_572], %swap3A_575 {strides = array<i32>} : memref<80x128xf32, #tpu.memory_space<vmem>>, vector<1x16xf32>,
          %mul3A_576 = arith.constant 4 : i32
          %mul3A_577 = arith.muli %scan3A_115, %mul3A_576 : i32
          %add3A_578 = arith.constant 2 : i32
          %add3A_579 = arith.addi %mul3A_577, %add3A_578 : i32
          %get3A_580 = arith.index_cast %add3A_579 : i32 to index
          %get3A_581 = arith.constant 96 : index
          %get3A_582 = tpu.vector_load %arg18[%get3A_580, %get3A_581] {strides = array<i32>} : memref<80x128xf32, #tpu.memory_space<vmem>>, vector<1x16xf32>,
          %get3A_583 = vector.shape_cast %get3A_582 : vector<1x16xf32> to vector<16xf32>
          %get3A_584 = arith.index_cast %add3A_579 : i32 to index
          %get3A_585 = arith.constant 96 : index
          %get3A_586 = tpu.vector_load %arg16[%get3A_584, %get3A_585] {strides = array<i32>} : memref<80x128xf32, #tpu.memory_space<vmem>>, vector<1x16xf32>,
          %get3A_587 = vector.shape_cast %get3A_586 : vector<1x16xf32> to vector<16xf32>
          %add3A_588 = arith.addf %get3A_583, %get3A_587 : vector<16xf32>
          %max3A_589 = arith.constant 0.000000e+00 : f32
          %max3A_590 = vector.broadcast %max3A_589 : f32 to vector<16xf32>
          %max3A_591 = arith.maximumf %add3A_588, %max3A_590 : vector<16xf32>
          %swap3A_592 = arith.index_cast %add3A_579 : i32 to index
          %swap3A_593 = arith.constant 96 : index
          %swap3A_594 = tpu.vector_load %arg18[%swap3A_592, %swap3A_593] {strides = array<i32>} : memref<80x128xf32, #tpu.memory_space<vmem>>, vector<1x16xf32>,
          %swap3A_595 = vector.shape_cast %swap3A_594 : vector<1x16xf32> to vector<16xf32>
          %swap3A_596 = vector.shape_cast %max3A_591 : vector<16xf32> to vector<1x16xf32>
          tpu.vector_store %arg18[%swap3A_592, %swap3A_593], %swap3A_596 {strides = array<i32>} : memref<80x128xf32, #tpu.memory_space<vmem>>, vector<1x16xf32>,
          %mul3A_597 = arith.constant 4 : i32
          %mul3A_598 = arith.muli %scan3A_115, %mul3A_597 : i32
          %add3A_599 = arith.constant 2 : i32
          %add3A_600 = arith.addi %mul3A_598, %add3A_599 : i32
          %get3A_601 = arith.index_cast %add3A_600 : i32 to index
          %get3A_602 = arith.constant 112 : index
          %get3A_603 = tpu.vector_load %arg18[%get3A_601, %get3A_602] {strides = array<i32>} : memref<80x128xf32, #tpu.memory_space<vmem>>, vector<1x16xf32>,
          %get3A_604 = vector.shape_cast %get3A_603 : vector<1x16xf32> to vector<16xf32>
          %get3A_605 = arith.index_cast %add3A_600 : i32 to index
          %get3A_606 = arith.constant 112 : index
          %get3A_607 = tpu.vector_load %arg16[%get3A_605, %get3A_606] {strides = array<i32>} : memref<80x128xf32, #tpu.memory_space<vmem>>, vector<1x16xf32>,
          %get3A_608 = vector.shape_cast %get3A_607 : vector<1x16xf32> to vector<16xf32>
          %add3A_609 = arith.addf %get3A_604, %get3A_608 : vector<16xf32>
          %max3A_610 = arith.constant 0.000000e+00 : f32
          %max3A_611 = vector.broadcast %max3A_610 : f32 to vector<16xf32>
          %max3A_612 = arith.maximumf %add3A_609, %max3A_611 : vector<16xf32>
          %swap3A_613 = arith.index_cast %add3A_600 : i32 to index
          %swap3A_614 = arith.constant 112 : index
          %swap3A_615 = tpu.vector_load %arg18[%swap3A_613, %swap3A_614] {strides = array<i32>} : memref<80x128xf32, #tpu.memory_space<vmem>>, vector<1x16xf32>,
          %swap3A_616 = vector.shape_cast %swap3A_615 : vector<1x16xf32> to vector<16xf32>
          %swap3A_617 = vector.shape_cast %max3A_612 : vector<16xf32> to vector<1x16xf32>
          tpu.vector_store %arg18[%swap3A_613, %swap3A_614], %swap3A_617 {strides = array<i32>} : memref<80x128xf32, #tpu.memory_space<vmem>>, vector<1x16xf32>,
          %mul3A_618 = arith.constant 4 : i32
          %mul3A_619 = arith.muli %scan3A_115, %mul3A_618 : i32
          %add3A_620 = arith.constant 3 : i32
          %add3A_621 = arith.addi %mul3A_619, %add3A_620 : i32
          %get3A_622 = arith.index_cast %add3A_621 : i32 to index
          %get3A_623 = arith.constant 0 : index
          %get3A_624 = tpu.vector_load %arg18[%get3A_622, %get3A_623] {strides = array<i32>} : memref<80x128xf32, #tpu.memory_space<vmem>>, vector<1x16xf32>,
          %get3A_625 = vector.shape_cast %get3A_624 : vector<1x16xf32> to vector<16xf32>
          %get3A_626 = arith.index_cast %add3A_621 : i32 to index
          %get3A_627 = arith.constant 0 : index
          %get3A_628 = tpu.vector_load %arg16[%get3A_626, %get3A_627] {strides = array<i32>} : memref<80x128xf32, #tpu.memory_space<vmem>>, vector<1x16xf32>,
          %get3A_629 = vector.shape_cast %get3A_628 : vector<1x16xf32> to vector<16xf32>
          %add3A_630 = arith.addf %get3A_625, %get3A_629 : vector<16xf32>
          %max3A_631 = arith.constant 0.000000e+00 : f32
          %max3A_632 = vector.broadcast %max3A_631 : f32 to vector<16xf32>
          %max3A_633 = arith.maximumf %add3A_630, %max3A_632 : vector<16xf32>
          %swap3A_634 = arith.index_cast %add3A_621 : i32 to index
          %swap3A_635 = arith.constant 0 : index
          %swap3A_636 = tpu.vector_load %arg18[%swap3A_634, %swap3A_635] {strides = array<i32>} : memref<80x128xf32, #tpu.memory_space<vmem>>, vector<1x16xf32>,
          %swap3A_637 = vector.shape_cast %swap3A_636 : vector<1x16xf32> to vector<16xf32>
          %swap3A_638 = vector.shape_cast %max3A_633 : vector<16xf32> to vector<1x16xf32>
          tpu.vector_store %arg18[%swap3A_634, %swap3A_635], %swap3A_638 {strides = array<i32>} : memref<80x128xf32, #tpu.memory_space<vmem>>, vector<1x16xf32>,
          %mul3A_639 = arith.constant 4 : i32
          %mul3A_640 = arith.muli %scan3A_115, %mul3A_639 : i32
          %add3A_641 = arith.constant 3 : i32
          %add3A_642 = arith.addi %mul3A_640, %add3A_641 : i32
          %get3A_643 = arith.index_cast %add3A_642 : i32 to index
          %get3A_644 = arith.constant 16 : index
          %get3A_645 = tpu.vector_load %arg18[%get3A_643, %get3A_644] {strides = array<i32>} : memref<80x128xf32, #tpu.memory_space<vmem>>, vector<1x16xf32>,
          %get3A_646 = vector.shape_cast %get3A_645 : vector<1x16xf32> to vector<16xf32>
          %get3A_647 = arith.index_cast %add3A_642 : i32 to index
          %get3A_648 = arith.constant 16 : index
          %get3A_649 = tpu.vector_load %arg16[%get3A_647, %get3A_648] {strides = array<i32>} : memref<80x128xf32, #tpu.memory_space<vmem>>, vector<1x16xf32>,
          %get3A_650 = vector.shape_cast %get3A_649 : vector<1x16xf32> to vector<16xf32>
          %add3A_651 = arith.addf %get3A_646, %get3A_650 : vector<16xf32>
          %max3A_652 = arith.constant 0.000000e+00 : f32
          %max3A_653 = vector.broadcast %max3A_652 : f32 to vector<16xf32>
          %max3A_654 = arith.maximumf %add3A_651, %max3A_653 : vector<16xf32>
          %swap3A_655 = arith.index_cast %add3A_642 : i32 to index
          %swap3A_656 = arith.constant 16 : index
          %swap3A_657 = tpu.vector_load %arg18[%swap3A_655, %swap3A_656] {strides = array<i32>} : memref<80x128xf32, #tpu.memory_space<vmem>>, vector<1x16xf32>,
          %swap3A_658 = vector.shape_cast %swap3A_657 : vector<1x16xf32> to vector<16xf32>
          %swap3A_659 = vector.shape_cast %max3A_654 : vector<16xf32> to vector<1x16xf32>
          tpu.vector_store %arg18[%swap3A_655, %swap3A_656], %swap3A_659 {strides = array<i32>} : memref<80x128xf32, #tpu.memory_space<vmem>>, vector<1x16xf32>,
          %mul3A_660 = arith.constant 4 : i32
          %mul3A_661 = arith.muli %scan3A_115, %mul3A_660 : i32
          %add3A_662 = arith.constant 3 : i32
          %add3A_663 = arith.addi %mul3A_661, %add3A_662 : i32
          %get3A_664 = arith.index_cast %add3A_663 : i32 to index
          %get3A_665 = arith.constant 32 : index
          %get3A_666 = tpu.vector_load %arg18[%get3A_664, %get3A_665] {strides = array<i32>} : memref<80x128xf32, #tpu.memory_space<vmem>>, vector<1x16xf32>,
          %get3A_667 = vector.shape_cast %get3A_666 : vector<1x16xf32> to vector<16xf32>
          %get3A_668 = arith.index_cast %add3A_663 : i32 to index
          %get3A_669 = arith.constant 32 : index
          %get3A_670 = tpu.vector_load %arg16[%get3A_668, %get3A_669] {strides = array<i32>} : memref<80x128xf32, #tpu.memory_space<vmem>>, vector<1x16xf32>,
          %get3A_671 = vector.shape_cast %get3A_670 : vector<1x16xf32> to vector<16xf32>
          %add3A_672 = arith.addf %get3A_667, %get3A_671 : vector<16xf32>
          %max3A_673 = arith.constant 0.000000e+00 : f32
          %max3A_674 = vector.broadcast %max3A_673 : f32 to vector<16xf32>
          %max3A_675 = arith.maximumf %add3A_672, %max3A_674 : vector<16xf32>
          %swap3A_676 = arith.index_cast %add3A_663 : i32 to index
          %swap3A_677 = arith.constant 32 : index
          %swap3A_678 = tpu.vector_load %arg18[%swap3A_676, %swap3A_677] {strides = array<i32>} : memref<80x128xf32, #tpu.memory_space<vmem>>, vector<1x16xf32>,
          %swap3A_679 = vector.shape_cast %swap3A_678 : vector<1x16xf32> to vector<16xf32>
          %swap3A_680 = vector.shape_cast %max3A_675 : vector<16xf32> to vector<1x16xf32>
          tpu.vector_store %arg18[%swap3A_676, %swap3A_677], %swap3A_680 {strides = array<i32>} : memref<80x128xf32, #tpu.memory_space<vmem>>, vector<1x16xf32>,
          %mul3A_681 = arith.constant 4 : i32
          %mul3A_682 = arith.muli %scan3A_115, %mul3A_681 : i32
          %add3A_683 = arith.constant 3 : i32
          %add3A_684 = arith.addi %mul3A_682, %add3A_683 : i32
          %get3A_685 = arith.index_cast %add3A_684 : i32 to index
          %get3A_686 = arith.constant 48 : index
          %get3A_687 = tpu.vector_load %arg18[%get3A_685, %get3A_686] {strides = array<i32>} : memref<80x128xf32, #tpu.memory_space<vmem>>, vector<1x16xf32>,
          %get3A_688 = vector.shape_cast %get3A_687 : vector<1x16xf32> to vector<16xf32>
          %get3A_689 = arith.index_cast %add3A_684 : i32 to index
          %get3A_690 = arith.constant 48 : index
          %get3A_691 = tpu.vector_load %arg16[%get3A_689, %get3A_690] {strides = array<i32>} : memref<80x128xf32, #tpu.memory_space<vmem>>, vector<1x16xf32>,
          %get3A_692 = vector.shape_cast %get3A_691 : vector<1x16xf32> to vector<16xf32>
          %add3A_693 = arith.addf %get3A_688, %get3A_692 : vector<16xf32>
          %max3A_694 = arith.constant 0.000000e+00 : f32
          %max3A_695 = vector.broadcast %max3A_694 : f32 to vector<16xf32>
          %max3A_696 = arith.maximumf %add3A_693, %max3A_695 : vector<16xf32>
          %swap3A_697 = arith.index_cast %add3A_684 : i32 to index
          %swap3A_698 = arith.constant 48 : index
          %swap3A_699 = tpu.vector_load %arg18[%swap3A_697, %swap3A_698] {strides = array<i32>} : memref<80x128xf32, #tpu.memory_space<vmem>>, vector<1x16xf32>,
          %swap3A_700 = vector.shape_cast %swap3A_699 : vector<1x16xf32> to vector<16xf32>
          %swap3A_701 = vector.shape_cast %max3A_696 : vector<16xf32> to vector<1x16xf32>
          tpu.vector_store %arg18[%swap3A_697, %swap3A_698], %swap3A_701 {strides = array<i32>} : memref<80x128xf32, #tpu.memory_space<vmem>>, vector<1x16xf32>,
          %mul3A_702 = arith.constant 4 : i32
          %mul3A_703 = arith.muli %scan3A_115, %mul3A_702 : i32
          %add3A_704 = arith.constant 3 : i32
          %add3A_705 = arith.addi %mul3A_703, %add3A_704 : i32
          %get3A_706 = arith.index_cast %add3A_705 : i32 to index
          %get3A_707 = arith.constant 64 : index
          %get3A_708 = tpu.vector_load %arg18[%get3A_706, %get3A_707] {strides = array<i32>} : memref<80x128xf32, #tpu.memory_space<vmem>>, vector<1x16xf32>,
          %get3A_709 = vector.shape_cast %get3A_708 : vector<1x16xf32> to vector<16xf32>
          %get3A_710 = arith.index_cast %add3A_705 : i32 to index
          %get3A_711 = arith.constant 64 : index
          %get3A_712 = tpu.vector_load %arg16[%get3A_710, %get3A_711] {strides = array<i32>} : memref<80x128xf32, #tpu.memory_space<vmem>>, vector<1x16xf32>,
          %get3A_713 = vector.shape_cast %get3A_712 : vector<1x16xf32> to vector<16xf32>
          %add3A_714 = arith.addf %get3A_709, %get3A_713 : vector<16xf32>
          %max3A_715 = arith.constant 0.000000e+00 : f32
          %max3A_716 = vector.broadcast %max3A_715 : f32 to vector<16xf32>
          %max3A_717 = arith.maximumf %add3A_714, %max3A_716 : vector<16xf32>
          %swap3A_718 = arith.index_cast %add3A_705 : i32 to index
          %swap3A_719 = arith.constant 64 : index
          %swap3A_720 = tpu.vector_load %arg18[%swap3A_718, %swap3A_719] {strides = array<i32>} : memref<80x128xf32, #tpu.memory_space<vmem>>, vector<1x16xf32>,
          %swap3A_721 = vector.shape_cast %swap3A_720 : vector<1x16xf32> to vector<16xf32>
          %swap3A_722 = vector.shape_cast %max3A_717 : vector<16xf32> to vector<1x16xf32>
          tpu.vector_store %arg18[%swap3A_718, %swap3A_719], %swap3A_722 {strides = array<i32>} : memref<80x128xf32, #tpu.memory_space<vmem>>, vector<1x16xf32>,
          %mul3A_723 = arith.constant 4 : i32
          %mul3A_724 = arith.muli %scan3A_115, %mul3A_723 : i32
          %add3A_725 = arith.constant 3 : i32
          %add3A_726 = arith.addi %mul3A_724, %add3A_725 : i32
          %get3A_727 = arith.index_cast %add3A_726 : i32 to index
          %get3A_728 = arith.constant 80 : index
          %get3A_729 = tpu.vector_load %arg18[%get3A_727, %get3A_728] {strides = array<i32>} : memref<80x128xf32, #tpu.memory_space<vmem>>, vector<1x16xf32>,
          %get3A_730 = vector.shape_cast %get3A_729 : vector<1x16xf32> to vector<16xf32>
          %get3A_731 = arith.index_cast %add3A_726 : i32 to index
          %get3A_732 = arith.constant 80 : index
          %get3A_733 = tpu.vector_load %arg16[%get3A_731, %get3A_732] {strides = array<i32>} : memref<80x128xf32, #tpu.memory_space<vmem>>, vector<1x16xf32>,
          %get3A_734 = vector.shape_cast %get3A_733 : vector<1x16xf32> to vector<16xf32>
          %add3A_735 = arith.addf %get3A_730, %get3A_734 : vector<16xf32>
          %max3A_736 = arith.constant 0.000000e+00 : f32
          %max3A_737 = vector.broadcast %max3A_736 : f32 to vector<16xf32>
          %max3A_738 = arith.maximumf %add3A_735, %max3A_737 : vector<16xf32>
          %swap3A_739 = arith.index_cast %add3A_726 : i32 to index
          %swap3A_740 = arith.constant 80 : index
          %swap3A_741 = tpu.vector_load %arg18[%swap3A_739, %swap3A_740] {strides = array<i32>} : memref<80x128xf32, #tpu.memory_space<vmem>>, vector<1x16xf32>,
          %swap3A_742 = vector.shape_cast %swap3A_741 : vector<1x16xf32> to vector<16xf32>
          %swap3A_743 = vector.shape_cast %max3A_738 : vector<16xf32> to vector<1x16xf32>
          tpu.vector_store %arg18[%swap3A_739, %swap3A_740], %swap3A_743 {strides = array<i32>} : memref<80x128xf32, #tpu.memory_space<vmem>>, vector<1x16xf32>,
          %mul3A_744 = arith.constant 4 : i32
          %mul3A_745 = arith.muli %scan3A_115, %mul3A_744 : i32
          %add3A_746 = arith.constant 3 : i32
          %add3A_747 = arith.addi %mul3A_745, %add3A_746 : i32
          %get3A_748 = arith.index_cast %add3A_747 : i32 to index
          %get3A_749 = arith.constant 96 : index
          %get3A_750 = tpu.vector_load %arg18[%get3A_748, %get3A_749] {strides = array<i32>} : memref<80x128xf32, #tpu.memory_space<vmem>>, vector<1x16xf32>,
          %get3A_751 = vector.shape_cast %get3A_750 : vector<1x16xf32> to vector<16xf32>
          %get3A_752 = arith.index_cast %add3A_747 : i32 to index
          %get3A_753 = arith.constant 96 : index
          %get3A_754 = tpu.vector_load %arg16[%get3A_752, %get3A_753] {strides = array<i32>} : memref<80x128xf32, #tpu.memory_space<vmem>>, vector<1x16xf32>,
          %get3A_755 = vector.shape_cast %get3A_754 : vector<1x16xf32> to vector<16xf32>
          %add3A_756 = arith.addf %get3A_751, %get3A_755 : vector<16xf32>
          %max3A_757 = arith.constant 0.000000e+00 : f32
          %max3A_758 = vector.broadcast %max3A_757 : f32 to vector<16xf32>
          %max3A_759 = arith.maximumf %add3A_756, %max3A_758 : vector<16xf32>
          %swap3A_760 = arith.index_cast %add3A_747 : i32 to index
          %swap3A_761 = arith.constant 96 : index
          %swap3A_762 = tpu.vector_load %arg18[%swap3A_760, %swap3A_761] {strides = array<i32>} : memref<80x128xf32, #tpu.memory_space<vmem>>, vector<1x16xf32>,
          %swap3A_763 = vector.shape_cast %swap3A_762 : vector<1x16xf32> to vector<16xf32>
          %swap3A_764 = vector.shape_cast %max3A_759 : vector<16xf32> to vector<1x16xf32>
          tpu.vector_store %arg18[%swap3A_760, %swap3A_761], %swap3A_764 {strides = array<i32>} : memref<80x128xf32, #tpu.memory_space<vmem>>, vector<1x16xf32>,
          %mul3A_765 = arith.constant 4 : i32
          %mul3A_766 = arith.muli %scan3A_115, %mul3A_765 : i32
          %add3A_767 = arith.constant 3 : i32
          %add3A_768 = arith.addi %mul3A_766, %add3A_767 : i32
          %get3A_769 = arith.index_cast %add3A_768 : i32 to index
          %get3A_770 = arith.constant 112 : index
          %get3A_771 = tpu.vector_load %arg18[%get3A_769, %get3A_770] {strides = array<i32>} : memref<80x128xf32, #tpu.memory_space<vmem>>, vector<1x16xf32>,
          %get3A_772 = vector.shape_cast %get3A_771 : vector<1x16xf32> to vector<16xf32>
          %get3A_773 = arith.index_cast %add3A_768 : i32 to index
          %get3A_774 = arith.constant 112 : index
          %get3A_775 = tpu.vector_load %arg16[%get3A_773, %get3A_774] {strides = array<i32>} : memref<80x128xf32, #tpu.memory_space<vmem>>, vector<1x16xf32>,
          %get3A_776 = vector.shape_cast %get3A_775 : vector<1x16xf32> to vector<16xf32>
          %add3A_777 = arith.addf %get3A_772, %get3A_776 : vector<16xf32>
          %max3A_778 = arith.constant 0.000000e+00 : f32
          %max3A_779 = vector.broadcast %max3A_778 : f32 to vector<16xf32>
          %max3A_780 = arith.maximumf %add3A_777, %max3A_779 : vector<16xf32>
          %swap3A_781 = arith.index_cast %add3A_768 : i32 to index
          %swap3A_782 = arith.constant 112 : index
          %swap3A_783 = tpu.vector_load %arg18[%swap3A_781, %swap3A_782] {strides = array<i32>} : memref<80x128xf32, #tpu.memory_space<vmem>>, vector<1x16xf32>,
          %swap3A_784 = vector.shape_cast %swap3A_783 : vector<1x16xf32> to vector<16xf32>
          %swap3A_785 = vector.shape_cast %max3A_780 : vector<16xf32> to vector<1x16xf32>
          tpu.vector_store %arg18[%swap3A_781, %swap3A_782], %swap3A_785 {strides = array<i32>} : memref<80x128xf32, #tpu.memory_space<vmem>>, vector<1x16xf32>,
          %scan3A_786 = arith.constant 0 : i32
          scf.yield %scan3A_786 : i32
        }
        %scan3A_103 = arith.constant 20 : i32
        %mul3A_104 = arith.constant 80 : i32
        %mul3A_105 = arith.muli %add3A_88, %mul3A_104 : i32
        %add3A_106 = arith.addi %mul3A_2, %mul3A_105 : i32
        %dma_wait3A_107 = tpu.memref_slice %arg7[%add3A_106] : memref<320000xi32, #tpu.memory_space<hbm>> -> memref<80xi32, #tpu.memory_space<hbm>>
        %dma_wait3A_108 = tpu.memref_slice %arg7[%add3A_106] : memref<320000xi32, #tpu.memory_space<hbm>> -> memref<80xi32, #tpu.memory_space<hbm>>
        tpu.wait_dma2 semaphore(%arg24 : memref<!tpu.dma_semaphore, #tpu.memory_space<semaphore_mem>>) src(%dma_wait3A_108 : memref<80xi32, #tpu.memory_space<hbm>>) dst(%arg14 : memref<80xi32, #tpu.memory_space<vmem>>)
        "tpu.region"() ({
          %run_scoped3A = tpu.sem_alloc : memref<!tpu.dma_semaphore, #tpu.memory_space<semaphore_mem>>
          %dma_start3A_115 = arith.constant 0 : i32
          %dma_start3A_116 = arith.constant 0 : i32
          %dma_start3A_117 = tpu.memref_slice %arg10[%dma_start3A_115, %dma_start3A_116] : memref<10112x128xf32, #tpu.memory_space<vmem_shared>> -> memref<10112x128xf32, #tpu.memory_space<vmem_shared>>
          tpu.enqueue_indirect_dma source(%arg18 : memref<80x128xf32, #tpu.memory_space<vmem>>) target(%dma_start3A_117 : memref<10112x128xf32, #tpu.memory_space<vmem_shared>>) offsets(%arg14 : memref<80xi32, #tpu.memory_space<vmem>>) semaphore(%run_scoped3A : memref<!tpu.dma_semaphore, #tpu.memory_space<semaphore_mem>>) {add = true}
          %dma_wait3A_118 = arith.constant 0 : i32
          %dma_wait3A_119 = arith.constant 0 : i32
          %dma_wait3A_120 = tpu.memref_slice %arg10[%dma_wait3A_118, %dma_wait3A_119] : memref<10112x128xf32, #tpu.memory_space<vmem_shared>> -> memref<10112x128xf32, #tpu.memory_space<vmem_shared>>
          tpu.wait_indirect_dma semaphore(%run_scoped3A : memref<!tpu.dma_semaphore, #tpu.memory_space<semaphore_mem>>) src(%arg18 : memref<80x128xf32, #tpu.memory_space<vmem>>) dst(%dma_wait3A_120 : memref<10112x128xf32, #tpu.memory_space<vmem_shared>>)
          tpu.yield
        }) : () -> ()
        %lt3A_109 = arith.constant 248 : i32
        %lt3A_110 = arith.cmpi slt, %add3A_88, %lt3A_109 : i32
        %convert_element_type3A_111 = arith.extui %lt3A_110 : i1 to i32
        %cond3A_112 = arith.constant 0 : i32
        %cond3A_113 = arith.cmpi ne, %convert_element_type3A_111, %cond3A_112 : i32
        scf.if %cond3A_113 {
          %add3A_115 = arith.constant 2 : i32
          %add3A_116 = arith.addi %add3A_88, %add3A_115 : i32
          %mul3A_117 = arith.constant 80 : i32
          %mul3A_118 = arith.muli %add3A_116, %mul3A_117 : i32
          %add3A_119 = arith.addi %mul3A_2, %mul3A_118 : i32
          %dma_start3A_120 = tpu.memref_slice %arg6[%add3A_119] : memref<320000xi32, #tpu.memory_space<hbm>> -> memref<80xi32, #tpu.memory_space<hbm>>
          %dma_start3A_121 = tpu.memref_slice %arg6[%add3A_119] : memref<320000xi32, #tpu.memory_space<hbm>> -> memref<80xi32, #tpu.memory_space<hbm>>
          tpu.enqueue_dma source(%dma_start3A_121 : memref<80xi32, #tpu.memory_space<hbm>>) target(%arg12 : memref<80xi32, #tpu.memory_space<vmem>>) target_semaphore(%arg20 : memref<!tpu.dma_semaphore, #tpu.memory_space<semaphore_mem>>)
          %dma_start3A_122 = arith.constant 0 : i32
          %dma_start3A_123 = tpu.memref_slice %arg4[%add3A_119, %dma_start3A_122] : memref<320000x128xf32, #tpu.memory_space<hbm>> -> memref<80x128xf32, #tpu.memory_space<hbm>>
          %dma_start3A_124 = arith.constant 0 : i32
          %dma_start3A_125 = tpu.memref_slice %arg4[%add3A_119, %dma_start3A_124] : memref<320000x128xf32, #tpu.memory_space<hbm>> -> memref<80x128xf32, #tpu.memory_space<hbm>>
          tpu.enqueue_dma source(%dma_start3A_125 : memref<80x128xf32, #tpu.memory_space<hbm>>) target(%arg16 : memref<80x128xf32, #tpu.memory_space<vmem>>) target_semaphore(%arg20 : memref<!tpu.dma_semaphore, #tpu.memory_space<semaphore_mem>>)
        } else {
        }
        %scan3A_114 = arith.constant 0 : i32
        scf.yield %scan3A_114 : i32
      }
      %scan3A_54 = arith.constant 125 : i32
    } else {
    }
    %eq3A_5 = arith.constant 1 : i32
    %eq3A_6 = arith.cmpi eq, %arg0, %eq3A_5 : i32
    %convert_element_type3A_7 = arith.extui %eq3A_6 : i1 to i32
    %cond3A_8 = arith.constant 0 : i32
    %cond3A_9 = arith.cmpi ne, %convert_element_type3A_7, %cond3A_8 : i32
    scf.if %cond3A_9 {
      %add3A = arith.constant 0 : i32
      %add3A_21 = arith.addi %mul3A_2, %add3A : i32
      %dma_start3A = tpu.memref_slice %arg6[%add3A_21] : memref<320000xi32, #tpu.memory_space<hbm>> -> memref<80xi32, #tpu.memory_space<hbm>>
      %dma_start3A_22 = tpu.memref_slice %arg6[%add3A_21] : memref<320000xi32, #tpu.memory_space<hbm>> -> memref<80xi32, #tpu.memory_space<hbm>>
      tpu.enqueue_dma source(%dma_start3A_22 : memref<80xi32, #tpu.memory_space<hbm>>) target(%arg11 : memref<80xi32, #tpu.memory_space<vmem>>) target_semaphore(%arg19 : memref<!tpu.dma_semaphore, #tpu.memory_space<semaphore_mem>>)
      %dma_start3A_23 = arith.constant 0 : i32
      %dma_start3A_24 = tpu.memref_slice %arg5[%add3A_21, %dma_start3A_23] : memref<320000x128xf32, #tpu.memory_space<hbm>> -> memref<80x128xf32, #tpu.memory_space<hbm>>
      %dma_start3A_25 = arith.constant 0 : i32
      %dma_start3A_26 = tpu.memref_slice %arg5[%add3A_21, %dma_start3A_25] : memref<320000x128xf32, #tpu.memory_space<hbm>> -> memref<80x128xf32, #tpu.memory_space<hbm>>
      tpu.enqueue_dma source(%dma_start3A_26 : memref<80x128xf32, #tpu.memory_space<hbm>>) target(%arg15 : memref<80x128xf32, #tpu.memory_space<vmem>>) target_semaphore(%arg19 : memref<!tpu.dma_semaphore, #tpu.memory_space<semaphore_mem>>)
      %add3A_27 = arith.constant 80 : i32
      %add3A_28 = arith.addi %mul3A_2, %add3A_27 : i32
      %dma_start3A_29 = tpu.memref_slice %arg6[%add3A_28] : memref<320000xi32, #tpu.memory_space<hbm>> -> memref<80xi32, #tpu.memory_space<hbm>>
      %dma_start3A_30 = tpu.memref_slice %arg6[%add3A_28] : memref<320000xi32, #tpu.memory_space<hbm>> -> memref<80xi32, #tpu.memory_space<hbm>>
      tpu.enqueue_dma source(%dma_start3A_30 : memref<80xi32, #tpu.memory_space<hbm>>) target(%arg12 : memref<80xi32, #tpu.memory_space<vmem>>) target_semaphore(%arg20 : memref<!tpu.dma_semaphore, #tpu.memory_space<semaphore_mem>>)
      %dma_start3A_31 = arith.constant 0 : i32
      %dma_start3A_32 = tpu.memref_slice %arg5[%add3A_28, %dma_start3A_31] : memref<320000x128xf32, #tpu.memory_space<hbm>> -> memref<80x128xf32, #tpu.memory_space<hbm>>
      %dma_start3A_33 = arith.constant 0 : i32
      %dma_start3A_34 = tpu.memref_slice %arg5[%add3A_28, %dma_start3A_33] : memref<320000x128xf32, #tpu.memory_space<hbm>> -> memref<80x128xf32, #tpu.memory_space<hbm>>
      tpu.enqueue_dma source(%dma_start3A_34 : memref<80x128xf32, #tpu.memory_space<hbm>>) target(%arg16 : memref<80x128xf32, #tpu.memory_space<vmem>>) target_semaphore(%arg20 : memref<!tpu.dma_semaphore, #tpu.memory_space<semaphore_mem>>)
      %add3A_35 = arith.constant 0 : i32
      %add3A_36 = arith.addi %mul3A_2, %add3A_35 : i32
      %dma_start3A_37 = tpu.memref_slice %arg7[%add3A_36] : memref<320000xi32, #tpu.memory_space<hbm>> -> memref<80xi32, #tpu.memory_space<hbm>>
      %dma_start3A_38 = tpu.memref_slice %arg7[%add3A_36] : memref<320000xi32, #tpu.memory_space<hbm>> -> memref<80xi32, #tpu.memory_space<hbm>>
      tpu.enqueue_dma source(%dma_start3A_38 : memref<80xi32, #tpu.memory_space<hbm>>) target(%arg13 : memref<80xi32, #tpu.memory_space<vmem>>) target_semaphore(%arg23 : memref<!tpu.dma_semaphore, #tpu.memory_space<semaphore_mem>>)
      %add3A_39 = arith.constant 0 : i32
      %add3A_40 = arith.addi %mul3A_2, %add3A_39 : i32
      %dma_wait3A = tpu.memref_slice %arg6[%add3A_40] : memref<320000xi32, #tpu.memory_space<hbm>> -> memref<80xi32, #tpu.memory_space<hbm>>
      %dma_wait3A_41 = tpu.memref_slice %arg6[%add3A_40] : memref<320000xi32, #tpu.memory_space<hbm>> -> memref<80xi32, #tpu.memory_space<hbm>>
      tpu.wait_dma2 semaphore(%arg19 : memref<!tpu.dma_semaphore, #tpu.memory_space<semaphore_mem>>) src(%dma_wait3A_41 : memref<80xi32, #tpu.memory_space<hbm>>) dst(%arg11 : memref<80xi32, #tpu.memory_space<vmem>>)
      %dma_wait3A_42 = arith.constant 0 : i32
      %dma_wait3A_43 = tpu.memref_slice %arg5[%add3A_40, %dma_wait3A_42] : memref<320000x128xf32, #tpu.memory_space<hbm>> -> memref<80x128xf32, #tpu.memory_space<hbm>>
      %dma_wait3A_44 = arith.constant 0 : i32
      %dma_wait3A_45 = tpu.memref_slice %arg5[%add3A_40, %dma_wait3A_44] : memref<320000x128xf32, #tpu.memory_space<hbm>> -> memref<80x128xf32, #tpu.memory_space<hbm>>
      tpu.wait_dma2 semaphore(%arg19 : memref<!tpu.dma_semaphore, #tpu.memory_space<semaphore_mem>>) src(%dma_wait3A_45 : memref<80x128xf32, #tpu.memory_space<hbm>>) dst(%arg15 : memref<80x128xf32, #tpu.memory_space<vmem>>)
      %dma_start3A_46 = arith.constant 0 : i32
      %dma_start3A_47 = arith.constant 0 : i32
      %dma_start3A_48 = tpu.memref_slice %arg3[%dma_start3A_46, %dma_start3A_47] : memref<10000x128xf32, #tpu.memory_space<hbm>> -> memref<10000x128xf32, #tpu.memory_space<hbm>>
      tpu.enqueue_indirect_dma source(%dma_start3A_48 : memref<10000x128xf32, #tpu.memory_space<hbm>>) target(%arg17 : memref<80x128xf32, #tpu.memory_space<vmem>>) offsets(%arg11 : memref<80xi32, #tpu.memory_space<vmem>>) semaphore(%arg21 : memref<!tpu.dma_semaphore, #tpu.memory_space<semaphore_mem>>)
      %scan3A = arith.constant 0 : i32
      %scan3A_49 = arith.constant 0 : i32
      %scan3A_50 = arith.constant 125 : i32
      %scan3A_51 = arith.addi %scan3A_49, %scan3A_50 : i32
      %scan3A_52 = arith.constant 1 : i32
      %scan3A_53 = scf.for %scan3A_55 = %scan3A_49 to %scan3A_51 step %scan3A_52 iter_args(%scan3A_56 = %scan3A) -> (i32)  : i32 {
        %mul3A_57 = arith.constant 2 : i32
        %mul3A_58 = arith.muli %scan3A_55, %mul3A_57 : i32
        %add3A_59 = arith.constant 0 : i32
        %add3A_60 = arith.addi %mul3A_58, %add3A_59 : i32
        %lt3A = arith.constant 249 : i32
        %lt3A_61 = arith.cmpi slt, %add3A_60, %lt3A : i32
        %convert_element_type3A_62 = arith.extui %lt3A_61 : i1 to i32
        %cond3A_63 = arith.constant 0 : i32
        %cond3A_64 = arith.cmpi ne, %convert_element_type3A_62, %cond3A_63 : i32
        scf.if %cond3A_64 {
          %add3A_115 = arith.constant 1 : i32
          %add3A_116 = arith.addi %add3A_60, %add3A_115 : i32
          %mul3A_117 = arith.constant 80 : i32
          %mul3A_118 = arith.muli %add3A_116, %mul3A_117 : i32
          %add3A_119 = arith.addi %mul3A_2, %mul3A_118 : i32
          %dma_wait3A_120 = tpu.memref_slice %arg6[%add3A_119] : memref<320000xi32, #tpu.memory_space<hbm>> -> memref<80xi32, #tpu.memory_space<hbm>>
          %dma_wait3A_121 = tpu.memref_slice %arg6[%add3A_119] : memref<320000xi32, #tpu.memory_space<hbm>> -> memref<80xi32, #tpu.memory_space<hbm>>
          tpu.wait_dma2 semaphore(%arg20 : memref<!tpu.dma_semaphore, #tpu.memory_space<semaphore_mem>>) src(%dma_wait3A_121 : memref<80xi32, #tpu.memory_space<hbm>>) dst(%arg12 : memref<80xi32, #tpu.memory_space<vmem>>)
          %dma_wait3A_122 = arith.constant 0 : i32
          %dma_wait3A_123 = tpu.memref_slice %arg5[%add3A_119, %dma_wait3A_122] : memref<320000x128xf32, #tpu.memory_space<hbm>> -> memref<80x128xf32, #tpu.memory_space<hbm>>
          %dma_wait3A_124 = arith.constant 0 : i32
          %dma_wait3A_125 = tpu.memref_slice %arg5[%add3A_119, %dma_wait3A_124] : memref<320000x128xf32, #tpu.memory_space<hbm>> -> memref<80x128xf32, #tpu.memory_space<hbm>>
          tpu.wait_dma2 semaphore(%arg20 : memref<!tpu.dma_semaphore, #tpu.memory_space<semaphore_mem>>) src(%dma_wait3A_125 : memref<80x128xf32, #tpu.memory_space<hbm>>) dst(%arg16 : memref<80x128xf32, #tpu.memory_space<vmem>>)
          %add3A_126 = arith.constant 1 : i32
          %add3A_127 = arith.addi %add3A_60, %add3A_126 : i32
          %mul3A_128 = arith.constant 80 : i32
          %mul3A_129 = arith.muli %add3A_127, %mul3A_128 : i32
          %add3A_130 = arith.addi %mul3A_2, %mul3A_129 : i32
          %dma_start3A_131 = tpu.memref_slice %arg7[%add3A_130] : memref<320000xi32, #tpu.memory_space<hbm>> -> memref<80xi32, #tpu.memory_space<hbm>>
          %dma_start3A_132 = tpu.memref_slice %arg7[%add3A_130] : memref<320000xi32, #tpu.memory_space<hbm>> -> memref<80xi32, #tpu.memory_space<hbm>>
          tpu.enqueue_dma source(%dma_start3A_132 : memref<80xi32, #tpu.memory_space<hbm>>) target(%arg14 : memref<80xi32, #tpu.memory_space<vmem>>) target_semaphore(%arg24 : memref<!tpu.dma_semaphore, #tpu.memory_space<semaphore_mem>>)
          %dma_start3A_133 = arith.constant 0 : i32
          %dma_start3A_134 = arith.constant 0 : i32
          %dma_start3A_135 = tpu.memref_slice %arg3[%dma_start3A_133, %dma_start3A_134] : memref<10000x128xf32, #tpu.memory_space<hbm>> -> memref<10000x128xf32, #tpu.memory_space<hbm>>
          tpu.enqueue_indirect_dma source(%dma_start3A_135 : memref<10000x128xf32, #tpu.memory_space<hbm>>) target(%arg18 : memref<80x128xf32, #tpu.memory_space<vmem>>) offsets(%arg12 : memref<80xi32, #tpu.memory_space<vmem>>) semaphore(%arg22 : memref<!tpu.dma_semaphore, #tpu.memory_space<semaphore_mem>>)
        } else {
        }
        %dma_wait3A_65 = arith.constant 0 : i32
        %dma_wait3A_66 = arith.constant 0 : i32
        %dma_wait3A_67 = tpu.memref_slice %arg3[%dma_wait3A_65, %dma_wait3A_66] : memref<10000x128xf32, #tpu.memory_space<hbm>> -> memref<10000x128xf32, #tpu.memory_space<hbm>>
        tpu.wait_indirect_dma semaphore(%arg21 : memref<!tpu.dma_semaphore, #tpu.memory_space<semaphore_mem>>) src(%dma_wait3A_67 : memref<10000x128xf32, #tpu.memory_space<hbm>>) dst(%arg17 : memref<80x128xf32, #tpu.memory_space<vmem>>)
        %scan3A_68 = arith.constant 0 : i32
        %scan3A_69 = arith.constant 0 : i32
        %scan3A_70 = arith.constant 20 : i32
        %scan3A_71 = arith.addi %scan3A_69, %scan3A_70 : i32
        %scan3A_72 = arith.constant 1 : i32
        %scan3A_73 = scf.for %scan3A_115 = %scan3A_69 to %scan3A_71 step %scan3A_72 iter_args(%scan3A_116 = %scan3A_68) -> (i32)  : i32 {
          %mul3A_117 = arith.constant 4 : i32
          %mul3A_118 = arith.muli %scan3A_115, %mul3A_117 : i32
          %add3A_119 = arith.constant 0 : i32
          %add3A_120 = arith.addi %mul3A_118, %add3A_119 : i32
          %get3A = arith.index_cast %add3A_120 : i32 to index
          %get3A_121 = arith.constant 0 : index
          %get3A_122 = tpu.vector_load %arg17[%get3A, %get3A_121] {strides = array<i32>} : memref<80x128xf32, #tpu.memory_space<vmem>>, vector<1x16xf32>,
          %get3A_123 = vector.shape_cast %get3A_122 : vector<1x16xf32> to vector<16xf32>
          %get3A_124 = arith.index_cast %add3A_120 : i32 to index
          %get3A_125 = arith.constant 0 : index
          %get3A_126 = tpu.vector_load %arg15[%get3A_124, %get3A_125] {strides = array<i32>} : memref<80x128xf32, #tpu.memory_space<vmem>>, vector<1x16xf32>,
          %get3A_127 = vector.shape_cast %get3A_126 : vector<1x16xf32> to vector<16xf32>
          %add3A_128 = arith.addf %get3A_123, %get3A_127 : vector<16xf32>
          %max3A = arith.constant 0.000000e+00 : f32
          %max3A_129 = vector.broadcast %max3A : f32 to vector<16xf32>
          %max3A_130 = arith.maximumf %add3A_128, %max3A_129 : vector<16xf32>
          %swap3A = arith.index_cast %add3A_120 : i32 to index
          %swap3A_131 = arith.constant 0 : index
          %swap3A_132 = tpu.vector_load %arg17[%swap3A, %swap3A_131] {strides = array<i32>} : memref<80x128xf32, #tpu.memory_space<vmem>>, vector<1x16xf32>,
          %swap3A_133 = vector.shape_cast %swap3A_132 : vector<1x16xf32> to vector<16xf32>
          %swap3A_134 = vector.shape_cast %max3A_130 : vector<16xf32> to vector<1x16xf32>
          tpu.vector_store %arg17[%swap3A, %swap3A_131], %swap3A_134 {strides = array<i32>} : memref<80x128xf32, #tpu.memory_space<vmem>>, vector<1x16xf32>,
          %mul3A_135 = arith.constant 4 : i32
          %mul3A_136 = arith.muli %scan3A_115, %mul3A_135 : i32
          %add3A_137 = arith.constant 0 : i32
          %add3A_138 = arith.addi %mul3A_136, %add3A_137 : i32
          %get3A_139 = arith.index_cast %add3A_138 : i32 to index
          %get3A_140 = arith.constant 16 : index
          %get3A_141 = tpu.vector_load %arg17[%get3A_139, %get3A_140] {strides = array<i32>} : memref<80x128xf32, #tpu.memory_space<vmem>>, vector<1x16xf32>,
          %get3A_142 = vector.shape_cast %get3A_141 : vector<1x16xf32> to vector<16xf32>
          %get3A_143 = arith.index_cast %add3A_138 : i32 to index
          %get3A_144 = arith.constant 16 : index
          %get3A_145 = tpu.vector_load %arg15[%get3A_143, %get3A_144] {strides = array<i32>} : memref<80x128xf32, #tpu.memory_space<vmem>>, vector<1x16xf32>,
          %get3A_146 = vector.shape_cast %get3A_145 : vector<1x16xf32> to vector<16xf32>
          %add3A_147 = arith.addf %get3A_142, %get3A_146 : vector<16xf32>
          %max3A_148 = arith.constant 0.000000e+00 : f32
          %max3A_149 = vector.broadcast %max3A_148 : f32 to vector<16xf32>
          %max3A_150 = arith.maximumf %add3A_147, %max3A_149 : vector<16xf32>
          %swap3A_151 = arith.index_cast %add3A_138 : i32 to index
          %swap3A_152 = arith.constant 16 : index
          %swap3A_153 = tpu.vector_load %arg17[%swap3A_151, %swap3A_152] {strides = array<i32>} : memref<80x128xf32, #tpu.memory_space<vmem>>, vector<1x16xf32>,
          %swap3A_154 = vector.shape_cast %swap3A_153 : vector<1x16xf32> to vector<16xf32>
          %swap3A_155 = vector.shape_cast %max3A_150 : vector<16xf32> to vector<1x16xf32>
          tpu.vector_store %arg17[%swap3A_151, %swap3A_152], %swap3A_155 {strides = array<i32>} : memref<80x128xf32, #tpu.memory_space<vmem>>, vector<1x16xf32>,
          %mul3A_156 = arith.constant 4 : i32
          %mul3A_157 = arith.muli %scan3A_115, %mul3A_156 : i32
          %add3A_158 = arith.constant 0 : i32
          %add3A_159 = arith.addi %mul3A_157, %add3A_158 : i32
          %get3A_160 = arith.index_cast %add3A_159 : i32 to index
          %get3A_161 = arith.constant 32 : index
          %get3A_162 = tpu.vector_load %arg17[%get3A_160, %get3A_161] {strides = array<i32>} : memref<80x128xf32, #tpu.memory_space<vmem>>, vector<1x16xf32>,
          %get3A_163 = vector.shape_cast %get3A_162 : vector<1x16xf32> to vector<16xf32>
          %get3A_164 = arith.index_cast %add3A_159 : i32 to index
          %get3A_165 = arith.constant 32 : index
          %get3A_166 = tpu.vector_load %arg15[%get3A_164, %get3A_165] {strides = array<i32>} : memref<80x128xf32, #tpu.memory_space<vmem>>, vector<1x16xf32>,
          %get3A_167 = vector.shape_cast %get3A_166 : vector<1x16xf32> to vector<16xf32>
          %add3A_168 = arith.addf %get3A_163, %get3A_167 : vector<16xf32>
          %max3A_169 = arith.constant 0.000000e+00 : f32
          %max3A_170 = vector.broadcast %max3A_169 : f32 to vector<16xf32>
          %max3A_171 = arith.maximumf %add3A_168, %max3A_170 : vector<16xf32>
          %swap3A_172 = arith.index_cast %add3A_159 : i32 to index
          %swap3A_173 = arith.constant 32 : index
          %swap3A_174 = tpu.vector_load %arg17[%swap3A_172, %swap3A_173] {strides = array<i32>} : memref<80x128xf32, #tpu.memory_space<vmem>>, vector<1x16xf32>,
          %swap3A_175 = vector.shape_cast %swap3A_174 : vector<1x16xf32> to vector<16xf32>
          %swap3A_176 = vector.shape_cast %max3A_171 : vector<16xf32> to vector<1x16xf32>
          tpu.vector_store %arg17[%swap3A_172, %swap3A_173], %swap3A_176 {strides = array<i32>} : memref<80x128xf32, #tpu.memory_space<vmem>>, vector<1x16xf32>,
          %mul3A_177 = arith.constant 4 : i32
          %mul3A_178 = arith.muli %scan3A_115, %mul3A_177 : i32
          %add3A_179 = arith.constant 0 : i32
          %add3A_180 = arith.addi %mul3A_178, %add3A_179 : i32
          %get3A_181 = arith.index_cast %add3A_180 : i32 to index
          %get3A_182 = arith.constant 48 : index
          %get3A_183 = tpu.vector_load %arg17[%get3A_181, %get3A_182] {strides = array<i32>} : memref<80x128xf32, #tpu.memory_space<vmem>>, vector<1x16xf32>,
          %get3A_184 = vector.shape_cast %get3A_183 : vector<1x16xf32> to vector<16xf32>
          %get3A_185 = arith.index_cast %add3A_180 : i32 to index
          %get3A_186 = arith.constant 48 : index
          %get3A_187 = tpu.vector_load %arg15[%get3A_185, %get3A_186] {strides = array<i32>} : memref<80x128xf32, #tpu.memory_space<vmem>>, vector<1x16xf32>,
          %get3A_188 = vector.shape_cast %get3A_187 : vector<1x16xf32> to vector<16xf32>
          %add3A_189 = arith.addf %get3A_184, %get3A_188 : vector<16xf32>
          %max3A_190 = arith.constant 0.000000e+00 : f32
          %max3A_191 = vector.broadcast %max3A_190 : f32 to vector<16xf32>
          %max3A_192 = arith.maximumf %add3A_189, %max3A_191 : vector<16xf32>
          %swap3A_193 = arith.index_cast %add3A_180 : i32 to index
          %swap3A_194 = arith.constant 48 : index
          %swap3A_195 = tpu.vector_load %arg17[%swap3A_193, %swap3A_194] {strides = array<i32>} : memref<80x128xf32, #tpu.memory_space<vmem>>, vector<1x16xf32>,
          %swap3A_196 = vector.shape_cast %swap3A_195 : vector<1x16xf32> to vector<16xf32>
          %swap3A_197 = vector.shape_cast %max3A_192 : vector<16xf32> to vector<1x16xf32>
          tpu.vector_store %arg17[%swap3A_193, %swap3A_194], %swap3A_197 {strides = array<i32>} : memref<80x128xf32, #tpu.memory_space<vmem>>, vector<1x16xf32>,
          %mul3A_198 = arith.constant 4 : i32
          %mul3A_199 = arith.muli %scan3A_115, %mul3A_198 : i32
          %add3A_200 = arith.constant 0 : i32
          %add3A_201 = arith.addi %mul3A_199, %add3A_200 : i32
          %get3A_202 = arith.index_cast %add3A_201 : i32 to index
          %get3A_203 = arith.constant 64 : index
          %get3A_204 = tpu.vector_load %arg17[%get3A_202, %get3A_203] {strides = array<i32>} : memref<80x128xf32, #tpu.memory_space<vmem>>, vector<1x16xf32>,
          %get3A_205 = vector.shape_cast %get3A_204 : vector<1x16xf32> to vector<16xf32>
          %get3A_206 = arith.index_cast %add3A_201 : i32 to index
          %get3A_207 = arith.constant 64 : index
          %get3A_208 = tpu.vector_load %arg15[%get3A_206, %get3A_207] {strides = array<i32>} : memref<80x128xf32, #tpu.memory_space<vmem>>, vector<1x16xf32>,
          %get3A_209 = vector.shape_cast %get3A_208 : vector<1x16xf32> to vector<16xf32>
          %add3A_210 = arith.addf %get3A_205, %get3A_209 : vector<16xf32>
          %max3A_211 = arith.constant 0.000000e+00 : f32
          %max3A_212 = vector.broadcast %max3A_211 : f32 to vector<16xf32>
          %max3A_213 = arith.maximumf %add3A_210, %max3A_212 : vector<16xf32>
          %swap3A_214 = arith.index_cast %add3A_201 : i32 to index
          %swap3A_215 = arith.constant 64 : index
          %swap3A_216 = tpu.vector_load %arg17[%swap3A_214, %swap3A_215] {strides = array<i32>} : memref<80x128xf32, #tpu.memory_space<vmem>>, vector<1x16xf32>,
          %swap3A_217 = vector.shape_cast %swap3A_216 : vector<1x16xf32> to vector<16xf32>
          %swap3A_218 = vector.shape_cast %max3A_213 : vector<16xf32> to vector<1x16xf32>
          tpu.vector_store %arg17[%swap3A_214, %swap3A_215], %swap3A_218 {strides = array<i32>} : memref<80x128xf32, #tpu.memory_space<vmem>>, vector<1x16xf32>,
          %mul3A_219 = arith.constant 4 : i32
          %mul3A_220 = arith.muli %scan3A_115, %mul3A_219 : i32
          %add3A_221 = arith.constant 0 : i32
          %add3A_222 = arith.addi %mul3A_220, %add3A_221 : i32
          %get3A_223 = arith.index_cast %add3A_222 : i32 to index
          %get3A_224 = arith.constant 80 : index
          %get3A_225 = tpu.vector_load %arg17[%get3A_223, %get3A_224] {strides = array<i32>} : memref<80x128xf32, #tpu.memory_space<vmem>>, vector<1x16xf32>,
          %get3A_226 = vector.shape_cast %get3A_225 : vector<1x16xf32> to vector<16xf32>
          %get3A_227 = arith.index_cast %add3A_222 : i32 to index
          %get3A_228 = arith.constant 80 : index
          %get3A_229 = tpu.vector_load %arg15[%get3A_227, %get3A_228] {strides = array<i32>} : memref<80x128xf32, #tpu.memory_space<vmem>>, vector<1x16xf32>,
          %get3A_230 = vector.shape_cast %get3A_229 : vector<1x16xf32> to vector<16xf32>
          %add3A_231 = arith.addf %get3A_226, %get3A_230 : vector<16xf32>
          %max3A_232 = arith.constant 0.000000e+00 : f32
          %max3A_233 = vector.broadcast %max3A_232 : f32 to vector<16xf32>
          %max3A_234 = arith.maximumf %add3A_231, %max3A_233 : vector<16xf32>
          %swap3A_235 = arith.index_cast %add3A_222 : i32 to index
          %swap3A_236 = arith.constant 80 : index
          %swap3A_237 = tpu.vector_load %arg17[%swap3A_235, %swap3A_236] {strides = array<i32>} : memref<80x128xf32, #tpu.memory_space<vmem>>, vector<1x16xf32>,
          %swap3A_238 = vector.shape_cast %swap3A_237 : vector<1x16xf32> to vector<16xf32>
          %swap3A_239 = vector.shape_cast %max3A_234 : vector<16xf32> to vector<1x16xf32>
          tpu.vector_store %arg17[%swap3A_235, %swap3A_236], %swap3A_239 {strides = array<i32>} : memref<80x128xf32, #tpu.memory_space<vmem>>, vector<1x16xf32>,
          %mul3A_240 = arith.constant 4 : i32
          %mul3A_241 = arith.muli %scan3A_115, %mul3A_240 : i32
          %add3A_242 = arith.constant 0 : i32
          %add3A_243 = arith.addi %mul3A_241, %add3A_242 : i32
          %get3A_244 = arith.index_cast %add3A_243 : i32 to index
          %get3A_245 = arith.constant 96 : index
          %get3A_246 = tpu.vector_load %arg17[%get3A_244, %get3A_245] {strides = array<i32>} : memref<80x128xf32, #tpu.memory_space<vmem>>, vector<1x16xf32>,
          %get3A_247 = vector.shape_cast %get3A_246 : vector<1x16xf32> to vector<16xf32>
          %get3A_248 = arith.index_cast %add3A_243 : i32 to index
          %get3A_249 = arith.constant 96 : index
          %get3A_250 = tpu.vector_load %arg15[%get3A_248, %get3A_249] {strides = array<i32>} : memref<80x128xf32, #tpu.memory_space<vmem>>, vector<1x16xf32>,
          %get3A_251 = vector.shape_cast %get3A_250 : vector<1x16xf32> to vector<16xf32>
          %add3A_252 = arith.addf %get3A_247, %get3A_251 : vector<16xf32>
          %max3A_253 = arith.constant 0.000000e+00 : f32
          %max3A_254 = vector.broadcast %max3A_253 : f32 to vector<16xf32>
          %max3A_255 = arith.maximumf %add3A_252, %max3A_254 : vector<16xf32>
          %swap3A_256 = arith.index_cast %add3A_243 : i32 to index
          %swap3A_257 = arith.constant 96 : index
          %swap3A_258 = tpu.vector_load %arg17[%swap3A_256, %swap3A_257] {strides = array<i32>} : memref<80x128xf32, #tpu.memory_space<vmem>>, vector<1x16xf32>,
          %swap3A_259 = vector.shape_cast %swap3A_258 : vector<1x16xf32> to vector<16xf32>
          %swap3A_260 = vector.shape_cast %max3A_255 : vector<16xf32> to vector<1x16xf32>
          tpu.vector_store %arg17[%swap3A_256, %swap3A_257], %swap3A_260 {strides = array<i32>} : memref<80x128xf32, #tpu.memory_space<vmem>>, vector<1x16xf32>,
          %mul3A_261 = arith.constant 4 : i32
          %mul3A_262 = arith.muli %scan3A_115, %mul3A_261 : i32
          %add3A_263 = arith.constant 0 : i32
          %add3A_264 = arith.addi %mul3A_262, %add3A_263 : i32
          %get3A_265 = arith.index_cast %add3A_264 : i32 to index
          %get3A_266 = arith.constant 112 : index
          %get3A_267 = tpu.vector_load %arg17[%get3A_265, %get3A_266] {strides = array<i32>} : memref<80x128xf32, #tpu.memory_space<vmem>>, vector<1x16xf32>,
          %get3A_268 = vector.shape_cast %get3A_267 : vector<1x16xf32> to vector<16xf32>
          %get3A_269 = arith.index_cast %add3A_264 : i32 to index
          %get3A_270 = arith.constant 112 : index
          %get3A_271 = tpu.vector_load %arg15[%get3A_269, %get3A_270] {strides = array<i32>} : memref<80x128xf32, #tpu.memory_space<vmem>>, vector<1x16xf32>,
          %get3A_272 = vector.shape_cast %get3A_271 : vector<1x16xf32> to vector<16xf32>
          %add3A_273 = arith.addf %get3A_268, %get3A_272 : vector<16xf32>
          %max3A_274 = arith.constant 0.000000e+00 : f32
          %max3A_275 = vector.broadcast %max3A_274 : f32 to vector<16xf32>
          %max3A_276 = arith.maximumf %add3A_273, %max3A_275 : vector<16xf32>
          %swap3A_277 = arith.index_cast %add3A_264 : i32 to index
          %swap3A_278 = arith.constant 112 : index
          %swap3A_279 = tpu.vector_load %arg17[%swap3A_277, %swap3A_278] {strides = array<i32>} : memref<80x128xf32, #tpu.memory_space<vmem>>, vector<1x16xf32>,
          %swap3A_280 = vector.shape_cast %swap3A_279 : vector<1x16xf32> to vector<16xf32>
          %swap3A_281 = vector.shape_cast %max3A_276 : vector<16xf32> to vector<1x16xf32>
          tpu.vector_store %arg17[%swap3A_277, %swap3A_278], %swap3A_281 {strides = array<i32>} : memref<80x128xf32, #tpu.memory_space<vmem>>, vector<1x16xf32>,
          %mul3A_282 = arith.constant 4 : i32
          %mul3A_283 = arith.muli %scan3A_115, %mul3A_282 : i32
          %add3A_284 = arith.constant 1 : i32
          %add3A_285 = arith.addi %mul3A_283, %add3A_284 : i32
          %get3A_286 = arith.index_cast %add3A_285 : i32 to index
          %get3A_287 = arith.constant 0 : index
          %get3A_288 = tpu.vector_load %arg17[%get3A_286, %get3A_287] {strides = array<i32>} : memref<80x128xf32, #tpu.memory_space<vmem>>, vector<1x16xf32>,
          %get3A_289 = vector.shape_cast %get3A_288 : vector<1x16xf32> to vector<16xf32>
          %get3A_290 = arith.index_cast %add3A_285 : i32 to index
          %get3A_291 = arith.constant 0 : index
          %get3A_292 = tpu.vector_load %arg15[%get3A_290, %get3A_291] {strides = array<i32>} : memref<80x128xf32, #tpu.memory_space<vmem>>, vector<1x16xf32>,
          %get3A_293 = vector.shape_cast %get3A_292 : vector<1x16xf32> to vector<16xf32>
          %add3A_294 = arith.addf %get3A_289, %get3A_293 : vector<16xf32>
          %max3A_295 = arith.constant 0.000000e+00 : f32
          %max3A_296 = vector.broadcast %max3A_295 : f32 to vector<16xf32>
          %max3A_297 = arith.maximumf %add3A_294, %max3A_296 : vector<16xf32>
          %swap3A_298 = arith.index_cast %add3A_285 : i32 to index
          %swap3A_299 = arith.constant 0 : index
          %swap3A_300 = tpu.vector_load %arg17[%swap3A_298, %swap3A_299] {strides = array<i32>} : memref<80x128xf32, #tpu.memory_space<vmem>>, vector<1x16xf32>,
          %swap3A_301 = vector.shape_cast %swap3A_300 : vector<1x16xf32> to vector<16xf32>
          %swap3A_302 = vector.shape_cast %max3A_297 : vector<16xf32> to vector<1x16xf32>
          tpu.vector_store %arg17[%swap3A_298, %swap3A_299], %swap3A_302 {strides = array<i32>} : memref<80x128xf32, #tpu.memory_space<vmem>>, vector<1x16xf32>,
          %mul3A_303 = arith.constant 4 : i32
          %mul3A_304 = arith.muli %scan3A_115, %mul3A_303 : i32
          %add3A_305 = arith.constant 1 : i32
          %add3A_306 = arith.addi %mul3A_304, %add3A_305 : i32
          %get3A_307 = arith.index_cast %add3A_306 : i32 to index
          %get3A_308 = arith.constant 16 : index
          %get3A_309 = tpu.vector_load %arg17[%get3A_307, %get3A_308] {strides = array<i32>} : memref<80x128xf32, #tpu.memory_space<vmem>>, vector<1x16xf32>,
          %get3A_310 = vector.shape_cast %get3A_309 : vector<1x16xf32> to vector<16xf32>
          %get3A_311 = arith.index_cast %add3A_306 : i32 to index
          %get3A_312 = arith.constant 16 : index
          %get3A_313 = tpu.vector_load %arg15[%get3A_311, %get3A_312] {strides = array<i32>} : memref<80x128xf32, #tpu.memory_space<vmem>>, vector<1x16xf32>,
          %get3A_314 = vector.shape_cast %get3A_313 : vector<1x16xf32> to vector<16xf32>
          %add3A_315 = arith.addf %get3A_310, %get3A_314 : vector<16xf32>
          %max3A_316 = arith.constant 0.000000e+00 : f32
          %max3A_317 = vector.broadcast %max3A_316 : f32 to vector<16xf32>
          %max3A_318 = arith.maximumf %add3A_315, %max3A_317 : vector<16xf32>
          %swap3A_319 = arith.index_cast %add3A_306 : i32 to index
          %swap3A_320 = arith.constant 16 : index
          %swap3A_321 = tpu.vector_load %arg17[%swap3A_319, %swap3A_320] {strides = array<i32>} : memref<80x128xf32, #tpu.memory_space<vmem>>, vector<1x16xf32>,
          %swap3A_322 = vector.shape_cast %swap3A_321 : vector<1x16xf32> to vector<16xf32>
          %swap3A_323 = vector.shape_cast %max3A_318 : vector<16xf32> to vector<1x16xf32>
          tpu.vector_store %arg17[%swap3A_319, %swap3A_320], %swap3A_323 {strides = array<i32>} : memref<80x128xf32, #tpu.memory_space<vmem>>, vector<1x16xf32>,
          %mul3A_324 = arith.constant 4 : i32
          %mul3A_325 = arith.muli %scan3A_115, %mul3A_324 : i32
          %add3A_326 = arith.constant 1 : i32
          %add3A_327 = arith.addi %mul3A_325, %add3A_326 : i32
          %get3A_328 = arith.index_cast %add3A_327 : i32 to index
          %get3A_329 = arith.constant 32 : index
          %get3A_330 = tpu.vector_load %arg17[%get3A_328, %get3A_329] {strides = array<i32>} : memref<80x128xf32, #tpu.memory_space<vmem>>, vector<1x16xf32>,
          %get3A_331 = vector.shape_cast %get3A_330 : vector<1x16xf32> to vector<16xf32>
          %get3A_332 = arith.index_cast %add3A_327 : i32 to index
          %get3A_333 = arith.constant 32 : index
          %get3A_334 = tpu.vector_load %arg15[%get3A_332, %get3A_333] {strides = array<i32>} : memref<80x128xf32, #tpu.memory_space<vmem>>, vector<1x16xf32>,
          %get3A_335 = vector.shape_cast %get3A_334 : vector<1x16xf32> to vector<16xf32>
          %add3A_336 = arith.addf %get3A_331, %get3A_335 : vector<16xf32>
          %max3A_337 = arith.constant 0.000000e+00 : f32
          %max3A_338 = vector.broadcast %max3A_337 : f32 to vector<16xf32>
          %max3A_339 = arith.maximumf %add3A_336, %max3A_338 : vector<16xf32>
          %swap3A_340 = arith.index_cast %add3A_327 : i32 to index
          %swap3A_341 = arith.constant 32 : index
          %swap3A_342 = tpu.vector_load %arg17[%swap3A_340, %swap3A_341] {strides = array<i32>} : memref<80x128xf32, #tpu.memory_space<vmem>>, vector<1x16xf32>,
          %swap3A_343 = vector.shape_cast %swap3A_342 : vector<1x16xf32> to vector<16xf32>
          %swap3A_344 = vector.shape_cast %max3A_339 : vector<16xf32> to vector<1x16xf32>
          tpu.vector_store %arg17[%swap3A_340, %swap3A_341], %swap3A_344 {strides = array<i32>} : memref<80x128xf32, #tpu.memory_space<vmem>>, vector<1x16xf32>,
          %mul3A_345 = arith.constant 4 : i32
          %mul3A_346 = arith.muli %scan3A_115, %mul3A_345 : i32
          %add3A_347 = arith.constant 1 : i32
          %add3A_348 = arith.addi %mul3A_346, %add3A_347 : i32
          %get3A_349 = arith.index_cast %add3A_348 : i32 to index
          %get3A_350 = arith.constant 48 : index
          %get3A_351 = tpu.vector_load %arg17[%get3A_349, %get3A_350] {strides = array<i32>} : memref<80x128xf32, #tpu.memory_space<vmem>>, vector<1x16xf32>,
          %get3A_352 = vector.shape_cast %get3A_351 : vector<1x16xf32> to vector<16xf32>
          %get3A_353 = arith.index_cast %add3A_348 : i32 to index
          %get3A_354 = arith.constant 48 : index
          %get3A_355 = tpu.vector_load %arg15[%get3A_353, %get3A_354] {strides = array<i32>} : memref<80x128xf32, #tpu.memory_space<vmem>>, vector<1x16xf32>,
          %get3A_356 = vector.shape_cast %get3A_355 : vector<1x16xf32> to vector<16xf32>
          %add3A_357 = arith.addf %get3A_352, %get3A_356 : vector<16xf32>
          %max3A_358 = arith.constant 0.000000e+00 : f32
          %max3A_359 = vector.broadcast %max3A_358 : f32 to vector<16xf32>
          %max3A_360 = arith.maximumf %add3A_357, %max3A_359 : vector<16xf32>
          %swap3A_361 = arith.index_cast %add3A_348 : i32 to index
          %swap3A_362 = arith.constant 48 : index
          %swap3A_363 = tpu.vector_load %arg17[%swap3A_361, %swap3A_362] {strides = array<i32>} : memref<80x128xf32, #tpu.memory_space<vmem>>, vector<1x16xf32>,
          %swap3A_364 = vector.shape_cast %swap3A_363 : vector<1x16xf32> to vector<16xf32>
          %swap3A_365 = vector.shape_cast %max3A_360 : vector<16xf32> to vector<1x16xf32>
          tpu.vector_store %arg17[%swap3A_361, %swap3A_362], %swap3A_365 {strides = array<i32>} : memref<80x128xf32, #tpu.memory_space<vmem>>, vector<1x16xf32>,
          %mul3A_366 = arith.constant 4 : i32
          %mul3A_367 = arith.muli %scan3A_115, %mul3A_366 : i32
          %add3A_368 = arith.constant 1 : i32
          %add3A_369 = arith.addi %mul3A_367, %add3A_368 : i32
          %get3A_370 = arith.index_cast %add3A_369 : i32 to index
          %get3A_371 = arith.constant 64 : index
          %get3A_372 = tpu.vector_load %arg17[%get3A_370, %get3A_371] {strides = array<i32>} : memref<80x128xf32, #tpu.memory_space<vmem>>, vector<1x16xf32>,
          %get3A_373 = vector.shape_cast %get3A_372 : vector<1x16xf32> to vector<16xf32>
          %get3A_374 = arith.index_cast %add3A_369 : i32 to index
          %get3A_375 = arith.constant 64 : index
          %get3A_376 = tpu.vector_load %arg15[%get3A_374, %get3A_375] {strides = array<i32>} : memref<80x128xf32, #tpu.memory_space<vmem>>, vector<1x16xf32>,
          %get3A_377 = vector.shape_cast %get3A_376 : vector<1x16xf32> to vector<16xf32>
          %add3A_378 = arith.addf %get3A_373, %get3A_377 : vector<16xf32>
          %max3A_379 = arith.constant 0.000000e+00 : f32
          %max3A_380 = vector.broadcast %max3A_379 : f32 to vector<16xf32>
          %max3A_381 = arith.maximumf %add3A_378, %max3A_380 : vector<16xf32>
          %swap3A_382 = arith.index_cast %add3A_369 : i32 to index
          %swap3A_383 = arith.constant 64 : index
          %swap3A_384 = tpu.vector_load %arg17[%swap3A_382, %swap3A_383] {strides = array<i32>} : memref<80x128xf32, #tpu.memory_space<vmem>>, vector<1x16xf32>,
          %swap3A_385 = vector.shape_cast %swap3A_384 : vector<1x16xf32> to vector<16xf32>
          %swap3A_386 = vector.shape_cast %max3A_381 : vector<16xf32> to vector<1x16xf32>
          tpu.vector_store %arg17[%swap3A_382, %swap3A_383], %swap3A_386 {strides = array<i32>} : memref<80x128xf32, #tpu.memory_space<vmem>>, vector<1x16xf32>,
          %mul3A_387 = arith.constant 4 : i32
          %mul3A_388 = arith.muli %scan3A_115, %mul3A_387 : i32
          %add3A_389 = arith.constant 1 : i32
          %add3A_390 = arith.addi %mul3A_388, %add3A_389 : i32
          %get3A_391 = arith.index_cast %add3A_390 : i32 to index
          %get3A_392 = arith.constant 80 : index
          %get3A_393 = tpu.vector_load %arg17[%get3A_391, %get3A_392] {strides = array<i32>} : memref<80x128xf32, #tpu.memory_space<vmem>>, vector<1x16xf32>,
          %get3A_394 = vector.shape_cast %get3A_393 : vector<1x16xf32> to vector<16xf32>
          %get3A_395 = arith.index_cast %add3A_390 : i32 to index
          %get3A_396 = arith.constant 80 : index
          %get3A_397 = tpu.vector_load %arg15[%get3A_395, %get3A_396] {strides = array<i32>} : memref<80x128xf32, #tpu.memory_space<vmem>>, vector<1x16xf32>,
          %get3A_398 = vector.shape_cast %get3A_397 : vector<1x16xf32> to vector<16xf32>
          %add3A_399 = arith.addf %get3A_394, %get3A_398 : vector<16xf32>
          %max3A_400 = arith.constant 0.000000e+00 : f32
          %max3A_401 = vector.broadcast %max3A_400 : f32 to vector<16xf32>
          %max3A_402 = arith.maximumf %add3A_399, %max3A_401 : vector<16xf32>
          %swap3A_403 = arith.index_cast %add3A_390 : i32 to index
          %swap3A_404 = arith.constant 80 : index
          %swap3A_405 = tpu.vector_load %arg17[%swap3A_403, %swap3A_404] {strides = array<i32>} : memref<80x128xf32, #tpu.memory_space<vmem>>, vector<1x16xf32>,
          %swap3A_406 = vector.shape_cast %swap3A_405 : vector<1x16xf32> to vector<16xf32>
          %swap3A_407 = vector.shape_cast %max3A_402 : vector<16xf32> to vector<1x16xf32>
          tpu.vector_store %arg17[%swap3A_403, %swap3A_404], %swap3A_407 {strides = array<i32>} : memref<80x128xf32, #tpu.memory_space<vmem>>, vector<1x16xf32>,
          %mul3A_408 = arith.constant 4 : i32
          %mul3A_409 = arith.muli %scan3A_115, %mul3A_408 : i32
          %add3A_410 = arith.constant 1 : i32
          %add3A_411 = arith.addi %mul3A_409, %add3A_410 : i32
          %get3A_412 = arith.index_cast %add3A_411 : i32 to index
          %get3A_413 = arith.constant 96 : index
          %get3A_414 = tpu.vector_load %arg17[%get3A_412, %get3A_413] {strides = array<i32>} : memref<80x128xf32, #tpu.memory_space<vmem>>, vector<1x16xf32>,
          %get3A_415 = vector.shape_cast %get3A_414 : vector<1x16xf32> to vector<16xf32>
          %get3A_416 = arith.index_cast %add3A_411 : i32 to index
          %get3A_417 = arith.constant 96 : index
          %get3A_418 = tpu.vector_load %arg15[%get3A_416, %get3A_417] {strides = array<i32>} : memref<80x128xf32, #tpu.memory_space<vmem>>, vector<1x16xf32>,
          %get3A_419 = vector.shape_cast %get3A_418 : vector<1x16xf32> to vector<16xf32>
          %add3A_420 = arith.addf %get3A_415, %get3A_419 : vector<16xf32>
          %max3A_421 = arith.constant 0.000000e+00 : f32
          %max3A_422 = vector.broadcast %max3A_421 : f32 to vector<16xf32>
          %max3A_423 = arith.maximumf %add3A_420, %max3A_422 : vector<16xf32>
          %swap3A_424 = arith.index_cast %add3A_411 : i32 to index
          %swap3A_425 = arith.constant 96 : index
          %swap3A_426 = tpu.vector_load %arg17[%swap3A_424, %swap3A_425] {strides = array<i32>} : memref<80x128xf32, #tpu.memory_space<vmem>>, vector<1x16xf32>,
          %swap3A_427 = vector.shape_cast %swap3A_426 : vector<1x16xf32> to vector<16xf32>
          %swap3A_428 = vector.shape_cast %max3A_423 : vector<16xf32> to vector<1x16xf32>
          tpu.vector_store %arg17[%swap3A_424, %swap3A_425], %swap3A_428 {strides = array<i32>} : memref<80x128xf32, #tpu.memory_space<vmem>>, vector<1x16xf32>,
          %mul3A_429 = arith.constant 4 : i32
          %mul3A_430 = arith.muli %scan3A_115, %mul3A_429 : i32
          %add3A_431 = arith.constant 1 : i32
          %add3A_432 = arith.addi %mul3A_430, %add3A_431 : i32
          %get3A_433 = arith.index_cast %add3A_432 : i32 to index
          %get3A_434 = arith.constant 112 : index
          %get3A_435 = tpu.vector_load %arg17[%get3A_433, %get3A_434] {strides = array<i32>} : memref<80x128xf32, #tpu.memory_space<vmem>>, vector<1x16xf32>,
          %get3A_436 = vector.shape_cast %get3A_435 : vector<1x16xf32> to vector<16xf32>
          %get3A_437 = arith.index_cast %add3A_432 : i32 to index
          %get3A_438 = arith.constant 112 : index
          %get3A_439 = tpu.vector_load %arg15[%get3A_437, %get3A_438] {strides = array<i32>} : memref<80x128xf32, #tpu.memory_space<vmem>>, vector<1x16xf32>,
          %get3A_440 = vector.shape_cast %get3A_439 : vector<1x16xf32> to vector<16xf32>
          %add3A_441 = arith.addf %get3A_436, %get3A_440 : vector<16xf32>
          %max3A_442 = arith.constant 0.000000e+00 : f32
          %max3A_443 = vector.broadcast %max3A_442 : f32 to vector<16xf32>
          %max3A_444 = arith.maximumf %add3A_441, %max3A_443 : vector<16xf32>
          %swap3A_445 = arith.index_cast %add3A_432 : i32 to index
          %swap3A_446 = arith.constant 112 : index
          %swap3A_447 = tpu.vector_load %arg17[%swap3A_445, %swap3A_446] {strides = array<i32>} : memref<80x128xf32, #tpu.memory_space<vmem>>, vector<1x16xf32>,
          %swap3A_448 = vector.shape_cast %swap3A_447 : vector<1x16xf32> to vector<16xf32>
          %swap3A_449 = vector.shape_cast %max3A_444 : vector<16xf32> to vector<1x16xf32>
          tpu.vector_store %arg17[%swap3A_445, %swap3A_446], %swap3A_449 {strides = array<i32>} : memref<80x128xf32, #tpu.memory_space<vmem>>, vector<1x16xf32>,
          %mul3A_450 = arith.constant 4 : i32
          %mul3A_451 = arith.muli %scan3A_115, %mul3A_450 : i32
          %add3A_452 = arith.constant 2 : i32
          %add3A_453 = arith.addi %mul3A_451, %add3A_452 : i32
          %get3A_454 = arith.index_cast %add3A_453 : i32 to index
          %get3A_455 = arith.constant 0 : index
          %get3A_456 = tpu.vector_load %arg17[%get3A_454, %get3A_455] {strides = array<i32>} : memref<80x128xf32, #tpu.memory_space<vmem>>, vector<1x16xf32>,
          %get3A_457 = vector.shape_cast %get3A_456 : vector<1x16xf32> to vector<16xf32>
          %get3A_458 = arith.index_cast %add3A_453 : i32 to index
          %get3A_459 = arith.constant 0 : index
          %get3A_460 = tpu.vector_load %arg15[%get3A_458, %get3A_459] {strides = array<i32>} : memref<80x128xf32, #tpu.memory_space<vmem>>, vector<1x16xf32>,
          %get3A_461 = vector.shape_cast %get3A_460 : vector<1x16xf32> to vector<16xf32>
          %add3A_462 = arith.addf %get3A_457, %get3A_461 : vector<16xf32>
          %max3A_463 = arith.constant 0.000000e+00 : f32
          %max3A_464 = vector.broadcast %max3A_463 : f32 to vector<16xf32>
          %max3A_465 = arith.maximumf %add3A_462, %max3A_464 : vector<16xf32>
          %swap3A_466 = arith.index_cast %add3A_453 : i32 to index
          %swap3A_467 = arith.constant 0 : index
          %swap3A_468 = tpu.vector_load %arg17[%swap3A_466, %swap3A_467] {strides = array<i32>} : memref<80x128xf32, #tpu.memory_space<vmem>>, vector<1x16xf32>,
          %swap3A_469 = vector.shape_cast %swap3A_468 : vector<1x16xf32> to vector<16xf32>
          %swap3A_470 = vector.shape_cast %max3A_465 : vector<16xf32> to vector<1x16xf32>
          tpu.vector_store %arg17[%swap3A_466, %swap3A_467], %swap3A_470 {strides = array<i32>} : memref<80x128xf32, #tpu.memory_space<vmem>>, vector<1x16xf32>,
          %mul3A_471 = arith.constant 4 : i32
          %mul3A_472 = arith.muli %scan3A_115, %mul3A_471 : i32
          %add3A_473 = arith.constant 2 : i32
          %add3A_474 = arith.addi %mul3A_472, %add3A_473 : i32
          %get3A_475 = arith.index_cast %add3A_474 : i32 to index
          %get3A_476 = arith.constant 16 : index
          %get3A_477 = tpu.vector_load %arg17[%get3A_475, %get3A_476] {strides = array<i32>} : memref<80x128xf32, #tpu.memory_space<vmem>>, vector<1x16xf32>,
          %get3A_478 = vector.shape_cast %get3A_477 : vector<1x16xf32> to vector<16xf32>
          %get3A_479 = arith.index_cast %add3A_474 : i32 to index
          %get3A_480 = arith.constant 16 : index
          %get3A_481 = tpu.vector_load %arg15[%get3A_479, %get3A_480] {strides = array<i32>} : memref<80x128xf32, #tpu.memory_space<vmem>>, vector<1x16xf32>,
          %get3A_482 = vector.shape_cast %get3A_481 : vector<1x16xf32> to vector<16xf32>
          %add3A_483 = arith.addf %get3A_478, %get3A_482 : vector<16xf32>
          %max3A_484 = arith.constant 0.000000e+00 : f32
          %max3A_485 = vector.broadcast %max3A_484 : f32 to vector<16xf32>
          %max3A_486 = arith.maximumf %add3A_483, %max3A_485 : vector<16xf32>
          %swap3A_487 = arith.index_cast %add3A_474 : i32 to index
          %swap3A_488 = arith.constant 16 : index
          %swap3A_489 = tpu.vector_load %arg17[%swap3A_487, %swap3A_488] {strides = array<i32>} : memref<80x128xf32, #tpu.memory_space<vmem>>, vector<1x16xf32>,
          %swap3A_490 = vector.shape_cast %swap3A_489 : vector<1x16xf32> to vector<16xf32>
          %swap3A_491 = vector.shape_cast %max3A_486 : vector<16xf32> to vector<1x16xf32>
          tpu.vector_store %arg17[%swap3A_487, %swap3A_488], %swap3A_491 {strides = array<i32>} : memref<80x128xf32, #tpu.memory_space<vmem>>, vector<1x16xf32>,
          %mul3A_492 = arith.constant 4 : i32
          %mul3A_493 = arith.muli %scan3A_115, %mul3A_492 : i32
          %add3A_494 = arith.constant 2 : i32
          %add3A_495 = arith.addi %mul3A_493, %add3A_494 : i32
          %get3A_496 = arith.index_cast %add3A_495 : i32 to index
          %get3A_497 = arith.constant 32 : index
          %get3A_498 = tpu.vector_load %arg17[%get3A_496, %get3A_497] {strides = array<i32>} : memref<80x128xf32, #tpu.memory_space<vmem>>, vector<1x16xf32>,
          %get3A_499 = vector.shape_cast %get3A_498 : vector<1x16xf32> to vector<16xf32>
          %get3A_500 = arith.index_cast %add3A_495 : i32 to index
          %get3A_501 = arith.constant 32 : index
          %get3A_502 = tpu.vector_load %arg15[%get3A_500, %get3A_501] {strides = array<i32>} : memref<80x128xf32, #tpu.memory_space<vmem>>, vector<1x16xf32>,
          %get3A_503 = vector.shape_cast %get3A_502 : vector<1x16xf32> to vector<16xf32>
          %add3A_504 = arith.addf %get3A_499, %get3A_503 : vector<16xf32>
          %max3A_505 = arith.constant 0.000000e+00 : f32
          %max3A_506 = vector.broadcast %max3A_505 : f32 to vector<16xf32>
          %max3A_507 = arith.maximumf %add3A_504, %max3A_506 : vector<16xf32>
          %swap3A_508 = arith.index_cast %add3A_495 : i32 to index
          %swap3A_509 = arith.constant 32 : index
          %swap3A_510 = tpu.vector_load %arg17[%swap3A_508, %swap3A_509] {strides = array<i32>} : memref<80x128xf32, #tpu.memory_space<vmem>>, vector<1x16xf32>,
          %swap3A_511 = vector.shape_cast %swap3A_510 : vector<1x16xf32> to vector<16xf32>
          %swap3A_512 = vector.shape_cast %max3A_507 : vector<16xf32> to vector<1x16xf32>
          tpu.vector_store %arg17[%swap3A_508, %swap3A_509], %swap3A_512 {strides = array<i32>} : memref<80x128xf32, #tpu.memory_space<vmem>>, vector<1x16xf32>,
          %mul3A_513 = arith.constant 4 : i32
          %mul3A_514 = arith.muli %scan3A_115, %mul3A_513 : i32
          %add3A_515 = arith.constant 2 : i32
          %add3A_516 = arith.addi %mul3A_514, %add3A_515 : i32
          %get3A_517 = arith.index_cast %add3A_516 : i32 to index
          %get3A_518 = arith.constant 48 : index
          %get3A_519 = tpu.vector_load %arg17[%get3A_517, %get3A_518] {strides = array<i32>} : memref<80x128xf32, #tpu.memory_space<vmem>>, vector<1x16xf32>,
          %get3A_520 = vector.shape_cast %get3A_519 : vector<1x16xf32> to vector<16xf32>
          %get3A_521 = arith.index_cast %add3A_516 : i32 to index
          %get3A_522 = arith.constant 48 : index
          %get3A_523 = tpu.vector_load %arg15[%get3A_521, %get3A_522] {strides = array<i32>} : memref<80x128xf32, #tpu.memory_space<vmem>>, vector<1x16xf32>,
          %get3A_524 = vector.shape_cast %get3A_523 : vector<1x16xf32> to vector<16xf32>
          %add3A_525 = arith.addf %get3A_520, %get3A_524 : vector<16xf32>
          %max3A_526 = arith.constant 0.000000e+00 : f32
          %max3A_527 = vector.broadcast %max3A_526 : f32 to vector<16xf32>
          %max3A_528 = arith.maximumf %add3A_525, %max3A_527 : vector<16xf32>
          %swap3A_529 = arith.index_cast %add3A_516 : i32 to index
          %swap3A_530 = arith.constant 48 : index
          %swap3A_531 = tpu.vector_load %arg17[%swap3A_529, %swap3A_530] {strides = array<i32>} : memref<80x128xf32, #tpu.memory_space<vmem>>, vector<1x16xf32>,
          %swap3A_532 = vector.shape_cast %swap3A_531 : vector<1x16xf32> to vector<16xf32>
          %swap3A_533 = vector.shape_cast %max3A_528 : vector<16xf32> to vector<1x16xf32>
          tpu.vector_store %arg17[%swap3A_529, %swap3A_530], %swap3A_533 {strides = array<i32>} : memref<80x128xf32, #tpu.memory_space<vmem>>, vector<1x16xf32>,
          %mul3A_534 = arith.constant 4 : i32
          %mul3A_535 = arith.muli %scan3A_115, %mul3A_534 : i32
          %add3A_536 = arith.constant 2 : i32
          %add3A_537 = arith.addi %mul3A_535, %add3A_536 : i32
          %get3A_538 = arith.index_cast %add3A_537 : i32 to index
          %get3A_539 = arith.constant 64 : index
          %get3A_540 = tpu.vector_load %arg17[%get3A_538, %get3A_539] {strides = array<i32>} : memref<80x128xf32, #tpu.memory_space<vmem>>, vector<1x16xf32>,
          %get3A_541 = vector.shape_cast %get3A_540 : vector<1x16xf32> to vector<16xf32>
          %get3A_542 = arith.index_cast %add3A_537 : i32 to index
          %get3A_543 = arith.constant 64 : index
          %get3A_544 = tpu.vector_load %arg15[%get3A_542, %get3A_543] {strides = array<i32>} : memref<80x128xf32, #tpu.memory_space<vmem>>, vector<1x16xf32>,
          %get3A_545 = vector.shape_cast %get3A_544 : vector<1x16xf32> to vector<16xf32>
          %add3A_546 = arith.addf %get3A_541, %get3A_545 : vector<16xf32>
          %max3A_547 = arith.constant 0.000000e+00 : f32
          %max3A_548 = vector.broadcast %max3A_547 : f32 to vector<16xf32>
          %max3A_549 = arith.maximumf %add3A_546, %max3A_548 : vector<16xf32>
          %swap3A_550 = arith.index_cast %add3A_537 : i32 to index
          %swap3A_551 = arith.constant 64 : index
          %swap3A_552 = tpu.vector_load %arg17[%swap3A_550, %swap3A_551] {strides = array<i32>} : memref<80x128xf32, #tpu.memory_space<vmem>>, vector<1x16xf32>,
          %swap3A_553 = vector.shape_cast %swap3A_552 : vector<1x16xf32> to vector<16xf32>
          %swap3A_554 = vector.shape_cast %max3A_549 : vector<16xf32> to vector<1x16xf32>
          tpu.vector_store %arg17[%swap3A_550, %swap3A_551], %swap3A_554 {strides = array<i32>} : memref<80x128xf32, #tpu.memory_space<vmem>>, vector<1x16xf32>,
          %mul3A_555 = arith.constant 4 : i32
          %mul3A_556 = arith.muli %scan3A_115, %mul3A_555 : i32
          %add3A_557 = arith.constant 2 : i32
          %add3A_558 = arith.addi %mul3A_556, %add3A_557 : i32
          %get3A_559 = arith.index_cast %add3A_558 : i32 to index
          %get3A_560 = arith.constant 80 : index
          %get3A_561 = tpu.vector_load %arg17[%get3A_559, %get3A_560] {strides = array<i32>} : memref<80x128xf32, #tpu.memory_space<vmem>>, vector<1x16xf32>,
          %get3A_562 = vector.shape_cast %get3A_561 : vector<1x16xf32> to vector<16xf32>
          %get3A_563 = arith.index_cast %add3A_558 : i32 to index
          %get3A_564 = arith.constant 80 : index
          %get3A_565 = tpu.vector_load %arg15[%get3A_563, %get3A_564] {strides = array<i32>} : memref<80x128xf32, #tpu.memory_space<vmem>>, vector<1x16xf32>,
          %get3A_566 = vector.shape_cast %get3A_565 : vector<1x16xf32> to vector<16xf32>
          %add3A_567 = arith.addf %get3A_562, %get3A_566 : vector<16xf32>
          %max3A_568 = arith.constant 0.000000e+00 : f32
          %max3A_569 = vector.broadcast %max3A_568 : f32 to vector<16xf32>
          %max3A_570 = arith.maximumf %add3A_567, %max3A_569 : vector<16xf32>
          %swap3A_571 = arith.index_cast %add3A_558 : i32 to index
          %swap3A_572 = arith.constant 80 : index
          %swap3A_573 = tpu.vector_load %arg17[%swap3A_571, %swap3A_572] {strides = array<i32>} : memref<80x128xf32, #tpu.memory_space<vmem>>, vector<1x16xf32>,
          %swap3A_574 = vector.shape_cast %swap3A_573 : vector<1x16xf32> to vector<16xf32>
          %swap3A_575 = vector.shape_cast %max3A_570 : vector<16xf32> to vector<1x16xf32>
          tpu.vector_store %arg17[%swap3A_571, %swap3A_572], %swap3A_575 {strides = array<i32>} : memref<80x128xf32, #tpu.memory_space<vmem>>, vector<1x16xf32>,
          %mul3A_576 = arith.constant 4 : i32
          %mul3A_577 = arith.muli %scan3A_115, %mul3A_576 : i32
          %add3A_578 = arith.constant 2 : i32
          %add3A_579 = arith.addi %mul3A_577, %add3A_578 : i32
          %get3A_580 = arith.index_cast %add3A_579 : i32 to index
          %get3A_581 = arith.constant 96 : index
          %get3A_582 = tpu.vector_load %arg17[%get3A_580, %get3A_581] {strides = array<i32>} : memref<80x128xf32, #tpu.memory_space<vmem>>, vector<1x16xf32>,
          %get3A_583 = vector.shape_cast %get3A_582 : vector<1x16xf32> to vector<16xf32>
          %get3A_584 = arith.index_cast %add3A_579 : i32 to index
          %get3A_585 = arith.constant 96 : index
          %get3A_586 = tpu.vector_load %arg15[%get3A_584, %get3A_585] {strides = array<i32>} : memref<80x128xf32, #tpu.memory_space<vmem>>, vector<1x16xf32>,
          %get3A_587 = vector.shape_cast %get3A_586 : vector<1x16xf32> to vector<16xf32>
          %add3A_588 = arith.addf %get3A_583, %get3A_587 : vector<16xf32>
          %max3A_589 = arith.constant 0.000000e+00 : f32
          %max3A_590 = vector.broadcast %max3A_589 : f32 to vector<16xf32>
          %max3A_591 = arith.maximumf %add3A_588, %max3A_590 : vector<16xf32>
          %swap3A_592 = arith.index_cast %add3A_579 : i32 to index
          %swap3A_593 = arith.constant 96 : index
          %swap3A_594 = tpu.vector_load %arg17[%swap3A_592, %swap3A_593] {strides = array<i32>} : memref<80x128xf32, #tpu.memory_space<vmem>>, vector<1x16xf32>,
          %swap3A_595 = vector.shape_cast %swap3A_594 : vector<1x16xf32> to vector<16xf32>
          %swap3A_596 = vector.shape_cast %max3A_591 : vector<16xf32> to vector<1x16xf32>
          tpu.vector_store %arg17[%swap3A_592, %swap3A_593], %swap3A_596 {strides = array<i32>} : memref<80x128xf32, #tpu.memory_space<vmem>>, vector<1x16xf32>,
          %mul3A_597 = arith.constant 4 : i32
          %mul3A_598 = arith.muli %scan3A_115, %mul3A_597 : i32
          %add3A_599 = arith.constant 2 : i32
          %add3A_600 = arith.addi %mul3A_598, %add3A_599 : i32
          %get3A_601 = arith.index_cast %add3A_600 : i32 to index
          %get3A_602 = arith.constant 112 : index
          %get3A_603 = tpu.vector_load %arg17[%get3A_601, %get3A_602] {strides = array<i32>} : memref<80x128xf32, #tpu.memory_space<vmem>>, vector<1x16xf32>,
          %get3A_604 = vector.shape_cast %get3A_603 : vector<1x16xf32> to vector<16xf32>
          %get3A_605 = arith.index_cast %add3A_600 : i32 to index
          %get3A_606 = arith.constant 112 : index
          %get3A_607 = tpu.vector_load %arg15[%get3A_605, %get3A_606] {strides = array<i32>} : memref<80x128xf32, #tpu.memory_space<vmem>>, vector<1x16xf32>,
          %get3A_608 = vector.shape_cast %get3A_607 : vector<1x16xf32> to vector<16xf32>
          %add3A_609 = arith.addf %get3A_604, %get3A_608 : vector<16xf32>
          %max3A_610 = arith.constant 0.000000e+00 : f32
          %max3A_611 = vector.broadcast %max3A_610 : f32 to vector<16xf32>
          %max3A_612 = arith.maximumf %add3A_609, %max3A_611 : vector<16xf32>
          %swap3A_613 = arith.index_cast %add3A_600 : i32 to index
          %swap3A_614 = arith.constant 112 : index
          %swap3A_615 = tpu.vector_load %arg17[%swap3A_613, %swap3A_614] {strides = array<i32>} : memref<80x128xf32, #tpu.memory_space<vmem>>, vector<1x16xf32>,
          %swap3A_616 = vector.shape_cast %swap3A_615 : vector<1x16xf32> to vector<16xf32>
          %swap3A_617 = vector.shape_cast %max3A_612 : vector<16xf32> to vector<1x16xf32>
          tpu.vector_store %arg17[%swap3A_613, %swap3A_614], %swap3A_617 {strides = array<i32>} : memref<80x128xf32, #tpu.memory_space<vmem>>, vector<1x16xf32>,
          %mul3A_618 = arith.constant 4 : i32
          %mul3A_619 = arith.muli %scan3A_115, %mul3A_618 : i32
          %add3A_620 = arith.constant 3 : i32
          %add3A_621 = arith.addi %mul3A_619, %add3A_620 : i32
          %get3A_622 = arith.index_cast %add3A_621 : i32 to index
          %get3A_623 = arith.constant 0 : index
          %get3A_624 = tpu.vector_load %arg17[%get3A_622, %get3A_623] {strides = array<i32>} : memref<80x128xf32, #tpu.memory_space<vmem>>, vector<1x16xf32>,
          %get3A_625 = vector.shape_cast %get3A_624 : vector<1x16xf32> to vector<16xf32>
          %get3A_626 = arith.index_cast %add3A_621 : i32 to index
          %get3A_627 = arith.constant 0 : index
          %get3A_628 = tpu.vector_load %arg15[%get3A_626, %get3A_627] {strides = array<i32>} : memref<80x128xf32, #tpu.memory_space<vmem>>, vector<1x16xf32>,
          %get3A_629 = vector.shape_cast %get3A_628 : vector<1x16xf32> to vector<16xf32>
          %add3A_630 = arith.addf %get3A_625, %get3A_629 : vector<16xf32>
          %max3A_631 = arith.constant 0.000000e+00 : f32
          %max3A_632 = vector.broadcast %max3A_631 : f32 to vector<16xf32>
          %max3A_633 = arith.maximumf %add3A_630, %max3A_632 : vector<16xf32>
          %swap3A_634 = arith.index_cast %add3A_621 : i32 to index
          %swap3A_635 = arith.constant 0 : index
          %swap3A_636 = tpu.vector_load %arg17[%swap3A_634, %swap3A_635] {strides = array<i32>} : memref<80x128xf32, #tpu.memory_space<vmem>>, vector<1x16xf32>,
          %swap3A_637 = vector.shape_cast %swap3A_636 : vector<1x16xf32> to vector<16xf32>
          %swap3A_638 = vector.shape_cast %max3A_633 : vector<16xf32> to vector<1x16xf32>
          tpu.vector_store %arg17[%swap3A_634, %swap3A_635], %swap3A_638 {strides = array<i32>} : memref<80x128xf32, #tpu.memory_space<vmem>>, vector<1x16xf32>,
          %mul3A_639 = arith.constant 4 : i32
          %mul3A_640 = arith.muli %scan3A_115, %mul3A_639 : i32
          %add3A_641 = arith.constant 3 : i32
          %add3A_642 = arith.addi %mul3A_640, %add3A_641 : i32
          %get3A_643 = arith.index_cast %add3A_642 : i32 to index
          %get3A_644 = arith.constant 16 : index
          %get3A_645 = tpu.vector_load %arg17[%get3A_643, %get3A_644] {strides = array<i32>} : memref<80x128xf32, #tpu.memory_space<vmem>>, vector<1x16xf32>,
          %get3A_646 = vector.shape_cast %get3A_645 : vector<1x16xf32> to vector<16xf32>
          %get3A_647 = arith.index_cast %add3A_642 : i32 to index
          %get3A_648 = arith.constant 16 : index
          %get3A_649 = tpu.vector_load %arg15[%get3A_647, %get3A_648] {strides = array<i32>} : memref<80x128xf32, #tpu.memory_space<vmem>>, vector<1x16xf32>,
          %get3A_650 = vector.shape_cast %get3A_649 : vector<1x16xf32> to vector<16xf32>
          %add3A_651 = arith.addf %get3A_646, %get3A_650 : vector<16xf32>
          %max3A_652 = arith.constant 0.000000e+00 : f32
          %max3A_653 = vector.broadcast %max3A_652 : f32 to vector<16xf32>
          %max3A_654 = arith.maximumf %add3A_651, %max3A_653 : vector<16xf32>
          %swap3A_655 = arith.index_cast %add3A_642 : i32 to index
          %swap3A_656 = arith.constant 16 : index
          %swap3A_657 = tpu.vector_load %arg17[%swap3A_655, %swap3A_656] {strides = array<i32>} : memref<80x128xf32, #tpu.memory_space<vmem>>, vector<1x16xf32>,
          %swap3A_658 = vector.shape_cast %swap3A_657 : vector<1x16xf32> to vector<16xf32>
          %swap3A_659 = vector.shape_cast %max3A_654 : vector<16xf32> to vector<1x16xf32>
          tpu.vector_store %arg17[%swap3A_655, %swap3A_656], %swap3A_659 {strides = array<i32>} : memref<80x128xf32, #tpu.memory_space<vmem>>, vector<1x16xf32>,
          %mul3A_660 = arith.constant 4 : i32
          %mul3A_661 = arith.muli %scan3A_115, %mul3A_660 : i32
          %add3A_662 = arith.constant 3 : i32
          %add3A_663 = arith.addi %mul3A_661, %add3A_662 : i32
          %get3A_664 = arith.index_cast %add3A_663 : i32 to index
          %get3A_665 = arith.constant 32 : index
          %get3A_666 = tpu.vector_load %arg17[%get3A_664, %get3A_665] {strides = array<i32>} : memref<80x128xf32, #tpu.memory_space<vmem>>, vector<1x16xf32>,
          %get3A_667 = vector.shape_cast %get3A_666 : vector<1x16xf32> to vector<16xf32>
          %get3A_668 = arith.index_cast %add3A_663 : i32 to index
          %get3A_669 = arith.constant 32 : index
          %get3A_670 = tpu.vector_load %arg15[%get3A_668, %get3A_669] {strides = array<i32>} : memref<80x128xf32, #tpu.memory_space<vmem>>, vector<1x16xf32>,
          %get3A_671 = vector.shape_cast %get3A_670 : vector<1x16xf32> to vector<16xf32>
          %add3A_672 = arith.addf %get3A_667, %get3A_671 : vector<16xf32>
          %max3A_673 = arith.constant 0.000000e+00 : f32
          %max3A_674 = vector.broadcast %max3A_673 : f32 to vector<16xf32>
          %max3A_675 = arith.maximumf %add3A_672, %max3A_674 : vector<16xf32>
          %swap3A_676 = arith.index_cast %add3A_663 : i32 to index
          %swap3A_677 = arith.constant 32 : index
          %swap3A_678 = tpu.vector_load %arg17[%swap3A_676, %swap3A_677] {strides = array<i32>} : memref<80x128xf32, #tpu.memory_space<vmem>>, vector<1x16xf32>,
          %swap3A_679 = vector.shape_cast %swap3A_678 : vector<1x16xf32> to vector<16xf32>
          %swap3A_680 = vector.shape_cast %max3A_675 : vector<16xf32> to vector<1x16xf32>
          tpu.vector_store %arg17[%swap3A_676, %swap3A_677], %swap3A_680 {strides = array<i32>} : memref<80x128xf32, #tpu.memory_space<vmem>>, vector<1x16xf32>,
          %mul3A_681 = arith.constant 4 : i32
          %mul3A_682 = arith.muli %scan3A_115, %mul3A_681 : i32
          %add3A_683 = arith.constant 3 : i32
          %add3A_684 = arith.addi %mul3A_682, %add3A_683 : i32
          %get3A_685 = arith.index_cast %add3A_684 : i32 to index
          %get3A_686 = arith.constant 48 : index
          %get3A_687 = tpu.vector_load %arg17[%get3A_685, %get3A_686] {strides = array<i32>} : memref<80x128xf32, #tpu.memory_space<vmem>>, vector<1x16xf32>,
          %get3A_688 = vector.shape_cast %get3A_687 : vector<1x16xf32> to vector<16xf32>
          %get3A_689 = arith.index_cast %add3A_684 : i32 to index
          %get3A_690 = arith.constant 48 : index
          %get3A_691 = tpu.vector_load %arg15[%get3A_689, %get3A_690] {strides = array<i32>} : memref<80x128xf32, #tpu.memory_space<vmem>>, vector<1x16xf32>,
          %get3A_692 = vector.shape_cast %get3A_691 : vector<1x16xf32> to vector<16xf32>
          %add3A_693 = arith.addf %get3A_688, %get3A_692 : vector<16xf32>
          %max3A_694 = arith.constant 0.000000e+00 : f32
          %max3A_695 = vector.broadcast %max3A_694 : f32 to vector<16xf32>
          %max3A_696 = arith.maximumf %add3A_693, %max3A_695 : vector<16xf32>
          %swap3A_697 = arith.index_cast %add3A_684 : i32 to index
          %swap3A_698 = arith.constant 48 : index
          %swap3A_699 = tpu.vector_load %arg17[%swap3A_697, %swap3A_698] {strides = array<i32>} : memref<80x128xf32, #tpu.memory_space<vmem>>, vector<1x16xf32>,
          %swap3A_700 = vector.shape_cast %swap3A_699 : vector<1x16xf32> to vector<16xf32>
          %swap3A_701 = vector.shape_cast %max3A_696 : vector<16xf32> to vector<1x16xf32>
          tpu.vector_store %arg17[%swap3A_697, %swap3A_698], %swap3A_701 {strides = array<i32>} : memref<80x128xf32, #tpu.memory_space<vmem>>, vector<1x16xf32>,
          %mul3A_702 = arith.constant 4 : i32
          %mul3A_703 = arith.muli %scan3A_115, %mul3A_702 : i32
          %add3A_704 = arith.constant 3 : i32
          %add3A_705 = arith.addi %mul3A_703, %add3A_704 : i32
          %get3A_706 = arith.index_cast %add3A_705 : i32 to index
          %get3A_707 = arith.constant 64 : index
          %get3A_708 = tpu.vector_load %arg17[%get3A_706, %get3A_707] {strides = array<i32>} : memref<80x128xf32, #tpu.memory_space<vmem>>, vector<1x16xf32>,
          %get3A_709 = vector.shape_cast %get3A_708 : vector<1x16xf32> to vector<16xf32>
          %get3A_710 = arith.index_cast %add3A_705 : i32 to index
          %get3A_711 = arith.constant 64 : index
          %get3A_712 = tpu.vector_load %arg15[%get3A_710, %get3A_711] {strides = array<i32>} : memref<80x128xf32, #tpu.memory_space<vmem>>, vector<1x16xf32>,
          %get3A_713 = vector.shape_cast %get3A_712 : vector<1x16xf32> to vector<16xf32>
          %add3A_714 = arith.addf %get3A_709, %get3A_713 : vector<16xf32>
          %max3A_715 = arith.constant 0.000000e+00 : f32
          %max3A_716 = vector.broadcast %max3A_715 : f32 to vector<16xf32>
          %max3A_717 = arith.maximumf %add3A_714, %max3A_716 : vector<16xf32>
          %swap3A_718 = arith.index_cast %add3A_705 : i32 to index
          %swap3A_719 = arith.constant 64 : index
          %swap3A_720 = tpu.vector_load %arg17[%swap3A_718, %swap3A_719] {strides = array<i32>} : memref<80x128xf32, #tpu.memory_space<vmem>>, vector<1x16xf32>,
          %swap3A_721 = vector.shape_cast %swap3A_720 : vector<1x16xf32> to vector<16xf32>
          %swap3A_722 = vector.shape_cast %max3A_717 : vector<16xf32> to vector<1x16xf32>
          tpu.vector_store %arg17[%swap3A_718, %swap3A_719], %swap3A_722 {strides = array<i32>} : memref<80x128xf32, #tpu.memory_space<vmem>>, vector<1x16xf32>,
          %mul3A_723 = arith.constant 4 : i32
          %mul3A_724 = arith.muli %scan3A_115, %mul3A_723 : i32
          %add3A_725 = arith.constant 3 : i32
          %add3A_726 = arith.addi %mul3A_724, %add3A_725 : i32
          %get3A_727 = arith.index_cast %add3A_726 : i32 to index
          %get3A_728 = arith.constant 80 : index
          %get3A_729 = tpu.vector_load %arg17[%get3A_727, %get3A_728] {strides = array<i32>} : memref<80x128xf32, #tpu.memory_space<vmem>>, vector<1x16xf32>,
          %get3A_730 = vector.shape_cast %get3A_729 : vector<1x16xf32> to vector<16xf32>
          %get3A_731 = arith.index_cast %add3A_726 : i32 to index
          %get3A_732 = arith.constant 80 : index
          %get3A_733 = tpu.vector_load %arg15[%get3A_731, %get3A_732] {strides = array<i32>} : memref<80x128xf32, #tpu.memory_space<vmem>>, vector<1x16xf32>,
          %get3A_734 = vector.shape_cast %get3A_733 : vector<1x16xf32> to vector<16xf32>
          %add3A_735 = arith.addf %get3A_730, %get3A_734 : vector<16xf32>
          %max3A_736 = arith.constant 0.000000e+00 : f32
          %max3A_737 = vector.broadcast %max3A_736 : f32 to vector<16xf32>
          %max3A_738 = arith.maximumf %add3A_735, %max3A_737 : vector<16xf32>
          %swap3A_739 = arith.index_cast %add3A_726 : i32 to index
          %swap3A_740 = arith.constant 80 : index
          %swap3A_741 = tpu.vector_load %arg17[%swap3A_739, %swap3A_740] {strides = array<i32>} : memref<80x128xf32, #tpu.memory_space<vmem>>, vector<1x16xf32>,
          %swap3A_742 = vector.shape_cast %swap3A_741 : vector<1x16xf32> to vector<16xf32>
          %swap3A_743 = vector.shape_cast %max3A_738 : vector<16xf32> to vector<1x16xf32>
          tpu.vector_store %arg17[%swap3A_739, %swap3A_740], %swap3A_743 {strides = array<i32>} : memref<80x128xf32, #tpu.memory_space<vmem>>, vector<1x16xf32>,
          %mul3A_744 = arith.constant 4 : i32
          %mul3A_745 = arith.muli %scan3A_115, %mul3A_744 : i32
          %add3A_746 = arith.constant 3 : i32
          %add3A_747 = arith.addi %mul3A_745, %add3A_746 : i32
          %get3A_748 = arith.index_cast %add3A_747 : i32 to index
          %get3A_749 = arith.constant 96 : index
          %get3A_750 = tpu.vector_load %arg17[%get3A_748, %get3A_749] {strides = array<i32>} : memref<80x128xf32, #tpu.memory_space<vmem>>, vector<1x16xf32>,
          %get3A_751 = vector.shape_cast %get3A_750 : vector<1x16xf32> to vector<16xf32>
          %get3A_752 = arith.index_cast %add3A_747 : i32 to index
          %get3A_753 = arith.constant 96 : index
          %get3A_754 = tpu.vector_load %arg15[%get3A_752, %get3A_753] {strides = array<i32>} : memref<80x128xf32, #tpu.memory_space<vmem>>, vector<1x16xf32>,
          %get3A_755 = vector.shape_cast %get3A_754 : vector<1x16xf32> to vector<16xf32>
          %add3A_756 = arith.addf %get3A_751, %get3A_755 : vector<16xf32>
          %max3A_757 = arith.constant 0.000000e+00 : f32
          %max3A_758 = vector.broadcast %max3A_757 : f32 to vector<16xf32>
          %max3A_759 = arith.maximumf %add3A_756, %max3A_758 : vector<16xf32>
          %swap3A_760 = arith.index_cast %add3A_747 : i32 to index
          %swap3A_761 = arith.constant 96 : index
          %swap3A_762 = tpu.vector_load %arg17[%swap3A_760, %swap3A_761] {strides = array<i32>} : memref<80x128xf32, #tpu.memory_space<vmem>>, vector<1x16xf32>,
          %swap3A_763 = vector.shape_cast %swap3A_762 : vector<1x16xf32> to vector<16xf32>
          %swap3A_764 = vector.shape_cast %max3A_759 : vector<16xf32> to vector<1x16xf32>
          tpu.vector_store %arg17[%swap3A_760, %swap3A_761], %swap3A_764 {strides = array<i32>} : memref<80x128xf32, #tpu.memory_space<vmem>>, vector<1x16xf32>,
          %mul3A_765 = arith.constant 4 : i32
          %mul3A_766 = arith.muli %scan3A_115, %mul3A_765 : i32
          %add3A_767 = arith.constant 3 : i32
          %add3A_768 = arith.addi %mul3A_766, %add3A_767 : i32
          %get3A_769 = arith.index_cast %add3A_768 : i32 to index
          %get3A_770 = arith.constant 112 : index
          %get3A_771 = tpu.vector_load %arg17[%get3A_769, %get3A_770] {strides = array<i32>} : memref<80x128xf32, #tpu.memory_space<vmem>>, vector<1x16xf32>,
          %get3A_772 = vector.shape_cast %get3A_771 : vector<1x16xf32> to vector<16xf32>
          %get3A_773 = arith.index_cast %add3A_768 : i32 to index
          %get3A_774 = arith.constant 112 : index
          %get3A_775 = tpu.vector_load %arg15[%get3A_773, %get3A_774] {strides = array<i32>} : memref<80x128xf32, #tpu.memory_space<vmem>>, vector<1x16xf32>,
          %get3A_776 = vector.shape_cast %get3A_775 : vector<1x16xf32> to vector<16xf32>
          %add3A_777 = arith.addf %get3A_772, %get3A_776 : vector<16xf32>
          %max3A_778 = arith.constant 0.000000e+00 : f32
          %max3A_779 = vector.broadcast %max3A_778 : f32 to vector<16xf32>
          %max3A_780 = arith.maximumf %add3A_777, %max3A_779 : vector<16xf32>
          %swap3A_781 = arith.index_cast %add3A_768 : i32 to index
          %swap3A_782 = arith.constant 112 : index
          %swap3A_783 = tpu.vector_load %arg17[%swap3A_781, %swap3A_782] {strides = array<i32>} : memref<80x128xf32, #tpu.memory_space<vmem>>, vector<1x16xf32>,
          %swap3A_784 = vector.shape_cast %swap3A_783 : vector<1x16xf32> to vector<16xf32>
          %swap3A_785 = vector.shape_cast %max3A_780 : vector<16xf32> to vector<1x16xf32>
          tpu.vector_store %arg17[%swap3A_781, %swap3A_782], %swap3A_785 {strides = array<i32>} : memref<80x128xf32, #tpu.memory_space<vmem>>, vector<1x16xf32>,
          %scan3A_786 = arith.constant 0 : i32
          scf.yield %scan3A_786 : i32
        }
        %scan3A_74 = arith.constant 20 : i32
        %mul3A_75 = arith.constant 80 : i32
        %mul3A_76 = arith.muli %add3A_60, %mul3A_75 : i32
        %add3A_77 = arith.addi %mul3A_2, %mul3A_76 : i32
        %dma_wait3A_78 = tpu.memref_slice %arg7[%add3A_77] : memref<320000xi32, #tpu.memory_space<hbm>> -> memref<80xi32, #tpu.memory_space<hbm>>
        %dma_wait3A_79 = tpu.memref_slice %arg7[%add3A_77] : memref<320000xi32, #tpu.memory_space<hbm>> -> memref<80xi32, #tpu.memory_space<hbm>>
        tpu.wait_dma2 semaphore(%arg23 : memref<!tpu.dma_semaphore, #tpu.memory_space<semaphore_mem>>) src(%dma_wait3A_79 : memref<80xi32, #tpu.memory_space<hbm>>) dst(%arg13 : memref<80xi32, #tpu.memory_space<vmem>>)
        "tpu.region"() ({
          %run_scoped3A = tpu.sem_alloc : memref<!tpu.dma_semaphore, #tpu.memory_space<semaphore_mem>>
          %dma_start3A_115 = arith.constant 0 : i32
          %dma_start3A_116 = arith.constant 0 : i32
          %dma_start3A_117 = tpu.memref_slice %arg10[%dma_start3A_115, %dma_start3A_116] : memref<10112x128xf32, #tpu.memory_space<vmem_shared>> -> memref<10112x128xf32, #tpu.memory_space<vmem_shared>>
          tpu.enqueue_indirect_dma source(%arg17 : memref<80x128xf32, #tpu.memory_space<vmem>>) target(%dma_start3A_117 : memref<10112x128xf32, #tpu.memory_space<vmem_shared>>) offsets(%arg13 : memref<80xi32, #tpu.memory_space<vmem>>) semaphore(%run_scoped3A : memref<!tpu.dma_semaphore, #tpu.memory_space<semaphore_mem>>) {add = true}
          %dma_wait3A_118 = arith.constant 0 : i32
          %dma_wait3A_119 = arith.constant 0 : i32
          %dma_wait3A_120 = tpu.memref_slice %arg10[%dma_wait3A_118, %dma_wait3A_119] : memref<10112x128xf32, #tpu.memory_space<vmem_shared>> -> memref<10112x128xf32, #tpu.memory_space<vmem_shared>>
          tpu.wait_indirect_dma semaphore(%run_scoped3A : memref<!tpu.dma_semaphore, #tpu.memory_space<semaphore_mem>>) src(%arg17 : memref<80x128xf32, #tpu.memory_space<vmem>>) dst(%dma_wait3A_120 : memref<10112x128xf32, #tpu.memory_space<vmem_shared>>)
          tpu.yield
        }) : () -> ()
        %lt3A_80 = arith.constant 248 : i32
        %lt3A_81 = arith.cmpi slt, %add3A_60, %lt3A_80 : i32
        %convert_element_type3A_82 = arith.extui %lt3A_81 : i1 to i32
        %cond3A_83 = arith.constant 0 : i32
        %cond3A_84 = arith.cmpi ne, %convert_element_type3A_82, %cond3A_83 : i32
        scf.if %cond3A_84 {
          %add3A_115 = arith.constant 2 : i32
          %add3A_116 = arith.addi %add3A_60, %add3A_115 : i32
          %mul3A_117 = arith.constant 80 : i32
          %mul3A_118 = arith.muli %add3A_116, %mul3A_117 : i32
          %add3A_119 = arith.addi %mul3A_2, %mul3A_118 : i32
          %dma_start3A_120 = tpu.memref_slice %arg6[%add3A_119] : memref<320000xi32, #tpu.memory_space<hbm>> -> memref<80xi32, #tpu.memory_space<hbm>>
          %dma_start3A_121 = tpu.memref_slice %arg6[%add3A_119] : memref<320000xi32, #tpu.memory_space<hbm>> -> memref<80xi32, #tpu.memory_space<hbm>>
          tpu.enqueue_dma source(%dma_start3A_121 : memref<80xi32, #tpu.memory_space<hbm>>) target(%arg11 : memref<80xi32, #tpu.memory_space<vmem>>) target_semaphore(%arg19 : memref<!tpu.dma_semaphore, #tpu.memory_space<semaphore_mem>>)
          %dma_start3A_122 = arith.constant 0 : i32
          %dma_start3A_123 = tpu.memref_slice %arg5[%add3A_119, %dma_start3A_122] : memref<320000x128xf32, #tpu.memory_space<hbm>> -> memref<80x128xf32, #tpu.memory_space<hbm>>
          %dma_start3A_124 = arith.constant 0 : i32
          %dma_start3A_125 = tpu.memref_slice %arg5[%add3A_119, %dma_start3A_124] : memref<320000x128xf32, #tpu.memory_space<hbm>> -> memref<80x128xf32, #tpu.memory_space<hbm>>
          tpu.enqueue_dma source(%dma_start3A_125 : memref<80x128xf32, #tpu.memory_space<hbm>>) target(%arg15 : memref<80x128xf32, #tpu.memory_space<vmem>>) target_semaphore(%arg19 : memref<!tpu.dma_semaphore, #tpu.memory_space<semaphore_mem>>)
        } else {
        }
        %mul3A_85 = arith.constant 2 : i32
        %mul3A_86 = arith.muli %scan3A_55, %mul3A_85 : i32
        %add3A_87 = arith.constant 1 : i32
        %add3A_88 = arith.addi %mul3A_86, %add3A_87 : i32
        %lt3A_89 = arith.constant 249 : i32
        %lt3A_90 = arith.cmpi slt, %add3A_88, %lt3A_89 : i32
        %convert_element_type3A_91 = arith.extui %lt3A_90 : i1 to i32
        %cond3A_92 = arith.constant 0 : i32
        %cond3A_93 = arith.cmpi ne, %convert_element_type3A_91, %cond3A_92 : i32
        scf.if %cond3A_93 {
          %add3A_115 = arith.constant 1 : i32
          %add3A_116 = arith.addi %add3A_88, %add3A_115 : i32
          %mul3A_117 = arith.constant 80 : i32
          %mul3A_118 = arith.muli %add3A_116, %mul3A_117 : i32
          %add3A_119 = arith.addi %mul3A_2, %mul3A_118 : i32
          %dma_wait3A_120 = tpu.memref_slice %arg6[%add3A_119] : memref<320000xi32, #tpu.memory_space<hbm>> -> memref<80xi32, #tpu.memory_space<hbm>>
          %dma_wait3A_121 = tpu.memref_slice %arg6[%add3A_119] : memref<320000xi32, #tpu.memory_space<hbm>> -> memref<80xi32, #tpu.memory_space<hbm>>
          tpu.wait_dma2 semaphore(%arg19 : memref<!tpu.dma_semaphore, #tpu.memory_space<semaphore_mem>>) src(%dma_wait3A_121 : memref<80xi32, #tpu.memory_space<hbm>>) dst(%arg11 : memref<80xi32, #tpu.memory_space<vmem>>)
          %dma_wait3A_122 = arith.constant 0 : i32
          %dma_wait3A_123 = tpu.memref_slice %arg5[%add3A_119, %dma_wait3A_122] : memref<320000x128xf32, #tpu.memory_space<hbm>> -> memref<80x128xf32, #tpu.memory_space<hbm>>
          %dma_wait3A_124 = arith.constant 0 : i32
          %dma_wait3A_125 = tpu.memref_slice %arg5[%add3A_119, %dma_wait3A_124] : memref<320000x128xf32, #tpu.memory_space<hbm>> -> memref<80x128xf32, #tpu.memory_space<hbm>>
          tpu.wait_dma2 semaphore(%arg19 : memref<!tpu.dma_semaphore, #tpu.memory_space<semaphore_mem>>) src(%dma_wait3A_125 : memref<80x128xf32, #tpu.memory_space<hbm>>) dst(%arg15 : memref<80x128xf32, #tpu.memory_space<vmem>>)
          %add3A_126 = arith.constant 1 : i32
          %add3A_127 = arith.addi %add3A_88, %add3A_126 : i32
          %mul3A_128 = arith.constant 80 : i32
          %mul3A_129 = arith.muli %add3A_127, %mul3A_128 : i32
          %add3A_130 = arith.addi %mul3A_2, %mul3A_129 : i32
          %dma_start3A_131 = tpu.memref_slice %arg7[%add3A_130] : memref<320000xi32, #tpu.memory_space<hbm>> -> memref<80xi32, #tpu.memory_space<hbm>>
          %dma_start3A_132 = tpu.memref_slice %arg7[%add3A_130] : memref<320000xi32, #tpu.memory_space<hbm>> -> memref<80xi32, #tpu.memory_space<hbm>>
          tpu.enqueue_dma source(%dma_start3A_132 : memref<80xi32, #tpu.memory_space<hbm>>) target(%arg13 : memref<80xi32, #tpu.memory_space<vmem>>) target_semaphore(%arg23 : memref<!tpu.dma_semaphore, #tpu.memory_space<semaphore_mem>>)
          %dma_start3A_133 = arith.constant 0 : i32
          %dma_start3A_134 = arith.constant 0 : i32
          %dma_start3A_135 = tpu.memref_slice %arg3[%dma_start3A_133, %dma_start3A_134] : memref<10000x128xf32, #tpu.memory_space<hbm>> -> memref<10000x128xf32, #tpu.memory_space<hbm>>
          tpu.enqueue_indirect_dma source(%dma_start3A_135 : memref<10000x128xf32, #tpu.memory_space<hbm>>) target(%arg17 : memref<80x128xf32, #tpu.memory_space<vmem>>) offsets(%arg11 : memref<80xi32, #tpu.memory_space<vmem>>) semaphore(%arg21 : memref<!tpu.dma_semaphore, #tpu.memory_space<semaphore_mem>>)
        } else {
        }
        %dma_wait3A_94 = arith.constant 0 : i32
        %dma_wait3A_95 = arith.constant 0 : i32
        %dma_wait3A_96 = tpu.memref_slice %arg3[%dma_wait3A_94, %dma_wait3A_95] : memref<10000x128xf32, #tpu.memory_space<hbm>> -> memref<10000x128xf32, #tpu.memory_space<hbm>>
        tpu.wait_indirect_dma semaphore(%arg22 : memref<!tpu.dma_semaphore, #tpu.memory_space<semaphore_mem>>) src(%dma_wait3A_96 : memref<10000x128xf32, #tpu.memory_space<hbm>>) dst(%arg18 : memref<80x128xf32, #tpu.memory_space<vmem>>)
        %scan3A_97 = arith.constant 0 : i32
        %scan3A_98 = arith.constant 0 : i32
        %scan3A_99 = arith.constant 20 : i32
        %scan3A_100 = arith.addi %scan3A_98, %scan3A_99 : i32
        %scan3A_101 = arith.constant 1 : i32
        %scan3A_102 = scf.for %scan3A_115 = %scan3A_98 to %scan3A_100 step %scan3A_101 iter_args(%scan3A_116 = %scan3A_97) -> (i32)  : i32 {
          %mul3A_117 = arith.constant 4 : i32
          %mul3A_118 = arith.muli %scan3A_115, %mul3A_117 : i32
          %add3A_119 = arith.constant 0 : i32
          %add3A_120 = arith.addi %mul3A_118, %add3A_119 : i32
          %get3A = arith.index_cast %add3A_120 : i32 to index
          %get3A_121 = arith.constant 0 : index
          %get3A_122 = tpu.vector_load %arg18[%get3A, %get3A_121] {strides = array<i32>} : memref<80x128xf32, #tpu.memory_space<vmem>>, vector<1x16xf32>,
          %get3A_123 = vector.shape_cast %get3A_122 : vector<1x16xf32> to vector<16xf32>
          %get3A_124 = arith.index_cast %add3A_120 : i32 to index
          %get3A_125 = arith.constant 0 : index
          %get3A_126 = tpu.vector_load %arg16[%get3A_124, %get3A_125] {strides = array<i32>} : memref<80x128xf32, #tpu.memory_space<vmem>>, vector<1x16xf32>,
          %get3A_127 = vector.shape_cast %get3A_126 : vector<1x16xf32> to vector<16xf32>
          %add3A_128 = arith.addf %get3A_123, %get3A_127 : vector<16xf32>
          %max3A = arith.constant 0.000000e+00 : f32
          %max3A_129 = vector.broadcast %max3A : f32 to vector<16xf32>
          %max3A_130 = arith.maximumf %add3A_128, %max3A_129 : vector<16xf32>
          %swap3A = arith.index_cast %add3A_120 : i32 to index
          %swap3A_131 = arith.constant 0 : index
          %swap3A_132 = tpu.vector_load %arg18[%swap3A, %swap3A_131] {strides = array<i32>} : memref<80x128xf32, #tpu.memory_space<vmem>>, vector<1x16xf32>,
          %swap3A_133 = vector.shape_cast %swap3A_132 : vector<1x16xf32> to vector<16xf32>
          %swap3A_134 = vector.shape_cast %max3A_130 : vector<16xf32> to vector<1x16xf32>
          tpu.vector_store %arg18[%swap3A, %swap3A_131], %swap3A_134 {strides = array<i32>} : memref<80x128xf32, #tpu.memory_space<vmem>>, vector<1x16xf32>,
          %mul3A_135 = arith.constant 4 : i32
          %mul3A_136 = arith.muli %scan3A_115, %mul3A_135 : i32
          %add3A_137 = arith.constant 0 : i32
          %add3A_138 = arith.addi %mul3A_136, %add3A_137 : i32
          %get3A_139 = arith.index_cast %add3A_138 : i32 to index
          %get3A_140 = arith.constant 16 : index
          %get3A_141 = tpu.vector_load %arg18[%get3A_139, %get3A_140] {strides = array<i32>} : memref<80x128xf32, #tpu.memory_space<vmem>>, vector<1x16xf32>,
          %get3A_142 = vector.shape_cast %get3A_141 : vector<1x16xf32> to vector<16xf32>
          %get3A_143 = arith.index_cast %add3A_138 : i32 to index
          %get3A_144 = arith.constant 16 : index
          %get3A_145 = tpu.vector_load %arg16[%get3A_143, %get3A_144] {strides = array<i32>} : memref<80x128xf32, #tpu.memory_space<vmem>>, vector<1x16xf32>,
          %get3A_146 = vector.shape_cast %get3A_145 : vector<1x16xf32> to vector<16xf32>
          %add3A_147 = arith.addf %get3A_142, %get3A_146 : vector<16xf32>
          %max3A_148 = arith.constant 0.000000e+00 : f32
          %max3A_149 = vector.broadcast %max3A_148 : f32 to vector<16xf32>
          %max3A_150 = arith.maximumf %add3A_147, %max3A_149 : vector<16xf32>
          %swap3A_151 = arith.index_cast %add3A_138 : i32 to index
          %swap3A_152 = arith.constant 16 : index
          %swap3A_153 = tpu.vector_load %arg18[%swap3A_151, %swap3A_152] {strides = array<i32>} : memref<80x128xf32, #tpu.memory_space<vmem>>, vector<1x16xf32>,
          %swap3A_154 = vector.shape_cast %swap3A_153 : vector<1x16xf32> to vector<16xf32>
          %swap3A_155 = vector.shape_cast %max3A_150 : vector<16xf32> to vector<1x16xf32>
          tpu.vector_store %arg18[%swap3A_151, %swap3A_152], %swap3A_155 {strides = array<i32>} : memref<80x128xf32, #tpu.memory_space<vmem>>, vector<1x16xf32>,
          %mul3A_156 = arith.constant 4 : i32
          %mul3A_157 = arith.muli %scan3A_115, %mul3A_156 : i32
          %add3A_158 = arith.constant 0 : i32
          %add3A_159 = arith.addi %mul3A_157, %add3A_158 : i32
          %get3A_160 = arith.index_cast %add3A_159 : i32 to index
          %get3A_161 = arith.constant 32 : index
          %get3A_162 = tpu.vector_load %arg18[%get3A_160, %get3A_161] {strides = array<i32>} : memref<80x128xf32, #tpu.memory_space<vmem>>, vector<1x16xf32>,
          %get3A_163 = vector.shape_cast %get3A_162 : vector<1x16xf32> to vector<16xf32>
          %get3A_164 = arith.index_cast %add3A_159 : i32 to index
          %get3A_165 = arith.constant 32 : index
          %get3A_166 = tpu.vector_load %arg16[%get3A_164, %get3A_165] {strides = array<i32>} : memref<80x128xf32, #tpu.memory_space<vmem>>, vector<1x16xf32>,
          %get3A_167 = vector.shape_cast %get3A_166 : vector<1x16xf32> to vector<16xf32>
          %add3A_168 = arith.addf %get3A_163, %get3A_167 : vector<16xf32>
          %max3A_169 = arith.constant 0.000000e+00 : f32
          %max3A_170 = vector.broadcast %max3A_169 : f32 to vector<16xf32>
          %max3A_171 = arith.maximumf %add3A_168, %max3A_170 : vector<16xf32>
          %swap3A_172 = arith.index_cast %add3A_159 : i32 to index
          %swap3A_173 = arith.constant 32 : index
          %swap3A_174 = tpu.vector_load %arg18[%swap3A_172, %swap3A_173] {strides = array<i32>} : memref<80x128xf32, #tpu.memory_space<vmem>>, vector<1x16xf32>,
          %swap3A_175 = vector.shape_cast %swap3A_174 : vector<1x16xf32> to vector<16xf32>
          %swap3A_176 = vector.shape_cast %max3A_171 : vector<16xf32> to vector<1x16xf32>
          tpu.vector_store %arg18[%swap3A_172, %swap3A_173], %swap3A_176 {strides = array<i32>} : memref<80x128xf32, #tpu.memory_space<vmem>>, vector<1x16xf32>,
          %mul3A_177 = arith.constant 4 : i32
          %mul3A_178 = arith.muli %scan3A_115, %mul3A_177 : i32
          %add3A_179 = arith.constant 0 : i32
          %add3A_180 = arith.addi %mul3A_178, %add3A_179 : i32
          %get3A_181 = arith.index_cast %add3A_180 : i32 to index
          %get3A_182 = arith.constant 48 : index
          %get3A_183 = tpu.vector_load %arg18[%get3A_181, %get3A_182] {strides = array<i32>} : memref<80x128xf32, #tpu.memory_space<vmem>>, vector<1x16xf32>,
          %get3A_184 = vector.shape_cast %get3A_183 : vector<1x16xf32> to vector<16xf32>
          %get3A_185 = arith.index_cast %add3A_180 : i32 to index
          %get3A_186 = arith.constant 48 : index
          %get3A_187 = tpu.vector_load %arg16[%get3A_185, %get3A_186] {strides = array<i32>} : memref<80x128xf32, #tpu.memory_space<vmem>>, vector<1x16xf32>,
          %get3A_188 = vector.shape_cast %get3A_187 : vector<1x16xf32> to vector<16xf32>
          %add3A_189 = arith.addf %get3A_184, %get3A_188 : vector<16xf32>
          %max3A_190 = arith.constant 0.000000e+00 : f32
          %max3A_191 = vector.broadcast %max3A_190 : f32 to vector<16xf32>
          %max3A_192 = arith.maximumf %add3A_189, %max3A_191 : vector<16xf32>
          %swap3A_193 = arith.index_cast %add3A_180 : i32 to index
          %swap3A_194 = arith.constant 48 : index
          %swap3A_195 = tpu.vector_load %arg18[%swap3A_193, %swap3A_194] {strides = array<i32>} : memref<80x128xf32, #tpu.memory_space<vmem>>, vector<1x16xf32>,
          %swap3A_196 = vector.shape_cast %swap3A_195 : vector<1x16xf32> to vector<16xf32>
          %swap3A_197 = vector.shape_cast %max3A_192 : vector<16xf32> to vector<1x16xf32>
          tpu.vector_store %arg18[%swap3A_193, %swap3A_194], %swap3A_197 {strides = array<i32>} : memref<80x128xf32, #tpu.memory_space<vmem>>, vector<1x16xf32>,
          %mul3A_198 = arith.constant 4 : i32
          %mul3A_199 = arith.muli %scan3A_115, %mul3A_198 : i32
          %add3A_200 = arith.constant 0 : i32
          %add3A_201 = arith.addi %mul3A_199, %add3A_200 : i32
          %get3A_202 = arith.index_cast %add3A_201 : i32 to index
          %get3A_203 = arith.constant 64 : index
          %get3A_204 = tpu.vector_load %arg18[%get3A_202, %get3A_203] {strides = array<i32>} : memref<80x128xf32, #tpu.memory_space<vmem>>, vector<1x16xf32>,
          %get3A_205 = vector.shape_cast %get3A_204 : vector<1x16xf32> to vector<16xf32>
          %get3A_206 = arith.index_cast %add3A_201 : i32 to index
          %get3A_207 = arith.constant 64 : index
          %get3A_208 = tpu.vector_load %arg16[%get3A_206, %get3A_207] {strides = array<i32>} : memref<80x128xf32, #tpu.memory_space<vmem>>, vector<1x16xf32>,
          %get3A_209 = vector.shape_cast %get3A_208 : vector<1x16xf32> to vector<16xf32>
          %add3A_210 = arith.addf %get3A_205, %get3A_209 : vector<16xf32>
          %max3A_211 = arith.constant 0.000000e+00 : f32
          %max3A_212 = vector.broadcast %max3A_211 : f32 to vector<16xf32>
          %max3A_213 = arith.maximumf %add3A_210, %max3A_212 : vector<16xf32>
          %swap3A_214 = arith.index_cast %add3A_201 : i32 to index
          %swap3A_215 = arith.constant 64 : index
          %swap3A_216 = tpu.vector_load %arg18[%swap3A_214, %swap3A_215] {strides = array<i32>} : memref<80x128xf32, #tpu.memory_space<vmem>>, vector<1x16xf32>,
          %swap3A_217 = vector.shape_cast %swap3A_216 : vector<1x16xf32> to vector<16xf32>
          %swap3A_218 = vector.shape_cast %max3A_213 : vector<16xf32> to vector<1x16xf32>
          tpu.vector_store %arg18[%swap3A_214, %swap3A_215], %swap3A_218 {strides = array<i32>} : memref<80x128xf32, #tpu.memory_space<vmem>>, vector<1x16xf32>,
          %mul3A_219 = arith.constant 4 : i32
          %mul3A_220 = arith.muli %scan3A_115, %mul3A_219 : i32
          %add3A_221 = arith.constant 0 : i32
          %add3A_222 = arith.addi %mul3A_220, %add3A_221 : i32
          %get3A_223 = arith.index_cast %add3A_222 : i32 to index
          %get3A_224 = arith.constant 80 : index
          %get3A_225 = tpu.vector_load %arg18[%get3A_223, %get3A_224] {strides = array<i32>} : memref<80x128xf32, #tpu.memory_space<vmem>>, vector<1x16xf32>,
          %get3A_226 = vector.shape_cast %get3A_225 : vector<1x16xf32> to vector<16xf32>
          %get3A_227 = arith.index_cast %add3A_222 : i32 to index
          %get3A_228 = arith.constant 80 : index
          %get3A_229 = tpu.vector_load %arg16[%get3A_227, %get3A_228] {strides = array<i32>} : memref<80x128xf32, #tpu.memory_space<vmem>>, vector<1x16xf32>,
          %get3A_230 = vector.shape_cast %get3A_229 : vector<1x16xf32> to vector<16xf32>
          %add3A_231 = arith.addf %get3A_226, %get3A_230 : vector<16xf32>
          %max3A_232 = arith.constant 0.000000e+00 : f32
          %max3A_233 = vector.broadcast %max3A_232 : f32 to vector<16xf32>
          %max3A_234 = arith.maximumf %add3A_231, %max3A_233 : vector<16xf32>
          %swap3A_235 = arith.index_cast %add3A_222 : i32 to index
          %swap3A_236 = arith.constant 80 : index
          %swap3A_237 = tpu.vector_load %arg18[%swap3A_235, %swap3A_236] {strides = array<i32>} : memref<80x128xf32, #tpu.memory_space<vmem>>, vector<1x16xf32>,
          %swap3A_238 = vector.shape_cast %swap3A_237 : vector<1x16xf32> to vector<16xf32>
          %swap3A_239 = vector.shape_cast %max3A_234 : vector<16xf32> to vector<1x16xf32>
          tpu.vector_store %arg18[%swap3A_235, %swap3A_236], %swap3A_239 {strides = array<i32>} : memref<80x128xf32, #tpu.memory_space<vmem>>, vector<1x16xf32>,
          %mul3A_240 = arith.constant 4 : i32
          %mul3A_241 = arith.muli %scan3A_115, %mul3A_240 : i32
          %add3A_242 = arith.constant 0 : i32
          %add3A_243 = arith.addi %mul3A_241, %add3A_242 : i32
          %get3A_244 = arith.index_cast %add3A_243 : i32 to index
          %get3A_245 = arith.constant 96 : index
          %get3A_246 = tpu.vector_load %arg18[%get3A_244, %get3A_245] {strides = array<i32>} : memref<80x128xf32, #tpu.memory_space<vmem>>, vector<1x16xf32>,
          %get3A_247 = vector.shape_cast %get3A_246 : vector<1x16xf32> to vector<16xf32>
          %get3A_248 = arith.index_cast %add3A_243 : i32 to index
          %get3A_249 = arith.constant 96 : index
          %get3A_250 = tpu.vector_load %arg16[%get3A_248, %get3A_249] {strides = array<i32>} : memref<80x128xf32, #tpu.memory_space<vmem>>, vector<1x16xf32>,
          %get3A_251 = vector.shape_cast %get3A_250 : vector<1x16xf32> to vector<16xf32>
          %add3A_252 = arith.addf %get3A_247, %get3A_251 : vector<16xf32>
          %max3A_253 = arith.constant 0.000000e+00 : f32
          %max3A_254 = vector.broadcast %max3A_253 : f32 to vector<16xf32>
          %max3A_255 = arith.maximumf %add3A_252, %max3A_254 : vector<16xf32>
          %swap3A_256 = arith.index_cast %add3A_243 : i32 to index
          %swap3A_257 = arith.constant 96 : index
          %swap3A_258 = tpu.vector_load %arg18[%swap3A_256, %swap3A_257] {strides = array<i32>} : memref<80x128xf32, #tpu.memory_space<vmem>>, vector<1x16xf32>,
          %swap3A_259 = vector.shape_cast %swap3A_258 : vector<1x16xf32> to vector<16xf32>
          %swap3A_260 = vector.shape_cast %max3A_255 : vector<16xf32> to vector<1x16xf32>
          tpu.vector_store %arg18[%swap3A_256, %swap3A_257], %swap3A_260 {strides = array<i32>} : memref<80x128xf32, #tpu.memory_space<vmem>>, vector<1x16xf32>,
          %mul3A_261 = arith.constant 4 : i32
          %mul3A_262 = arith.muli %scan3A_115, %mul3A_261 : i32
          %add3A_263 = arith.constant 0 : i32
          %add3A_264 = arith.addi %mul3A_262, %add3A_263 : i32
          %get3A_265 = arith.index_cast %add3A_264 : i32 to index
          %get3A_266 = arith.constant 112 : index
          %get3A_267 = tpu.vector_load %arg18[%get3A_265, %get3A_266] {strides = array<i32>} : memref<80x128xf32, #tpu.memory_space<vmem>>, vector<1x16xf32>,
          %get3A_268 = vector.shape_cast %get3A_267 : vector<1x16xf32> to vector<16xf32>
          %get3A_269 = arith.index_cast %add3A_264 : i32 to index
          %get3A_270 = arith.constant 112 : index
          %get3A_271 = tpu.vector_load %arg16[%get3A_269, %get3A_270] {strides = array<i32>} : memref<80x128xf32, #tpu.memory_space<vmem>>, vector<1x16xf32>,
          %get3A_272 = vector.shape_cast %get3A_271 : vector<1x16xf32> to vector<16xf32>
          %add3A_273 = arith.addf %get3A_268, %get3A_272 : vector<16xf32>
          %max3A_274 = arith.constant 0.000000e+00 : f32
          %max3A_275 = vector.broadcast %max3A_274 : f32 to vector<16xf32>
          %max3A_276 = arith.maximumf %add3A_273, %max3A_275 : vector<16xf32>
          %swap3A_277 = arith.index_cast %add3A_264 : i32 to index
          %swap3A_278 = arith.constant 112 : index
          %swap3A_279 = tpu.vector_load %arg18[%swap3A_277, %swap3A_278] {strides = array<i32>} : memref<80x128xf32, #tpu.memory_space<vmem>>, vector<1x16xf32>,
          %swap3A_280 = vector.shape_cast %swap3A_279 : vector<1x16xf32> to vector<16xf32>
          %swap3A_281 = vector.shape_cast %max3A_276 : vector<16xf32> to vector<1x16xf32>
          tpu.vector_store %arg18[%swap3A_277, %swap3A_278], %swap3A_281 {strides = array<i32>} : memref<80x128xf32, #tpu.memory_space<vmem>>, vector<1x16xf32>,
          %mul3A_282 = arith.constant 4 : i32
          %mul3A_283 = arith.muli %scan3A_115, %mul3A_282 : i32
          %add3A_284 = arith.constant 1 : i32
          %add3A_285 = arith.addi %mul3A_283, %add3A_284 : i32
          %get3A_286 = arith.index_cast %add3A_285 : i32 to index
          %get3A_287 = arith.constant 0 : index
          %get3A_288 = tpu.vector_load %arg18[%get3A_286, %get3A_287] {strides = array<i32>} : memref<80x128xf32, #tpu.memory_space<vmem>>, vector<1x16xf32>,
          %get3A_289 = vector.shape_cast %get3A_288 : vector<1x16xf32> to vector<16xf32>
          %get3A_290 = arith.index_cast %add3A_285 : i32 to index
          %get3A_291 = arith.constant 0 : index
          %get3A_292 = tpu.vector_load %arg16[%get3A_290, %get3A_291] {strides = array<i32>} : memref<80x128xf32, #tpu.memory_space<vmem>>, vector<1x16xf32>,
          %get3A_293 = vector.shape_cast %get3A_292 : vector<1x16xf32> to vector<16xf32>
          %add3A_294 = arith.addf %get3A_289, %get3A_293 : vector<16xf32>
          %max3A_295 = arith.constant 0.000000e+00 : f32
          %max3A_296 = vector.broadcast %max3A_295 : f32 to vector<16xf32>
          %max3A_297 = arith.maximumf %add3A_294, %max3A_296 : vector<16xf32>
          %swap3A_298 = arith.index_cast %add3A_285 : i32 to index
          %swap3A_299 = arith.constant 0 : index
          %swap3A_300 = tpu.vector_load %arg18[%swap3A_298, %swap3A_299] {strides = array<i32>} : memref<80x128xf32, #tpu.memory_space<vmem>>, vector<1x16xf32>,
          %swap3A_301 = vector.shape_cast %swap3A_300 : vector<1x16xf32> to vector<16xf32>
          %swap3A_302 = vector.shape_cast %max3A_297 : vector<16xf32> to vector<1x16xf32>
          tpu.vector_store %arg18[%swap3A_298, %swap3A_299], %swap3A_302 {strides = array<i32>} : memref<80x128xf32, #tpu.memory_space<vmem>>, vector<1x16xf32>,
          %mul3A_303 = arith.constant 4 : i32
          %mul3A_304 = arith.muli %scan3A_115, %mul3A_303 : i32
          %add3A_305 = arith.constant 1 : i32
          %add3A_306 = arith.addi %mul3A_304, %add3A_305 : i32
          %get3A_307 = arith.index_cast %add3A_306 : i32 to index
          %get3A_308 = arith.constant 16 : index
          %get3A_309 = tpu.vector_load %arg18[%get3A_307, %get3A_308] {strides = array<i32>} : memref<80x128xf32, #tpu.memory_space<vmem>>, vector<1x16xf32>,
          %get3A_310 = vector.shape_cast %get3A_309 : vector<1x16xf32> to vector<16xf32>
          %get3A_311 = arith.index_cast %add3A_306 : i32 to index
          %get3A_312 = arith.constant 16 : index
          %get3A_313 = tpu.vector_load %arg16[%get3A_311, %get3A_312] {strides = array<i32>} : memref<80x128xf32, #tpu.memory_space<vmem>>, vector<1x16xf32>,
          %get3A_314 = vector.shape_cast %get3A_313 : vector<1x16xf32> to vector<16xf32>
          %add3A_315 = arith.addf %get3A_310, %get3A_314 : vector<16xf32>
          %max3A_316 = arith.constant 0.000000e+00 : f32
          %max3A_317 = vector.broadcast %max3A_316 : f32 to vector<16xf32>
          %max3A_318 = arith.maximumf %add3A_315, %max3A_317 : vector<16xf32>
          %swap3A_319 = arith.index_cast %add3A_306 : i32 to index
          %swap3A_320 = arith.constant 16 : index
          %swap3A_321 = tpu.vector_load %arg18[%swap3A_319, %swap3A_320] {strides = array<i32>} : memref<80x128xf32, #tpu.memory_space<vmem>>, vector<1x16xf32>,
          %swap3A_322 = vector.shape_cast %swap3A_321 : vector<1x16xf32> to vector<16xf32>
          %swap3A_323 = vector.shape_cast %max3A_318 : vector<16xf32> to vector<1x16xf32>
          tpu.vector_store %arg18[%swap3A_319, %swap3A_320], %swap3A_323 {strides = array<i32>} : memref<80x128xf32, #tpu.memory_space<vmem>>, vector<1x16xf32>,
          %mul3A_324 = arith.constant 4 : i32
          %mul3A_325 = arith.muli %scan3A_115, %mul3A_324 : i32
          %add3A_326 = arith.constant 1 : i32
          %add3A_327 = arith.addi %mul3A_325, %add3A_326 : i32
          %get3A_328 = arith.index_cast %add3A_327 : i32 to index
          %get3A_329 = arith.constant 32 : index
          %get3A_330 = tpu.vector_load %arg18[%get3A_328, %get3A_329] {strides = array<i32>} : memref<80x128xf32, #tpu.memory_space<vmem>>, vector<1x16xf32>,
          %get3A_331 = vector.shape_cast %get3A_330 : vector<1x16xf32> to vector<16xf32>
          %get3A_332 = arith.index_cast %add3A_327 : i32 to index
          %get3A_333 = arith.constant 32 : index
          %get3A_334 = tpu.vector_load %arg16[%get3A_332, %get3A_333] {strides = array<i32>} : memref<80x128xf32, #tpu.memory_space<vmem>>, vector<1x16xf32>,
          %get3A_335 = vector.shape_cast %get3A_334 : vector<1x16xf32> to vector<16xf32>
          %add3A_336 = arith.addf %get3A_331, %get3A_335 : vector<16xf32>
          %max3A_337 = arith.constant 0.000000e+00 : f32
          %max3A_338 = vector.broadcast %max3A_337 : f32 to vector<16xf32>
          %max3A_339 = arith.maximumf %add3A_336, %max3A_338 : vector<16xf32>
          %swap3A_340 = arith.index_cast %add3A_327 : i32 to index
          %swap3A_341 = arith.constant 32 : index
          %swap3A_342 = tpu.vector_load %arg18[%swap3A_340, %swap3A_341] {strides = array<i32>} : memref<80x128xf32, #tpu.memory_space<vmem>>, vector<1x16xf32>,
          %swap3A_343 = vector.shape_cast %swap3A_342 : vector<1x16xf32> to vector<16xf32>
          %swap3A_344 = vector.shape_cast %max3A_339 : vector<16xf32> to vector<1x16xf32>
          tpu.vector_store %arg18[%swap3A_340, %swap3A_341], %swap3A_344 {strides = array<i32>} : memref<80x128xf32, #tpu.memory_space<vmem>>, vector<1x16xf32>,
          %mul3A_345 = arith.constant 4 : i32
          %mul3A_346 = arith.muli %scan3A_115, %mul3A_345 : i32
          %add3A_347 = arith.constant 1 : i32
          %add3A_348 = arith.addi %mul3A_346, %add3A_347 : i32
          %get3A_349 = arith.index_cast %add3A_348 : i32 to index
          %get3A_350 = arith.constant 48 : index
          %get3A_351 = tpu.vector_load %arg18[%get3A_349, %get3A_350] {strides = array<i32>} : memref<80x128xf32, #tpu.memory_space<vmem>>, vector<1x16xf32>,
          %get3A_352 = vector.shape_cast %get3A_351 : vector<1x16xf32> to vector<16xf32>
          %get3A_353 = arith.index_cast %add3A_348 : i32 to index
          %get3A_354 = arith.constant 48 : index
          %get3A_355 = tpu.vector_load %arg16[%get3A_353, %get3A_354] {strides = array<i32>} : memref<80x128xf32, #tpu.memory_space<vmem>>, vector<1x16xf32>,
          %get3A_356 = vector.shape_cast %get3A_355 : vector<1x16xf32> to vector<16xf32>
          %add3A_357 = arith.addf %get3A_352, %get3A_356 : vector<16xf32>
          %max3A_358 = arith.constant 0.000000e+00 : f32
          %max3A_359 = vector.broadcast %max3A_358 : f32 to vector<16xf32>
          %max3A_360 = arith.maximumf %add3A_357, %max3A_359 : vector<16xf32>
          %swap3A_361 = arith.index_cast %add3A_348 : i32 to index
          %swap3A_362 = arith.constant 48 : index
          %swap3A_363 = tpu.vector_load %arg18[%swap3A_361, %swap3A_362] {strides = array<i32>} : memref<80x128xf32, #tpu.memory_space<vmem>>, vector<1x16xf32>,
          %swap3A_364 = vector.shape_cast %swap3A_363 : vector<1x16xf32> to vector<16xf32>
          %swap3A_365 = vector.shape_cast %max3A_360 : vector<16xf32> to vector<1x16xf32>
          tpu.vector_store %arg18[%swap3A_361, %swap3A_362], %swap3A_365 {strides = array<i32>} : memref<80x128xf32, #tpu.memory_space<vmem>>, vector<1x16xf32>,
          %mul3A_366 = arith.constant 4 : i32
          %mul3A_367 = arith.muli %scan3A_115, %mul3A_366 : i32
          %add3A_368 = arith.constant 1 : i32
          %add3A_369 = arith.addi %mul3A_367, %add3A_368 : i32
          %get3A_370 = arith.index_cast %add3A_369 : i32 to index
          %get3A_371 = arith.constant 64 : index
          %get3A_372 = tpu.vector_load %arg18[%get3A_370, %get3A_371] {strides = array<i32>} : memref<80x128xf32, #tpu.memory_space<vmem>>, vector<1x16xf32>,
          %get3A_373 = vector.shape_cast %get3A_372 : vector<1x16xf32> to vector<16xf32>
          %get3A_374 = arith.index_cast %add3A_369 : i32 to index
          %get3A_375 = arith.constant 64 : index
          %get3A_376 = tpu.vector_load %arg16[%get3A_374, %get3A_375] {strides = array<i32>} : memref<80x128xf32, #tpu.memory_space<vmem>>, vector<1x16xf32>,
          %get3A_377 = vector.shape_cast %get3A_376 : vector<1x16xf32> to vector<16xf32>
          %add3A_378 = arith.addf %get3A_373, %get3A_377 : vector<16xf32>
          %max3A_379 = arith.constant 0.000000e+00 : f32
          %max3A_380 = vector.broadcast %max3A_379 : f32 to vector<16xf32>
          %max3A_381 = arith.maximumf %add3A_378, %max3A_380 : vector<16xf32>
          %swap3A_382 = arith.index_cast %add3A_369 : i32 to index
          %swap3A_383 = arith.constant 64 : index
          %swap3A_384 = tpu.vector_load %arg18[%swap3A_382, %swap3A_383] {strides = array<i32>} : memref<80x128xf32, #tpu.memory_space<vmem>>, vector<1x16xf32>,
          %swap3A_385 = vector.shape_cast %swap3A_384 : vector<1x16xf32> to vector<16xf32>
          %swap3A_386 = vector.shape_cast %max3A_381 : vector<16xf32> to vector<1x16xf32>
          tpu.vector_store %arg18[%swap3A_382, %swap3A_383], %swap3A_386 {strides = array<i32>} : memref<80x128xf32, #tpu.memory_space<vmem>>, vector<1x16xf32>,
          %mul3A_387 = arith.constant 4 : i32
          %mul3A_388 = arith.muli %scan3A_115, %mul3A_387 : i32
          %add3A_389 = arith.constant 1 : i32
          %add3A_390 = arith.addi %mul3A_388, %add3A_389 : i32
          %get3A_391 = arith.index_cast %add3A_390 : i32 to index
          %get3A_392 = arith.constant 80 : index
          %get3A_393 = tpu.vector_load %arg18[%get3A_391, %get3A_392] {strides = array<i32>} : memref<80x128xf32, #tpu.memory_space<vmem>>, vector<1x16xf32>,
          %get3A_394 = vector.shape_cast %get3A_393 : vector<1x16xf32> to vector<16xf32>
          %get3A_395 = arith.index_cast %add3A_390 : i32 to index
          %get3A_396 = arith.constant 80 : index
          %get3A_397 = tpu.vector_load %arg16[%get3A_395, %get3A_396] {strides = array<i32>} : memref<80x128xf32, #tpu.memory_space<vmem>>, vector<1x16xf32>,
          %get3A_398 = vector.shape_cast %get3A_397 : vector<1x16xf32> to vector<16xf32>
          %add3A_399 = arith.addf %get3A_394, %get3A_398 : vector<16xf32>
          %max3A_400 = arith.constant 0.000000e+00 : f32
          %max3A_401 = vector.broadcast %max3A_400 : f32 to vector<16xf32>
          %max3A_402 = arith.maximumf %add3A_399, %max3A_401 : vector<16xf32>
          %swap3A_403 = arith.index_cast %add3A_390 : i32 to index
          %swap3A_404 = arith.constant 80 : index
          %swap3A_405 = tpu.vector_load %arg18[%swap3A_403, %swap3A_404] {strides = array<i32>} : memref<80x128xf32, #tpu.memory_space<vmem>>, vector<1x16xf32>,
          %swap3A_406 = vector.shape_cast %swap3A_405 : vector<1x16xf32> to vector<16xf32>
          %swap3A_407 = vector.shape_cast %max3A_402 : vector<16xf32> to vector<1x16xf32>
          tpu.vector_store %arg18[%swap3A_403, %swap3A_404], %swap3A_407 {strides = array<i32>} : memref<80x128xf32, #tpu.memory_space<vmem>>, vector<1x16xf32>,
          %mul3A_408 = arith.constant 4 : i32
          %mul3A_409 = arith.muli %scan3A_115, %mul3A_408 : i32
          %add3A_410 = arith.constant 1 : i32
          %add3A_411 = arith.addi %mul3A_409, %add3A_410 : i32
          %get3A_412 = arith.index_cast %add3A_411 : i32 to index
          %get3A_413 = arith.constant 96 : index
          %get3A_414 = tpu.vector_load %arg18[%get3A_412, %get3A_413] {strides = array<i32>} : memref<80x128xf32, #tpu.memory_space<vmem>>, vector<1x16xf32>,
          %get3A_415 = vector.shape_cast %get3A_414 : vector<1x16xf32> to vector<16xf32>
          %get3A_416 = arith.index_cast %add3A_411 : i32 to index
          %get3A_417 = arith.constant 96 : index
          %get3A_418 = tpu.vector_load %arg16[%get3A_416, %get3A_417] {strides = array<i32>} : memref<80x128xf32, #tpu.memory_space<vmem>>, vector<1x16xf32>,
          %get3A_419 = vector.shape_cast %get3A_418 : vector<1x16xf32> to vector<16xf32>
          %add3A_420 = arith.addf %get3A_415, %get3A_419 : vector<16xf32>
          %max3A_421 = arith.constant 0.000000e+00 : f32
          %max3A_422 = vector.broadcast %max3A_421 : f32 to vector<16xf32>
          %max3A_423 = arith.maximumf %add3A_420, %max3A_422 : vector<16xf32>
          %swap3A_424 = arith.index_cast %add3A_411 : i32 to index
          %swap3A_425 = arith.constant 96 : index
          %swap3A_426 = tpu.vector_load %arg18[%swap3A_424, %swap3A_425] {strides = array<i32>} : memref<80x128xf32, #tpu.memory_space<vmem>>, vector<1x16xf32>,
          %swap3A_427 = vector.shape_cast %swap3A_426 : vector<1x16xf32> to vector<16xf32>
          %swap3A_428 = vector.shape_cast %max3A_423 : vector<16xf32> to vector<1x16xf32>
          tpu.vector_store %arg18[%swap3A_424, %swap3A_425], %swap3A_428 {strides = array<i32>} : memref<80x128xf32, #tpu.memory_space<vmem>>, vector<1x16xf32>,
          %mul3A_429 = arith.constant 4 : i32
          %mul3A_430 = arith.muli %scan3A_115, %mul3A_429 : i32
          %add3A_431 = arith.constant 1 : i32
          %add3A_432 = arith.addi %mul3A_430, %add3A_431 : i32
          %get3A_433 = arith.index_cast %add3A_432 : i32 to index
          %get3A_434 = arith.constant 112 : index
          %get3A_435 = tpu.vector_load %arg18[%get3A_433, %get3A_434] {strides = array<i32>} : memref<80x128xf32, #tpu.memory_space<vmem>>, vector<1x16xf32>,
          %get3A_436 = vector.shape_cast %get3A_435 : vector<1x16xf32> to vector<16xf32>
          %get3A_437 = arith.index_cast %add3A_432 : i32 to index
          %get3A_438 = arith.constant 112 : index
          %get3A_439 = tpu.vector_load %arg16[%get3A_437, %get3A_438] {strides = array<i32>} : memref<80x128xf32, #tpu.memory_space<vmem>>, vector<1x16xf32>,
          %get3A_440 = vector.shape_cast %get3A_439 : vector<1x16xf32> to vector<16xf32>
          %add3A_441 = arith.addf %get3A_436, %get3A_440 : vector<16xf32>
          %max3A_442 = arith.constant 0.000000e+00 : f32
          %max3A_443 = vector.broadcast %max3A_442 : f32 to vector<16xf32>
          %max3A_444 = arith.maximumf %add3A_441, %max3A_443 : vector<16xf32>
          %swap3A_445 = arith.index_cast %add3A_432 : i32 to index
          %swap3A_446 = arith.constant 112 : index
          %swap3A_447 = tpu.vector_load %arg18[%swap3A_445, %swap3A_446] {strides = array<i32>} : memref<80x128xf32, #tpu.memory_space<vmem>>, vector<1x16xf32>,
          %swap3A_448 = vector.shape_cast %swap3A_447 : vector<1x16xf32> to vector<16xf32>
          %swap3A_449 = vector.shape_cast %max3A_444 : vector<16xf32> to vector<1x16xf32>
          tpu.vector_store %arg18[%swap3A_445, %swap3A_446], %swap3A_449 {strides = array<i32>} : memref<80x128xf32, #tpu.memory_space<vmem>>, vector<1x16xf32>,
          %mul3A_450 = arith.constant 4 : i32
          %mul3A_451 = arith.muli %scan3A_115, %mul3A_450 : i32
          %add3A_452 = arith.constant 2 : i32
          %add3A_453 = arith.addi %mul3A_451, %add3A_452 : i32
          %get3A_454 = arith.index_cast %add3A_453 : i32 to index
          %get3A_455 = arith.constant 0 : index
          %get3A_456 = tpu.vector_load %arg18[%get3A_454, %get3A_455] {strides = array<i32>} : memref<80x128xf32, #tpu.memory_space<vmem>>, vector<1x16xf32>,
          %get3A_457 = vector.shape_cast %get3A_456 : vector<1x16xf32> to vector<16xf32>
          %get3A_458 = arith.index_cast %add3A_453 : i32 to index
          %get3A_459 = arith.constant 0 : index
          %get3A_460 = tpu.vector_load %arg16[%get3A_458, %get3A_459] {strides = array<i32>} : memref<80x128xf32, #tpu.memory_space<vmem>>, vector<1x16xf32>,
          %get3A_461 = vector.shape_cast %get3A_460 : vector<1x16xf32> to vector<16xf32>
          %add3A_462 = arith.addf %get3A_457, %get3A_461 : vector<16xf32>
          %max3A_463 = arith.constant 0.000000e+00 : f32
          %max3A_464 = vector.broadcast %max3A_463 : f32 to vector<16xf32>
          %max3A_465 = arith.maximumf %add3A_462, %max3A_464 : vector<16xf32>
          %swap3A_466 = arith.index_cast %add3A_453 : i32 to index
          %swap3A_467 = arith.constant 0 : index
          %swap3A_468 = tpu.vector_load %arg18[%swap3A_466, %swap3A_467] {strides = array<i32>} : memref<80x128xf32, #tpu.memory_space<vmem>>, vector<1x16xf32>,
          %swap3A_469 = vector.shape_cast %swap3A_468 : vector<1x16xf32> to vector<16xf32>
          %swap3A_470 = vector.shape_cast %max3A_465 : vector<16xf32> to vector<1x16xf32>
          tpu.vector_store %arg18[%swap3A_466, %swap3A_467], %swap3A_470 {strides = array<i32>} : memref<80x128xf32, #tpu.memory_space<vmem>>, vector<1x16xf32>,
          %mul3A_471 = arith.constant 4 : i32
          %mul3A_472 = arith.muli %scan3A_115, %mul3A_471 : i32
          %add3A_473 = arith.constant 2 : i32
          %add3A_474 = arith.addi %mul3A_472, %add3A_473 : i32
          %get3A_475 = arith.index_cast %add3A_474 : i32 to index
          %get3A_476 = arith.constant 16 : index
          %get3A_477 = tpu.vector_load %arg18[%get3A_475, %get3A_476] {strides = array<i32>} : memref<80x128xf32, #tpu.memory_space<vmem>>, vector<1x16xf32>,
          %get3A_478 = vector.shape_cast %get3A_477 : vector<1x16xf32> to vector<16xf32>
          %get3A_479 = arith.index_cast %add3A_474 : i32 to index
          %get3A_480 = arith.constant 16 : index
          %get3A_481 = tpu.vector_load %arg16[%get3A_479, %get3A_480] {strides = array<i32>} : memref<80x128xf32, #tpu.memory_space<vmem>>, vector<1x16xf32>,
          %get3A_482 = vector.shape_cast %get3A_481 : vector<1x16xf32> to vector<16xf32>
          %add3A_483 = arith.addf %get3A_478, %get3A_482 : vector<16xf32>
          %max3A_484 = arith.constant 0.000000e+00 : f32
          %max3A_485 = vector.broadcast %max3A_484 : f32 to vector<16xf32>
          %max3A_486 = arith.maximumf %add3A_483, %max3A_485 : vector<16xf32>
          %swap3A_487 = arith.index_cast %add3A_474 : i32 to index
          %swap3A_488 = arith.constant 16 : index
          %swap3A_489 = tpu.vector_load %arg18[%swap3A_487, %swap3A_488] {strides = array<i32>} : memref<80x128xf32, #tpu.memory_space<vmem>>, vector<1x16xf32>,
          %swap3A_490 = vector.shape_cast %swap3A_489 : vector<1x16xf32> to vector<16xf32>
          %swap3A_491 = vector.shape_cast %max3A_486 : vector<16xf32> to vector<1x16xf32>
          tpu.vector_store %arg18[%swap3A_487, %swap3A_488], %swap3A_491 {strides = array<i32>} : memref<80x128xf32, #tpu.memory_space<vmem>>, vector<1x16xf32>,
          %mul3A_492 = arith.constant 4 : i32
          %mul3A_493 = arith.muli %scan3A_115, %mul3A_492 : i32
          %add3A_494 = arith.constant 2 : i32
          %add3A_495 = arith.addi %mul3A_493, %add3A_494 : i32
          %get3A_496 = arith.index_cast %add3A_495 : i32 to index
          %get3A_497 = arith.constant 32 : index
          %get3A_498 = tpu.vector_load %arg18[%get3A_496, %get3A_497] {strides = array<i32>} : memref<80x128xf32, #tpu.memory_space<vmem>>, vector<1x16xf32>,
          %get3A_499 = vector.shape_cast %get3A_498 : vector<1x16xf32> to vector<16xf32>
          %get3A_500 = arith.index_cast %add3A_495 : i32 to index
          %get3A_501 = arith.constant 32 : index
          %get3A_502 = tpu.vector_load %arg16[%get3A_500, %get3A_501] {strides = array<i32>} : memref<80x128xf32, #tpu.memory_space<vmem>>, vector<1x16xf32>,
          %get3A_503 = vector.shape_cast %get3A_502 : vector<1x16xf32> to vector<16xf32>
          %add3A_504 = arith.addf %get3A_499, %get3A_503 : vector<16xf32>
          %max3A_505 = arith.constant 0.000000e+00 : f32
          %max3A_506 = vector.broadcast %max3A_505 : f32 to vector<16xf32>
          %max3A_507 = arith.maximumf %add3A_504, %max3A_506 : vector<16xf32>
          %swap3A_508 = arith.index_cast %add3A_495 : i32 to index
          %swap3A_509 = arith.constant 32 : index
          %swap3A_510 = tpu.vector_load %arg18[%swap3A_508, %swap3A_509] {strides = array<i32>} : memref<80x128xf32, #tpu.memory_space<vmem>>, vector<1x16xf32>,
          %swap3A_511 = vector.shape_cast %swap3A_510 : vector<1x16xf32> to vector<16xf32>
          %swap3A_512 = vector.shape_cast %max3A_507 : vector<16xf32> to vector<1x16xf32>
          tpu.vector_store %arg18[%swap3A_508, %swap3A_509], %swap3A_512 {strides = array<i32>} : memref<80x128xf32, #tpu.memory_space<vmem>>, vector<1x16xf32>,
          %mul3A_513 = arith.constant 4 : i32
          %mul3A_514 = arith.muli %scan3A_115, %mul3A_513 : i32
          %add3A_515 = arith.constant 2 : i32
          %add3A_516 = arith.addi %mul3A_514, %add3A_515 : i32
          %get3A_517 = arith.index_cast %add3A_516 : i32 to index
          %get3A_518 = arith.constant 48 : index
          %get3A_519 = tpu.vector_load %arg18[%get3A_517, %get3A_518] {strides = array<i32>} : memref<80x128xf32, #tpu.memory_space<vmem>>, vector<1x16xf32>,
          %get3A_520 = vector.shape_cast %get3A_519 : vector<1x16xf32> to vector<16xf32>
          %get3A_521 = arith.index_cast %add3A_516 : i32 to index
          %get3A_522 = arith.constant 48 : index
          %get3A_523 = tpu.vector_load %arg16[%get3A_521, %get3A_522] {strides = array<i32>} : memref<80x128xf32, #tpu.memory_space<vmem>>, vector<1x16xf32>,
          %get3A_524 = vector.shape_cast %get3A_523 : vector<1x16xf32> to vector<16xf32>
          %add3A_525 = arith.addf %get3A_520, %get3A_524 : vector<16xf32>
          %max3A_526 = arith.constant 0.000000e+00 : f32
          %max3A_527 = vector.broadcast %max3A_526 : f32 to vector<16xf32>
          %max3A_528 = arith.maximumf %add3A_525, %max3A_527 : vector<16xf32>
          %swap3A_529 = arith.index_cast %add3A_516 : i32 to index
          %swap3A_530 = arith.constant 48 : index
          %swap3A_531 = tpu.vector_load %arg18[%swap3A_529, %swap3A_530] {strides = array<i32>} : memref<80x128xf32, #tpu.memory_space<vmem>>, vector<1x16xf32>,
          %swap3A_532 = vector.shape_cast %swap3A_531 : vector<1x16xf32> to vector<16xf32>
          %swap3A_533 = vector.shape_cast %max3A_528 : vector<16xf32> to vector<1x16xf32>
          tpu.vector_store %arg18[%swap3A_529, %swap3A_530], %swap3A_533 {strides = array<i32>} : memref<80x128xf32, #tpu.memory_space<vmem>>, vector<1x16xf32>,
          %mul3A_534 = arith.constant 4 : i32
          %mul3A_535 = arith.muli %scan3A_115, %mul3A_534 : i32
          %add3A_536 = arith.constant 2 : i32
          %add3A_537 = arith.addi %mul3A_535, %add3A_536 : i32
          %get3A_538 = arith.index_cast %add3A_537 : i32 to index
          %get3A_539 = arith.constant 64 : index
          %get3A_540 = tpu.vector_load %arg18[%get3A_538, %get3A_539] {strides = array<i32>} : memref<80x128xf32, #tpu.memory_space<vmem>>, vector<1x16xf32>,
          %get3A_541 = vector.shape_cast %get3A_540 : vector<1x16xf32> to vector<16xf32>
          %get3A_542 = arith.index_cast %add3A_537 : i32 to index
          %get3A_543 = arith.constant 64 : index
          %get3A_544 = tpu.vector_load %arg16[%get3A_542, %get3A_543] {strides = array<i32>} : memref<80x128xf32, #tpu.memory_space<vmem>>, vector<1x16xf32>,
          %get3A_545 = vector.shape_cast %get3A_544 : vector<1x16xf32> to vector<16xf32>
          %add3A_546 = arith.addf %get3A_541, %get3A_545 : vector<16xf32>
          %max3A_547 = arith.constant 0.000000e+00 : f32
          %max3A_548 = vector.broadcast %max3A_547 : f32 to vector<16xf32>
          %max3A_549 = arith.maximumf %add3A_546, %max3A_548 : vector<16xf32>
          %swap3A_550 = arith.index_cast %add3A_537 : i32 to index
          %swap3A_551 = arith.constant 64 : index
          %swap3A_552 = tpu.vector_load %arg18[%swap3A_550, %swap3A_551] {strides = array<i32>} : memref<80x128xf32, #tpu.memory_space<vmem>>, vector<1x16xf32>,
          %swap3A_553 = vector.shape_cast %swap3A_552 : vector<1x16xf32> to vector<16xf32>
          %swap3A_554 = vector.shape_cast %max3A_549 : vector<16xf32> to vector<1x16xf32>
          tpu.vector_store %arg18[%swap3A_550, %swap3A_551], %swap3A_554 {strides = array<i32>} : memref<80x128xf32, #tpu.memory_space<vmem>>, vector<1x16xf32>,
          %mul3A_555 = arith.constant 4 : i32
          %mul3A_556 = arith.muli %scan3A_115, %mul3A_555 : i32
          %add3A_557 = arith.constant 2 : i32
          %add3A_558 = arith.addi %mul3A_556, %add3A_557 : i32
          %get3A_559 = arith.index_cast %add3A_558 : i32 to index
          %get3A_560 = arith.constant 80 : index
          %get3A_561 = tpu.vector_load %arg18[%get3A_559, %get3A_560] {strides = array<i32>} : memref<80x128xf32, #tpu.memory_space<vmem>>, vector<1x16xf32>,
          %get3A_562 = vector.shape_cast %get3A_561 : vector<1x16xf32> to vector<16xf32>
          %get3A_563 = arith.index_cast %add3A_558 : i32 to index
          %get3A_564 = arith.constant 80 : index
          %get3A_565 = tpu.vector_load %arg16[%get3A_563, %get3A_564] {strides = array<i32>} : memref<80x128xf32, #tpu.memory_space<vmem>>, vector<1x16xf32>,
          %get3A_566 = vector.shape_cast %get3A_565 : vector<1x16xf32> to vector<16xf32>
          %add3A_567 = arith.addf %get3A_562, %get3A_566 : vector<16xf32>
          %max3A_568 = arith.constant 0.000000e+00 : f32
          %max3A_569 = vector.broadcast %max3A_568 : f32 to vector<16xf32>
          %max3A_570 = arith.maximumf %add3A_567, %max3A_569 : vector<16xf32>
          %swap3A_571 = arith.index_cast %add3A_558 : i32 to index
          %swap3A_572 = arith.constant 80 : index
          %swap3A_573 = tpu.vector_load %arg18[%swap3A_571, %swap3A_572] {strides = array<i32>} : memref<80x128xf32, #tpu.memory_space<vmem>>, vector<1x16xf32>,
          %swap3A_574 = vector.shape_cast %swap3A_573 : vector<1x16xf32> to vector<16xf32>
          %swap3A_575 = vector.shape_cast %max3A_570 : vector<16xf32> to vector<1x16xf32>
          tpu.vector_store %arg18[%swap3A_571, %swap3A_572], %swap3A_575 {strides = array<i32>} : memref<80x128xf32, #tpu.memory_space<vmem>>, vector<1x16xf32>,
          %mul3A_576 = arith.constant 4 : i32
          %mul3A_577 = arith.muli %scan3A_115, %mul3A_576 : i32
          %add3A_578 = arith.constant 2 : i32
          %add3A_579 = arith.addi %mul3A_577, %add3A_578 : i32
          %get3A_580 = arith.index_cast %add3A_579 : i32 to index
          %get3A_581 = arith.constant 96 : index
          %get3A_582 = tpu.vector_load %arg18[%get3A_580, %get3A_581] {strides = array<i32>} : memref<80x128xf32, #tpu.memory_space<vmem>>, vector<1x16xf32>,
          %get3A_583 = vector.shape_cast %get3A_582 : vector<1x16xf32> to vector<16xf32>
          %get3A_584 = arith.index_cast %add3A_579 : i32 to index
          %get3A_585 = arith.constant 96 : index
          %get3A_586 = tpu.vector_load %arg16[%get3A_584, %get3A_585] {strides = array<i32>} : memref<80x128xf32, #tpu.memory_space<vmem>>, vector<1x16xf32>,
          %get3A_587 = vector.shape_cast %get3A_586 : vector<1x16xf32> to vector<16xf32>
          %add3A_588 = arith.addf %get3A_583, %get3A_587 : vector<16xf32>
          %max3A_589 = arith.constant 0.000000e+00 : f32
          %max3A_590 = vector.broadcast %max3A_589 : f32 to vector<16xf32>
          %max3A_591 = arith.maximumf %add3A_588, %max3A_590 : vector<16xf32>
          %swap3A_592 = arith.index_cast %add3A_579 : i32 to index
          %swap3A_593 = arith.constant 96 : index
          %swap3A_594 = tpu.vector_load %arg18[%swap3A_592, %swap3A_593] {strides = array<i32>} : memref<80x128xf32, #tpu.memory_space<vmem>>, vector<1x16xf32>,
          %swap3A_595 = vector.shape_cast %swap3A_594 : vector<1x16xf32> to vector<16xf32>
          %swap3A_596 = vector.shape_cast %max3A_591 : vector<16xf32> to vector<1x16xf32>
          tpu.vector_store %arg18[%swap3A_592, %swap3A_593], %swap3A_596 {strides = array<i32>} : memref<80x128xf32, #tpu.memory_space<vmem>>, vector<1x16xf32>,
          %mul3A_597 = arith.constant 4 : i32
          %mul3A_598 = arith.muli %scan3A_115, %mul3A_597 : i32
          %add3A_599 = arith.constant 2 : i32
          %add3A_600 = arith.addi %mul3A_598, %add3A_599 : i32
          %get3A_601 = arith.index_cast %add3A_600 : i32 to index
          %get3A_602 = arith.constant 112 : index
          %get3A_603 = tpu.vector_load %arg18[%get3A_601, %get3A_602] {strides = array<i32>} : memref<80x128xf32, #tpu.memory_space<vmem>>, vector<1x16xf32>,
          %get3A_604 = vector.shape_cast %get3A_603 : vector<1x16xf32> to vector<16xf32>
          %get3A_605 = arith.index_cast %add3A_600 : i32 to index
          %get3A_606 = arith.constant 112 : index
          %get3A_607 = tpu.vector_load %arg16[%get3A_605, %get3A_606] {strides = array<i32>} : memref<80x128xf32, #tpu.memory_space<vmem>>, vector<1x16xf32>,
          %get3A_608 = vector.shape_cast %get3A_607 : vector<1x16xf32> to vector<16xf32>
          %add3A_609 = arith.addf %get3A_604, %get3A_608 : vector<16xf32>
          %max3A_610 = arith.constant 0.000000e+00 : f32
          %max3A_611 = vector.broadcast %max3A_610 : f32 to vector<16xf32>
          %max3A_612 = arith.maximumf %add3A_609, %max3A_611 : vector<16xf32>
          %swap3A_613 = arith.index_cast %add3A_600 : i32 to index
          %swap3A_614 = arith.constant 112 : index
          %swap3A_615 = tpu.vector_load %arg18[%swap3A_613, %swap3A_614] {strides = array<i32>} : memref<80x128xf32, #tpu.memory_space<vmem>>, vector<1x16xf32>,
          %swap3A_616 = vector.shape_cast %swap3A_615 : vector<1x16xf32> to vector<16xf32>
          %swap3A_617 = vector.shape_cast %max3A_612 : vector<16xf32> to vector<1x16xf32>
          tpu.vector_store %arg18[%swap3A_613, %swap3A_614], %swap3A_617 {strides = array<i32>} : memref<80x128xf32, #tpu.memory_space<vmem>>, vector<1x16xf32>,
          %mul3A_618 = arith.constant 4 : i32
          %mul3A_619 = arith.muli %scan3A_115, %mul3A_618 : i32
          %add3A_620 = arith.constant 3 : i32
          %add3A_621 = arith.addi %mul3A_619, %add3A_620 : i32
          %get3A_622 = arith.index_cast %add3A_621 : i32 to index
          %get3A_623 = arith.constant 0 : index
          %get3A_624 = tpu.vector_load %arg18[%get3A_622, %get3A_623] {strides = array<i32>} : memref<80x128xf32, #tpu.memory_space<vmem>>, vector<1x16xf32>,
          %get3A_625 = vector.shape_cast %get3A_624 : vector<1x16xf32> to vector<16xf32>
          %get3A_626 = arith.index_cast %add3A_621 : i32 to index
          %get3A_627 = arith.constant 0 : index
          %get3A_628 = tpu.vector_load %arg16[%get3A_626, %get3A_627] {strides = array<i32>} : memref<80x128xf32, #tpu.memory_space<vmem>>, vector<1x16xf32>,
          %get3A_629 = vector.shape_cast %get3A_628 : vector<1x16xf32> to vector<16xf32>
          %add3A_630 = arith.addf %get3A_625, %get3A_629 : vector<16xf32>
          %max3A_631 = arith.constant 0.000000e+00 : f32
          %max3A_632 = vector.broadcast %max3A_631 : f32 to vector<16xf32>
          %max3A_633 = arith.maximumf %add3A_630, %max3A_632 : vector<16xf32>
          %swap3A_634 = arith.index_cast %add3A_621 : i32 to index
          %swap3A_635 = arith.constant 0 : index
          %swap3A_636 = tpu.vector_load %arg18[%swap3A_634, %swap3A_635] {strides = array<i32>} : memref<80x128xf32, #tpu.memory_space<vmem>>, vector<1x16xf32>,
          %swap3A_637 = vector.shape_cast %swap3A_636 : vector<1x16xf32> to vector<16xf32>
          %swap3A_638 = vector.shape_cast %max3A_633 : vector<16xf32> to vector<1x16xf32>
          tpu.vector_store %arg18[%swap3A_634, %swap3A_635], %swap3A_638 {strides = array<i32>} : memref<80x128xf32, #tpu.memory_space<vmem>>, vector<1x16xf32>,
          %mul3A_639 = arith.constant 4 : i32
          %mul3A_640 = arith.muli %scan3A_115, %mul3A_639 : i32
          %add3A_641 = arith.constant 3 : i32
          %add3A_642 = arith.addi %mul3A_640, %add3A_641 : i32
          %get3A_643 = arith.index_cast %add3A_642 : i32 to index
          %get3A_644 = arith.constant 16 : index
          %get3A_645 = tpu.vector_load %arg18[%get3A_643, %get3A_644] {strides = array<i32>} : memref<80x128xf32, #tpu.memory_space<vmem>>, vector<1x16xf32>,
          %get3A_646 = vector.shape_cast %get3A_645 : vector<1x16xf32> to vector<16xf32>
          %get3A_647 = arith.index_cast %add3A_642 : i32 to index
          %get3A_648 = arith.constant 16 : index
          %get3A_649 = tpu.vector_load %arg16[%get3A_647, %get3A_648] {strides = array<i32>} : memref<80x128xf32, #tpu.memory_space<vmem>>, vector<1x16xf32>,
          %get3A_650 = vector.shape_cast %get3A_649 : vector<1x16xf32> to vector<16xf32>
          %add3A_651 = arith.addf %get3A_646, %get3A_650 : vector<16xf32>
          %max3A_652 = arith.constant 0.000000e+00 : f32
          %max3A_653 = vector.broadcast %max3A_652 : f32 to vector<16xf32>
          %max3A_654 = arith.maximumf %add3A_651, %max3A_653 : vector<16xf32>
          %swap3A_655 = arith.index_cast %add3A_642 : i32 to index
          %swap3A_656 = arith.constant 16 : index
          %swap3A_657 = tpu.vector_load %arg18[%swap3A_655, %swap3A_656] {strides = array<i32>} : memref<80x128xf32, #tpu.memory_space<vmem>>, vector<1x16xf32>,
          %swap3A_658 = vector.shape_cast %swap3A_657 : vector<1x16xf32> to vector<16xf32>
          %swap3A_659 = vector.shape_cast %max3A_654 : vector<16xf32> to vector<1x16xf32>
          tpu.vector_store %arg18[%swap3A_655, %swap3A_656], %swap3A_659 {strides = array<i32>} : memref<80x128xf32, #tpu.memory_space<vmem>>, vector<1x16xf32>,
          %mul3A_660 = arith.constant 4 : i32
          %mul3A_661 = arith.muli %scan3A_115, %mul3A_660 : i32
          %add3A_662 = arith.constant 3 : i32
          %add3A_663 = arith.addi %mul3A_661, %add3A_662 : i32
          %get3A_664 = arith.index_cast %add3A_663 : i32 to index
          %get3A_665 = arith.constant 32 : index
          %get3A_666 = tpu.vector_load %arg18[%get3A_664, %get3A_665] {strides = array<i32>} : memref<80x128xf32, #tpu.memory_space<vmem>>, vector<1x16xf32>,
          %get3A_667 = vector.shape_cast %get3A_666 : vector<1x16xf32> to vector<16xf32>
          %get3A_668 = arith.index_cast %add3A_663 : i32 to index
          %get3A_669 = arith.constant 32 : index
          %get3A_670 = tpu.vector_load %arg16[%get3A_668, %get3A_669] {strides = array<i32>} : memref<80x128xf32, #tpu.memory_space<vmem>>, vector<1x16xf32>,
          %get3A_671 = vector.shape_cast %get3A_670 : vector<1x16xf32> to vector<16xf32>
          %add3A_672 = arith.addf %get3A_667, %get3A_671 : vector<16xf32>
          %max3A_673 = arith.constant 0.000000e+00 : f32
          %max3A_674 = vector.broadcast %max3A_673 : f32 to vector<16xf32>
          %max3A_675 = arith.maximumf %add3A_672, %max3A_674 : vector<16xf32>
          %swap3A_676 = arith.index_cast %add3A_663 : i32 to index
          %swap3A_677 = arith.constant 32 : index
          %swap3A_678 = tpu.vector_load %arg18[%swap3A_676, %swap3A_677] {strides = array<i32>} : memref<80x128xf32, #tpu.memory_space<vmem>>, vector<1x16xf32>,
          %swap3A_679 = vector.shape_cast %swap3A_678 : vector<1x16xf32> to vector<16xf32>
          %swap3A_680 = vector.shape_cast %max3A_675 : vector<16xf32> to vector<1x16xf32>
          tpu.vector_store %arg18[%swap3A_676, %swap3A_677], %swap3A_680 {strides = array<i32>} : memref<80x128xf32, #tpu.memory_space<vmem>>, vector<1x16xf32>,
          %mul3A_681 = arith.constant 4 : i32
          %mul3A_682 = arith.muli %scan3A_115, %mul3A_681 : i32
          %add3A_683 = arith.constant 3 : i32
          %add3A_684 = arith.addi %mul3A_682, %add3A_683 : i32
          %get3A_685 = arith.index_cast %add3A_684 : i32 to index
          %get3A_686 = arith.constant 48 : index
          %get3A_687 = tpu.vector_load %arg18[%get3A_685, %get3A_686] {strides = array<i32>} : memref<80x128xf32, #tpu.memory_space<vmem>>, vector<1x16xf32>,
          %get3A_688 = vector.shape_cast %get3A_687 : vector<1x16xf32> to vector<16xf32>
          %get3A_689 = arith.index_cast %add3A_684 : i32 to index
          %get3A_690 = arith.constant 48 : index
          %get3A_691 = tpu.vector_load %arg16[%get3A_689, %get3A_690] {strides = array<i32>} : memref<80x128xf32, #tpu.memory_space<vmem>>, vector<1x16xf32>,
          %get3A_692 = vector.shape_cast %get3A_691 : vector<1x16xf32> to vector<16xf32>
          %add3A_693 = arith.addf %get3A_688, %get3A_692 : vector<16xf32>
          %max3A_694 = arith.constant 0.000000e+00 : f32
          %max3A_695 = vector.broadcast %max3A_694 : f32 to vector<16xf32>
          %max3A_696 = arith.maximumf %add3A_693, %max3A_695 : vector<16xf32>
          %swap3A_697 = arith.index_cast %add3A_684 : i32 to index
          %swap3A_698 = arith.constant 48 : index
          %swap3A_699 = tpu.vector_load %arg18[%swap3A_697, %swap3A_698] {strides = array<i32>} : memref<80x128xf32, #tpu.memory_space<vmem>>, vector<1x16xf32>,
          %swap3A_700 = vector.shape_cast %swap3A_699 : vector<1x16xf32> to vector<16xf32>
          %swap3A_701 = vector.shape_cast %max3A_696 : vector<16xf32> to vector<1x16xf32>
          tpu.vector_store %arg18[%swap3A_697, %swap3A_698], %swap3A_701 {strides = array<i32>} : memref<80x128xf32, #tpu.memory_space<vmem>>, vector<1x16xf32>,
          %mul3A_702 = arith.constant 4 : i32
          %mul3A_703 = arith.muli %scan3A_115, %mul3A_702 : i32
          %add3A_704 = arith.constant 3 : i32
          %add3A_705 = arith.addi %mul3A_703, %add3A_704 : i32
          %get3A_706 = arith.index_cast %add3A_705 : i32 to index
          %get3A_707 = arith.constant 64 : index
          %get3A_708 = tpu.vector_load %arg18[%get3A_706, %get3A_707] {strides = array<i32>} : memref<80x128xf32, #tpu.memory_space<vmem>>, vector<1x16xf32>,
          %get3A_709 = vector.shape_cast %get3A_708 : vector<1x16xf32> to vector<16xf32>
          %get3A_710 = arith.index_cast %add3A_705 : i32 to index
          %get3A_711 = arith.constant 64 : index
          %get3A_712 = tpu.vector_load %arg16[%get3A_710, %get3A_711] {strides = array<i32>} : memref<80x128xf32, #tpu.memory_space<vmem>>, vector<1x16xf32>,
          %get3A_713 = vector.shape_cast %get3A_712 : vector<1x16xf32> to vector<16xf32>
          %add3A_714 = arith.addf %get3A_709, %get3A_713 : vector<16xf32>
          %max3A_715 = arith.constant 0.000000e+00 : f32
          %max3A_716 = vector.broadcast %max3A_715 : f32 to vector<16xf32>
          %max3A_717 = arith.maximumf %add3A_714, %max3A_716 : vector<16xf32>
          %swap3A_718 = arith.index_cast %add3A_705 : i32 to index
          %swap3A_719 = arith.constant 64 : index
          %swap3A_720 = tpu.vector_load %arg18[%swap3A_718, %swap3A_719] {strides = array<i32>} : memref<80x128xf32, #tpu.memory_space<vmem>>, vector<1x16xf32>,
          %swap3A_721 = vector.shape_cast %swap3A_720 : vector<1x16xf32> to vector<16xf32>
          %swap3A_722 = vector.shape_cast %max3A_717 : vector<16xf32> to vector<1x16xf32>
          tpu.vector_store %arg18[%swap3A_718, %swap3A_719], %swap3A_722 {strides = array<i32>} : memref<80x128xf32, #tpu.memory_space<vmem>>, vector<1x16xf32>,
          %mul3A_723 = arith.constant 4 : i32
          %mul3A_724 = arith.muli %scan3A_115, %mul3A_723 : i32
          %add3A_725 = arith.constant 3 : i32
          %add3A_726 = arith.addi %mul3A_724, %add3A_725 : i32
          %get3A_727 = arith.index_cast %add3A_726 : i32 to index
          %get3A_728 = arith.constant 80 : index
          %get3A_729 = tpu.vector_load %arg18[%get3A_727, %get3A_728] {strides = array<i32>} : memref<80x128xf32, #tpu.memory_space<vmem>>, vector<1x16xf32>,
          %get3A_730 = vector.shape_cast %get3A_729 : vector<1x16xf32> to vector<16xf32>
          %get3A_731 = arith.index_cast %add3A_726 : i32 to index
          %get3A_732 = arith.constant 80 : index
          %get3A_733 = tpu.vector_load %arg16[%get3A_731, %get3A_732] {strides = array<i32>} : memref<80x128xf32, #tpu.memory_space<vmem>>, vector<1x16xf32>,
          %get3A_734 = vector.shape_cast %get3A_733 : vector<1x16xf32> to vector<16xf32>
          %add3A_735 = arith.addf %get3A_730, %get3A_734 : vector<16xf32>
          %max3A_736 = arith.constant 0.000000e+00 : f32
          %max3A_737 = vector.broadcast %max3A_736 : f32 to vector<16xf32>
          %max3A_738 = arith.maximumf %add3A_735, %max3A_737 : vector<16xf32>
          %swap3A_739 = arith.index_cast %add3A_726 : i32 to index
          %swap3A_740 = arith.constant 80 : index
          %swap3A_741 = tpu.vector_load %arg18[%swap3A_739, %swap3A_740] {strides = array<i32>} : memref<80x128xf32, #tpu.memory_space<vmem>>, vector<1x16xf32>,
          %swap3A_742 = vector.shape_cast %swap3A_741 : vector<1x16xf32> to vector<16xf32>
          %swap3A_743 = vector.shape_cast %max3A_738 : vector<16xf32> to vector<1x16xf32>
          tpu.vector_store %arg18[%swap3A_739, %swap3A_740], %swap3A_743 {strides = array<i32>} : memref<80x128xf32, #tpu.memory_space<vmem>>, vector<1x16xf32>,
          %mul3A_744 = arith.constant 4 : i32
          %mul3A_745 = arith.muli %scan3A_115, %mul3A_744 : i32
          %add3A_746 = arith.constant 3 : i32
          %add3A_747 = arith.addi %mul3A_745, %add3A_746 : i32
          %get3A_748 = arith.index_cast %add3A_747 : i32 to index
          %get3A_749 = arith.constant 96 : index
          %get3A_750 = tpu.vector_load %arg18[%get3A_748, %get3A_749] {strides = array<i32>} : memref<80x128xf32, #tpu.memory_space<vmem>>, vector<1x16xf32>,
          %get3A_751 = vector.shape_cast %get3A_750 : vector<1x16xf32> to vector<16xf32>
          %get3A_752 = arith.index_cast %add3A_747 : i32 to index
          %get3A_753 = arith.constant 96 : index
          %get3A_754 = tpu.vector_load %arg16[%get3A_752, %get3A_753] {strides = array<i32>} : memref<80x128xf32, #tpu.memory_space<vmem>>, vector<1x16xf32>,
          %get3A_755 = vector.shape_cast %get3A_754 : vector<1x16xf32> to vector<16xf32>
          %add3A_756 = arith.addf %get3A_751, %get3A_755 : vector<16xf32>
          %max3A_757 = arith.constant 0.000000e+00 : f32
          %max3A_758 = vector.broadcast %max3A_757 : f32 to vector<16xf32>
          %max3A_759 = arith.maximumf %add3A_756, %max3A_758 : vector<16xf32>
          %swap3A_760 = arith.index_cast %add3A_747 : i32 to index
          %swap3A_761 = arith.constant 96 : index
          %swap3A_762 = tpu.vector_load %arg18[%swap3A_760, %swap3A_761] {strides = array<i32>} : memref<80x128xf32, #tpu.memory_space<vmem>>, vector<1x16xf32>,
          %swap3A_763 = vector.shape_cast %swap3A_762 : vector<1x16xf32> to vector<16xf32>
          %swap3A_764 = vector.shape_cast %max3A_759 : vector<16xf32> to vector<1x16xf32>
          tpu.vector_store %arg18[%swap3A_760, %swap3A_761], %swap3A_764 {strides = array<i32>} : memref<80x128xf32, #tpu.memory_space<vmem>>, vector<1x16xf32>,
          %mul3A_765 = arith.constant 4 : i32
          %mul3A_766 = arith.muli %scan3A_115, %mul3A_765 : i32
          %add3A_767 = arith.constant 3 : i32
          %add3A_768 = arith.addi %mul3A_766, %add3A_767 : i32
          %get3A_769 = arith.index_cast %add3A_768 : i32 to index
          %get3A_770 = arith.constant 112 : index
          %get3A_771 = tpu.vector_load %arg18[%get3A_769, %get3A_770] {strides = array<i32>} : memref<80x128xf32, #tpu.memory_space<vmem>>, vector<1x16xf32>,
          %get3A_772 = vector.shape_cast %get3A_771 : vector<1x16xf32> to vector<16xf32>
          %get3A_773 = arith.index_cast %add3A_768 : i32 to index
          %get3A_774 = arith.constant 112 : index
          %get3A_775 = tpu.vector_load %arg16[%get3A_773, %get3A_774] {strides = array<i32>} : memref<80x128xf32, #tpu.memory_space<vmem>>, vector<1x16xf32>,
          %get3A_776 = vector.shape_cast %get3A_775 : vector<1x16xf32> to vector<16xf32>
          %add3A_777 = arith.addf %get3A_772, %get3A_776 : vector<16xf32>
          %max3A_778 = arith.constant 0.000000e+00 : f32
          %max3A_779 = vector.broadcast %max3A_778 : f32 to vector<16xf32>
          %max3A_780 = arith.maximumf %add3A_777, %max3A_779 : vector<16xf32>
          %swap3A_781 = arith.index_cast %add3A_768 : i32 to index
          %swap3A_782 = arith.constant 112 : index
          %swap3A_783 = tpu.vector_load %arg18[%swap3A_781, %swap3A_782] {strides = array<i32>} : memref<80x128xf32, #tpu.memory_space<vmem>>, vector<1x16xf32>,
          %swap3A_784 = vector.shape_cast %swap3A_783 : vector<1x16xf32> to vector<16xf32>
          %swap3A_785 = vector.shape_cast %max3A_780 : vector<16xf32> to vector<1x16xf32>
          tpu.vector_store %arg18[%swap3A_781, %swap3A_782], %swap3A_785 {strides = array<i32>} : memref<80x128xf32, #tpu.memory_space<vmem>>, vector<1x16xf32>,
          %scan3A_786 = arith.constant 0 : i32
          scf.yield %scan3A_786 : i32
        }
        %scan3A_103 = arith.constant 20 : i32
        %mul3A_104 = arith.constant 80 : i32
        %mul3A_105 = arith.muli %add3A_88, %mul3A_104 : i32
        %add3A_106 = arith.addi %mul3A_2, %mul3A_105 : i32
        %dma_wait3A_107 = tpu.memref_slice %arg7[%add3A_106] : memref<320000xi32, #tpu.memory_space<hbm>> -> memref<80xi32, #tpu.memory_space<hbm>>
        %dma_wait3A_108 = tpu.memref_slice %arg7[%add3A_106] : memref<320000xi32, #tpu.memory_space<hbm>> -> memref<80xi32, #tpu.memory_space<hbm>>
        tpu.wait_dma2 semaphore(%arg24 : memref<!tpu.dma_semaphore, #tpu.memory_space<semaphore_mem>>) src(%dma_wait3A_108 : memref<80xi32, #tpu.memory_space<hbm>>) dst(%arg14 : memref<80xi32, #tpu.memory_space<vmem>>)
        "tpu.region"() ({
          %run_scoped3A = tpu.sem_alloc : memref<!tpu.dma_semaphore, #tpu.memory_space<semaphore_mem>>
          %dma_start3A_115 = arith.constant 0 : i32
          %dma_start3A_116 = arith.constant 0 : i32
          %dma_start3A_117 = tpu.memref_slice %arg10[%dma_start3A_115, %dma_start3A_116] : memref<10112x128xf32, #tpu.memory_space<vmem_shared>> -> memref<10112x128xf32, #tpu.memory_space<vmem_shared>>
          tpu.enqueue_indirect_dma source(%arg18 : memref<80x128xf32, #tpu.memory_space<vmem>>) target(%dma_start3A_117 : memref<10112x128xf32, #tpu.memory_space<vmem_shared>>) offsets(%arg14 : memref<80xi32, #tpu.memory_space<vmem>>) semaphore(%run_scoped3A : memref<!tpu.dma_semaphore, #tpu.memory_space<semaphore_mem>>) {add = true}
          %dma_wait3A_118 = arith.constant 0 : i32
          %dma_wait3A_119 = arith.constant 0 : i32
          %dma_wait3A_120 = tpu.memref_slice %arg10[%dma_wait3A_118, %dma_wait3A_119] : memref<10112x128xf32, #tpu.memory_space<vmem_shared>> -> memref<10112x128xf32, #tpu.memory_space<vmem_shared>>
          tpu.wait_indirect_dma semaphore(%run_scoped3A : memref<!tpu.dma_semaphore, #tpu.memory_space<semaphore_mem>>) src(%arg18 : memref<80x128xf32, #tpu.memory_space<vmem>>) dst(%dma_wait3A_120 : memref<10112x128xf32, #tpu.memory_space<vmem_shared>>)
          tpu.yield
        }) : () -> ()
        %lt3A_109 = arith.constant 248 : i32
        %lt3A_110 = arith.cmpi slt, %add3A_88, %lt3A_109 : i32
        %convert_element_type3A_111 = arith.extui %lt3A_110 : i1 to i32
        %cond3A_112 = arith.constant 0 : i32
        %cond3A_113 = arith.cmpi ne, %convert_element_type3A_111, %cond3A_112 : i32
        scf.if %cond3A_113 {
          %add3A_115 = arith.constant 2 : i32
          %add3A_116 = arith.addi %add3A_88, %add3A_115 : i32
          %mul3A_117 = arith.constant 80 : i32
          %mul3A_118 = arith.muli %add3A_116, %mul3A_117 : i32
          %add3A_119 = arith.addi %mul3A_2, %mul3A_118 : i32
          %dma_start3A_120 = tpu.memref_slice %arg6[%add3A_119] : memref<320000xi32, #tpu.memory_space<hbm>> -> memref<80xi32, #tpu.memory_space<hbm>>
          %dma_start3A_121 = tpu.memref_slice %arg6[%add3A_119] : memref<320000xi32, #tpu.memory_space<hbm>> -> memref<80xi32, #tpu.memory_space<hbm>>
          tpu.enqueue_dma source(%dma_start3A_121 : memref<80xi32, #tpu.memory_space<hbm>>) target(%arg12 : memref<80xi32, #tpu.memory_space<vmem>>) target_semaphore(%arg20 : memref<!tpu.dma_semaphore, #tpu.memory_space<semaphore_mem>>)
          %dma_start3A_122 = arith.constant 0 : i32
          %dma_start3A_123 = tpu.memref_slice %arg5[%add3A_119, %dma_start3A_122] : memref<320000x128xf32, #tpu.memory_space<hbm>> -> memref<80x128xf32, #tpu.memory_space<hbm>>
          %dma_start3A_124 = arith.constant 0 : i32
          %dma_start3A_125 = tpu.memref_slice %arg5[%add3A_119, %dma_start3A_124] : memref<320000x128xf32, #tpu.memory_space<hbm>> -> memref<80x128xf32, #tpu.memory_space<hbm>>
          tpu.enqueue_dma source(%dma_start3A_125 : memref<80x128xf32, #tpu.memory_space<hbm>>) target(%arg16 : memref<80x128xf32, #tpu.memory_space<vmem>>) target_semaphore(%arg20 : memref<!tpu.dma_semaphore, #tpu.memory_space<semaphore_mem>>)
        } else {
        }
        %scan3A_114 = arith.constant 0 : i32
        scf.yield %scan3A_114 : i32
      }
      %scan3A_54 = arith.constant 125 : i32
    } else {
    }
    %barrier3A_10 = arith.constant 0 : index
    tpu.barrier barrier_id(%barrier3A_10)
    %eq3A_11 = arith.constant 0 : i32
    %eq3A_12 = arith.cmpi eq, %arg0, %eq3A_11 : i32
    %convert_element_type3A_13 = arith.extui %eq3A_12 : i1 to i32
    %cond3A_14 = arith.constant 0 : i32
    %cond3A_15 = arith.cmpi ne, %convert_element_type3A_13, %cond3A_14 : i32
    scf.if %cond3A_15 {
      %mul3A_21 = arith.constant 632 : i32
      %mul3A_22 = arith.muli %arg1, %mul3A_21 : i32
      %mul3A_23 = arith.constant 632 : i32
      %mul3A_24 = arith.muli %arg1, %mul3A_23 : i32
      %run_scoped3A = arith.constant 0 : i32
      "tpu.region"() ({
        %run_scoped3A_25 = tpu.sem_alloc : memref<!tpu.dma_semaphore, #tpu.memory_space<semaphore_mem>>
        %dma_start3A = arith.constant 0 : i32
        %dma_start3A_26 = tpu.memref_slice %arg9[%run_scoped3A, %mul3A_24, %dma_start3A] : memref<2x10112x128xf32, #tpu.memory_space<hbm>> -> memref<1x632x128xf32, #tpu.memory_space<hbm>>
        %dma_start3A_27 = tpu.memref_squeeze %dma_start3A_26 : memref<1x632x128xf32, #tpu.memory_space<hbm>> -> memref<632x128xf32, #tpu.memory_space<hbm>>
        %dma_start3A_28 = arith.constant 0 : i32
        %dma_start3A_29 = tpu.memref_slice %arg10[%mul3A_22, %dma_start3A_28] : memref<10112x128xf32, #tpu.memory_space<vmem_shared>> -> memref<632x128xf32, #tpu.memory_space<vmem_shared>>
        tpu.enqueue_dma source(%dma_start3A_29 : memref<632x128xf32, #tpu.memory_space<vmem_shared>>) target(%dma_start3A_27 : memref<632x128xf32, #tpu.memory_space<hbm>>) target_semaphore(%run_scoped3A_25 : memref<!tpu.dma_semaphore, #tpu.memory_space<semaphore_mem>>)
        %dma_wait3A = arith.constant 0 : i32
        %dma_wait3A_30 = tpu.memref_slice %arg9[%run_scoped3A, %mul3A_24, %dma_wait3A] : memref<2x10112x128xf32, #tpu.memory_space<hbm>> -> memref<1x632x128xf32, #tpu.memory_space<hbm>>
        %dma_wait3A_31 = tpu.memref_squeeze %dma_wait3A_30 : memref<1x632x128xf32, #tpu.memory_space<hbm>> -> memref<632x128xf32, #tpu.memory_space<hbm>>
        %dma_wait3A_32 = arith.constant 0 : i32
        %dma_wait3A_33 = tpu.memref_slice %arg10[%mul3A_22, %dma_wait3A_32] : memref<10112x128xf32, #tpu.memory_space<vmem_shared>> -> memref<632x128xf32, #tpu.memory_space<vmem_shared>>
        tpu.wait_dma2 semaphore(%run_scoped3A_25 : memref<!tpu.dma_semaphore, #tpu.memory_space<semaphore_mem>>) src(%dma_wait3A_33 : memref<632x128xf32, #tpu.memory_space<vmem_shared>>) dst(%dma_wait3A_31 : memref<632x128xf32, #tpu.memory_space<hbm>>)
        tpu.yield
      }) : () -> ()
    } else {
    }
    %eq3A_16 = arith.constant 1 : i32
    %eq3A_17 = arith.cmpi eq, %arg0, %eq3A_16 : i32
    %convert_element_type3A_18 = arith.extui %eq3A_17 : i1 to i32
    %cond3A_19 = arith.constant 0 : i32
    %cond3A_20 = arith.cmpi ne, %convert_element_type3A_18, %cond3A_19 : i32
    scf.if %cond3A_20 {
      %mul3A_21 = arith.constant 632 : i32
      %mul3A_22 = arith.muli %arg1, %mul3A_21 : i32
      %mul3A_23 = arith.constant 632 : i32
      %mul3A_24 = arith.muli %arg1, %mul3A_23 : i32
      %run_scoped3A = arith.constant 1 : i32
      "tpu.region"() ({
        %run_scoped3A_25 = tpu.sem_alloc : memref<!tpu.dma_semaphore, #tpu.memory_space<semaphore_mem>>
        %dma_start3A = arith.constant 0 : i32
        %dma_start3A_26 = tpu.memref_slice %arg9[%run_scoped3A, %mul3A_24, %dma_start3A] : memref<2x10112x128xf32, #tpu.memory_space<hbm>> -> memref<1x632x128xf32, #tpu.memory_space<hbm>>
        %dma_start3A_27 = tpu.memref_squeeze %dma_start3A_26 : memref<1x632x128xf32, #tpu.memory_space<hbm>> -> memref<632x128xf32, #tpu.memory_space<hbm>>
        %dma_start3A_28 = arith.constant 0 : i32
        %dma_start3A_29 = tpu.memref_slice %arg10[%mul3A_22, %dma_start3A_28] : memref<10112x128xf32, #tpu.memory_space<vmem_shared>> -> memref<632x128xf32, #tpu.memory_space<vmem_shared>>
        tpu.enqueue_dma source(%dma_start3A_29 : memref<632x128xf32, #tpu.memory_space<vmem_shared>>) target(%dma_start3A_27 : memref<632x128xf32, #tpu.memory_space<hbm>>) target_semaphore(%run_scoped3A_25 : memref<!tpu.dma_semaphore, #tpu.memory_space<semaphore_mem>>)
        %dma_wait3A = arith.constant 0 : i32
        %dma_wait3A_30 = tpu.memref_slice %arg9[%run_scoped3A, %mul3A_24, %dma_wait3A] : memref<2x10112x128xf32, #tpu.memory_space<hbm>> -> memref<1x632x128xf32, #tpu.memory_space<hbm>>
        %dma_wait3A_31 = tpu.memref_squeeze %dma_wait3A_30 : memref<1x632x128xf32, #tpu.memory_space<hbm>> -> memref<632x128xf32, #tpu.memory_space<hbm>>
        %dma_wait3A_32 = arith.constant 0 : i32
        %dma_wait3A_33 = tpu.memref_slice %arg10[%mul3A_22, %dma_wait3A_32] : memref<10112x128xf32, #tpu.memory_space<vmem_shared>> -> memref<632x128xf32, #tpu.memory_space<vmem_shared>>
        tpu.wait_dma2 semaphore(%run_scoped3A_25 : memref<!tpu.dma_semaphore, #tpu.memory_space<semaphore_mem>>) src(%dma_wait3A_33 : memref<632x128xf32, #tpu.memory_space<vmem_shared>>) dst(%dma_wait3A_31 : memref<632x128xf32, #tpu.memory_space<hbm>>)
        tpu.yield
      }) : () -> ()
    } else {
    }
    return
  }
}

module attributes {stable_mosaic.version = 14 : i64} {
  func.func @_node_pre_body(%arg0: i32, %arg1: memref<400x128xf32, #tpu.memory_space<vmem>>, %arg2: memref<128x256xf32, #tpu.memory_space<vmem>>, %arg3: memref<1x256xf32, #tpu.memory_space<vmem>>, %arg4: memref<256x256xf32, #tpu.memory_space<vmem>>, %arg5: memref<1x256xf32, #tpu.memory_space<vmem>>, %arg6: memref<400x256xf32, #tpu.memory_space<vmem>>, %arg7: memref<400x128xf32, #tpu.memory_space<vmem>>, %arg8: memref<400x128xf32, #tpu.memory_space<vmem>>) attributes {dimension_semantics = [#tpu.dimension_semantics<arbitrary>], iteration_bounds = array<i64: 25>, scalar_prefetch = 0 : i64, scratch_operands = 0 : i64, tpu.core_type = #tpu.core_type<tc>, window_params = [{transform_indices = @transform_0, window_bounds = array<i64: 400, 128>}, {pipeline_mode = #tpu.pipeline_mode<synchronous>, transform_indices = @transform_1, window_bounds = array<i64: 128, 256>}, {pipeline_mode = #tpu.pipeline_mode<synchronous>, transform_indices = @transform_2, window_bounds = array<i64: 1, 256>}, {pipeline_mode = #tpu.pipeline_mode<synchronous>, transform_indices = @transform_3, window_bounds = array<i64: 256, 256>}, {pipeline_mode = #tpu.pipeline_mode<synchronous>, transform_indices = @transform_4, window_bounds = array<i64: 1, 256>}, {transform_indices = @transform_5, window_bounds = array<i64: 400, 256>}, {transform_indices = @transform_6, window_bounds = array<i64: 400, 128>}, {transform_indices = @transform_7, window_bounds = array<i64: 400, 128>}]} {
    %get3A = arith.constant 0 : index
    %get3A_0 = arith.constant 0 : index
    %get3A_1 = vector.load %arg1[%get3A, %get3A_0] : memref<400x128xf32, #tpu.memory_space<vmem>>, vector<400x128xf32>
    %get3A_2 = arith.constant 0 : index
    %get3A_3 = arith.constant 0 : index
    %get3A_4 = vector.load %arg2[%get3A_2, %get3A_3] : memref<128x256xf32, #tpu.memory_space<vmem>>, vector<128x256xf32>
    %dot_general3A = arith.constant dense<0.000000e+00> : vector<400x256xf32>
    %dot_general3A_5 = tpu.matmul %get3A_1, %get3A_4, %dot_general3A {dimension_numbers = #tpu.dot_dimension_numbers<[1], [0], [0], [1], [0, 0, 1, 1], [], []>, transpose_lhs_hint = false} : vector<400x128xf32>, vector<128x256xf32>, vector<400x256xf32> -> vector<400x256xf32>
    %get3A_6 = arith.constant 0 : index
    %get3A_7 = arith.constant 0 : index
    %get3A_8 = vector.load %arg3[%get3A_6, %get3A_7] : memref<1x256xf32, #tpu.memory_space<vmem>>, vector<1x256xf32>
    %add3A = vector.broadcast %get3A_8 : vector<1x256xf32> to vector<400x256xf32>
    %add3A_9 = arith.addf %dot_general3A_5, %add3A : vector<400x256xf32>
    %max3A = arith.constant 0.000000e+00 : f32
    %max3A_10 = vector.broadcast %max3A : f32 to vector<400x256xf32>
    %max3A_11 = arith.maximumf %add3A_9, %max3A_10 : vector<400x256xf32>
    %swap3A = arith.constant 0 : index
    %swap3A_12 = arith.constant 0 : index
    %swap3A_13 = vector.load %arg6[%swap3A, %swap3A_12] : memref<400x256xf32, #tpu.memory_space<vmem>>, vector<400x256xf32>
    tpu.vector_store %arg6[%swap3A, %swap3A_12], %max3A_11 {strides = array<i32>} : memref<400x256xf32, #tpu.memory_space<vmem>>, vector<400x256xf32>,
    %get3A_14 = arith.constant 0 : index
    %get3A_15 = arith.constant 0 : index
    %get3A_16 = vector.load %arg4[%get3A_14, %get3A_15] : memref<256x256xf32, #tpu.memory_space<vmem>>, vector<256x256xf32>
    %dot_general3A_17 = arith.constant dense<0.000000e+00> : vector<400x256xf32>
    %dot_general3A_18 = tpu.matmul %max3A_11, %get3A_16, %dot_general3A_17 {dimension_numbers = #tpu.dot_dimension_numbers<[1], [0], [0], [1], [0, 0, 1, 1], [], []>, transpose_lhs_hint = false} : vector<400x256xf32>, vector<256x256xf32>, vector<400x256xf32> -> vector<400x256xf32>
    %get3A_19 = arith.constant 0 : index
    %get3A_20 = arith.constant 0 : index
    %get3A_21 = vector.load %arg5[%get3A_19, %get3A_20] : memref<1x256xf32, #tpu.memory_space<vmem>>, vector<1x256xf32>
    %add3A_22 = vector.broadcast %get3A_21 : vector<1x256xf32> to vector<400x256xf32>
    %add3A_23 = arith.addf %dot_general3A_18, %add3A_22 : vector<400x256xf32>
    %slice3A = vector.extract_strided_slice %add3A_23 {offsets = [0, 0], sizes = [400, 128], strides = [1, 1]} : vector<400x256xf32> to vector<400x128xf32>
    %swap3A_24 = arith.constant 0 : index
    %swap3A_25 = arith.constant 0 : index
    %swap3A_26 = vector.load %arg7[%swap3A_24, %swap3A_25] : memref<400x128xf32, #tpu.memory_space<vmem>>, vector<400x128xf32>
    tpu.vector_store %arg7[%swap3A_24, %swap3A_25], %slice3A {strides = array<i32>} : memref<400x128xf32, #tpu.memory_space<vmem>>, vector<400x128xf32>,
    %slice3A_27 = vector.extract_strided_slice %add3A_23 {offsets = [0, 128], sizes = [400, 128], strides = [1, 1]} : vector<400x256xf32> to vector<400x128xf32>
    %swap3A_28 = arith.constant 0 : index
    %swap3A_29 = arith.constant 0 : index
    %swap3A_30 = vector.load %arg8[%swap3A_28, %swap3A_29] : memref<400x128xf32, #tpu.memory_space<vmem>>, vector<400x128xf32>
    tpu.vector_store %arg8[%swap3A_28, %swap3A_29], %slice3A_27 {strides = array<i32>} : memref<400x128xf32, #tpu.memory_space<vmem>>, vector<400x128xf32>,
    return
  }
  func.func @transform_0(%arg0: i32) -> (i32, i32) {
    %c0_i32 = arith.constant 0 : i32
    %c0_i32_0 = arith.constant 0 : i32
    return %arg0, %c0_i32 : i32, i32
  }
  func.func @transform_1(%arg0: i32) -> (i32, i32) {
    %c0_i32 = arith.constant 0 : i32
    %c0_i32_0 = arith.constant 0 : i32
    %c0_i32_1 = arith.constant 0 : i32
    return %c0_i32, %c0_i32_0 : i32, i32
  }
  func.func @transform_2(%arg0: i32) -> (i32, i32) {
    %c0_i32 = arith.constant 0 : i32
    %c0_i32_0 = arith.constant 0 : i32
    %c0_i32_1 = arith.constant 0 : i32
    return %c0_i32, %c0_i32_0 : i32, i32
  }
  func.func @transform_3(%arg0: i32) -> (i32, i32) {
    %c0_i32 = arith.constant 0 : i32
    %c0_i32_0 = arith.constant 0 : i32
    %c0_i32_1 = arith.constant 0 : i32
    return %c0_i32, %c0_i32_0 : i32, i32
  }
  func.func @transform_4(%arg0: i32) -> (i32, i32) {
    %c0_i32 = arith.constant 0 : i32
    %c0_i32_0 = arith.constant 0 : i32
    %c0_i32_1 = arith.constant 0 : i32
    return %c0_i32, %c0_i32_0 : i32, i32
  }
  func.func @transform_5(%arg0: i32) -> (i32, i32) {
    %c0_i32 = arith.constant 0 : i32
    %c0_i32_0 = arith.constant 0 : i32
    return %arg0, %c0_i32 : i32, i32
  }
  func.func @transform_6(%arg0: i32) -> (i32, i32) {
    %c0_i32 = arith.constant 0 : i32
    %c0_i32_0 = arith.constant 0 : i32
    return %arg0, %c0_i32 : i32, i32
  }
  func.func @transform_7(%arg0: i32) -> (i32, i32) {
    %c0_i32 = arith.constant 0 : i32
    %c0_i32_0 = arith.constant 0 : i32
    return %arg0, %c0_i32 : i32, i32
  }
}

module attributes {stable_mosaic.version = 14 : i64} {
  func.func @_edge_pre_body(%arg0: i32, %arg1: memref<2000x16xf32, #tpu.memory_space<vmem>>, %arg2: memref<16x256xf32, #tpu.memory_space<vmem>>, %arg3: memref<2000x128xf32, #tpu.memory_space<vmem>>, %arg4: memref<2000x128xf32, #tpu.memory_space<vmem>>) attributes {dimension_semantics = [#tpu.dimension_semantics<arbitrary>], iteration_bounds = array<i64: 160>, scalar_prefetch = 0 : i64, scratch_operands = 0 : i64, tpu.core_type = #tpu.core_type<tc>, window_params = [{transform_indices = @transform_0, window_bounds = array<i64: 2000, 16>}, {pipeline_mode = #tpu.pipeline_mode<synchronous>, transform_indices = @transform_1, window_bounds = array<i64: 16, 256>}, {transform_indices = @transform_2, window_bounds = array<i64: 2000, 128>}, {transform_indices = @transform_3, window_bounds = array<i64: 2000, 128>}]} {
    %get3A = arith.constant 0 : index
    %get3A_0 = arith.constant 0 : index
    %get3A_1 = vector.load %arg1[%get3A, %get3A_0] : memref<2000x16xf32, #tpu.memory_space<vmem>>, vector<2000x16xf32>
    %get3A_2 = arith.constant 0 : index
    %get3A_3 = arith.constant 0 : index
    %get3A_4 = vector.load %arg2[%get3A_2, %get3A_3] : memref<16x256xf32, #tpu.memory_space<vmem>>, vector<16x256xf32>
    %dot_general3A = arith.constant dense<0.000000e+00> : vector<2000x256xf32>
    %dot_general3A_5 = tpu.matmul %get3A_1, %get3A_4, %dot_general3A {dimension_numbers = #tpu.dot_dimension_numbers<[1], [0], [0], [1], [0, 0, 1, 1], [], []>, transpose_lhs_hint = false} : vector<2000x16xf32>, vector<16x256xf32>, vector<2000x256xf32> -> vector<2000x256xf32>
    %slice3A = vector.extract_strided_slice %dot_general3A_5 {offsets = [0, 0], sizes = [2000, 128], strides = [1, 1]} : vector<2000x256xf32> to vector<2000x128xf32>
    %swap3A = arith.constant 0 : index
    %swap3A_6 = arith.constant 0 : index
    %swap3A_7 = vector.load %arg3[%swap3A, %swap3A_6] : memref<2000x128xf32, #tpu.memory_space<vmem>>, vector<2000x128xf32>
    tpu.vector_store %arg3[%swap3A, %swap3A_6], %slice3A {strides = array<i32>} : memref<2000x128xf32, #tpu.memory_space<vmem>>, vector<2000x128xf32>,
    %slice3A_8 = vector.extract_strided_slice %dot_general3A_5 {offsets = [0, 128], sizes = [2000, 128], strides = [1, 1]} : vector<2000x256xf32> to vector<2000x128xf32>
    %swap3A_9 = arith.constant 0 : index
    %swap3A_10 = arith.constant 0 : index
    %swap3A_11 = vector.load %arg4[%swap3A_9, %swap3A_10] : memref<2000x128xf32, #tpu.memory_space<vmem>>, vector<2000x128xf32>
    tpu.vector_store %arg4[%swap3A_9, %swap3A_10], %slice3A_8 {strides = array<i32>} : memref<2000x128xf32, #tpu.memory_space<vmem>>, vector<2000x128xf32>,
    return
  }
  func.func @transform_0(%arg0: i32) -> (i32, i32) {
    %c0_i32 = arith.constant 0 : i32
    %c0_i32_0 = arith.constant 0 : i32
    return %arg0, %c0_i32 : i32, i32
  }
  func.func @transform_1(%arg0: i32) -> (i32, i32) {
    %c0_i32 = arith.constant 0 : i32
    %c0_i32_0 = arith.constant 0 : i32
    %c0_i32_1 = arith.constant 0 : i32
    return %c0_i32, %c0_i32_0 : i32, i32
  }
  func.func @transform_2(%arg0: i32) -> (i32, i32) {
    %c0_i32 = arith.constant 0 : i32
    %c0_i32_0 = arith.constant 0 : i32
    return %arg0, %c0_i32 : i32, i32
  }
  func.func @transform_3(%arg0: i32) -> (i32, i32) {
    %c0_i32 = arith.constant 0 : i32
    %c0_i32_0 = arith.constant 0 : i32
    return %arg0, %c0_i32 : i32, i32
  }
}

module attributes {stable_mosaic.version = 14 : i64} {
  func.func @_node_upd_body(%arg0: i32, %arg1: memref<400x256xf32, #tpu.memory_space<vmem>>, %arg2: memref<400x128xf32, #tpu.memory_space<vmem>>, %arg3: memref<400x128xf32, #tpu.memory_space<vmem>>, %arg4: memref<256x256xf32, #tpu.memory_space<vmem>>, %arg5: memref<128x256xf32, #tpu.memory_space<vmem>>, %arg6: memref<128x256xf32, #tpu.memory_space<vmem>>, %arg7: memref<1x256xf32, #tpu.memory_space<vmem>>, %arg8: memref<400x256xf32, #tpu.memory_space<vmem>>) attributes {dimension_semantics = [#tpu.dimension_semantics<arbitrary>], iteration_bounds = array<i64: 25>, scalar_prefetch = 0 : i64, scratch_operands = 0 : i64, tpu.core_type = #tpu.core_type<tc>, window_params = [{transform_indices = @transform_0, window_bounds = array<i64: 400, 256>}, {transform_indices = @transform_1, window_bounds = array<i64: 400, 128>}, {transform_indices = @transform_2, window_bounds = array<i64: 400, 128>}, {pipeline_mode = #tpu.pipeline_mode<synchronous>, transform_indices = @transform_3, window_bounds = array<i64: 256, 256>}, {pipeline_mode = #tpu.pipeline_mode<synchronous>, transform_indices = @transform_4, window_bounds = array<i64: 128, 256>}, {pipeline_mode = #tpu.pipeline_mode<synchronous>, transform_indices = @transform_5, window_bounds = array<i64: 128, 256>}, {pipeline_mode = #tpu.pipeline_mode<synchronous>, transform_indices = @transform_6, window_bounds = array<i64: 1, 256>}, {transform_indices = @transform_7, window_bounds = array<i64: 400, 256>}]} {
    %get3A = arith.constant 0 : index
    %get3A_0 = arith.constant 0 : index
    %get3A_1 = vector.load %arg1[%get3A, %get3A_0] : memref<400x256xf32, #tpu.memory_space<vmem>>, vector<400x256xf32>
    %get3A_2 = arith.constant 0 : index
    %get3A_3 = arith.constant 0 : index
    %get3A_4 = vector.load %arg4[%get3A_2, %get3A_3] : memref<256x256xf32, #tpu.memory_space<vmem>>, vector<256x256xf32>
    %dot_general3A = arith.constant dense<0.000000e+00> : vector<400x256xf32>
    %dot_general3A_5 = tpu.matmul %get3A_1, %get3A_4, %dot_general3A {dimension_numbers = #tpu.dot_dimension_numbers<[1], [0], [0], [1], [0, 0, 1, 1], [], []>, transpose_lhs_hint = false} : vector<400x256xf32>, vector<256x256xf32>, vector<400x256xf32> -> vector<400x256xf32>
    %get3A_6 = arith.constant 0 : index
    %get3A_7 = arith.constant 0 : index
    %get3A_8 = vector.load %arg2[%get3A_6, %get3A_7] : memref<400x128xf32, #tpu.memory_space<vmem>>, vector<400x128xf32>
    %get3A_9 = arith.constant 0 : index
    %get3A_10 = arith.constant 0 : index
    %get3A_11 = vector.load %arg5[%get3A_9, %get3A_10] : memref<128x256xf32, #tpu.memory_space<vmem>>, vector<128x256xf32>
    %dot_general3A_12 = arith.constant dense<0.000000e+00> : vector<400x256xf32>
    %dot_general3A_13 = tpu.matmul %get3A_8, %get3A_11, %dot_general3A_12 {dimension_numbers = #tpu.dot_dimension_numbers<[1], [0], [0], [1], [0, 0, 1, 1], [], []>, transpose_lhs_hint = false} : vector<400x128xf32>, vector<128x256xf32>, vector<400x256xf32> -> vector<400x256xf32>
    %add3A = arith.addf %dot_general3A_5, %dot_general3A_13 : vector<400x256xf32>
    %get3A_14 = arith.constant 0 : index
    %get3A_15 = arith.constant 0 : index
    %get3A_16 = vector.load %arg3[%get3A_14, %get3A_15] : memref<400x128xf32, #tpu.memory_space<vmem>>, vector<400x128xf32>
    %get3A_17 = arith.constant 0 : index
    %get3A_18 = arith.constant 0 : index
    %get3A_19 = vector.load %arg6[%get3A_17, %get3A_18] : memref<128x256xf32, #tpu.memory_space<vmem>>, vector<128x256xf32>
    %dot_general3A_20 = arith.constant dense<0.000000e+00> : vector<400x256xf32>
    %dot_general3A_21 = tpu.matmul %get3A_16, %get3A_19, %dot_general3A_20 {dimension_numbers = #tpu.dot_dimension_numbers<[1], [0], [0], [1], [0, 0, 1, 1], [], []>, transpose_lhs_hint = false} : vector<400x128xf32>, vector<128x256xf32>, vector<400x256xf32> -> vector<400x256xf32>
    %add3A_22 = arith.addf %add3A, %dot_general3A_21 : vector<400x256xf32>
    %get3A_23 = arith.constant 0 : index
    %get3A_24 = arith.constant 0 : index
    %get3A_25 = vector.load %arg7[%get3A_23, %get3A_24] : memref<1x256xf32, #tpu.memory_space<vmem>>, vector<1x256xf32>
    %add3A_26 = vector.broadcast %get3A_25 : vector<1x256xf32> to vector<400x256xf32>
    %add3A_27 = arith.addf %add3A_22, %add3A_26 : vector<400x256xf32>
    %max3A = arith.constant 0.000000e+00 : f32
    %max3A_28 = vector.broadcast %max3A : f32 to vector<400x256xf32>
    %max3A_29 = arith.maximumf %add3A_27, %max3A_28 : vector<400x256xf32>
    %swap3A = arith.constant 0 : index
    %swap3A_30 = arith.constant 0 : index
    %swap3A_31 = vector.load %arg8[%swap3A, %swap3A_30] : memref<400x256xf32, #tpu.memory_space<vmem>>, vector<400x256xf32>
    tpu.vector_store %arg8[%swap3A, %swap3A_30], %max3A_29 {strides = array<i32>} : memref<400x256xf32, #tpu.memory_space<vmem>>, vector<400x256xf32>,
    return
  }
  func.func @transform_0(%arg0: i32) -> (i32, i32) {
    %c0_i32 = arith.constant 0 : i32
    %c0_i32_0 = arith.constant 0 : i32
    return %arg0, %c0_i32 : i32, i32
  }
  func.func @transform_1(%arg0: i32) -> (i32, i32) {
    %c0_i32 = arith.constant 0 : i32
    %c0_i32_0 = arith.constant 0 : i32
    return %arg0, %c0_i32 : i32, i32
  }
  func.func @transform_2(%arg0: i32) -> (i32, i32) {
    %c0_i32 = arith.constant 0 : i32
    %c0_i32_0 = arith.constant 0 : i32
    return %arg0, %c0_i32 : i32, i32
  }
  func.func @transform_3(%arg0: i32) -> (i32, i32) {
    %c0_i32 = arith.constant 0 : i32
    %c0_i32_0 = arith.constant 0 : i32
    %c0_i32_1 = arith.constant 0 : i32
    return %c0_i32, %c0_i32_0 : i32, i32
  }
  func.func @transform_4(%arg0: i32) -> (i32, i32) {
    %c0_i32 = arith.constant 0 : i32
    %c0_i32_0 = arith.constant 0 : i32
    %c0_i32_1 = arith.constant 0 : i32
    return %c0_i32, %c0_i32_0 : i32, i32
  }
  func.func @transform_5(%arg0: i32) -> (i32, i32) {
    %c0_i32 = arith.constant 0 : i32
    %c0_i32_0 = arith.constant 0 : i32
    %c0_i32_1 = arith.constant 0 : i32
    return %c0_i32, %c0_i32_0 : i32, i32
  }
  func.func @transform_6(%arg0: i32) -> (i32, i32) {
    %c0_i32 = arith.constant 0 : i32
    %c0_i32_0 = arith.constant 0 : i32
    %c0_i32_1 = arith.constant 0 : i32
    return %c0_i32, %c0_i32_0 : i32, i32
  }
  func.func @transform_7(%arg0: i32) -> (i32, i32) {
    %c0_i32 = arith.constant 0 : i32
    %c0_i32_0 = arith.constant 0 : i32
    return %arg0, %c0_i32 : i32, i32
  }
}

module attributes {stable_mosaic.version = 14 : i64} {
  func.func @_s2s_body(%arg0: memref<10000x256xf32, #tpu.memory_space<vmem>>, %arg1: memref<10000x1xi32, #tpu.memory_space<vmem>>, %arg2: memref<512x1024xf32, #tpu.memory_space<vmem>>, %arg3: memref<256x1024xf32, #tpu.memory_space<vmem>>, %arg4: memref<1x1024xf32, #tpu.memory_space<vmem>>, %arg5: memref<512x256xf32, #tpu.memory_space<vmem>>, %arg6: memref<1x256xf32, #tpu.memory_space<vmem>>, %arg7: memref<256x1xf32, #tpu.memory_space<vmem>>, %arg8: memref<1x1xf32, #tpu.memory_space<vmem>>, %arg9: memref<64x1xf32, #tpu.memory_space<vmem>>, %arg10: memref<10000x1xf32, #tpu.memory_space<vmem>>, %arg11: memref<10000x1xf32, #tpu.memory_space<vmem>>) attributes {dimension_semantics = [], scalar_prefetch = 0 : i64, scratch_operands = 2 : i64, tpu.core_type = #tpu.core_type<tc>} {
    %get3A = arith.constant 0 : index
    %get3A_0 = arith.constant 0 : index
    %get3A_1 = vector.load %arg1[%get3A, %get3A_0] : memref<10000x1xi32, #tpu.memory_space<vmem>>, vector<10000x1xi32>
    %iota3A = tpu.iota {dimensions = array<i32: 1>} : vector<10000x64xi32>
    %eq3A = vector.broadcast %get3A_1 : vector<10000x1xi32> to vector<10000x64xi32>
    %eq3A_2 = arith.cmpi eq, %eq3A, %iota3A : vector<10000x64xi32>
    %get3A_3 = arith.constant 0 : index
    %get3A_4 = arith.constant 0 : index
    %get3A_5 = vector.load %arg2[%get3A_3, %get3A_4] : memref<512x1024xf32, #tpu.memory_space<vmem>>, vector<512x1024xf32>
    %get3A_6 = arith.constant 0 : index
    %get3A_7 = arith.constant 0 : index
    %get3A_8 = vector.load %arg3[%get3A_6, %get3A_7] : memref<256x1024xf32, #tpu.memory_space<vmem>>, vector<256x1024xf32>
    %get3A_9 = arith.constant 0 : index
    %get3A_10 = arith.constant 0 : index
    %get3A_11 = vector.load %arg4[%get3A_9, %get3A_10] : memref<1x1024xf32, #tpu.memory_space<vmem>>, vector<1x1024xf32>
    %broadcast_in_dim3A = arith.constant 0.000000e+00 : f32
    %broadcast_in_dim3A_12 = vector.broadcast %broadcast_in_dim3A : f32 to vector<64x256xf32>
    %broadcast_in_dim3A_13 = arith.constant 0.000000e+00 : f32
    %broadcast_in_dim3A_14 = vector.broadcast %broadcast_in_dim3A_13 : f32 to vector<64x256xf32>
    %broadcast_in_dim3A_15 = arith.constant 0.000000e+00 : f32
    %broadcast_in_dim3A_16 = vector.broadcast %broadcast_in_dim3A_15 : f32 to vector<64x512xf32>
    %dot_general3A = arith.constant dense<0.000000e+00> : vector<64x1024xf32>
    %dot_general3A_17 = tpu.matmul %broadcast_in_dim3A_16, %get3A_5, %dot_general3A {dimension_numbers = #tpu.dot_dimension_numbers<[1], [0], [0], [1], [0, 0, 1, 1], [], []>, transpose_lhs_hint = false} : vector<64x512xf32>, vector<512x1024xf32>, vector<64x1024xf32> -> vector<64x1024xf32>
    %dot_general3A_18 = arith.constant dense<0.000000e+00> : vector<64x1024xf32>
    %dot_general3A_19 = tpu.matmul %broadcast_in_dim3A_12, %get3A_8, %dot_general3A_18 {dimension_numbers = #tpu.dot_dimension_numbers<[1], [0], [0], [1], [0, 0, 1, 1], [], []>, transpose_lhs_hint = false} : vector<64x256xf32>, vector<256x1024xf32>, vector<64x1024xf32> -> vector<64x1024xf32>
    %add3A = arith.addf %dot_general3A_17, %dot_general3A_19 : vector<64x1024xf32>
    %add3A_20 = vector.broadcast %get3A_11 : vector<1x1024xf32> to vector<64x1024xf32>
    %add3A_21 = arith.addf %add3A, %add3A_20 : vector<64x1024xf32>
    %slice3A = vector.extract_strided_slice %add3A_21 {offsets = [0, 0], sizes = [64, 256], strides = [1, 1]} : vector<64x1024xf32> to vector<64x256xf32>
    %slice3A_22 = vector.extract_strided_slice %add3A_21 {offsets = [0, 256], sizes = [64, 256], strides = [1, 1]} : vector<64x1024xf32> to vector<64x256xf32>
    %slice3A_23 = vector.extract_strided_slice %add3A_21 {offsets = [0, 512], sizes = [64, 256], strides = [1, 1]} : vector<64x1024xf32> to vector<64x256xf32>
    %slice3A_24 = vector.extract_strided_slice %add3A_21 {offsets = [0, 768], sizes = [64, 256], strides = [1, 1]} : vector<64x1024xf32> to vector<64x256xf32>
    %neg3A = arith.constant 0.000000e+00 : f32
    %neg3A_25 = vector.broadcast %neg3A : f32 to vector<64x256xf32>
    %neg3A_26 = arith.subf %neg3A_25, %slice3A_22 : vector<64x256xf32>
    %exp3A = math.exp %neg3A_26 : vector<64x256xf32>
    %add3A_27 = arith.constant 1.000000e+00 : f32
    %add3A_28 = vector.broadcast %add3A_27 : f32 to vector<64x256xf32>
    %add3A_29 = arith.addf %add3A_28, %exp3A : vector<64x256xf32>
    %div3A = arith.constant 1.000000e+00 : f32
    %div3A_30 = vector.broadcast %div3A : f32 to vector<64x256xf32>
    %div3A_31 = arith.divf %div3A_30, %add3A_29 : vector<64x256xf32>
    %mul3A = arith.mulf %div3A_31, %broadcast_in_dim3A_14 : vector<64x256xf32>
    %neg3A_32 = arith.constant 0.000000e+00 : f32
    %neg3A_33 = vector.broadcast %neg3A_32 : f32 to vector<64x256xf32>
    %neg3A_34 = arith.subf %neg3A_33, %slice3A : vector<64x256xf32>
    %exp3A_35 = math.exp %neg3A_34 : vector<64x256xf32>
    %add3A_36 = arith.constant 1.000000e+00 : f32
    %add3A_37 = vector.broadcast %add3A_36 : f32 to vector<64x256xf32>
    %add3A_38 = arith.addf %add3A_37, %exp3A_35 : vector<64x256xf32>
    %div3A_39 = arith.constant 1.000000e+00 : f32
    %div3A_40 = vector.broadcast %div3A_39 : f32 to vector<64x256xf32>
    %div3A_41 = arith.divf %div3A_40, %add3A_38 : vector<64x256xf32>
    %tanh3A = math.tanh %slice3A_23 : vector<64x256xf32>
    %mul3A_42 = arith.mulf %div3A_41, %tanh3A : vector<64x256xf32>
    %add3A_43 = arith.addf %mul3A, %mul3A_42 : vector<64x256xf32>
    %neg3A_44 = arith.constant 0.000000e+00 : f32
    %neg3A_45 = vector.broadcast %neg3A_44 : f32 to vector<64x256xf32>
    %neg3A_46 = arith.subf %neg3A_45, %slice3A_24 : vector<64x256xf32>
    %exp3A_47 = math.exp %neg3A_46 : vector<64x256xf32>
    %add3A_48 = arith.constant 1.000000e+00 : f32
    %add3A_49 = vector.broadcast %add3A_48 : f32 to vector<64x256xf32>
    %add3A_50 = arith.addf %add3A_49, %exp3A_47 : vector<64x256xf32>
    %div3A_51 = arith.constant 1.000000e+00 : f32
    %div3A_52 = vector.broadcast %div3A_51 : f32 to vector<64x256xf32>
    %div3A_53 = arith.divf %div3A_52, %add3A_50 : vector<64x256xf32>
    %tanh3A_54 = math.tanh %add3A_43 : vector<64x256xf32>
    %mul3A_55 = arith.mulf %div3A_53, %tanh3A_54 : vector<64x256xf32>
    %scan3A = arith.constant 0 : i32
    %scan3A_56 = arith.constant 10 : i32
    %scan3A_57 = arith.addi %scan3A, %scan3A_56 : i32
    %scan3A_58 = arith.constant 1 : i32
    scf.for %scan3A_332 = %scan3A to %scan3A_57 step %scan3A_58  : i32 {
      %mul3A_333 = arith.constant 1000 : i32
      %mul3A_334 = arith.muli %scan3A_332, %mul3A_333 : i32
      %get3A_335 = arith.index_cast %mul3A_334 : i32 to index
      %get3A_336 = arith.constant 0 : index
      %get3A_337 = vector.load %arg0[%get3A_335, %get3A_336] : memref<10000x256xf32, #tpu.memory_space<vmem>>, vector<1000x256xf32>
      %get3A_338 = arith.index_cast %mul3A_334 : i32 to index
      %get3A_339 = arith.constant 0 : index
      %get3A_340 = vector.load %arg1[%get3A_338, %get3A_339] : memref<10000x1xi32, #tpu.memory_space<vmem>>, vector<1000x1xi32>
      %iota3A_341 = tpu.iota {dimensions = array<i32: 1>} : vector<1000x64xi32>
      %eq3A_342 = vector.broadcast %get3A_340 : vector<1000x1xi32> to vector<1000x64xi32>
      %eq3A_343 = arith.cmpi eq, %eq3A_342, %iota3A_341 : vector<1000x64xi32>
      %dot_general3A_344 = arith.constant dense<0.000000e+00> : vector<1000x64xf32>
      %dot_general3A_345 = tpu.matmul %get3A_337, %mul3A_55, %dot_general3A_344 {dimension_numbers = #tpu.dot_dimension_numbers<[1], [1], [0], [0], [0, 0, 1, 0], [], []>, precision = #tpu.contract_precision<fp32>, transpose_lhs_hint = false} : vector<1000x256xf32>, vector<64x256xf32>, vector<1000x64xf32> -> vector<1000x64xf32>
      %jit3A_346 = arith.constant 0.000000e+00 : f32
      %broadcast_in_dim3A_347 = vector.broadcast %jit3A_346 : f32 to vector<1000x64xf32>
      %select_n3A_348 = arith.select %eq3A_343, %dot_general3A_345, %broadcast_in_dim3A_347 : vector<1000x64xi1>, vector<1000x64xf32>
      %reduce_sum3A_349 = arith.constant dense<0.000000e+00> : vector<1000xf32>
      %reduce_sum3A_350 = vector.multi_reduction <add>, %select_n3A_348, %reduce_sum3A_349 [1] : vector<1000x64xf32> to vector<1000xf32>
      %broadcast_in_dim3A_351 = vector.shape_cast %reduce_sum3A_350 : vector<1000xf32> to vector<1000x1xf32>
      %swap3A_352 = arith.index_cast %mul3A_334 : i32 to index
      %swap3A_353 = arith.constant 0 : index
      %swap3A_354 = vector.load %arg10[%swap3A_352, %swap3A_353] : memref<10000x1xf32, #tpu.memory_space<vmem>>, vector<1000x1xf32>
      tpu.vector_store %arg10[%swap3A_352, %swap3A_353], %broadcast_in_dim3A_351 {strides = array<i32>} : memref<10000x1xf32, #tpu.memory_space<vmem>>, vector<1000x1xf32>,
    }
    %scan3A_59 = arith.constant 10 : i32
    %get3A_60 = arith.constant 0 : index
    %get3A_61 = arith.constant 0 : index
    %get3A_62 = vector.load %arg10[%get3A_60, %get3A_61] : memref<10000x1xf32, #tpu.memory_space<vmem>>, vector<10000x1xf32>
    %jit3A = arith.constant -1.000000e+30 : f32
    %broadcast_in_dim3A_63 = vector.shape_cast %get3A_62 : vector<10000x1xf32> to vector<10000x1xf32>
    %broadcast_in_dim3A_64 = vector.broadcast %broadcast_in_dim3A_63 : vector<10000x1xf32> to vector<10000x64xf32>
    %broadcast_in_dim3A_65 = vector.broadcast %jit3A : f32 to vector<10000x64xf32>
    %select_n3A = arith.select %eq3A_2, %broadcast_in_dim3A_64, %broadcast_in_dim3A_65 : vector<10000x64xi1>, vector<10000x64xf32>
    %reduce_max3A = arith.constant dense<0xFF800000> : vector<64xf32>
    %reduce_max3A_66 = vector.multi_reduction <maximumf>, %select_n3A, %reduce_max3A [0] : vector<10000x64xf32> to vector<64xf32>
    %broadcast_in_dim3A_67 = vector.shape_cast %reduce_max3A_66 : vector<64xf32> to vector<1x64xf32>
    %jit3A_68 = arith.constant 0.000000e+00 : f32
    %broadcast_in_dim3A_69 = vector.shape_cast %broadcast_in_dim3A_67 : vector<1x64xf32> to vector<1x64xf32>
    %broadcast_in_dim3A_70 = vector.broadcast %broadcast_in_dim3A_69 : vector<1x64xf32> to vector<10000x64xf32>
    %broadcast_in_dim3A_71 = vector.broadcast %jit3A_68 : f32 to vector<10000x64xf32>
    %select_n3A_72 = arith.select %eq3A_2, %broadcast_in_dim3A_70, %broadcast_in_dim3A_71 : vector<10000x64xi1>, vector<10000x64xf32>
    %reduce_sum3A = arith.constant dense<0.000000e+00> : vector<10000xf32>
    %reduce_sum3A_73 = vector.multi_reduction <add>, %select_n3A_72, %reduce_sum3A [1] : vector<10000x64xf32> to vector<10000xf32>
    %broadcast_in_dim3A_74 = vector.shape_cast %reduce_sum3A_73 : vector<10000xf32> to vector<10000x1xf32>
    %sub3A = arith.subf %get3A_62, %broadcast_in_dim3A_74 : vector<10000x1xf32>
    %exp3A_75 = math.exp %sub3A : vector<10000x1xf32>
    %jit3A_76 = arith.constant 0.000000e+00 : f32
    %broadcast_in_dim3A_77 = vector.shape_cast %exp3A_75 : vector<10000x1xf32> to vector<10000x1xf32>
    %broadcast_in_dim3A_78 = vector.broadcast %broadcast_in_dim3A_77 : vector<10000x1xf32> to vector<10000x64xf32>
    %broadcast_in_dim3A_79 = vector.broadcast %jit3A_76 : f32 to vector<10000x64xf32>
    %select_n3A_80 = arith.select %eq3A_2, %broadcast_in_dim3A_78, %broadcast_in_dim3A_79 : vector<10000x64xi1>, vector<10000x64xf32>
    %reduce_sum3A_81 = arith.constant dense<0.000000e+00> : vector<64xf32>
    %reduce_sum3A_82 = vector.multi_reduction <add>, %select_n3A_80, %reduce_sum3A_81 [0] : vector<10000x64xf32> to vector<64xf32>
    %broadcast_in_dim3A_83 = vector.shape_cast %reduce_sum3A_82 : vector<64xf32> to vector<1x64xf32>
    %jit3A_84 = arith.constant 0.000000e+00 : f32
    %broadcast_in_dim3A_85 = vector.shape_cast %broadcast_in_dim3A_83 : vector<1x64xf32> to vector<1x64xf32>
    %broadcast_in_dim3A_86 = vector.broadcast %broadcast_in_dim3A_85 : vector<1x64xf32> to vector<10000x64xf32>
    %broadcast_in_dim3A_87 = vector.broadcast %jit3A_84 : f32 to vector<10000x64xf32>
    %select_n3A_88 = arith.select %eq3A_2, %broadcast_in_dim3A_86, %broadcast_in_dim3A_87 : vector<10000x64xi1>, vector<10000x64xf32>
    %reduce_sum3A_89 = arith.constant dense<0.000000e+00> : vector<10000xf32>
    %reduce_sum3A_90 = vector.multi_reduction <add>, %select_n3A_88, %reduce_sum3A_89 [1] : vector<10000x64xf32> to vector<10000xf32>
    %broadcast_in_dim3A_91 = vector.shape_cast %reduce_sum3A_90 : vector<10000xf32> to vector<10000x1xf32>
    %div3A_92 = arith.divf %exp3A_75, %broadcast_in_dim3A_91 : vector<10000x1xf32>
    %swap3A = arith.constant 0 : index
    %swap3A_93 = arith.constant 0 : index
    %swap3A_94 = vector.load %arg11[%swap3A, %swap3A_93] : memref<10000x1xf32, #tpu.memory_space<vmem>>, vector<10000x1xf32>
    tpu.vector_store %arg11[%swap3A, %swap3A_93], %div3A_92 {strides = array<i32>} : memref<10000x1xf32, #tpu.memory_space<vmem>>, vector<10000x1xf32>,
    %broadcast_in_dim3A_95 = arith.constant 0.000000e+00 : f32
    %broadcast_in_dim3A_96 = vector.broadcast %broadcast_in_dim3A_95 : f32 to vector<64x256xf32>
    %scan3A_97 = arith.constant 0 : i32
    %scan3A_98 = arith.constant 10 : i32
    %scan3A_99 = arith.addi %scan3A_97, %scan3A_98 : i32
    %scan3A_100 = arith.constant 1 : i32
    %scan3A_101 = scf.for %scan3A_332 = %scan3A_97 to %scan3A_99 step %scan3A_100 iter_args(%scan3A_333 = %broadcast_in_dim3A_96) -> (vector<64x256xf32>)  : i32 {
      %mul3A_334 = arith.constant 1000 : i32
      %mul3A_335 = arith.muli %scan3A_332, %mul3A_334 : i32
      %get3A_336 = arith.index_cast %mul3A_335 : i32 to index
      %get3A_337 = arith.constant 0 : index
      %get3A_338 = vector.load %arg0[%get3A_336, %get3A_337] : memref<10000x256xf32, #tpu.memory_space<vmem>>, vector<1000x256xf32>
      %get3A_339 = arith.index_cast %mul3A_335 : i32 to index
      %get3A_340 = arith.constant 0 : index
      %get3A_341 = vector.load %arg1[%get3A_339, %get3A_340] : memref<10000x1xi32, #tpu.memory_space<vmem>>, vector<1000x1xi32>
      %iota3A_342 = tpu.iota {dimensions = array<i32: 1>} : vector<1000x64xi32>
      %eq3A_343 = vector.broadcast %get3A_341 : vector<1000x1xi32> to vector<1000x64xi32>
      %eq3A_344 = arith.cmpi eq, %eq3A_343, %iota3A_342 : vector<1000x64xi32>
      %convert_element_type3A = arith.extui %eq3A_344 : vector<1000x64xi1> to vector<1000x64xi32>
      %convert_element_type3A_345 = arith.sitofp %convert_element_type3A : vector<1000x64xi32> to vector<1000x64xf32>
      %get3A_346 = arith.index_cast %mul3A_335 : i32 to index
      %get3A_347 = arith.constant 0 : index
      %get3A_348 = vector.load %arg11[%get3A_346, %get3A_347] : memref<10000x1xf32, #tpu.memory_space<vmem>>, vector<1000x1xf32>
      %mul3A_349 = vector.broadcast %get3A_348 : vector<1000x1xf32> to vector<1000x64xf32>
      %mul3A_350 = arith.mulf %convert_element_type3A_345, %mul3A_349 : vector<1000x64xf32>
      %dot_general3A_351 = arith.constant dense<0.000000e+00> : vector<64x256xf32>
      %dot_general3A_352 = tpu.matmul %mul3A_350, %get3A_338, %dot_general3A_351 {dimension_numbers = #tpu.dot_dimension_numbers<[0], [0], [1], [1], [0, 1, 1, 1], [], []>, precision = #tpu.contract_precision<fp32>, transpose_lhs_hint = false} : vector<1000x64xf32>, vector<1000x256xf32>, vector<64x256xf32> -> vector<64x256xf32>
      %add3A_353 = arith.addf %scan3A_333, %dot_general3A_352 : vector<64x256xf32>
      scf.yield %add3A_353 : vector<64x256xf32>
    }
    %scan3A_102 = arith.constant 10 : i32
    %concatenate3A = tpu.concatenate %mul3A_55, %scan3A_101 in 1 : vector<64x256xf32>, vector<64x256xf32> -> vector<64x512xf32>
    %dot_general3A_103 = arith.constant dense<0.000000e+00> : vector<64x1024xf32>
    %dot_general3A_104 = tpu.matmul %concatenate3A, %get3A_5, %dot_general3A_103 {dimension_numbers = #tpu.dot_dimension_numbers<[1], [0], [0], [1], [0, 0, 1, 1], [], []>, transpose_lhs_hint = false} : vector<64x512xf32>, vector<512x1024xf32>, vector<64x1024xf32> -> vector<64x1024xf32>
    %dot_general3A_105 = arith.constant dense<0.000000e+00> : vector<64x1024xf32>
    %dot_general3A_106 = tpu.matmul %mul3A_55, %get3A_8, %dot_general3A_105 {dimension_numbers = #tpu.dot_dimension_numbers<[1], [0], [0], [1], [0, 0, 1, 1], [], []>, transpose_lhs_hint = false} : vector<64x256xf32>, vector<256x1024xf32>, vector<64x1024xf32> -> vector<64x1024xf32>
    %add3A_107 = arith.addf %dot_general3A_104, %dot_general3A_106 : vector<64x1024xf32>
    %add3A_108 = vector.broadcast %get3A_11 : vector<1x1024xf32> to vector<64x1024xf32>
    %add3A_109 = arith.addf %add3A_107, %add3A_108 : vector<64x1024xf32>
    %slice3A_110 = vector.extract_strided_slice %add3A_109 {offsets = [0, 0], sizes = [64, 256], strides = [1, 1]} : vector<64x1024xf32> to vector<64x256xf32>
    %slice3A_111 = vector.extract_strided_slice %add3A_109 {offsets = [0, 256], sizes = [64, 256], strides = [1, 1]} : vector<64x1024xf32> to vector<64x256xf32>
    %slice3A_112 = vector.extract_strided_slice %add3A_109 {offsets = [0, 512], sizes = [64, 256], strides = [1, 1]} : vector<64x1024xf32> to vector<64x256xf32>
    %slice3A_113 = vector.extract_strided_slice %add3A_109 {offsets = [0, 768], sizes = [64, 256], strides = [1, 1]} : vector<64x1024xf32> to vector<64x256xf32>
    %neg3A_114 = arith.constant 0.000000e+00 : f32
    %neg3A_115 = vector.broadcast %neg3A_114 : f32 to vector<64x256xf32>
    %neg3A_116 = arith.subf %neg3A_115, %slice3A_111 : vector<64x256xf32>
    %exp3A_117 = math.exp %neg3A_116 : vector<64x256xf32>
    %add3A_118 = arith.constant 1.000000e+00 : f32
    %add3A_119 = vector.broadcast %add3A_118 : f32 to vector<64x256xf32>
    %add3A_120 = arith.addf %add3A_119, %exp3A_117 : vector<64x256xf32>
    %div3A_121 = arith.constant 1.000000e+00 : f32
    %div3A_122 = vector.broadcast %div3A_121 : f32 to vector<64x256xf32>
    %div3A_123 = arith.divf %div3A_122, %add3A_120 : vector<64x256xf32>
    %mul3A_124 = arith.mulf %div3A_123, %add3A_43 : vector<64x256xf32>
    %neg3A_125 = arith.constant 0.000000e+00 : f32
    %neg3A_126 = vector.broadcast %neg3A_125 : f32 to vector<64x256xf32>
    %neg3A_127 = arith.subf %neg3A_126, %slice3A_110 : vector<64x256xf32>
    %exp3A_128 = math.exp %neg3A_127 : vector<64x256xf32>
    %add3A_129 = arith.constant 1.000000e+00 : f32
    %add3A_130 = vector.broadcast %add3A_129 : f32 to vector<64x256xf32>
    %add3A_131 = arith.addf %add3A_130, %exp3A_128 : vector<64x256xf32>
    %div3A_132 = arith.constant 1.000000e+00 : f32
    %div3A_133 = vector.broadcast %div3A_132 : f32 to vector<64x256xf32>
    %div3A_134 = arith.divf %div3A_133, %add3A_131 : vector<64x256xf32>
    %tanh3A_135 = math.tanh %slice3A_112 : vector<64x256xf32>
    %mul3A_136 = arith.mulf %div3A_134, %tanh3A_135 : vector<64x256xf32>
    %add3A_137 = arith.addf %mul3A_124, %mul3A_136 : vector<64x256xf32>
    %neg3A_138 = arith.constant 0.000000e+00 : f32
    %neg3A_139 = vector.broadcast %neg3A_138 : f32 to vector<64x256xf32>
    %neg3A_140 = arith.subf %neg3A_139, %slice3A_113 : vector<64x256xf32>
    %exp3A_141 = math.exp %neg3A_140 : vector<64x256xf32>
    %add3A_142 = arith.constant 1.000000e+00 : f32
    %add3A_143 = vector.broadcast %add3A_142 : f32 to vector<64x256xf32>
    %add3A_144 = arith.addf %add3A_143, %exp3A_141 : vector<64x256xf32>
    %div3A_145 = arith.constant 1.000000e+00 : f32
    %div3A_146 = vector.broadcast %div3A_145 : f32 to vector<64x256xf32>
    %div3A_147 = arith.divf %div3A_146, %add3A_144 : vector<64x256xf32>
    %tanh3A_148 = math.tanh %add3A_137 : vector<64x256xf32>
    %mul3A_149 = arith.mulf %div3A_147, %tanh3A_148 : vector<64x256xf32>
    %scan3A_150 = arith.constant 0 : i32
    %scan3A_151 = arith.constant 10 : i32
    %scan3A_152 = arith.addi %scan3A_150, %scan3A_151 : i32
    %scan3A_153 = arith.constant 1 : i32
    scf.for %scan3A_332 = %scan3A_150 to %scan3A_152 step %scan3A_153  : i32 {
      %mul3A_333 = arith.constant 1000 : i32
      %mul3A_334 = arith.muli %scan3A_332, %mul3A_333 : i32
      %get3A_335 = arith.index_cast %mul3A_334 : i32 to index
      %get3A_336 = arith.constant 0 : index
      %get3A_337 = vector.load %arg0[%get3A_335, %get3A_336] : memref<10000x256xf32, #tpu.memory_space<vmem>>, vector<1000x256xf32>
      %get3A_338 = arith.index_cast %mul3A_334 : i32 to index
      %get3A_339 = arith.constant 0 : index
      %get3A_340 = vector.load %arg1[%get3A_338, %get3A_339] : memref<10000x1xi32, #tpu.memory_space<vmem>>, vector<1000x1xi32>
      %iota3A_341 = tpu.iota {dimensions = array<i32: 1>} : vector<1000x64xi32>
      %eq3A_342 = vector.broadcast %get3A_340 : vector<1000x1xi32> to vector<1000x64xi32>
      %eq3A_343 = arith.cmpi eq, %eq3A_342, %iota3A_341 : vector<1000x64xi32>
      %dot_general3A_344 = arith.constant dense<0.000000e+00> : vector<1000x64xf32>
      %dot_general3A_345 = tpu.matmul %get3A_337, %mul3A_149, %dot_general3A_344 {dimension_numbers = #tpu.dot_dimension_numbers<[1], [1], [0], [0], [0, 0, 1, 0], [], []>, precision = #tpu.contract_precision<fp32>, transpose_lhs_hint = false} : vector<1000x256xf32>, vector<64x256xf32>, vector<1000x64xf32> -> vector<1000x64xf32>
      %jit3A_346 = arith.constant 0.000000e+00 : f32
      %broadcast_in_dim3A_347 = vector.broadcast %jit3A_346 : f32 to vector<1000x64xf32>
      %select_n3A_348 = arith.select %eq3A_343, %dot_general3A_345, %broadcast_in_dim3A_347 : vector<1000x64xi1>, vector<1000x64xf32>
      %reduce_sum3A_349 = arith.constant dense<0.000000e+00> : vector<1000xf32>
      %reduce_sum3A_350 = vector.multi_reduction <add>, %select_n3A_348, %reduce_sum3A_349 [1] : vector<1000x64xf32> to vector<1000xf32>
      %broadcast_in_dim3A_351 = vector.shape_cast %reduce_sum3A_350 : vector<1000xf32> to vector<1000x1xf32>
      %swap3A_352 = arith.index_cast %mul3A_334 : i32 to index
      %swap3A_353 = arith.constant 0 : index
      %swap3A_354 = vector.load %arg10[%swap3A_352, %swap3A_353] : memref<10000x1xf32, #tpu.memory_space<vmem>>, vector<1000x1xf32>
      tpu.vector_store %arg10[%swap3A_352, %swap3A_353], %broadcast_in_dim3A_351 {strides = array<i32>} : memref<10000x1xf32, #tpu.memory_space<vmem>>, vector<1000x1xf32>,
    }
    %scan3A_154 = arith.constant 10 : i32
    %get3A_155 = arith.constant 0 : index
    %get3A_156 = arith.constant 0 : index
    %get3A_157 = vector.load %arg10[%get3A_155, %get3A_156] : memref<10000x1xf32, #tpu.memory_space<vmem>>, vector<10000x1xf32>
    %jit3A_158 = arith.constant -1.000000e+30 : f32
    %broadcast_in_dim3A_159 = vector.shape_cast %get3A_157 : vector<10000x1xf32> to vector<10000x1xf32>
    %broadcast_in_dim3A_160 = vector.broadcast %broadcast_in_dim3A_159 : vector<10000x1xf32> to vector<10000x64xf32>
    %broadcast_in_dim3A_161 = vector.broadcast %jit3A_158 : f32 to vector<10000x64xf32>
    %select_n3A_162 = arith.select %eq3A_2, %broadcast_in_dim3A_160, %broadcast_in_dim3A_161 : vector<10000x64xi1>, vector<10000x64xf32>
    %reduce_max3A_163 = arith.constant dense<0xFF800000> : vector<64xf32>
    %reduce_max3A_164 = vector.multi_reduction <maximumf>, %select_n3A_162, %reduce_max3A_163 [0] : vector<10000x64xf32> to vector<64xf32>
    %broadcast_in_dim3A_165 = vector.shape_cast %reduce_max3A_164 : vector<64xf32> to vector<1x64xf32>
    %jit3A_166 = arith.constant 0.000000e+00 : f32
    %broadcast_in_dim3A_167 = vector.shape_cast %broadcast_in_dim3A_165 : vector<1x64xf32> to vector<1x64xf32>
    %broadcast_in_dim3A_168 = vector.broadcast %broadcast_in_dim3A_167 : vector<1x64xf32> to vector<10000x64xf32>
    %broadcast_in_dim3A_169 = vector.broadcast %jit3A_166 : f32 to vector<10000x64xf32>
    %select_n3A_170 = arith.select %eq3A_2, %broadcast_in_dim3A_168, %broadcast_in_dim3A_169 : vector<10000x64xi1>, vector<10000x64xf32>
    %reduce_sum3A_171 = arith.constant dense<0.000000e+00> : vector<10000xf32>
    %reduce_sum3A_172 = vector.multi_reduction <add>, %select_n3A_170, %reduce_sum3A_171 [1] : vector<10000x64xf32> to vector<10000xf32>
    %broadcast_in_dim3A_173 = vector.shape_cast %reduce_sum3A_172 : vector<10000xf32> to vector<10000x1xf32>
    %sub3A_174 = arith.subf %get3A_157, %broadcast_in_dim3A_173 : vector<10000x1xf32>
    %exp3A_175 = math.exp %sub3A_174 : vector<10000x1xf32>
    %jit3A_176 = arith.constant 0.000000e+00 : f32
    %broadcast_in_dim3A_177 = vector.shape_cast %exp3A_175 : vector<10000x1xf32> to vector<10000x1xf32>
    %broadcast_in_dim3A_178 = vector.broadcast %broadcast_in_dim3A_177 : vector<10000x1xf32> to vector<10000x64xf32>
    %broadcast_in_dim3A_179 = vector.broadcast %jit3A_176 : f32 to vector<10000x64xf32>
    %select_n3A_180 = arith.select %eq3A_2, %broadcast_in_dim3A_178, %broadcast_in_dim3A_179 : vector<10000x64xi1>, vector<10000x64xf32>
    %reduce_sum3A_181 = arith.constant dense<0.000000e+00> : vector<64xf32>
    %reduce_sum3A_182 = vector.multi_reduction <add>, %select_n3A_180, %reduce_sum3A_181 [0] : vector<10000x64xf32> to vector<64xf32>
    %broadcast_in_dim3A_183 = vector.shape_cast %reduce_sum3A_182 : vector<64xf32> to vector<1x64xf32>
    %jit3A_184 = arith.constant 0.000000e+00 : f32
    %broadcast_in_dim3A_185 = vector.shape_cast %broadcast_in_dim3A_183 : vector<1x64xf32> to vector<1x64xf32>
    %broadcast_in_dim3A_186 = vector.broadcast %broadcast_in_dim3A_185 : vector<1x64xf32> to vector<10000x64xf32>
    %broadcast_in_dim3A_187 = vector.broadcast %jit3A_184 : f32 to vector<10000x64xf32>
    %select_n3A_188 = arith.select %eq3A_2, %broadcast_in_dim3A_186, %broadcast_in_dim3A_187 : vector<10000x64xi1>, vector<10000x64xf32>
    %reduce_sum3A_189 = arith.constant dense<0.000000e+00> : vector<10000xf32>
    %reduce_sum3A_190 = vector.multi_reduction <add>, %select_n3A_188, %reduce_sum3A_189 [1] : vector<10000x64xf32> to vector<10000xf32>
    %broadcast_in_dim3A_191 = vector.shape_cast %reduce_sum3A_190 : vector<10000xf32> to vector<10000x1xf32>
    %div3A_192 = arith.divf %exp3A_175, %broadcast_in_dim3A_191 : vector<10000x1xf32>
    %swap3A_193 = arith.constant 0 : index
    %swap3A_194 = arith.constant 0 : index
    %swap3A_195 = vector.load %arg11[%swap3A_193, %swap3A_194] : memref<10000x1xf32, #tpu.memory_space<vmem>>, vector<10000x1xf32>
    tpu.vector_store %arg11[%swap3A_193, %swap3A_194], %div3A_192 {strides = array<i32>} : memref<10000x1xf32, #tpu.memory_space<vmem>>, vector<10000x1xf32>,
    %broadcast_in_dim3A_196 = arith.constant 0.000000e+00 : f32
    %broadcast_in_dim3A_197 = vector.broadcast %broadcast_in_dim3A_196 : f32 to vector<64x256xf32>
    %scan3A_198 = arith.constant 0 : i32
    %scan3A_199 = arith.constant 10 : i32
    %scan3A_200 = arith.addi %scan3A_198, %scan3A_199 : i32
    %scan3A_201 = arith.constant 1 : i32
    %scan3A_202 = scf.for %scan3A_332 = %scan3A_198 to %scan3A_200 step %scan3A_201 iter_args(%scan3A_333 = %broadcast_in_dim3A_197) -> (vector<64x256xf32>)  : i32 {
      %mul3A_334 = arith.constant 1000 : i32
      %mul3A_335 = arith.muli %scan3A_332, %mul3A_334 : i32
      %get3A_336 = arith.index_cast %mul3A_335 : i32 to index
      %get3A_337 = arith.constant 0 : index
      %get3A_338 = vector.load %arg0[%get3A_336, %get3A_337] : memref<10000x256xf32, #tpu.memory_space<vmem>>, vector<1000x256xf32>
      %get3A_339 = arith.index_cast %mul3A_335 : i32 to index
      %get3A_340 = arith.constant 0 : index
      %get3A_341 = vector.load %arg1[%get3A_339, %get3A_340] : memref<10000x1xi32, #tpu.memory_space<vmem>>, vector<1000x1xi32>
      %iota3A_342 = tpu.iota {dimensions = array<i32: 1>} : vector<1000x64xi32>
      %eq3A_343 = vector.broadcast %get3A_341 : vector<1000x1xi32> to vector<1000x64xi32>
      %eq3A_344 = arith.cmpi eq, %eq3A_343, %iota3A_342 : vector<1000x64xi32>
      %convert_element_type3A = arith.extui %eq3A_344 : vector<1000x64xi1> to vector<1000x64xi32>
      %convert_element_type3A_345 = arith.sitofp %convert_element_type3A : vector<1000x64xi32> to vector<1000x64xf32>
      %get3A_346 = arith.index_cast %mul3A_335 : i32 to index
      %get3A_347 = arith.constant 0 : index
      %get3A_348 = vector.load %arg11[%get3A_346, %get3A_347] : memref<10000x1xf32, #tpu.memory_space<vmem>>, vector<1000x1xf32>
      %mul3A_349 = vector.broadcast %get3A_348 : vector<1000x1xf32> to vector<1000x64xf32>
      %mul3A_350 = arith.mulf %convert_element_type3A_345, %mul3A_349 : vector<1000x64xf32>
      %dot_general3A_351 = arith.constant dense<0.000000e+00> : vector<64x256xf32>
      %dot_general3A_352 = tpu.matmul %mul3A_350, %get3A_338, %dot_general3A_351 {dimension_numbers = #tpu.dot_dimension_numbers<[0], [0], [1], [1], [0, 1, 1, 1], [], []>, precision = #tpu.contract_precision<fp32>, transpose_lhs_hint = false} : vector<1000x64xf32>, vector<1000x256xf32>, vector<64x256xf32> -> vector<64x256xf32>
      %add3A_353 = arith.addf %scan3A_333, %dot_general3A_352 : vector<64x256xf32>
      scf.yield %add3A_353 : vector<64x256xf32>
    }
    %scan3A_203 = arith.constant 10 : i32
    %concatenate3A_204 = tpu.concatenate %mul3A_149, %scan3A_202 in 1 : vector<64x256xf32>, vector<64x256xf32> -> vector<64x512xf32>
    %dot_general3A_205 = arith.constant dense<0.000000e+00> : vector<64x1024xf32>
    %dot_general3A_206 = tpu.matmul %concatenate3A_204, %get3A_5, %dot_general3A_205 {dimension_numbers = #tpu.dot_dimension_numbers<[1], [0], [0], [1], [0, 0, 1, 1], [], []>, transpose_lhs_hint = false} : vector<64x512xf32>, vector<512x1024xf32>, vector<64x1024xf32> -> vector<64x1024xf32>
    %dot_general3A_207 = arith.constant dense<0.000000e+00> : vector<64x1024xf32>
    %dot_general3A_208 = tpu.matmul %mul3A_149, %get3A_8, %dot_general3A_207 {dimension_numbers = #tpu.dot_dimension_numbers<[1], [0], [0], [1], [0, 0, 1, 1], [], []>, transpose_lhs_hint = false} : vector<64x256xf32>, vector<256x1024xf32>, vector<64x1024xf32> -> vector<64x1024xf32>
    %add3A_209 = arith.addf %dot_general3A_206, %dot_general3A_208 : vector<64x1024xf32>
    %add3A_210 = vector.broadcast %get3A_11 : vector<1x1024xf32> to vector<64x1024xf32>
    %add3A_211 = arith.addf %add3A_209, %add3A_210 : vector<64x1024xf32>
    %slice3A_212 = vector.extract_strided_slice %add3A_211 {offsets = [0, 0], sizes = [64, 256], strides = [1, 1]} : vector<64x1024xf32> to vector<64x256xf32>
    %slice3A_213 = vector.extract_strided_slice %add3A_211 {offsets = [0, 256], sizes = [64, 256], strides = [1, 1]} : vector<64x1024xf32> to vector<64x256xf32>
    %slice3A_214 = vector.extract_strided_slice %add3A_211 {offsets = [0, 512], sizes = [64, 256], strides = [1, 1]} : vector<64x1024xf32> to vector<64x256xf32>
    %slice3A_215 = vector.extract_strided_slice %add3A_211 {offsets = [0, 768], sizes = [64, 256], strides = [1, 1]} : vector<64x1024xf32> to vector<64x256xf32>
    %neg3A_216 = arith.constant 0.000000e+00 : f32
    %neg3A_217 = vector.broadcast %neg3A_216 : f32 to vector<64x256xf32>
    %neg3A_218 = arith.subf %neg3A_217, %slice3A_213 : vector<64x256xf32>
    %exp3A_219 = math.exp %neg3A_218 : vector<64x256xf32>
    %add3A_220 = arith.constant 1.000000e+00 : f32
    %add3A_221 = vector.broadcast %add3A_220 : f32 to vector<64x256xf32>
    %add3A_222 = arith.addf %add3A_221, %exp3A_219 : vector<64x256xf32>
    %div3A_223 = arith.constant 1.000000e+00 : f32
    %div3A_224 = vector.broadcast %div3A_223 : f32 to vector<64x256xf32>
    %div3A_225 = arith.divf %div3A_224, %add3A_222 : vector<64x256xf32>
    %mul3A_226 = arith.mulf %div3A_225, %add3A_137 : vector<64x256xf32>
    %neg3A_227 = arith.constant 0.000000e+00 : f32
    %neg3A_228 = vector.broadcast %neg3A_227 : f32 to vector<64x256xf32>
    %neg3A_229 = arith.subf %neg3A_228, %slice3A_212 : vector<64x256xf32>
    %exp3A_230 = math.exp %neg3A_229 : vector<64x256xf32>
    %add3A_231 = arith.constant 1.000000e+00 : f32
    %add3A_232 = vector.broadcast %add3A_231 : f32 to vector<64x256xf32>
    %add3A_233 = arith.addf %add3A_232, %exp3A_230 : vector<64x256xf32>
    %div3A_234 = arith.constant 1.000000e+00 : f32
    %div3A_235 = vector.broadcast %div3A_234 : f32 to vector<64x256xf32>
    %div3A_236 = arith.divf %div3A_235, %add3A_233 : vector<64x256xf32>
    %tanh3A_237 = math.tanh %slice3A_214 : vector<64x256xf32>
    %mul3A_238 = arith.mulf %div3A_236, %tanh3A_237 : vector<64x256xf32>
    %add3A_239 = arith.addf %mul3A_226, %mul3A_238 : vector<64x256xf32>
    %neg3A_240 = arith.constant 0.000000e+00 : f32
    %neg3A_241 = vector.broadcast %neg3A_240 : f32 to vector<64x256xf32>
    %neg3A_242 = arith.subf %neg3A_241, %slice3A_215 : vector<64x256xf32>
    %exp3A_243 = math.exp %neg3A_242 : vector<64x256xf32>
    %add3A_244 = arith.constant 1.000000e+00 : f32
    %add3A_245 = vector.broadcast %add3A_244 : f32 to vector<64x256xf32>
    %add3A_246 = arith.addf %add3A_245, %exp3A_243 : vector<64x256xf32>
    %div3A_247 = arith.constant 1.000000e+00 : f32
    %div3A_248 = vector.broadcast %div3A_247 : f32 to vector<64x256xf32>
    %div3A_249 = arith.divf %div3A_248, %add3A_246 : vector<64x256xf32>
    %tanh3A_250 = math.tanh %add3A_239 : vector<64x256xf32>
    %mul3A_251 = arith.mulf %div3A_249, %tanh3A_250 : vector<64x256xf32>
    %scan3A_252 = arith.constant 0 : i32
    %scan3A_253 = arith.constant 10 : i32
    %scan3A_254 = arith.addi %scan3A_252, %scan3A_253 : i32
    %scan3A_255 = arith.constant 1 : i32
    scf.for %scan3A_332 = %scan3A_252 to %scan3A_254 step %scan3A_255  : i32 {
      %mul3A_333 = arith.constant 1000 : i32
      %mul3A_334 = arith.muli %scan3A_332, %mul3A_333 : i32
      %get3A_335 = arith.index_cast %mul3A_334 : i32 to index
      %get3A_336 = arith.constant 0 : index
      %get3A_337 = vector.load %arg0[%get3A_335, %get3A_336] : memref<10000x256xf32, #tpu.memory_space<vmem>>, vector<1000x256xf32>
      %get3A_338 = arith.index_cast %mul3A_334 : i32 to index
      %get3A_339 = arith.constant 0 : index
      %get3A_340 = vector.load %arg1[%get3A_338, %get3A_339] : memref<10000x1xi32, #tpu.memory_space<vmem>>, vector<1000x1xi32>
      %iota3A_341 = tpu.iota {dimensions = array<i32: 1>} : vector<1000x64xi32>
      %eq3A_342 = vector.broadcast %get3A_340 : vector<1000x1xi32> to vector<1000x64xi32>
      %eq3A_343 = arith.cmpi eq, %eq3A_342, %iota3A_341 : vector<1000x64xi32>
      %dot_general3A_344 = arith.constant dense<0.000000e+00> : vector<1000x64xf32>
      %dot_general3A_345 = tpu.matmul %get3A_337, %mul3A_251, %dot_general3A_344 {dimension_numbers = #tpu.dot_dimension_numbers<[1], [1], [0], [0], [0, 0, 1, 0], [], []>, precision = #tpu.contract_precision<fp32>, transpose_lhs_hint = false} : vector<1000x256xf32>, vector<64x256xf32>, vector<1000x64xf32> -> vector<1000x64xf32>
      %jit3A_346 = arith.constant 0.000000e+00 : f32
      %broadcast_in_dim3A_347 = vector.broadcast %jit3A_346 : f32 to vector<1000x64xf32>
      %select_n3A_348 = arith.select %eq3A_343, %dot_general3A_345, %broadcast_in_dim3A_347 : vector<1000x64xi1>, vector<1000x64xf32>
      %reduce_sum3A_349 = arith.constant dense<0.000000e+00> : vector<1000xf32>
      %reduce_sum3A_350 = vector.multi_reduction <add>, %select_n3A_348, %reduce_sum3A_349 [1] : vector<1000x64xf32> to vector<1000xf32>
      %broadcast_in_dim3A_351 = vector.shape_cast %reduce_sum3A_350 : vector<1000xf32> to vector<1000x1xf32>
      %swap3A_352 = arith.index_cast %mul3A_334 : i32 to index
      %swap3A_353 = arith.constant 0 : index
      %swap3A_354 = vector.load %arg10[%swap3A_352, %swap3A_353] : memref<10000x1xf32, #tpu.memory_space<vmem>>, vector<1000x1xf32>
      tpu.vector_store %arg10[%swap3A_352, %swap3A_353], %broadcast_in_dim3A_351 {strides = array<i32>} : memref<10000x1xf32, #tpu.memory_space<vmem>>, vector<1000x1xf32>,
    }
    %scan3A_256 = arith.constant 10 : i32
    %get3A_257 = arith.constant 0 : index
    %get3A_258 = arith.constant 0 : index
    %get3A_259 = vector.load %arg10[%get3A_257, %get3A_258] : memref<10000x1xf32, #tpu.memory_space<vmem>>, vector<10000x1xf32>
    %jit3A_260 = arith.constant -1.000000e+30 : f32
    %broadcast_in_dim3A_261 = vector.shape_cast %get3A_259 : vector<10000x1xf32> to vector<10000x1xf32>
    %broadcast_in_dim3A_262 = vector.broadcast %broadcast_in_dim3A_261 : vector<10000x1xf32> to vector<10000x64xf32>
    %broadcast_in_dim3A_263 = vector.broadcast %jit3A_260 : f32 to vector<10000x64xf32>
    %select_n3A_264 = arith.select %eq3A_2, %broadcast_in_dim3A_262, %broadcast_in_dim3A_263 : vector<10000x64xi1>, vector<10000x64xf32>
    %reduce_max3A_265 = arith.constant dense<0xFF800000> : vector<64xf32>
    %reduce_max3A_266 = vector.multi_reduction <maximumf>, %select_n3A_264, %reduce_max3A_265 [0] : vector<10000x64xf32> to vector<64xf32>
    %broadcast_in_dim3A_267 = vector.shape_cast %reduce_max3A_266 : vector<64xf32> to vector<1x64xf32>
    %jit3A_268 = arith.constant 0.000000e+00 : f32
    %broadcast_in_dim3A_269 = vector.shape_cast %broadcast_in_dim3A_267 : vector<1x64xf32> to vector<1x64xf32>
    %broadcast_in_dim3A_270 = vector.broadcast %broadcast_in_dim3A_269 : vector<1x64xf32> to vector<10000x64xf32>
    %broadcast_in_dim3A_271 = vector.broadcast %jit3A_268 : f32 to vector<10000x64xf32>
    %select_n3A_272 = arith.select %eq3A_2, %broadcast_in_dim3A_270, %broadcast_in_dim3A_271 : vector<10000x64xi1>, vector<10000x64xf32>
    %reduce_sum3A_273 = arith.constant dense<0.000000e+00> : vector<10000xf32>
    %reduce_sum3A_274 = vector.multi_reduction <add>, %select_n3A_272, %reduce_sum3A_273 [1] : vector<10000x64xf32> to vector<10000xf32>
    %broadcast_in_dim3A_275 = vector.shape_cast %reduce_sum3A_274 : vector<10000xf32> to vector<10000x1xf32>
    %sub3A_276 = arith.subf %get3A_259, %broadcast_in_dim3A_275 : vector<10000x1xf32>
    %exp3A_277 = math.exp %sub3A_276 : vector<10000x1xf32>
    %jit3A_278 = arith.constant 0.000000e+00 : f32
    %broadcast_in_dim3A_279 = vector.shape_cast %exp3A_277 : vector<10000x1xf32> to vector<10000x1xf32>
    %broadcast_in_dim3A_280 = vector.broadcast %broadcast_in_dim3A_279 : vector<10000x1xf32> to vector<10000x64xf32>
    %broadcast_in_dim3A_281 = vector.broadcast %jit3A_278 : f32 to vector<10000x64xf32>
    %select_n3A_282 = arith.select %eq3A_2, %broadcast_in_dim3A_280, %broadcast_in_dim3A_281 : vector<10000x64xi1>, vector<10000x64xf32>
    %reduce_sum3A_283 = arith.constant dense<0.000000e+00> : vector<64xf32>
    %reduce_sum3A_284 = vector.multi_reduction <add>, %select_n3A_282, %reduce_sum3A_283 [0] : vector<10000x64xf32> to vector<64xf32>
    %broadcast_in_dim3A_285 = vector.shape_cast %reduce_sum3A_284 : vector<64xf32> to vector<1x64xf32>
    %jit3A_286 = arith.constant 0.000000e+00 : f32
    %broadcast_in_dim3A_287 = vector.shape_cast %broadcast_in_dim3A_285 : vector<1x64xf32> to vector<1x64xf32>
    %broadcast_in_dim3A_288 = vector.broadcast %broadcast_in_dim3A_287 : vector<1x64xf32> to vector<10000x64xf32>
    %broadcast_in_dim3A_289 = vector.broadcast %jit3A_286 : f32 to vector<10000x64xf32>
    %select_n3A_290 = arith.select %eq3A_2, %broadcast_in_dim3A_288, %broadcast_in_dim3A_289 : vector<10000x64xi1>, vector<10000x64xf32>
    %reduce_sum3A_291 = arith.constant dense<0.000000e+00> : vector<10000xf32>
    %reduce_sum3A_292 = vector.multi_reduction <add>, %select_n3A_290, %reduce_sum3A_291 [1] : vector<10000x64xf32> to vector<10000xf32>
    %broadcast_in_dim3A_293 = vector.shape_cast %reduce_sum3A_292 : vector<10000xf32> to vector<10000x1xf32>
    %div3A_294 = arith.divf %exp3A_277, %broadcast_in_dim3A_293 : vector<10000x1xf32>
    %swap3A_295 = arith.constant 0 : index
    %swap3A_296 = arith.constant 0 : index
    %swap3A_297 = vector.load %arg11[%swap3A_295, %swap3A_296] : memref<10000x1xf32, #tpu.memory_space<vmem>>, vector<10000x1xf32>
    tpu.vector_store %arg11[%swap3A_295, %swap3A_296], %div3A_294 {strides = array<i32>} : memref<10000x1xf32, #tpu.memory_space<vmem>>, vector<10000x1xf32>,
    %broadcast_in_dim3A_298 = arith.constant 0.000000e+00 : f32
    %broadcast_in_dim3A_299 = vector.broadcast %broadcast_in_dim3A_298 : f32 to vector<64x256xf32>
    %scan3A_300 = arith.constant 0 : i32
    %scan3A_301 = arith.constant 10 : i32
    %scan3A_302 = arith.addi %scan3A_300, %scan3A_301 : i32
    %scan3A_303 = arith.constant 1 : i32
    %scan3A_304 = scf.for %scan3A_332 = %scan3A_300 to %scan3A_302 step %scan3A_303 iter_args(%scan3A_333 = %broadcast_in_dim3A_299) -> (vector<64x256xf32>)  : i32 {
      %mul3A_334 = arith.constant 1000 : i32
      %mul3A_335 = arith.muli %scan3A_332, %mul3A_334 : i32
      %get3A_336 = arith.index_cast %mul3A_335 : i32 to index
      %get3A_337 = arith.constant 0 : index
      %get3A_338 = vector.load %arg0[%get3A_336, %get3A_337] : memref<10000x256xf32, #tpu.memory_space<vmem>>, vector<1000x256xf32>
      %get3A_339 = arith.index_cast %mul3A_335 : i32 to index
      %get3A_340 = arith.constant 0 : index
      %get3A_341 = vector.load %arg1[%get3A_339, %get3A_340] : memref<10000x1xi32, #tpu.memory_space<vmem>>, vector<1000x1xi32>
      %iota3A_342 = tpu.iota {dimensions = array<i32: 1>} : vector<1000x64xi32>
      %eq3A_343 = vector.broadcast %get3A_341 : vector<1000x1xi32> to vector<1000x64xi32>
      %eq3A_344 = arith.cmpi eq, %eq3A_343, %iota3A_342 : vector<1000x64xi32>
      %convert_element_type3A = arith.extui %eq3A_344 : vector<1000x64xi1> to vector<1000x64xi32>
      %convert_element_type3A_345 = arith.sitofp %convert_element_type3A : vector<1000x64xi32> to vector<1000x64xf32>
      %get3A_346 = arith.index_cast %mul3A_335 : i32 to index
      %get3A_347 = arith.constant 0 : index
      %get3A_348 = vector.load %arg11[%get3A_346, %get3A_347] : memref<10000x1xf32, #tpu.memory_space<vmem>>, vector<1000x1xf32>
      %mul3A_349 = vector.broadcast %get3A_348 : vector<1000x1xf32> to vector<1000x64xf32>
      %mul3A_350 = arith.mulf %convert_element_type3A_345, %mul3A_349 : vector<1000x64xf32>
      %dot_general3A_351 = arith.constant dense<0.000000e+00> : vector<64x256xf32>
      %dot_general3A_352 = tpu.matmul %mul3A_350, %get3A_338, %dot_general3A_351 {dimension_numbers = #tpu.dot_dimension_numbers<[0], [0], [1], [1], [0, 1, 1, 1], [], []>, precision = #tpu.contract_precision<fp32>, transpose_lhs_hint = false} : vector<1000x64xf32>, vector<1000x256xf32>, vector<64x256xf32> -> vector<64x256xf32>
      %add3A_353 = arith.addf %scan3A_333, %dot_general3A_352 : vector<64x256xf32>
      scf.yield %add3A_353 : vector<64x256xf32>
    }
    %scan3A_305 = arith.constant 10 : i32
    %concatenate3A_306 = tpu.concatenate %mul3A_251, %scan3A_304 in 1 : vector<64x256xf32>, vector<64x256xf32> -> vector<64x512xf32>
    %get3A_307 = arith.constant 0 : index
    %get3A_308 = arith.constant 0 : index
    %get3A_309 = vector.load %arg5[%get3A_307, %get3A_308] : memref<512x256xf32, #tpu.memory_space<vmem>>, vector<512x256xf32>
    %dot_general3A_310 = arith.constant dense<0.000000e+00> : vector<64x256xf32>
    %dot_general3A_311 = tpu.matmul %concatenate3A_306, %get3A_309, %dot_general3A_310 {dimension_numbers = #tpu.dot_dimension_numbers<[1], [0], [0], [1], [0, 0, 1, 1], [], []>, transpose_lhs_hint = false} : vector<64x512xf32>, vector<512x256xf32>, vector<64x256xf32> -> vector<64x256xf32>
    %get3A_312 = arith.constant 0 : index
    %get3A_313 = arith.constant 0 : index
    %get3A_314 = vector.load %arg6[%get3A_312, %get3A_313] : memref<1x256xf32, #tpu.memory_space<vmem>>, vector<1x256xf32>
    %add3A_315 = vector.broadcast %get3A_314 : vector<1x256xf32> to vector<64x256xf32>
    %add3A_316 = arith.addf %dot_general3A_311, %add3A_315 : vector<64x256xf32>
    %max3A = arith.constant 0.000000e+00 : f32
    %max3A_317 = vector.broadcast %max3A : f32 to vector<64x256xf32>
    %max3A_318 = arith.maximumf %add3A_316, %max3A_317 : vector<64x256xf32>
    %get3A_319 = arith.constant 0 : index
    %get3A_320 = arith.constant 0 : index
    %get3A_321 = vector.load %arg7[%get3A_319, %get3A_320] : memref<256x1xf32, #tpu.memory_space<vmem>>, vector<256x1xf32>
    %dot_general3A_322 = arith.constant dense<0.000000e+00> : vector<64x1xf32>
    %dot_general3A_323 = tpu.matmul %max3A_318, %get3A_321, %dot_general3A_322 {dimension_numbers = #tpu.dot_dimension_numbers<[1], [0], [0], [1], [0, 0, 1, 1], [], []>, transpose_lhs_hint = false} : vector<64x256xf32>, vector<256x1xf32>, vector<64x1xf32> -> vector<64x1xf32>
    %get3A_324 = arith.constant 0 : index
    %get3A_325 = arith.constant 0 : index
    %get3A_326 = vector.load %arg8[%get3A_324, %get3A_325] : memref<1x1xf32, #tpu.memory_space<vmem>>, vector<1x1xf32>
    %add3A_327 = vector.broadcast %get3A_326 : vector<1x1xf32> to vector<64x1xf32>
    %add3A_328 = arith.addf %dot_general3A_323, %add3A_327 : vector<64x1xf32>
    %swap3A_329 = arith.constant 0 : index
    %swap3A_330 = arith.constant 0 : index
    %swap3A_331 = vector.load %arg9[%swap3A_329, %swap3A_330] : memref<64x1xf32, #tpu.memory_space<vmem>>, vector<64x1xf32>
    tpu.vector_store %arg9[%swap3A_329, %swap3A_330], %add3A_328 {strides = array<i32>} : memref<64x1xf32, #tpu.memory_space<vmem>>, vector<64x1xf32>,
    return
  }
}

</mosaic_0001>

<sc_bundles>
// kernel: kernel.7.cloned.1.call-start
scs
__scs_entry_jumppad:
0x0: {  	(pc) =	sbr.rel $0x88, $3  }
0x1: {  	(tag) =	ssettag $0x0;
	lr =	simm.s32 $0x1  }
0x2: {  	[smem:$0x3F90] =	sst lr;
	_ =	strace $0xD0000000  }
0x3: {  	_ = 	snop  }
0x4: {  	_ = 	snop  }
0x5: {  	_ = 	snop  }
0x6: {  	_ = 	snop  }
0x7: {  	_ = 	snop  }
__scs_overlays_trampoline_lowered:
0x8: {  	[smem:$0x3F9F] =	sst s0  }
0x9: {  	[smem:$0x3FA0] =	sst s1  }
0xa: {  	[smem:$0x3FA1] =	sst s2  }
0xb: {  	[smem:$0x3FA2] =	sst s3  }
0xc: {  	[smem:$0x3FA3] =	sst s4  }
0xd: {  	[smem:$0x3FA4] =	sst s5  }
0xe: {  	[smem:$0x3FA5] =	sst s6  }
0xf: {  	[smem:$0x3FA6] =	sst s7  }
0x10: {  	[smem:$0x3FA7] =	sst s8  }
0x11: {  	[smem:$0x3FA8] =	sst s9;
	s0 =	simm.s32 @!p0 $0x0  }
0x12: {  	s1 =	sld [smem:$0x3F8E];
	s0 =	simm.s32 @p0 $0x1  }
0x13: {  	[smem:$0x3FA9] =	sst s0;
	s0 =	simm.s32 @!p1 $0x0  }
0x14: {  	s2 =	sld [smem:$0x3F8D];
	s0 =	simm.s32 @p1 $0x1  }
0x15: {  	[smem:$0x3FAA] =	sst s0;
	s0 =	simm.s32 @!p2 $0x0  }
0x16: {  	s3 =	sld [smem:$0x3FDB];
	s0 =	simm.s32 @p2 $0x1  }
0x17: {  	s4 =	simm.s32 $0x1BF5;
	[smem:$0x3FAC] =	sst s0  }
0x18: {  	s0 =	sld [smem:$0x3F8F];
	_ =	swait.ge [sflag:s4], $0x0  }
0x19: {  	s7 =	sld [smem:$0x3F90]  }
0x1a: {  	s8 =	sadd.s32 $0xFFFFE003, lr  }
0x1b: {  	s9 =	sadd.s32 $0xFFFFFEF7, lr;
	s5 =	simm.s32 $0xFFFFFFFF;
	p2 =	slt.u32 s8, $0xFFFFF086  }
0x1c: {  	p1 =	slt.u32 s9, $0xF7A;
	s5 =	simm.s32 @!p2 $0x0  }
0x1d: {  	s5 =	simm.s32 @p1 $0x1;
	p0 =	seq.s32 s7, s2  }
0x1e: {  	s7 =	smul.u32 @!p0 $0xF7A, s2;
	p2 =	seq.s32 @!p0 s5, $0x0  }
0x1f: {  	s9 =	smul.u32 $0xF7A, s1;
	s8 =	simm.s32 @!p0 $0x1BF5;
	p2 =	por !p2, p0  }
0x20: {  	[sflag:s8] =	ssyncset.s32 @!p0 $0xFFFFF086;
	s6 =	sadd.s32 @!p0 s3, s7;
	s7 =	simm.s32 @!p0 $0x108  }
0x21: {  	s3 =	sadd.s32 s3, s9;
	s6 =	sadd.s32 @!p0 $0x88, s6;
	s7 =	simm.s32 @p2 $0x1082  }
0x22: {  	[simem:s7], [sflag:s8] =	dma.local @!p0 [hbm:s6], $0xF7A  }
0x23: {  	s9 =	sor.u32 $0xD0000000, s2;
	s6 =	simm.s32 $0x108;
	_ =	swait.ge @!p0 [sflag:s8], $0x0  }
0x24: {  	s3 =	sadd.s32 $0x88, s3;
	s6 =	simm.s32 @!p1 $0x1082;
	[sflag:s4] =	ssyncset.s32 $0xFFFFF086  }
0x25: {  	[simem:s6], [sflag:s4] =	dma.local [hbm:s3], $0xF7A  }
0x26: {  	[smem:$0x3F90] =	sst s1;
	(tag) =	ssettag s2;
	_ =	strace s9  }
0x27: {  	s1 =	sld [smem:$0x3FA0]  }
0x28: {  	s2 =	sld [smem:$0x3FA1]  }
0x29: {  	s4 =	sld [smem:$0x3FA3]  }
0x2a: {  	p0 =	seq.s32 s5, $0x0;
	s5 =	sld [smem:$0x3FA4]  }
0x2b: {  	s6 =	sld [smem:$0x3FA5]  }
0x2c: {  	s7 =	sld [smem:$0x3FA6]  }
0x2d: {  	s3 =	simm.s32 $0x108;
	s8 =	sld [smem:$0x3FA7]  }
0x2e: {  	s3 =	simm.s32 @!p0 $0x1082;
	s9 =	sld [smem:$0x3FA8]  }
0x2f: {  	lr =	sadd.s32 s0, s3;
	s0 =	sld [smem:$0x3F9F]  }
0x30: {  	s3 =	sld [smem:$0x3FA2]  }
0x31: {  	[smem:$0x3FAB] =	sst s10  }
0x32: {  	s10 =	sld [smem:$0x3FA9];
	_ =	sdelay $0x3  }
0x33: {  	p0 =	seq.s32 s10, $0x1;
	s10 =	sld [smem:$0x3FAB];
	_ =	sdelay $0x3  }
0x34: {  	[smem:$0x3FAB] =	sst s10  }
0x35: {  	s10 =	sld [smem:$0x3FAA];
	_ =	sdelay $0x3  }
0x36: {  	p1 =	seq.s32 s10, $0x1;
	s10 =	sld [smem:$0x3FAB];
	_ =	sdelay $0x3  }
0x37: {  	[smem:$0x3FAB] =	sst s10  }
0x38: {  	s10 =	sld [smem:$0x3FAC]  }
0x39: {  	_ = 	snop;
	(pc) =	sbr.ind lr, $3  }
0x3a: {  	_ = 	snop  }
0x3b: {  	_ = 	snop  }
0x3c: {  	p2 =	seq.s32 s10, $0x1;
	s10 =	sld [smem:$0x3FAB]  }
0x3d: {  	_ =	shalt  }
0x3e: {  	_ =	shalt  }
0x3f: {  	_ =	shalt  }
0x40: {  	_ =	shalt  }
0x41: {  	_ =	shalt  }
0x42: {  	_ =	shalt  }
0x43: {  	_ =	shalt  }
0x44: {  	_ =	shalt  }
0x45: {  	_ =	shalt  }
0x46: {  	_ =	shalt  }
0x47: {  	_ =	shalt  }
0x48: {  	_ =	shalt  }
0x49: {  	_ =	shalt  }
0x4a: {  	_ =	shalt  }
0x4b: {  	_ =	shalt  }
0x4c: {  	_ =	shalt  }
0x4d: {  	_ =	shalt  }
0x4e: {  	_ =	shalt  }
0x4f: {  	_ =	shalt  }
0x50: {  	_ =	shalt  }
0x51: {  	_ =	shalt  }
0x52: {  	_ =	shalt  }
0x53: {  	_ =	shalt  }
0x54: {  	_ =	shalt  }
0x55: {  	_ =	shalt  }
0x56: {  	_ =	shalt  }
0x57: {  	_ =	shalt  }
0x58: {  	_ =	shalt  }
0x59: {  	_ =	shalt  }
0x5a: {  	_ =	shalt  }
0x5b: {  	_ =	shalt  }
0x5c: {  	_ =	shalt  }
0x5d: {  	_ =	shalt  }
0x5e: {  	_ =	shalt  }
0x5f: {  	_ =	shalt  }
0x60: {  	_ =	shalt  }
0x61: {  	_ =	shalt  }
0x62: {  	_ =	shalt  }
0x63: {  	_ =	shalt  }
0x64: {  	_ =	shalt  }
0x65: {  	_ =	shalt  }
0x66: {  	_ =	shalt  }
0x67: {  	_ =	shalt  }
0x68: {  	_ =	shalt  }
0x69: {  	_ =	shalt  }
0x6a: {  	_ =	shalt  }
0x6b: {  	_ =	shalt  }
0x6c: {  	_ =	shalt  }
0x6d: {  	_ =	shalt  }
0x6e: {  	_ =	shalt  }
0x6f: {  	_ =	shalt  }
0x70: {  	_ =	shalt  }
0x71: {  	_ =	shalt  }
0x72: {  	_ =	shalt  }
0x73: {  	_ =	shalt  }
0x74: {  	_ =	shalt  }
0x75: {  	_ =	shalt  }
0x76: {  	_ =	shalt  }
0x77: {  	_ =	shalt  }
0x78: {  	_ =	shalt  }
0x79: {  	_ =	shalt  }
0x7a: {  	_ =	shalt  }
0x7b: {  	_ =	shalt  }
0x7c: {  	_ =	shalt  }
0x7d: {  	_ =	shalt  }
0x7e: {  	_ =	shalt  }
0x7f: {  	_ =	shalt  }
0x80: {  	_ =	shalt  }
0x81: {  	_ =	shalt  }
0x82: {  	_ =	shalt  }
0x83: {  	_ =	shalt  }
0x84: {  	_ =	shalt  }
0x85: {  	_ =	shalt  }
0x86: {  	_ =	shalt  }
0x87: {  	_ =	shalt  }
.Lfunc_end0:
.L_simem_size_0:
called_computation_lowered:
.L_overlay_start_0:
0x88: {  	s2 =	sld [smem:$0x3FD9]  }
0x89: {  	s3 =	sld [smem:$0x3FFE];
	_ =	sdelay $0x1  }
0x8a: {  	s1 =	srdreg.scid  }
0x8b: {  	s0 =	sand.u32 $0x1, s1  }
0x8c: {  	s16 =	sshll.u32 s0, $0xA;
	s2 =	sadd.s32 s3, s2  }
0x8d: {  	s2 =	sadd.s32 s2, s16  }
0x8e: {  	[smem:$0x3FB7] =	sst s2  }
0x8f: {  	_ = 	snop  }
0x90: {  	(tm) =	ssettm $0x1  }
0x91: {  	s17 =	sld [smem:$0x3FFB];
	_ =	sdelay $0x3  }
0x92: {  	_ =	strace s17  }
0x93: {  	s2 =	sld [smem:$0x3FFC];
	_ =	sdelay $0x3  }
0x94: {  	_ =	strace s2  }
0x95: {  	s2 =	sld [smem:$0x3FFD];
	_ =	sdelay $0x3  }
0x96: {  	_ =	strace s2  }
0x97: {  	_ =	strace $0x8FFFFFFF  }
0x98: {  	s18 =	sld [smem:$0x3FDB];
	_ =	sdelay $0x1  }
0x99: {  	s19 =	simm.s32 $_scs_section_size  }
0x9a: {  	s4 =	simm.s32 $_size__tile_overlayer_lowered;
	s5 =	simm.s32 $_tile_overlayer_lowered  }
0x9b: {  	s22 =	simm.s32 $0x1BFF;
	s21 =	sshll.u32 s5, $0x1;
	s2 =	sadd.s32 s19, s18  }
0x9c: {  	s6 =	simm.s32 $0x0;
	s20 =	sshll.u32 s4, $0x1;
	s4 =	sadd.s32 s21, s2  }
0x9d: {  	[timem:s6], [sflag:s22] =	dma.local [hbm:s4], s20  }
0x9e: {  	_ =	swait.ge [sflag:s22], s20  }
0x9f: {  	s3 =	ssub.s32 $0x0, s20;
	[sflag:s22] =	ssyncset.done $0x0  }
0xa0: {  	[sflag:s22] =	ssyncadd.s32 s3;
	_ =	sdelay $0x1  }
0xa1: {  	s23 =	simm.s32 $0x1B8B  }
0xa2: {  	_ =	swait.ge [sflag:s23], $0x1  }
0xa3: {  	[sflag:s23] =	ssyncset.done $0x0  }
0xa4: {  	s25 =	simm.s32 $0x1B8E;
	s24 =	sld [smem:$0x3FFE];
	[sflag:s23] =	ssyncadd.s32 $0xFFFFFFFF  }
0xa5: {  	s26 =	simm.s32 $execute0_lowered;
	[smem:$0x3FD2] =	sst s25  }
0xa6: {  	s4 =	sshll.u32 s26, $0x1;
	_ =	strace $0x80000046;
	[dreg:$0x1] =	wrdreg $0xFFFFFFFF  }
0xa7: {  	s28 =	simm.s32 $_size_execute0_lowered;
	s2 =	sadd.s32 s2, s4;
	[dreg:$0x0] =	wrdreg $0x0  }
0xa8: {  	s4 =	sshll.u32 s28, $0x1;
	[dreg:$0x2] =	wrdreg s2  }
0xa9: {  	[dreg:$0x3] =	wrdreg s4  }
0xaa: {  	[dreg:$0x4] =	wrdreg $0xC0  }
0xab: {  	_ =	task [dreg:s6], $0x5FFFF  }
0xac: {  	[dreg:$0x1] =	wrdreg $0xFFFFFFFF  }
0xad: {  	[dreg:$0x0] =	wrdreg $0x60  }
0xae: {  	[dreg:$0x2] =	wrdreg s24  }
0xaf: {  	[dreg:$0x3] =	wrdreg $0x0  }
0xb0: {  	[dreg:$0x4] =	wrdreg $0x9  }
0xb1: {  	_ =	task.clear_ibuf [dreg:s6], $0x5FFFF;
	_ =	strace $0x90000046  }
0xb2: {  	s29 =	simm.s32 $0x9;
	_ =	strace $0x80000048  }
0xb3: {  	_ =	swait.ge [sflag:s29], $0x1  }
0xb4: {  	[sflag:s29] =	ssyncadd.s32 $0xFFFFFFFF  }
0xb5: {  	_ =	strace $0x90000048  }
0xb6: {  	_ =	sfence  }
0xb7: {  	s30 =	sld [smem:$0x0];
	_ =	sdelay $0x2  }
0xb8: {  	s31 =	sshll.u32 s1, $0xD;
	s1 =	sshrl.u32 s1, $0x2  }
0xb9: {  	s3 =	sand.u32 $0x4000, s31;
	s1 =	sadd.s32 s1, s30  }
0xba: {  	s0 =	sor.u32 s3, s0;
	s1 =	sshll.u32 s1, $0x11  }
0xbb: {  	s0 =	sor.u32 s1, s0  }
0xbc: {  	s0 =	sadd.s32 $0x8F2B, s0  }
0xbd: {  	[sflag:s0] =	ssyncadd.remote.s32 $0x1  }
0xbe: {  	_ =	sfence.sel $0xFFFF  }
0xbf: {  	[dreg:$0x0] =	wrdreg $0xFFFFFFFF;
	(pc) =	sbr.abs _section_cstart, $3  }
0xc0: {  	[dreg:$0x1] =	wrdreg $0xFFFFFFFF  }
0xc1: {  	_ =	task.clear_ibuf [dreg:s6], $0x2FFFF;
	_ =	strace $0x9FFFFFFF  }
0xc2: {  	(tm) =	ssettm $0x7FFFFFFF  }
0xc3: {  	_ =	shalt  }
tec
execute0_lowered:
.L_overlay_start_1:
0x0: {  	(tag) =	ssettag $0x1  }
0x1: {  	s0 =	rddreg [dreg:$0x0]  }
0x2: {  	s1 =	rddreg [dreg:$0x1]  }
0x3: {  	s2 =	simm.s32 $0x0;
	s6 =	srdreg.scid;
	s17 =	stileid.u32  }
0x4: {  	s28 =	simm.s32 $0x7;
	s31 =	simm.s32 $0x13C80;
	[smem:$0x7FF] =	sst s2  }
0x5: {  	s29 =	simm.s32 $0x6;
	s5 =	sadd.s32 $0x4F8200, s0;
	s7 =	sadd.s32 $0x9DA200, s0  }
0x6: {  	s3 =	sadd.s32 $0x50800, s0;
	s8 =	sadd.s32 $0x4EE400, s0;
	s11 =	smul.u32 $0x4F000, s17  }
0x7: {  	s4 =	sadd.s32 $0x77A00, s0;
	s9 =	sadd.s32 $0x4E4600, s0;
	s12 =	smul.u32 $0x4E20, s17  }
0x8: {  	s6 =	sand.u32 $0x1, s6;
	s10 =	sadd.s32 $0x9EC00, s0;
	s30 =	smul.u32 $0x4E200, s17  }
0x9: {  	s0 =	sadd.s32 $0xA1400, s0;
	s24 =	sshll.u32 s17, $0x6;
	s16 =	smul.u32 $0x13C00, s17  }
0xa: {  	_ =	strace $0x80000047;
	[dreg:$0x3] =	wrdreg s10;
	s21 =	ssub.s32 $0x2, s6  }
0xb: {  	[dreg:$0x4] =	wrdreg s0;
	s19 =	sor.u32 $0x1C07, s24;
	p0 =	sne.s32 s6, $0x0  }
0xc: {  	s6 =	simm.s32 $0x13D00;
	s22 =	sshrl.u32 s21, $0x1;
	s23 =	sshrl.u32 s11, $0x2  }
0xd: {  	s25 =	sshrl.u32 s12, $0x3;
	s15 =	sadd.s32 $0x50, s12;
	s18 =	sadd.s32 s7, s30  }
0xe: {  	s20 =	sadd.s32 $0xA0, s12;
	s11 =	simm.s32 $0x4;
	[dreg:$0x6] =	wrdreg s19  }
0xf: {  	s0 =	ssub.s32 s21, s22;
	s10 =	sadd.s32 s23, s1;
	s26 =	sadd.s32 s8, s25  }
0x10: {  	s13 =	sshrl.u32 s15, $0x3;
	s14 =	sshll.u32 s15, $0x4;
	[dreg:$0x8] =	wrdreg s18  }
0x11: {  	s23 =	sshrl.u32 s16, $0x3;
	s21 =	sadd.s32 $0xF0, s12;
	[dreg:$0x5] =	wrdreg s10  }
0x12: {  	s12 =	simm.s32 $0x13C00;
	[dreg:$0x7] =	wrdreg s26;
	s13 =	sadd.s32 s8, s13  }
0x13: {  	s16 =	simm.s32 $0x50;
	s22 =	sadd.s32 s7, s14;
	[dreg:$0x9] =	wrdreg s13  }
0x14: {  	s18 =	simm.s32 $0x18E00;
	s10 =	sadd.s32 s9, s25;
	[dreg:$0xa] =	wrdreg s22  }
0x15: {  	s24 =	sadd.s32 $0x27800, s23;
	s25 =	sadd.s32 s5, s30;
	[dreg:$0xb] =	wrdreg s10  }
.Ltmp0:
0x16: {  	s26 =	sadd.s32 s5, s14;
	[dreg:$0xc] =	wrdreg s24;
	(pc) =	sbr.rel .LBB2_1-.Ltmp0, $4  }
0x17: {  	s0 =	smax.u32 s0, $0x1;
	s30 =	smul.u32 $0x2780, s17;
	[dreg:$0xd] =	wrdreg s25  }
0x18: {  	s23 =	simm.s32 $0x2;
	s14 =	simm.s32 $0x0;
	[dreg:$0xe] =	wrdreg s26  }
0x19: {  	[dreg:$0xf] =	wrdreg s0;
	s24 =	simm.s32 $0x13D80;
	s22 =	simm.s32 $0x1B600  }
0x1a: {  	s26 =	simm.s32 $0x3;
	s10 =	simm.s32 $0x5;
	[dreg:$0x10] =	wrdreg s30  }
.LBB2_16:
0x1b: {  	s13 =	rddreg [dreg:$0xc]  }
0x1c: {  	s14 =	rddreg [dreg:$0x11]  }
.LBB2_17:
0x1d: {  	s0 =	rddreg [dreg:$0x4];
	[bflag:$0x0] =	sbarrier.arrive $0xFFFF  }
0x1e: {  	s19 =	rddreg [dreg:$0x6]  }
0x1f: {  	s0 =	sadd.s32 s0, s13;
	s12 =	rddreg [dreg:$0x12]  }
0x20: {  	[hbm:s0], [sflag:s19] =	dma.local [spmem:s12], $0x2780  }
0x21: {  	_ =	swait.ge [sflag:s28], $0x2780  }
0x22: {  	s14 =	sadd.s32 $0x1, s14;
	s30 =	rddreg [dreg:$0xf]  }
0x23: {  	p1 =	sne.s32 s14, s30  }
.Ltmp1:
0x24: {  	_ = 	snop;
	(pc) =	sbr.rel @!p1 .LBB2_18-.Ltmp1, $3  }
0x25: {  	_ =	sdelay $0x1  }
0x26: {  	[sflag:s28] =	ssyncset.done $0x0  }
0x27: {  	s12 =	simm.s32 $0x13C00;
	[sflag:s28] =	ssyncadd.s32 $0xFFFFD880  }
.LBB2_1:
0x28: {  	[dreg:$0x11] =	wrdreg s14  }
0x29: {  	s0 =	rddreg [dreg:$0x5]  }
0x2a: {  	s25 =	rddreg [dreg:$0x3];
	s13 =	sshrl.u32 s0, $0x3  }
0x2b: {  	[dreg:$0x12] =	wrdreg s13  }
0x2c: {  	[spmem:s13], [sflag:s19] =	dma.local [hbm:s25], $0x2780  }
0x2d: {  	_ =	swait.ge [sflag:s28], $0x2780  }
.Ltmp2:
0x2e: {  	[sflag:s28] =	ssyncset.done $0x0;
	(pc) =	sbr.rel @p0 .LBB2_10-.Ltmp2, $4  }
0x2f: {  	[sflag:s28] =	ssyncadd.s32 $0xFFFFD880  }
0x30: {  	[bflag:$0x0] =	sbarrier.arrive $0xFFFF  }
0x31: {  	s17 =	simm.s32 $0x0;
	s30 =	rddreg [dreg:$0x7]  }
0x32: {  	[tilespmem:s12], [sflag:$0x1] =	stream.linear.gather [hbm4b:s30+s2], $0x50, $0x38;
	[tilespmem:$0x1DE00] =	vst v63  }
0x33: {  	s0 =	rddreg [dreg:$0xd];
	s13 =	simm.s32 $0x13E00  }
0x34: {  	[tilespmem:s13], [sflag:$0x1] =	stream.linear.gather [hbm4b:s0+s17], $0x2800, $0x38;
	[tilespmem:$0x1DE00] =	vst v63  }
0x35: {  	s13 =	rddreg [dreg:$0x9]  }
0x36: {  	[tilespmem:s31], [sflag:$0x2] =	stream.linear.gather [hbm4b:s13+s17], $0x50, $0x38;
	[tilespmem:$0x1DE00] =	vst v63  }
0x37: {  	s14 =	rddreg [dreg:$0xe];
	s19 =	simm.s32 $0x16600  }
0x38: {  	[tilespmem:s19], [sflag:$0x2] =	stream.linear.gather [hbm4b:s14+s17], $0x2800, $0x38;
	[tilespmem:$0x1DE00] =	vst v63  }
0x39: {  	s25 =	rddreg [dreg:$0xb];
	s30 =	simm.s32 $0x1  }
0x3a: {  	[tilespmem:s6], [sflag:$0x5] =	stream.linear.gather [hbm4b:s25+s17], $0x50, $0x38;
	[tilespmem:$0x1DE00] =	vst v63  }
0x3b: {  	_ =	swait.ge [sflag:s30], $0x50  }
0x3c: {  	[sflag:s30] =	ssyncset.done $0x0  }
0x3d: {  	[sflag:s30] =	ssyncadd.s32 $0xFFFFFFB0  }
0x3e: {  	_ =	swait.ge [sflag:s30], $0x2800  }
0x3f: {  	[sflag:s30] =	ssyncset.done $0x0  }
0x40: {  	s19 =	simm.s32 $0x0;
	[sflag:s30] =	ssyncadd.s32 $0xFFFFD800  }
0x41: {  	[tilespmem:s18], [sflag:$0x3] =	stream.indirect.gather [hbm4b:s3+s16], $0x80, s12, s16, $0xb8;
	[tilespmem:$0x1DE00] =	vst v63  }
.LBB2_3:
0x42: {  	_ =	swait.ge [sflag:s23], $0x50  }
0x43: {  	s25 =	smul.u32 $0xA0, s19;
	[sflag:s23] =	ssyncset.done $0x0  }
0x44: {  	[sflag:s23] =	ssyncadd.s32 $0xFFFFFFB0  }
0x45: {  	s13 =	sadd.s32 s25, s15;
	_ =	swait.ge [sflag:s23], $0x2800  }
0x46: {  	s13 =	sshrl.u32 s13, $0x3;
	[sflag:s23] =	ssyncset.done $0x0  }
0x47: {  	s13 =	sadd.s32 s9, s13;
	[sflag:s23] =	ssyncadd.s32 $0xFFFFD800  }
0x48: {  	[tilespmem:s24], [sflag:$0x6] =	stream.linear.gather [hbm4b:s13+s17], $0x50, $0x38;
	[tilespmem:$0x1DE00] =	vst v63  }
0x49: {  	_ = 	snop  }
0x4a: {  	[tilespmem:s22], [sflag:$0x4] =	stream.indirect.gather [hbm4b:s3+s16], $0x80, s31, s16, $0xb8;
	[tilespmem:$0x1DE00] =	vst v63  }
0x4b: {  	_ =	swait.ge [sflag:s26], $0x2800  }
0x4c: {  	[sflag:s26] =	ssyncset.done $0x0  }
0x4d: {  	s13 =	simm.s32 $0x0;
	[sflag:s26] =	ssyncadd.s32 $0xFFFFD800  }
0x4e: {  	v6 =	vld [tilespmem:s13+$0x13E00]  }
0x4f: {  	v7 =	vld [tilespmem:s13+$0x13E10]  }
0x50: {  	v8 =	vld [tilespmem:s13+$0x13E20]  }
0x51: {  	v9 =	vld [tilespmem:s13+$0x13E30]  }
0x52: {  	v10 =	vld [tilespmem:s13+$0x13E40]  }
0x53: {  	v11 =	vld [tilespmem:s13+$0x13E50]  }
0x54: {  	v12 =	vld [tilespmem:s13+$0x13E60]  }
0x55: {  	v13 =	vld [tilespmem:s13+$0x13E70]  }
0x56: {  	v14 =	vld [tilespmem:s13+$0x13E80]  }
0x57: {  	v15 =	vld [tilespmem:s13+$0x13E90]  }
0x58: {  	v16 =	vld [tilespmem:s13+$0x13EA0]  }
0x59: {  	v17 =	vld [tilespmem:s13+$0x13EB0]  }
0x5a: {  	v18 =	vld [tilespmem:s13+$0x13EC0]  }
0x5b: {  	v19 =	vld [tilespmem:s13+$0x13ED0]  }
0x5c: {  	v20 =	vld [tilespmem:s13+$0x13EE0]  }
0x5d: {  	v21 =	vld [tilespmem:s13+$0x13EF0]  }
0x5e: {  	v22 =	vld [tilespmem:s13+$0x13F00]  }
0x5f: {  	v23 =	vld [tilespmem:s13+$0x13F10]  }
0x60: {  	v24 =	vld [tilespmem:s13+$0x13F20]  }
0x61: {  	v25 =	vld [tilespmem:s13+$0x13F30]  }
0x62: {  	v26 =	vld [tilespmem:s13+$0x13F40]  }
0x63: {  	v32 =	vld [tilespmem:s13+$0x18E00]  }
0x64: {  	v27 =	vld [tilespmem:s13+$0x13F50]  }
0x65: {  	v33 =	vld [tilespmem:s13+$0x18E10]  }
0x66: {  	v34 =	vld [tilespmem:s13+$0x18E20]  }
0x67: {  	v28 =	vld [tilespmem:s13+$0x13F60]  }
0x68: {  	v35 =	vld [tilespmem:s13+$0x18E30];
	v6 =	vadd.f32 v6, v32  }
0x69: {  	v36 =	vld [tilespmem:s13+$0x18E40]  }
0x6a: {  	v29 =	vld [tilespmem:s13+$0x13F70];
	v7 =	vadd.f32 v7, v33;
	v6 =	vmax.f32 v6, $0.0e+00  }
0x6b: {  	v62 =	vld [tilespmem:s13+$0x18E50];
	[tilespmem:s13+$0x18E00] =	vst v6;
	v6 =	vadd.f32 v8, v34  }
0x6c: {  	v37 =	vld [tilespmem:s13+$0x18E60];
	v7 =	vmax.f32 v7, $0.0e+00  }
0x6d: {  	v30 =	vld [tilespmem:s13+$0x13F80];
	[tilespmem:s13+$0x18E10] =	vst v7;
	v7 =	vadd.f32 v9, v35;
	v6 =	vmax.f32 v6, $0.0e+00  }
0x6e: {  	v63 =	vld [tilespmem:s13+$0x18E70];
	[tilespmem:s13+$0x18E20] =	vst v6;
	v6 =	vadd.f32 v10, v36  }
0x6f: {  	v8 =	vld [tilespmem:s13+$0x18E80];
	v7 =	vmax.f32 v7, $0.0e+00  }
0x70: {  	v31 =	vld [tilespmem:s13+$0x13F90];
	[tilespmem:s13+$0x18E30] =	vst v7;
	v7 =	vadd.f32 v11, v62;
	v6 =	vmax.f32 v6, $0.0e+00  }
0x71: {  	v9 =	vld [tilespmem:s13+$0x18E90];
	[tilespmem:s13+$0x18E40] =	vst v6;
	v6 =	vadd.f32 v12, v37  }
0x72: {  	v10 =	vld [tilespmem:s13+$0x18EA0];
	v7 =	vmax.f32 v7, $0.0e+00  }
0x73: {  	v5 =	vld [tilespmem:s13+$0x13FA0];
	[tilespmem:s13+$0x18E50] =	vst v7;
	v7 =	vadd.f32 v13, v63;
	v6 =	vmax.f32 v6, $0.0e+00  }
0x74: {  	v11 =	vld [tilespmem:s13+$0x18EB0];
	[tilespmem:s13+$0x18E60] =	vst v6;
	v6 =	vadd.f32 v14, v8  }
0x75: {  	v12 =	vld [tilespmem:s13+$0x18EC0];
	v7 =	vmax.f32 v7, $0.0e+00  }
0x76: {  	v4 =	vld [tilespmem:s13+$0x13FB0];
	[tilespmem:s13+$0x18E70] =	vst v7;
	v7 =	vadd.f32 v15, v9;
	v6 =	vmax.f32 v6, $0.0e+00  }
0x77: {  	v13 =	vld [tilespmem:s13+$0x18ED0];
	[tilespmem:s13+$0x18E80] =	vst v6;
	v6 =	vadd.f32 v16, v10  }
0x78: {  	v8 =	vld [tilespmem:s13+$0x18EE0];
	v7 =	vmax.f32 v7, $0.0e+00  }
0x79: {  	v3 =	vld [tilespmem:s13+$0x13FC0];
	[tilespmem:s13+$0x18E90] =	vst v7;
	v7 =	vadd.f32 v17, v11;
	v6 =	vmax.f32 v6, $0.0e+00  }
0x7a: {  	v9 =	vld [tilespmem:s13+$0x18EF0];
	[tilespmem:s13+$0x18EA0] =	vst v6;
	v6 =	vadd.f32 v18, v12  }
0x7b: {  	v10 =	vld [tilespmem:s13+$0x18F00];
	v7 =	vmax.f32 v7, $0.0e+00  }
0x7c: {  	v2 =	vld [tilespmem:s13+$0x13FD0];
	[tilespmem:s13+$0x18EB0] =	vst v7;
	v7 =	vadd.f32 v19, v13;
	v6 =	vmax.f32 v6, $0.0e+00  }
0x7d: {  	v11 =	vld [tilespmem:s13+$0x18F10];
	[tilespmem:s13+$0x18EC0] =	vst v6;
	v6 =	vadd.f32 v20, v8  }
0x7e: {  	v12 =	vld [tilespmem:s13+$0x18F20];
	v7 =	vmax.f32 v7, $0.0e+00  }
0x7f: {  	v1 =	vld [tilespmem:s13+$0x13FE0];
	[tilespmem:s13+$0x18ED0] =	vst v7;
	v7 =	vadd.f32 v21, v9;
	v6 =	vmax.f32 v6, $0.0e+00  }
0x80: {  	v13 =	vld [tilespmem:s13+$0x18F30];
	[tilespmem:s13+$0x18EE0] =	vst v6;
	v6 =	vadd.f32 v22, v10  }
0x81: {  	v8 =	vld [tilespmem:s13+$0x18F40];
	v7 =	vmax.f32 v7, $0.0e+00  }
0x82: {  	v0 =	vld [tilespmem:s13+$0x13FF0];
	[tilespmem:s13+$0x18EF0] =	vst v7;
	v7 =	vadd.f32 v23, v11;
	v6 =	vmax.f32 v6, $0.0e+00  }
0x83: {  	v9 =	vld [tilespmem:s13+$0x18F50];
	[tilespmem:s13+$0x18F00] =	vst v6;
	v6 =	vadd.f32 v24, v12  }
0x84: {  	v14 =	vld [tilespmem:s13+$0x18F60];
	v7 =	vmax.f32 v7, $0.0e+00  }
0x85: {  	v11 =	vld [tilespmem:s13+$0x18F70];
	[tilespmem:s13+$0x18F10] =	vst v7;
	v7 =	vadd.f32 v25, v13;
	v6 =	vmax.f32 v6, $0.0e+00  }
0x86: {  	v12 =	vld [tilespmem:s13+$0x18F80];
	[tilespmem:s13+$0x18F20] =	vst v6;
	v6 =	vadd.f32 v26, v8  }
0x87: {  	v15 =	vld [tilespmem:s13+$0x18F90];
	v7 =	vmax.f32 v7, $0.0e+00  }
0x88: {  	v10 =	vld [tilespmem:s13+$0x18FA0];
	[tilespmem:s13+$0x18F30] =	vst v7;
	v7 =	vadd.f32 v27, v9;
	v6 =	vmax.f32 v6, $0.0e+00  }
0x89: {  	v9 =	vld [tilespmem:s13+$0x18FB0];
	[tilespmem:s13+$0x18F40] =	vst v6;
	v6 =	vadd.f32 v28, v14  }
0x8a: {  	v11 =	vadd.f32 v29, v11;
	v8 =	vld [tilespmem:s13+$0x18FC0];
	v7 =	vmax.f32 v7, $0.0e+00  }
0x8b: {  	v12 =	vadd.f32 v30, v12;
	[tilespmem:s13+$0x18F50] =	vst v7;
	v7 =	vld [tilespmem:s13+$0x18FD0];
	v6 =	vmax.f32 v6, $0.0e+00  }
0x8c: {  	s30 =	simm.s32 $0x800;
	v13 =	vmax.f32 v11, $0.0e+00;
	v11 =	vadd.f32 v31, v15;
	[tilespmem:s13+$0x18F60] =	vst v6;
	v6 =	vld [tilespmem:s13+$0x18FE0]  }
.LBB2_4:
0x8d: {  	s14 =	sshra.s32 s30, $0x2;
	p1 =	sne.s32 s30, $0x9800;
	[tilespmem:s13+$0x18F70] =	vst v13;
	v12 =	vmax.f32 v12, $0.0e+00;
	v5 =	vadd.f32 v5, v10;
	v10 =	vld [tilespmem:s13+$0x18FF0]  }
0x8e: {  	v13 =	vld [tilespmem:s14+$0x13E00];
	[tilespmem:s13+$0x18F80] =	vst v12;
	v11 =	vmax.f32 v11, $0.0e+00;
	v4 =	vadd.f32 v4, v9  }
0x8f: {  	v12 =	vld [tilespmem:s14+$0x13E10];
	[tilespmem:s13+$0x18F90] =	vst v11;
	v5 =	vmax.f32 v5, $0.0e+00;
	v3 =	vadd.f32 v3, v8  }
0x90: {  	v14 =	vld [tilespmem:s14+$0x13E20];
	[tilespmem:s13+$0x18FA0] =	vst v5;
	v4 =	vmax.f32 v4, $0.0e+00;
	v2 =	vadd.f32 v2, v7  }
0x91: {  	v15 =	vld [tilespmem:s14+$0x13E30];
	[tilespmem:s13+$0x18FB0] =	vst v4;
	v3 =	vmax.f32 v3, $0.0e+00;
	v1 =	vadd.f32 v1, v6  }
0x92: {  	v16 =	vld [tilespmem:s14+$0x13E40];
	[tilespmem:s13+$0x18FC0] =	vst v3;
	v2 =	vmax.f32 v2, $0.0e+00;
	v0 =	vadd.f32 v0, v10  }
0x93: {  	v17 =	vld [tilespmem:s14+$0x13E50];
	[tilespmem:s13+$0x18FD0] =	vst v2;
	v1 =	vmax.f32 v1, $0.0e+00  }
0x94: {  	v18 =	vld [tilespmem:s14+$0x13E60];
	[tilespmem:s13+$0x18FE0] =	vst v1;
	v0 =	vmax.f32 v0, $0.0e+00  }
0x95: {  	v19 =	vld [tilespmem:s14+$0x13E70];
	[tilespmem:s13+$0x18FF0] =	vst v0;
	s13 =	smov.u32 s14  }
0x96: {  	v20 =	vld [tilespmem:s13+$0x13E80]  }
0x97: {  	v21 =	vld [tilespmem:s13+$0x13E90]  }
0x98: {  	v22 =	vld [tilespmem:s13+$0x13EA0]  }
0x99: {  	v23 =	vld [tilespmem:s13+$0x13EB0]  }
0x9a: {  	v24 =	vld [tilespmem:s13+$0x13EC0]  }
0x9b: {  	v25 =	vld [tilespmem:s13+$0x13ED0]  }
0x9c: {  	v26 =	vld [tilespmem:s13+$0x13EE0]  }
0x9d: {  	v27 =	vld [tilespmem:s13+$0x13EF0]  }
0x9e: {  	v28 =	vld [tilespmem:s13+$0x13F00]  }
0x9f: {  	v29 =	vld [tilespmem:s13+$0x13F10]  }
0xa0: {  	v30 =	vld [tilespmem:s13+$0x13F20]  }
0xa1: {  	v31 =	vld [tilespmem:s13+$0x13F30]  }
0xa2: {  	v11 =	vld [tilespmem:s13+$0x13F40]  }
0xa3: {  	v10 =	vld [tilespmem:s13+$0x13F50]  }
0xa4: {  	v9 =	vld [tilespmem:s13+$0x13F60]  }
0xa5: {  	v8 =	vld [tilespmem:s13+$0x13F70]  }
0xa6: {  	v7 =	vld [tilespmem:s13+$0x13F80]  }
0xa7: {  	v6 =	vld [tilespmem:s13+$0x13F90]  }
0xa8: {  	v5 =	vld [tilespmem:s13+$0x13FA0]  }
0xa9: {  	v4 =	vld [tilespmem:s13+$0x13FB0]  }
0xaa: {  	v3 =	vld [tilespmem:s13+$0x13FC0]  }
0xab: {  	v2 =	vld [tilespmem:s13+$0x13FD0]  }
0xac: {  	v1 =	vld [tilespmem:s13+$0x13FE0]  }
0xad: {  	v0 =	vld [tilespmem:s13+$0x13FF0]  }
0xae: {  	v32 =	vld [tilespmem:s13+$0x18E00]  }
0xaf: {  	v33 =	vld [tilespmem:s13+$0x18E10]  }
0xb0: {  	v34 =	vld [tilespmem:s13+$0x18E20]  }
0xb1: {  	v35 =	vld [tilespmem:s13+$0x18E30]  }
0xb2: {  	v36 =	vld [tilespmem:s13+$0x18E40]  }
0xb3: {  	v13 =	vadd.f32 v13, v32;
	v32 =	vld [tilespmem:s13+$0x18E50]  }
0xb4: {  	v12 =	vadd.f32 v12, v33;
	v33 =	vld [tilespmem:s13+$0x18E60]  }
0xb5: {  	v13 =	vmax.f32 v13, $0.0e+00;
	v14 =	vadd.f32 v14, v34;
	v34 =	vld [tilespmem:s13+$0x18E70]  }
0xb6: {  	[tilespmem:s13+$0x18E00] =	vst v13;
	v12 =	vmax.f32 v12, $0.0e+00;
	v13 =	vadd.f32 v15, v35;
	v15 =	vld [tilespmem:s13+$0x18E80]  }
0xb7: {  	[tilespmem:s13+$0x18E10] =	vst v12;
	v12 =	vmax.f32 v14, $0.0e+00;
	v14 =	vadd.f32 v16, v36;
	v16 =	vld [tilespmem:s13+$0x18E90]  }
0xb8: {  	[tilespmem:s13+$0x18E20] =	vst v12;
	v12 =	vmax.f32 v13, $0.0e+00;
	v13 =	vadd.f32 v17, v32;
	v17 =	vld [tilespmem:s13+$0x18EA0]  }
0xb9: {  	[tilespmem:s13+$0x18E30] =	vst v12;
	v12 =	vmax.f32 v14, $0.0e+00;
	v14 =	vadd.f32 v18, v33;
	v18 =	vld [tilespmem:s13+$0x18EB0]  }
0xba: {  	[tilespmem:s13+$0x18E40] =	vst v12;
	v12 =	vmax.f32 v13, $0.0e+00;
	v13 =	vadd.f32 v19, v34;
	v19 =	vld [tilespmem:s13+$0x18EC0]  }
0xbb: {  	[tilespmem:s13+$0x18E50] =	vst v12;
	v12 =	vmax.f32 v14, $0.0e+00;
	v14 =	vadd.f32 v20, v15;
	v15 =	vld [tilespmem:s13+$0x18ED0]  }
0xbc: {  	[tilespmem:s13+$0x18E60] =	vst v12;
	v12 =	vmax.f32 v13, $0.0e+00;
	v13 =	vadd.f32 v21, v16;
	v16 =	vld [tilespmem:s13+$0x18EE0]  }
0xbd: {  	[tilespmem:s13+$0x18E70] =	vst v12;
	v12 =	vmax.f32 v14, $0.0e+00;
	v14 =	vadd.f32 v22, v17;
	v17 =	vld [tilespmem:s13+$0x18EF0]  }
0xbe: {  	[tilespmem:s13+$0x18E80] =	vst v12;
	v12 =	vmax.f32 v13, $0.0e+00;
	v13 =	vadd.f32 v23, v18;
	v18 =	vld [tilespmem:s13+$0x18F00]  }
0xbf: {  	[tilespmem:s13+$0x18E90] =	vst v12;
	v12 =	vmax.f32 v14, $0.0e+00;
	v14 =	vadd.f32 v24, v19;
	v19 =	vld [tilespmem:s13+$0x18F10]  }
0xc0: {  	[tilespmem:s13+$0x18EA0] =	vst v12;
	v12 =	vmax.f32 v13, $0.0e+00;
	v13 =	vadd.f32 v25, v15;
	v15 =	vld [tilespmem:s13+$0x18F20]  }
0xc1: {  	[tilespmem:s13+$0x18EB0] =	vst v12;
	v12 =	vmax.f32 v14, $0.0e+00;
	v14 =	vadd.f32 v26, v16;
	v16 =	vld [tilespmem:s13+$0x18F30]  }
0xc2: {  	[tilespmem:s13+$0x18EC0] =	vst v12;
	v12 =	vmax.f32 v13, $0.0e+00;
	v13 =	vadd.f32 v27, v17;
	v17 =	vld [tilespmem:s13+$0x18F40]  }
0xc3: {  	[tilespmem:s13+$0x18ED0] =	vst v12;
	v12 =	vmax.f32 v14, $0.0e+00;
	v14 =	vadd.f32 v28, v18;
	v18 =	vld [tilespmem:s13+$0x18F50]  }
0xc4: {  	[tilespmem:s13+$0x18EE0] =	vst v12;
	v12 =	vmax.f32 v13, $0.0e+00;
	v13 =	vadd.f32 v29, v19;
	v19 =	vld [tilespmem:s13+$0x18F60]  }
0xc5: {  	[tilespmem:s13+$0x18EF0] =	vst v12;
	v12 =	vmax.f32 v14, $0.0e+00;
	v14 =	vadd.f32 v30, v15;
	v15 =	vld [tilespmem:s13+$0x18F70]  }
0xc6: {  	[tilespmem:s13+$0x18F00] =	vst v12;
	v12 =	vmax.f32 v13, $0.0e+00;
	v13 =	vadd.f32 v31, v16;
	v16 =	vld [tilespmem:s13+$0x18F80]  }
0xc7: {  	[tilespmem:s13+$0x18F10] =	vst v12;
	v12 =	vmax.f32 v14, $0.0e+00;
	v11 =	vadd.f32 v11, v17;
	v14 =	vld [tilespmem:s13+$0x18F90]  }
.Ltmp3:
0xc8: {  	[tilespmem:s13+$0x18F20] =	vst v12;
	v12 =	vmax.f32 v13, $0.0e+00;
	v13 =	vadd.f32 v10, v18;
	v10 =	vld [tilespmem:s13+$0x18FA0];
	(pc) =	sbr.rel @p1 .LBB2_4-.Ltmp3, $4  }
0xc9: {  	[tilespmem:s13+$0x18F30] =	vst v12;
	v11 =	vmax.f32 v11, $0.0e+00;
	v12 =	vadd.f32 v9, v19;
	v9 =	vld [tilespmem:s13+$0x18FB0]  }
0xca: {  	[tilespmem:s13+$0x18F40] =	vst v11;
	v11 =	vmax.f32 v13, $0.0e+00;
	v13 =	vadd.f32 v8, v15;
	v8 =	vld [tilespmem:s13+$0x18FC0]  }
0xcb: {  	[tilespmem:s13+$0x18F50] =	vst v11;
	v11 =	vmax.f32 v12, $0.0e+00;
	v12 =	vadd.f32 v7, v16;
	v7 =	vld [tilespmem:s13+$0x18FD0]  }
0xcc: {  	s30 =	sadd.s32 $0x800, s30;
	[tilespmem:s13+$0x18F60] =	vst v11;
	v13 =	vmax.f32 v13, $0.0e+00;
	v11 =	vadd.f32 v6, v14;
	v6 =	vld [tilespmem:s13+$0x18FE0]  }
0xcd: {  	[tilespmem:s13+$0x18F70] =	vst v13;
	v12 =	vmax.f32 v12, $0.0e+00;
	v5 =	vadd.f32 v5, v10;
	v10 =	vld [tilespmem:s13+$0x18FF0]  }
0xce: {  	[tilespmem:s13+$0x18F80] =	vst v12;
	v11 =	vmax.f32 v11, $0.0e+00;
	v4 =	vadd.f32 v4, v9  }
0xcf: {  	[tilespmem:s13+$0x18F90] =	vst v11;
	v5 =	vmax.f32 v5, $0.0e+00;
	v3 =	vadd.f32 v3, v8  }
0xd0: {  	[tilespmem:s13+$0x18FA0] =	vst v5;
	v4 =	vmax.f32 v4, $0.0e+00;
	v2 =	vadd.f32 v2, v7  }
0xd1: {  	[tilespmem:s13+$0x18FB0] =	vst v4;
	v3 =	vmax.f32 v3, $0.0e+00;
	v1 =	vadd.f32 v1, v6  }
0xd2: {  	[tilespmem:s13+$0x18FC0] =	vst v3;
	v2 =	vmax.f32 v2, $0.0e+00;
	v0 =	vadd.f32 v0, v10  }
0xd3: {  	[tilespmem:s13+$0x18FD0] =	vst v2;
	v1 =	vmax.f32 v1, $0.0e+00  }
0xd4: {  	[tilespmem:s13+$0x18FE0] =	vst v1;
	v0 =	vmax.f32 v0, $0.0e+00  }
0xd5: {  	[tilespmem:s13+$0x18FF0] =	vst v0  }
0xd6: {  	_ =	swait.ge [sflag:s10], $0x50  }
0xd7: {  	[sflag:s10] =	ssyncset.done $0x0  }
0xd8: {  	p1 =	seq.s32 s19, $0x7C;
	[sflag:s10] =	ssyncadd.s32 $0xFFFFFFB0  }
0xd9: {  	[spmem:s1] =	stream.indirect.scatter.add.f32 [tilespmem:s18], [sflag:$0x7], $0x80, s6, s16, $0xb8;
	[tilespmem:$0x1DE00] =	vst v63  }
0xda: {  	s12 =	simm.s32 @!p1 $0x0;
	s13 =	sadd.s32 @!p1 s25, s20;
	_ =	swait.ge [sflag:s28], $0x2800  }
0xdb: {  	s0 =	simm.s32 @!p1 $0x13C00;
	s14 =	sshrl.u32 @!p1 s13, $0x3;
	[sflag:s28] =	ssyncset.done $0x0  }
0xdc: {  	s13 =	sshll.u32 @!p1 s13, $0x4;
	s30 =	sadd.s32 @!p1 s8, s14;
	[sflag:s28] =	ssyncadd.s32 $0xFFFFD800  }
0xdd: {  	[tilespmem:s0], [sflag:$0x1] =	stream.linear.gather @!p1 [hbm4b:s30+s12], $0x50, $0x38;
	[tilespmem:$0x1DE00] =	vst v63  }
0xde: {  	s13 =	sadd.s32 @!p1 s5, s13;
	s30 =	simm.s32 @!p1 $0x13E00  }
0xdf: {  	[tilespmem:s30], [sflag:$0x1] =	stream.linear.gather @!p1 [hbm4b:s13+s12], $0x2800, $0x38;
	[tilespmem:$0x1DE00] =	vst v63  }
0xe0: {  	s13 =	simm.s32 @!p1 $0x1  }
0xe1: {  	_ =	swait.ge @!p1 [sflag:s13], $0x50  }
0xe2: {  	[sflag:s13] =	ssyncset.done @!p1 $0x0  }
0xe3: {  	[sflag:s13] =	ssyncadd.s32 @!p1 $0xFFFFFFB0  }
0xe4: {  	_ =	swait.ge @!p1 [sflag:s13], $0x2800  }
0xe5: {  	[sflag:s13] =	ssyncset.done @!p1 $0x0  }
0xe6: {  	[sflag:s13] =	ssyncadd.s32 @!p1 $0xFFFFD800;
	s13 =	sadd.s32 @!p1 s9, s14;
	s14 =	simm.s32 @!p1 $0x13D00  }
0xe7: {  	[tilespmem:s14], [sflag:$0x5] =	stream.linear.gather @!p1 [hbm4b:s13+s12], $0x50, $0x38;
	[tilespmem:$0x1DE00] =	vst v63  }
0xe8: {  	s12 =	simm.s32 @!p1 $0x50;
	s13 =	simm.s32 @!p1 $0x18E00  }
0xe9: {  	[tilespmem:s13], [sflag:$0x3] =	stream.indirect.gather @!p1 [hbm4b:s3+s12], $0x80, s0, s12, $0xb8;
	[tilespmem:$0x1DE00] =	vst v63  }
0xea: {  	_ =	swait.ge [sflag:s11], $0x2800  }
0xeb: {  	[sflag:s11] =	ssyncset.done $0x0  }
0xec: {  	s13 =	simm.s32 $0x0;
	[sflag:s11] =	ssyncadd.s32 $0xFFFFD800  }
0xed: {  	v6 =	vld [tilespmem:s13+$0x16600]  }
0xee: {  	v7 =	vld [tilespmem:s13+$0x16610]  }
0xef: {  	v8 =	vld [tilespmem:s13+$0x16620]  }
0xf0: {  	v9 =	vld [tilespmem:s13+$0x16630]  }
0xf1: {  	v10 =	vld [tilespmem:s13+$0x16640]  }
0xf2: {  	v11 =	vld [tilespmem:s13+$0x16650]  }
0xf3: {  	v12 =	vld [tilespmem:s13+$0x16660]  }
0xf4: {  	v13 =	vld [tilespmem:s13+$0x16670]  }
0xf5: {  	v14 =	vld [tilespmem:s13+$0x16680]  }
0xf6: {  	v15 =	vld [tilespmem:s13+$0x16690]  }
0xf7: {  	v16 =	vld [tilespmem:s13+$0x166A0]  }
0xf8: {  	v17 =	vld [tilespmem:s13+$0x166B0]  }
0xf9: {  	v18 =	vld [tilespmem:s13+$0x166C0]  }
0xfa: {  	v19 =	vld [tilespmem:s13+$0x166D0]  }
0xfb: {  	v20 =	vld [tilespmem:s13+$0x166E0]  }
0xfc: {  	v21 =	vld [tilespmem:s13+$0x166F0]  }
0xfd: {  	v22 =	vld [tilespmem:s13+$0x16700]  }
0xfe: {  	v23 =	vld [tilespmem:s13+$0x16710]  }
0xff: {  	v24 =	vld [tilespmem:s13+$0x16720]  }
0x100: {  	v25 =	vld [tilespmem:s13+$0x16730]  }
0x101: {  	v26 =	vld [tilespmem:s13+$0x16740]  }
0x102: {  	v32 =	vld [tilespmem:s13+$0x1B600]  }
0x103: {  	v27 =	vld [tilespmem:s13+$0x16750]  }
0x104: {  	v33 =	vld [tilespmem:s13+$0x1B610]  }
0x105: {  	v34 =	vld [tilespmem:s13+$0x1B620]  }
0x106: {  	v28 =	vld [tilespmem:s13+$0x16760]  }
0x107: {  	v35 =	vld [tilespmem:s13+$0x1B630];
	v6 =	vadd.f32 v6, v32  }
0x108: {  	v36 =	vld [tilespmem:s13+$0x1B640]  }
0x109: {  	v29 =	vld [tilespmem:s13+$0x16770];
	v7 =	vadd.f32 v7, v33;
	v6 =	vmax.f32 v6, $0.0e+00  }
0x10a: {  	v62 =	vld [tilespmem:s13+$0x1B650];
	[tilespmem:s13+$0x1B600] =	vst v6;
	v6 =	vadd.f32 v8, v34  }
0x10b: {  	v37 =	vld [tilespmem:s13+$0x1B660];
	v7 =	vmax.f32 v7, $0.0e+00  }
0x10c: {  	v30 =	vld [tilespmem:s13+$0x16780];
	[tilespmem:s13+$0x1B610] =	vst v7;
	v7 =	vadd.f32 v9, v35;
	v6 =	vmax.f32 v6, $0.0e+00  }
0x10d: {  	v63 =	vld [tilespmem:s13+$0x1B670];
	[tilespmem:s13+$0x1B620] =	vst v6;
	v6 =	vadd.f32 v10, v36  }
0x10e: {  	v8 =	vld [tilespmem:s13+$0x1B680];
	v7 =	vmax.f32 v7, $0.0e+00  }
0x10f: {  	v31 =	vld [tilespmem:s13+$0x16790];
	[tilespmem:s13+$0x1B630] =	vst v7;
	v7 =	vadd.f32 v11, v62;
	v6 =	vmax.f32 v6, $0.0e+00  }
0x110: {  	v9 =	vld [tilespmem:s13+$0x1B690];
	[tilespmem:s13+$0x1B640] =	vst v6;
	v6 =	vadd.f32 v12, v37  }
0x111: {  	v10 =	vld [tilespmem:s13+$0x1B6A0];
	v7 =	vmax.f32 v7, $0.0e+00  }
0x112: {  	v5 =	vld [tilespmem:s13+$0x167A0];
	[tilespmem:s13+$0x1B650] =	vst v7;
	v7 =	vadd.f32 v13, v63;
	v6 =	vmax.f32 v6, $0.0e+00  }
0x113: {  	v11 =	vld [tilespmem:s13+$0x1B6B0];
	[tilespmem:s13+$0x1B660] =	vst v6;
	v6 =	vadd.f32 v14, v8  }
0x114: {  	v12 =	vld [tilespmem:s13+$0x1B6C0];
	v7 =	vmax.f32 v7, $0.0e+00  }
0x115: {  	v4 =	vld [tilespmem:s13+$0x167B0];
	[tilespmem:s13+$0x1B670] =	vst v7;
	v7 =	vadd.f32 v15, v9;
	v6 =	vmax.f32 v6, $0.0e+00  }
0x116: {  	v13 =	vld [tilespmem:s13+$0x1B6D0];
	[tilespmem:s13+$0x1B680] =	vst v6;
	v6 =	vadd.f32 v16, v10  }
0x117: {  	v8 =	vld [tilespmem:s13+$0x1B6E0];
	v7 =	vmax.f32 v7, $0.0e+00  }
0x118: {  	v3 =	vld [tilespmem:s13+$0x167C0];
	[tilespmem:s13+$0x1B690] =	vst v7;
	v7 =	vadd.f32 v17, v11;
	v6 =	vmax.f32 v6, $0.0e+00  }
0x119: {  	v9 =	vld [tilespmem:s13+$0x1B6F0];
	[tilespmem:s13+$0x1B6A0] =	vst v6;
	v6 =	vadd.f32 v18, v12  }
0x11a: {  	v10 =	vld [tilespmem:s13+$0x1B700];
	v7 =	vmax.f32 v7, $0.0e+00  }
0x11b: {  	v2 =	vld [tilespmem:s13+$0x167D0];
	[tilespmem:s13+$0x1B6B0] =	vst v7;
	v7 =	vadd.f32 v19, v13;
	v6 =	vmax.f32 v6, $0.0e+00  }
0x11c: {  	v11 =	vld [tilespmem:s13+$0x1B710];
	[tilespmem:s13+$0x1B6C0] =	vst v6;
	v6 =	vadd.f32 v20, v8  }
0x11d: {  	v12 =	vld [tilespmem:s13+$0x1B720];
	v7 =	vmax.f32 v7, $0.0e+00  }
0x11e: {  	v1 =	vld [tilespmem:s13+$0x167E0];
	[tilespmem:s13+$0x1B6D0] =	vst v7;
	v7 =	vadd.f32 v21, v9;
	v6 =	vmax.f32 v6, $0.0e+00  }
0x11f: {  	v13 =	vld [tilespmem:s13+$0x1B730];
	[tilespmem:s13+$0x1B6E0] =	vst v6;
	v6 =	vadd.f32 v22, v10  }
0x120: {  	v8 =	vld [tilespmem:s13+$0x1B740];
	v7 =	vmax.f32 v7, $0.0e+00  }
0x121: {  	v0 =	vld [tilespmem:s13+$0x167F0];
	[tilespmem:s13+$0x1B6F0] =	vst v7;
	v7 =	vadd.f32 v23, v11;
	v6 =	vmax.f32 v6, $0.0e+00  }
0x122: {  	v9 =	vld [tilespmem:s13+$0x1B750];
	[tilespmem:s13+$0x1B700] =	vst v6;
	v6 =	vadd.f32 v24, v12  }
0x123: {  	v14 =	vld [tilespmem:s13+$0x1B760];
	v7 =	vmax.f32 v7, $0.0e+00  }
0x124: {  	v11 =	vld [tilespmem:s13+$0x1B770];
	[tilespmem:s13+$0x1B710] =	vst v7;
	v7 =	vadd.f32 v25, v13;
	v6 =	vmax.f32 v6, $0.0e+00  }
0x125: {  	v12 =	vld [tilespmem:s13+$0x1B780];
	[tilespmem:s13+$0x1B720] =	vst v6;
	v6 =	vadd.f32 v26, v8  }
0x126: {  	v15 =	vld [tilespmem:s13+$0x1B790];
	v7 =	vmax.f32 v7, $0.0e+00  }
0x127: {  	v10 =	vld [tilespmem:s13+$0x1B7A0];
	[tilespmem:s13+$0x1B730] =	vst v7;
	v7 =	vadd.f32 v27, v9;
	v6 =	vmax.f32 v6, $0.0e+00  }
0x128: {  	v9 =	vld [tilespmem:s13+$0x1B7B0];
	[tilespmem:s13+$0x1B740] =	vst v6;
	v6 =	vadd.f32 v28, v14  }
0x129: {  	v11 =	vadd.f32 v29, v11;
	v8 =	vld [tilespmem:s13+$0x1B7C0];
	v7 =	vmax.f32 v7, $0.0e+00  }
0x12a: {  	v12 =	vadd.f32 v30, v12;
	[tilespmem:s13+$0x1B750] =	vst v7;
	v7 =	vld [tilespmem:s13+$0x1B7D0];
	v6 =	vmax.f32 v6, $0.0e+00  }
0x12b: {  	s30 =	simm.s32 $0x800;
	v13 =	vmax.f32 v11, $0.0e+00;
	v11 =	vadd.f32 v31, v15;
	[tilespmem:s13+$0x1B760] =	vst v6;
	v6 =	vld [tilespmem:s13+$0x1B7E0]  }
.LBB2_6:
0x12c: {  	s0 =	sshra.s32 s30, $0x2;
	p2 =	sne.s32 s30, $0x9800;
	[tilespmem:s13+$0x1B770] =	vst v13;
	v12 =	vmax.f32 v12, $0.0e+00;
	v5 =	vadd.f32 v5, v10;
	v10 =	vld [tilespmem:s13+$0x1B7F0]  }
0x12d: {  	v13 =	vld [tilespmem:s0+$0x16600];
	[tilespmem:s13+$0x1B780] =	vst v12;
	v11 =	vmax.f32 v11, $0.0e+00;
	v4 =	vadd.f32 v4, v9  }
0x12e: {  	v12 =	vld [tilespmem:s0+$0x16610];
	[tilespmem:s13+$0x1B790] =	vst v11;
	v5 =	vmax.f32 v5, $0.0e+00;
	v3 =	vadd.f32 v3, v8  }
0x12f: {  	v14 =	vld [tilespmem:s0+$0x16620];
	[tilespmem:s13+$0x1B7A0] =	vst v5;
	v4 =	vmax.f32 v4, $0.0e+00;
	v2 =	vadd.f32 v2, v7  }
0x130: {  	v15 =	vld [tilespmem:s0+$0x16630];
	[tilespmem:s13+$0x1B7B0] =	vst v4;
	v3 =	vmax.f32 v3, $0.0e+00;
	v1 =	vadd.f32 v1, v6  }
0x131: {  	v16 =	vld [tilespmem:s0+$0x16640];
	[tilespmem:s13+$0x1B7C0] =	vst v3;
	v2 =	vmax.f32 v2, $0.0e+00;
	v0 =	vadd.f32 v0, v10  }
0x132: {  	v17 =	vld [tilespmem:s0+$0x16650];
	[tilespmem:s13+$0x1B7D0] =	vst v2;
	v1 =	vmax.f32 v1, $0.0e+00  }
0x133: {  	v18 =	vld [tilespmem:s0+$0x16660];
	[tilespmem:s13+$0x1B7E0] =	vst v1;
	v0 =	vmax.f32 v0, $0.0e+00  }
0x134: {  	v19 =	vld [tilespmem:s0+$0x16670];
	[tilespmem:s13+$0x1B7F0] =	vst v0;
	s13 =	smov.u32 s0  }
0x135: {  	v20 =	vld [tilespmem:s13+$0x16680]  }
0x136: {  	v21 =	vld [tilespmem:s13+$0x16690]  }
0x137: {  	v22 =	vld [tilespmem:s13+$0x166A0]  }
0x138: {  	v23 =	vld [tilespmem:s13+$0x166B0]  }
0x139: {  	v24 =	vld [tilespmem:s13+$0x166C0]  }
0x13a: {  	v25 =	vld [tilespmem:s13+$0x166D0]  }
0x13b: {  	v26 =	vld [tilespmem:s13+$0x166E0]  }
0x13c: {  	v27 =	vld [tilespmem:s13+$0x166F0]  }
0x13d: {  	v28 =	vld [tilespmem:s13+$0x16700]  }
0x13e: {  	v29 =	vld [tilespmem:s13+$0x16710]  }
0x13f: {  	v30 =	vld [tilespmem:s13+$0x16720]  }
0x140: {  	v31 =	vld [tilespmem:s13+$0x16730]  }
0x141: {  	v11 =	vld [tilespmem:s13+$0x16740]  }
0x142: {  	v10 =	vld [tilespmem:s13+$0x16750]  }
0x143: {  	v9 =	vld [tilespmem:s13+$0x16760]  }
0x144: {  	v8 =	vld [tilespmem:s13+$0x16770]  }
0x145: {  	v7 =	vld [tilespmem:s13+$0x16780]  }
0x146: {  	v6 =	vld [tilespmem:s13+$0x16790]  }
0x147: {  	v5 =	vld [tilespmem:s13+$0x167A0]  }
0x148: {  	v4 =	vld [tilespmem:s13+$0x167B0]  }
0x149: {  	v3 =	vld [tilespmem:s13+$0x167C0]  }
0x14a: {  	v2 =	vld [tilespmem:s13+$0x167D0]  }
0x14b: {  	v1 =	vld [tilespmem:s13+$0x167E0]  }
0x14c: {  	v0 =	vld [tilespmem:s13+$0x167F0]  }
0x14d: {  	v32 =	vld [tilespmem:s13+$0x1B600]  }
0x14e: {  	v33 =	vld [tilespmem:s13+$0x1B610]  }
0x14f: {  	v34 =	vld [tilespmem:s13+$0x1B620]  }
0x150: {  	v35 =	vld [tilespmem:s13+$0x1B630]  }
0x151: {  	v36 =	vld [tilespmem:s13+$0x1B640]  }
0x152: {  	v13 =	vadd.f32 v13, v32;
	v32 =	vld [tilespmem:s13+$0x1B650]  }
0x153: {  	v12 =	vadd.f32 v12, v33;
	v33 =	vld [tilespmem:s13+$0x1B660]  }
0x154: {  	v13 =	vmax.f32 v13, $0.0e+00;
	v14 =	vadd.f32 v14, v34;
	v34 =	vld [tilespmem:s13+$0x1B670]  }
0x155: {  	[tilespmem:s13+$0x1B600] =	vst v13;
	v12 =	vmax.f32 v12, $0.0e+00;
	v13 =	vadd.f32 v15, v35;
	v15 =	vld [tilespmem:s13+$0x1B680]  }
0x156: {  	[tilespmem:s13+$0x1B610] =	vst v12;
	v12 =	vmax.f32 v14, $0.0e+00;
	v14 =	vadd.f32 v16, v36;
	v16 =	vld [tilespmem:s13+$0x1B690]  }
0x157: {  	[tilespmem:s13+$0x1B620] =	vst v12;
	v12 =	vmax.f32 v13, $0.0e+00;
	v13 =	vadd.f32 v17, v32;
	v17 =	vld [tilespmem:s13+$0x1B6A0]  }
0x158: {  	[tilespmem:s13+$0x1B630] =	vst v12;
	v12 =	vmax.f32 v14, $0.0e+00;
	v14 =	vadd.f32 v18, v33;
	v18 =	vld [tilespmem:s13+$0x1B6B0]  }
0x159: {  	[tilespmem:s13+$0x1B640] =	vst v12;
	v12 =	vmax.f32 v13, $0.0e+00;
	v13 =	vadd.f32 v19, v34;
	v19 =	vld [tilespmem:s13+$0x1B6C0]  }
0x15a: {  	[tilespmem:s13+$0x1B650] =	vst v12;
	v12 =	vmax.f32 v14, $0.0e+00;
	v14 =	vadd.f32 v20, v15;
	v15 =	vld [tilespmem:s13+$0x1B6D0]  }
0x15b: {  	[tilespmem:s13+$0x1B660] =	vst v12;
	v12 =	vmax.f32 v13, $0.0e+00;
	v13 =	vadd.f32 v21, v16;
	v16 =	vld [tilespmem:s13+$0x1B6E0]  }
0x15c: {  	[tilespmem:s13+$0x1B670] =	vst v12;
	v12 =	vmax.f32 v14, $0.0e+00;
	v14 =	vadd.f32 v22, v17;
	v17 =	vld [tilespmem:s13+$0x1B6F0]  }
0x15d: {  	[tilespmem:s13+$0x1B680] =	vst v12;
	v12 =	vmax.f32 v13, $0.0e+00;
	v13 =	vadd.f32 v23, v18;
	v18 =	vld [tilespmem:s13+$0x1B700]  }
0x15e: {  	[tilespmem:s13+$0x1B690] =	vst v12;
	v12 =	vmax.f32 v14, $0.0e+00;
	v14 =	vadd.f32 v24, v19;
	v19 =	vld [tilespmem:s13+$0x1B710]  }
0x15f: {  	[tilespmem:s13+$0x1B6A0] =	vst v12;
	v12 =	vmax.f32 v13, $0.0e+00;
	v13 =	vadd.f32 v25, v15;
	v15 =	vld [tilespmem:s13+$0x1B720]  }
0x160: {  	[tilespmem:s13+$0x1B6B0] =	vst v12;
	v12 =	vmax.f32 v14, $0.0e+00;
	v14 =	vadd.f32 v26, v16;
	v16 =	vld [tilespmem:s13+$0x1B730]  }
0x161: {  	[tilespmem:s13+$0x1B6C0] =	vst v12;
	v12 =	vmax.f32 v13, $0.0e+00;
	v13 =	vadd.f32 v27, v17;
	v17 =	vld [tilespmem:s13+$0x1B740]  }
0x162: {  	[tilespmem:s13+$0x1B6D0] =	vst v12;
	v12 =	vmax.f32 v14, $0.0e+00;
	v14 =	vadd.f32 v28, v18;
	v18 =	vld [tilespmem:s13+$0x1B750]  }
0x163: {  	[tilespmem:s13+$0x1B6E0] =	vst v12;
	v12 =	vmax.f32 v13, $0.0e+00;
	v13 =	vadd.f32 v29, v19;
	v19 =	vld [tilespmem:s13+$0x1B760]  }
0x164: {  	[tilespmem:s13+$0x1B6F0] =	vst v12;
	v12 =	vmax.f32 v14, $0.0e+00;
	v14 =	vadd.f32 v30, v15;
	v15 =	vld [tilespmem:s13+$0x1B770]  }
0x165: {  	[tilespmem:s13+$0x1B700] =	vst v12;
	v12 =	vmax.f32 v13, $0.0e+00;
	v13 =	vadd.f32 v31, v16;
	v16 =	vld [tilespmem:s13+$0x1B780]  }
0x166: {  	[tilespmem:s13+$0x1B710] =	vst v12;
	v12 =	vmax.f32 v14, $0.0e+00;
	v11 =	vadd.f32 v11, v17;
	v14 =	vld [tilespmem:s13+$0x1B790]  }
.Ltmp4:
0x167: {  	[tilespmem:s13+$0x1B720] =	vst v12;
	v12 =	vmax.f32 v13, $0.0e+00;
	v13 =	vadd.f32 v10, v18;
	v10 =	vld [tilespmem:s13+$0x1B7A0];
	(pc) =	sbr.rel @p2 .LBB2_6-.Ltmp4, $4  }
0x168: {  	[tilespmem:s13+$0x1B730] =	vst v12;
	v11 =	vmax.f32 v11, $0.0e+00;
	v12 =	vadd.f32 v9, v19;
	v9 =	vld [tilespmem:s13+$0x1B7B0]  }
0x169: {  	[tilespmem:s13+$0x1B740] =	vst v11;
	v11 =	vmax.f32 v13, $0.0e+00;
	v13 =	vadd.f32 v8, v15;
	v8 =	vld [tilespmem:s13+$0x1B7C0]  }
0x16a: {  	[tilespmem:s13+$0x1B750] =	vst v11;
	v11 =	vmax.f32 v12, $0.0e+00;
	v12 =	vadd.f32 v7, v16;
	v7 =	vld [tilespmem:s13+$0x1B7D0]  }
0x16b: {  	s30 =	sadd.s32 $0x800, s30;
	[tilespmem:s13+$0x1B760] =	vst v11;
	v13 =	vmax.f32 v13, $0.0e+00;
	v11 =	vadd.f32 v6, v14;
	v6 =	vld [tilespmem:s13+$0x1B7E0]  }
0x16c: {  	[tilespmem:s13+$0x1B770] =	vst v13;
	v12 =	vmax.f32 v12, $0.0e+00;
	v5 =	vadd.f32 v5, v10;
	v63 =	vld [tilespmem:s13+$0x1B7F0]  }
0x16d: {  	[tilespmem:s13+$0x1B780] =	vst v12;
	v11 =	vmax.f32 v11, $0.0e+00;
	v4 =	vadd.f32 v4, v9  }
0x16e: {  	[tilespmem:s13+$0x1B790] =	vst v11;
	v5 =	vmax.f32 v5, $0.0e+00;
	v3 =	vadd.f32 v3, v8  }
0x16f: {  	[tilespmem:s13+$0x1B7A0] =	vst v5;
	v4 =	vmax.f32 v4, $0.0e+00;
	v2 =	vadd.f32 v2, v7  }
0x170: {  	[tilespmem:s13+$0x1B7B0] =	vst v4;
	v3 =	vmax.f32 v3, $0.0e+00;
	v1 =	vadd.f32 v1, v6  }
0x171: {  	[tilespmem:s13+$0x1B7C0] =	vst v3;
	v2 =	vmax.f32 v2, $0.0e+00;
	v0 =	vadd.f32 v0, v63  }
0x172: {  	[tilespmem:s13+$0x1B7D0] =	vst v2;
	v1 =	vmax.f32 v1, $0.0e+00  }
0x173: {  	[tilespmem:s13+$0x1B7E0] =	vst v1;
	v0 =	vmax.f32 v0, $0.0e+00  }
0x174: {  	[tilespmem:s13+$0x1B7F0] =	vst v0  }
0x175: {  	_ =	swait.ge [sflag:s29], $0x50  }
0x176: {  	[sflag:s29] =	ssyncset.done $0x0  }
.Ltmp5:
0x177: {  	[sflag:s29] =	ssyncadd.s32 $0xFFFFFFB0;
	(pc) =	sbr.rel @p1 .LBB2_8-.Ltmp5, $4  }
0x178: {  	[spmem:s1] =	stream.indirect.scatter.add.f32 [tilespmem:s22], [sflag:$0x7], $0x80, s24, s16, $0xb8;
	[tilespmem:$0x1DE00] =	vst v63  }
0x179: {  	_ =	swait.ge [sflag:s28], $0x2800  }
0x17a: {  	[sflag:s28] =	ssyncset.done $0x0  }
0x17b: {  	[sflag:s28] =	ssyncadd.s32 $0xFFFFD800  }
0x17c: {  	s0 =	sadd.s32 s25, s21  }
.Ltmp6:
0x17d: {  	s12 =	sshrl.u32 s0, $0x3;
	(pc) =	sbr.rel .LBB2_3-.Ltmp6, $4  }
0x17e: {  	s0 =	sshll.u32 s0, $0x4;
	s12 =	sadd.s32 s8, s12  }
0x17f: {  	[tilespmem:s31], [sflag:$0x2] =	stream.linear.gather [hbm4b:s12+s2], $0x50, $0x38;
	[tilespmem:$0x1DE00] =	vst v63  }
0x180: {  	s30 =	simm.s32 $0x16600;
	s19 =	sadd.s32 $0x1, s19;
	s0 =	sadd.s32 s5, s0  }
0x181: {  	[tilespmem:s30], [sflag:$0x2] =	stream.linear.gather [hbm4b:s0+s2], $0x2800, $0x38;
	[tilespmem:$0x1DE00] =	vst v63  }
.LBB2_10:
0x182: {  	s0 =	rddreg [dreg:$0x8];
	s13 =	simm.s32 $0x13E00  }
0x183: {  	[tilespmem:s13], [sflag:$0x1] =	stream.linear.gather [hbm4b:s0+s17], $0x2800, $0x38;
	[tilespmem:$0x1DE00] =	vst v63  }
0x184: {  	s13 =	rddreg [dreg:$0x9]  }
0x185: {  	[tilespmem:s31], [sflag:$0x2] =	stream.linear.gather [hbm4b:s13+s17], $0x50, $0x38;
	[tilespmem:$0x1DE00] =	vst v63  }
0x186: {  	s14 =	rddreg [dreg:$0xa];
	s19 =	simm.s32 $0x16600  }
0x187: {  	[tilespmem:s19], [sflag:$0x2] =	stream.linear.gather [hbm4b:s14+s17], $0x2800, $0x38;
	[tilespmem:$0x1DE00] =	vst v63  }
0x188: {  	s25 =	rddreg [dreg:$0xb];
	s30 =	simm.s32 $0x1  }
0x189: {  	[tilespmem:s6], [sflag:$0x5] =	stream.linear.gather [hbm4b:s25+s17], $0x50, $0x38;
	[tilespmem:$0x1DE00] =	vst v63  }
0x18a: {  	_ =	swait.ge [sflag:s30], $0x50  }
0x18b: {  	[sflag:s30] =	ssyncset.done $0x0  }
0x18c: {  	[sflag:s30] =	ssyncadd.s32 $0xFFFFFFB0  }
0x18d: {  	_ =	swait.ge [sflag:s30], $0x2800  }
0x18e: {  	[sflag:s30] =	ssyncset.done $0x0  }
0x18f: {  	s19 =	simm.s32 $0x0;
	[sflag:s30] =	ssyncadd.s32 $0xFFFFD800  }
0x190: {  	[tilespmem:s18], [sflag:$0x3] =	stream.indirect.gather [hbm4b:s4+s16], $0x80, s12, s16, $0xb8;
	[tilespmem:$0x1DE00] =	vst v63  }
.LBB2_11:
0x191: {  	_ =	swait.ge [sflag:s23], $0x50  }
0x192: {  	s25 =	smul.u32 $0xA0, s19;
	[sflag:s23] =	ssyncset.done $0x0  }
0x193: {  	[sflag:s23] =	ssyncadd.s32 $0xFFFFFFB0  }
0x194: {  	s0 =	sadd.s32 s25, s15;
	_ =	swait.ge [sflag:s23], $0x2800  }
0x195: {  	s0 =	sshrl.u32 s0, $0x3;
	[sflag:s23] =	ssyncset.done $0x0  }
0x196: {  	s0 =	sadd.s32 s9, s0;
	[sflag:s23] =	ssyncadd.s32 $0xFFFFD800  }
0x197: {  	[tilespmem:s24], [sflag:$0x6] =	stream.linear.gather [hbm4b:s0+s17], $0x50, $0x38;
	[tilespmem:$0x1DE00] =	vst v63  }
0x198: {  	_ = 	snop  }
0x199: {  	[tilespmem:s22], [sflag:$0x4] =	stream.indirect.gather [hbm4b:s4+s16], $0x80, s31, s16, $0xb8;
	[tilespmem:$0x1DE00] =	vst v63  }
0x19a: {  	_ =	swait.ge [sflag:s26], $0x2800  }
0x19b: {  	[sflag:s26] =	ssyncset.done $0x0  }
0x19c: {  	s13 =	simm.s32 $0x0;
	[sflag:s26] =	ssyncadd.s32 $0xFFFFD800  }
0x19d: {  	v6 =	vld [tilespmem:s13+$0x13E00]  }
0x19e: {  	v7 =	vld [tilespmem:s13+$0x13E10]  }
0x19f: {  	v8 =	vld [tilespmem:s13+$0x13E20]  }
0x1a0: {  	v9 =	vld [tilespmem:s13+$0x13E30]  }
0x1a1: {  	v10 =	vld [tilespmem:s13+$0x13E40]  }
0x1a2: {  	v11 =	vld [tilespmem:s13+$0x13E50]  }
0x1a3: {  	v12 =	vld [tilespmem:s13+$0x13E60]  }
0x1a4: {  	v13 =	vld [tilespmem:s13+$0x13E70]  }
0x1a5: {  	v14 =	vld [tilespmem:s13+$0x13E80]  }
0x1a6: {  	v15 =	vld [tilespmem:s13+$0x13E90]  }
0x1a7: {  	v16 =	vld [tilespmem:s13+$0x13EA0]  }
0x1a8: {  	v17 =	vld [tilespmem:s13+$0x13EB0]  }
0x1a9: {  	v18 =	vld [tilespmem:s13+$0x13EC0]  }
0x1aa: {  	v19 =	vld [tilespmem:s13+$0x13ED0]  }
0x1ab: {  	v20 =	vld [tilespmem:s13+$0x13EE0]  }
0x1ac: {  	v21 =	vld [tilespmem:s13+$0x13EF0]  }
0x1ad: {  	v22 =	vld [tilespmem:s13+$0x13F00]  }
0x1ae: {  	v23 =	vld [tilespmem:s13+$0x13F10]  }
0x1af: {  	v24 =	vld [tilespmem:s13+$0x13F20]  }
0x1b0: {  	v25 =	vld [tilespmem:s13+$0x13F30]  }
0x1b1: {  	v26 =	vld [tilespmem:s13+$0x13F40]  }
0x1b2: {  	v32 =	vld [tilespmem:s13+$0x18E00]  }
0x1b3: {  	v27 =	vld [tilespmem:s13+$0x13F50]  }
0x1b4: {  	v33 =	vld [tilespmem:s13+$0x18E10]  }
0x1b5: {  	v34 =	vld [tilespmem:s13+$0x18E20]  }
0x1b6: {  	v28 =	vld [tilespmem:s13+$0x13F60]  }
0x1b7: {  	v35 =	vld [tilespmem:s13+$0x18E30];
	v6 =	vadd.f32 v6, v32  }
0x1b8: {  	v36 =	vld [tilespmem:s13+$0x18E40]  }
0x1b9: {  	v29 =	vld [tilespmem:s13+$0x13F70];
	v7 =	vadd.f32 v7, v33;
	v6 =	vmax.f32 v6, $0.0e+00  }
0x1ba: {  	v62 =	vld [tilespmem:s13+$0x18E50];
	[tilespmem:s13+$0x18E00] =	vst v6;
	v6 =	vadd.f32 v8, v34  }
0x1bb: {  	v37 =	vld [tilespmem:s13+$0x18E60];
	v7 =	vmax.f32 v7, $0.0e+00  }
0x1bc: {  	v30 =	vld [tilespmem:s13+$0x13F80];
	[tilespmem:s13+$0x18E10] =	vst v7;
	v7 =	vadd.f32 v9, v35;
	v6 =	vmax.f32 v6, $0.0e+00  }
0x1bd: {  	v63 =	vld [tilespmem:s13+$0x18E70];
	[tilespmem:s13+$0x18E20] =	vst v6;
	v6 =	vadd.f32 v10, v36  }
0x1be: {  	v8 =	vld [tilespmem:s13+$0x18E80];
	v7 =	vmax.f32 v7, $0.0e+00  }
0x1bf: {  	v31 =	vld [tilespmem:s13+$0x13F90];
	[tilespmem:s13+$0x18E30] =	vst v7;
	v7 =	vadd.f32 v11, v62;
	v6 =	vmax.f32 v6, $0.0e+00  }
0x1c0: {  	v9 =	vld [tilespmem:s13+$0x18E90];
	[tilespmem:s13+$0x18E40] =	vst v6;
	v6 =	vadd.f32 v12, v37  }
0x1c1: {  	v10 =	vld [tilespmem:s13+$0x18EA0];
	v7 =	vmax.f32 v7, $0.0e+00  }
0x1c2: {  	v5 =	vld [tilespmem:s13+$0x13FA0];
	[tilespmem:s13+$0x18E50] =	vst v7;
	v7 =	vadd.f32 v13, v63;
	v6 =	vmax.f32 v6, $0.0e+00  }
0x1c3: {  	v11 =	vld [tilespmem:s13+$0x18EB0];
	[tilespmem:s13+$0x18E60] =	vst v6;
	v6 =	vadd.f32 v14, v8  }
0x1c4: {  	v12 =	vld [tilespmem:s13+$0x18EC0];
	v7 =	vmax.f32 v7, $0.0e+00  }
0x1c5: {  	v4 =	vld [tilespmem:s13+$0x13FB0];
	[tilespmem:s13+$0x18E70] =	vst v7;
	v7 =	vadd.f32 v15, v9;
	v6 =	vmax.f32 v6, $0.0e+00  }
0x1c6: {  	v13 =	vld [tilespmem:s13+$0x18ED0];
	[tilespmem:s13+$0x18E80] =	vst v6;
	v6 =	vadd.f32 v16, v10  }
0x1c7: {  	v8 =	vld [tilespmem:s13+$0x18EE0];
	v7 =	vmax.f32 v7, $0.0e+00  }
0x1c8: {  	v3 =	vld [tilespmem:s13+$0x13FC0];
	[tilespmem:s13+$0x18E90] =	vst v7;
	v7 =	vadd.f32 v17, v11;
	v6 =	vmax.f32 v6, $0.0e+00  }
0x1c9: {  	v9 =	vld [tilespmem:s13+$0x18EF0];
	[tilespmem:s13+$0x18EA0] =	vst v6;
	v6 =	vadd.f32 v18, v12  }
0x1ca: {  	v10 =	vld [tilespmem:s13+$0x18F00];
	v7 =	vmax.f32 v7, $0.0e+00  }
0x1cb: {  	v2 =	vld [tilespmem:s13+$0x13FD0];
	[tilespmem:s13+$0x18EB0] =	vst v7;
	v7 =	vadd.f32 v19, v13;
	v6 =	vmax.f32 v6, $0.0e+00  }
0x1cc: {  	v11 =	vld [tilespmem:s13+$0x18F10];
	[tilespmem:s13+$0x18EC0] =	vst v6;
	v6 =	vadd.f32 v20, v8  }
0x1cd: {  	v12 =	vld [tilespmem:s13+$0x18F20];
	v7 =	vmax.f32 v7, $0.0e+00  }
0x1ce: {  	v1 =	vld [tilespmem:s13+$0x13FE0];
	[tilespmem:s13+$0x18ED0] =	vst v7;
	v7 =	vadd.f32 v21, v9;
	v6 =	vmax.f32 v6, $0.0e+00  }
0x1cf: {  	v13 =	vld [tilespmem:s13+$0x18F30];
	[tilespmem:s13+$0x18EE0] =	vst v6;
	v6 =	vadd.f32 v22, v10  }
0x1d0: {  	v8 =	vld [tilespmem:s13+$0x18F40];
	v7 =	vmax.f32 v7, $0.0e+00  }
0x1d1: {  	v0 =	vld [tilespmem:s13+$0x13FF0];
	[tilespmem:s13+$0x18EF0] =	vst v7;
	v7 =	vadd.f32 v23, v11;
	v6 =	vmax.f32 v6, $0.0e+00  }
0x1d2: {  	v9 =	vld [tilespmem:s13+$0x18F50];
	[tilespmem:s13+$0x18F00] =	vst v6;
	v6 =	vadd.f32 v24, v12  }
0x1d3: {  	v14 =	vld [tilespmem:s13+$0x18F60];
	v7 =	vmax.f32 v7, $0.0e+00  }
0x1d4: {  	v11 =	vld [tilespmem:s13+$0x18F70];
	[tilespmem:s13+$0x18F10] =	vst v7;
	v7 =	vadd.f32 v25, v13;
	v6 =	vmax.f32 v6, $0.0e+00  }
0x1d5: {  	v12 =	vld [tilespmem:s13+$0x18F80];
	[tilespmem:s13+$0x18F20] =	vst v6;
	v6 =	vadd.f32 v26, v8  }
0x1d6: {  	v15 =	vld [tilespmem:s13+$0x18F90];
	v7 =	vmax.f32 v7, $0.0e+00  }
0x1d7: {  	v10 =	vld [tilespmem:s13+$0x18FA0];
	[tilespmem:s13+$0x18F30] =	vst v7;
	v7 =	vadd.f32 v27, v9;
	v6 =	vmax.f32 v6, $0.0e+00  }
0x1d8: {  	v9 =	vld [tilespmem:s13+$0x18FB0];
	[tilespmem:s13+$0x18F40] =	vst v6;
	v6 =	vadd.f32 v28, v14  }
0x1d9: {  	v11 =	vadd.f32 v29, v11;
	v8 =	vld [tilespmem:s13+$0x18FC0];
	v7 =	vmax.f32 v7, $0.0e+00  }
0x1da: {  	v12 =	vadd.f32 v30, v12;
	[tilespmem:s13+$0x18F50] =	vst v7;
	v7 =	vld [tilespmem:s13+$0x18FD0];
	v6 =	vmax.f32 v6, $0.0e+00  }
0x1db: {  	s30 =	simm.s32 $0x800;
	v13 =	vmax.f32 v11, $0.0e+00;
	v11 =	vadd.f32 v31, v15;
	[tilespmem:s13+$0x18F60] =	vst v6;
	v6 =	vld [tilespmem:s13+$0x18FE0]  }
.LBB2_12:
0x1dc: {  	s0 =	sshra.s32 s30, $0x2;
	p1 =	sne.s32 s30, $0x9800;
	[tilespmem:s13+$0x18F70] =	vst v13;
	v12 =	vmax.f32 v12, $0.0e+00;
	v5 =	vadd.f32 v5, v10;
	v10 =	vld [tilespmem:s13+$0x18FF0]  }
0x1dd: {  	v13 =	vld [tilespmem:s0+$0x13E00];
	[tilespmem:s13+$0x18F80] =	vst v12;
	v11 =	vmax.f32 v11, $0.0e+00;
	v4 =	vadd.f32 v4, v9  }
0x1de: {  	v12 =	vld [tilespmem:s0+$0x13E10];
	[tilespmem:s13+$0x18F90] =	vst v11;
	v5 =	vmax.f32 v5, $0.0e+00;
	v3 =	vadd.f32 v3, v8  }
0x1df: {  	v14 =	vld [tilespmem:s0+$0x13E20];
	[tilespmem:s13+$0x18FA0] =	vst v5;
	v4 =	vmax.f32 v4, $0.0e+00;
	v2 =	vadd.f32 v2, v7  }
0x1e0: {  	v15 =	vld [tilespmem:s0+$0x13E30];
	[tilespmem:s13+$0x18FB0] =	vst v4;
	v3 =	vmax.f32 v3, $0.0e+00;
	v1 =	vadd.f32 v1, v6  }
0x1e1: {  	v16 =	vld [tilespmem:s0+$0x13E40];
	[tilespmem:s13+$0x18FC0] =	vst v3;
	v2 =	vmax.f32 v2, $0.0e+00;
	v0 =	vadd.f32 v0, v10  }
0x1e2: {  	v17 =	vld [tilespmem:s0+$0x13E50];
	[tilespmem:s13+$0x18FD0] =	vst v2;
	v1 =	vmax.f32 v1, $0.0e+00  }
0x1e3: {  	v18 =	vld [tilespmem:s0+$0x13E60];
	[tilespmem:s13+$0x18FE0] =	vst v1;
	v0 =	vmax.f32 v0, $0.0e+00  }
0x1e4: {  	v19 =	vld [tilespmem:s0+$0x13E70];
	[tilespmem:s13+$0x18FF0] =	vst v0;
	s13 =	smov.u32 s0  }
0x1e5: {  	v20 =	vld [tilespmem:s13+$0x13E80]  }
0x1e6: {  	v21 =	vld [tilespmem:s13+$0x13E90]  }
0x1e7: {  	v22 =	vld [tilespmem:s13+$0x13EA0]  }
0x1e8: {  	v23 =	vld [tilespmem:s13+$0x13EB0]  }
0x1e9: {  	v24 =	vld [tilespmem:s13+$0x13EC0]  }
0x1ea: {  	v25 =	vld [tilespmem:s13+$0x13ED0]  }
0x1eb: {  	v26 =	vld [tilespmem:s13+$0x13EE0]  }
0x1ec: {  	v27 =	vld [tilespmem:s13+$0x13EF0]  }
0x1ed: {  	v28 =	vld [tilespmem:s13+$0x13F00]  }
0x1ee: {  	v29 =	vld [tilespmem:s13+$0x13F10]  }
0x1ef: {  	v30 =	vld [tilespmem:s13+$0x13F20]  }
0x1f0: {  	v31 =	vld [tilespmem:s13+$0x13F30]  }
0x1f1: {  	v11 =	vld [tilespmem:s13+$0x13F40]  }
0x1f2: {  	v10 =	vld [tilespmem:s13+$0x13F50]  }
0x1f3: {  	v9 =	vld [tilespmem:s13+$0x13F60]  }
0x1f4: {  	v8 =	vld [tilespmem:s13+$0x13F70]  }
0x1f5: {  	v7 =	vld [tilespmem:s13+$0x13F80]  }
0x1f6: {  	v6 =	vld [tilespmem:s13+$0x13F90]  }
0x1f7: {  	v5 =	vld [tilespmem:s13+$0x13FA0]  }
0x1f8: {  	v4 =	vld [tilespmem:s13+$0x13FB0]  }
0x1f9: {  	v3 =	vld [tilespmem:s13+$0x13FC0]  }
0x1fa: {  	v2 =	vld [tilespmem:s13+$0x13FD0]  }
0x1fb: {  	v1 =	vld [tilespmem:s13+$0x13FE0]  }
0x1fc: {  	v0 =	vld [tilespmem:s13+$0x13FF0]  }
0x1fd: {  	v32 =	vld [tilespmem:s13+$0x18E00]  }
0x1fe: {  	v33 =	vld [tilespmem:s13+$0x18E10]  }
0x1ff: {  	v34 =	vld [tilespmem:s13+$0x18E20]  }
0x200: {  	v35 =	vld [tilespmem:s13+$0x18E30]  }
0x201: {  	v36 =	vld [tilespmem:s13+$0x18E40]  }
0x202: {  	v13 =	vadd.f32 v13, v32;
	v32 =	vld [tilespmem:s13+$0x18E50]  }
0x203: {  	v12 =	vadd.f32 v12, v33;
	v33 =	vld [tilespmem:s13+$0x18E60]  }
0x204: {  	v13 =	vmax.f32 v13, $0.0e+00;
	v14 =	vadd.f32 v14, v34;
	v34 =	vld [tilespmem:s13+$0x18E70]  }
0x205: {  	[tilespmem:s13+$0x18E00] =	vst v13;
	v12 =	vmax.f32 v12, $0.0e+00;
	v13 =	vadd.f32 v15, v35;
	v15 =	vld [tilespmem:s13+$0x18E80]  }
0x206: {  	[tilespmem:s13+$0x18E10] =	vst v12;
	v12 =	vmax.f32 v14, $0.0e+00;
	v14 =	vadd.f32 v16, v36;
	v16 =	vld [tilespmem:s13+$0x18E90]  }
0x207: {  	[tilespmem:s13+$0x18E20] =	vst v12;
	v12 =	vmax.f32 v13, $0.0e+00;
	v13 =	vadd.f32 v17, v32;
	v17 =	vld [tilespmem:s13+$0x18EA0]  }
0x208: {  	[tilespmem:s13+$0x18E30] =	vst v12;
	v12 =	vmax.f32 v14, $0.0e+00;
	v14 =	vadd.f32 v18, v33;
	v18 =	vld [tilespmem:s13+$0x18EB0]  }
0x209: {  	[tilespmem:s13+$0x18E40] =	vst v12;
	v12 =	vmax.f32 v13, $0.0e+00;
	v13 =	vadd.f32 v19, v34;
	v19 =	vld [tilespmem:s13+$0x18EC0]  }
0x20a: {  	[tilespmem:s13+$0x18E50] =	vst v12;
	v12 =	vmax.f32 v14, $0.0e+00;
	v14 =	vadd.f32 v20, v15;
	v15 =	vld [tilespmem:s13+$0x18ED0]  }
0x20b: {  	[tilespmem:s13+$0x18E60] =	vst v12;
	v12 =	vmax.f32 v13, $0.0e+00;
	v13 =	vadd.f32 v21, v16;
	v16 =	vld [tilespmem:s13+$0x18EE0]  }
0x20c: {  	[tilespmem:s13+$0x18E70] =	vst v12;
	v12 =	vmax.f32 v14, $0.0e+00;
	v14 =	vadd.f32 v22, v17;
	v17 =	vld [tilespmem:s13+$0x18EF0]  }
0x20d: {  	[tilespmem:s13+$0x18E80] =	vst v12;
	v12 =	vmax.f32 v13, $0.0e+00;
	v13 =	vadd.f32 v23, v18;
	v18 =	vld [tilespmem:s13+$0x18F00]  }
0x20e: {  	[tilespmem:s13+$0x18E90] =	vst v12;
	v12 =	vmax.f32 v14, $0.0e+00;
	v14 =	vadd.f32 v24, v19;
	v19 =	vld [tilespmem:s13+$0x18F10]  }
0x20f: {  	[tilespmem:s13+$0x18EA0] =	vst v12;
	v12 =	vmax.f32 v13, $0.0e+00;
	v13 =	vadd.f32 v25, v15;
	v15 =	vld [tilespmem:s13+$0x18F20]  }
0x210: {  	[tilespmem:s13+$0x18EB0] =	vst v12;
	v12 =	vmax.f32 v14, $0.0e+00;
	v14 =	vadd.f32 v26, v16;
	v16 =	vld [tilespmem:s13+$0x18F30]  }
0x211: {  	[tilespmem:s13+$0x18EC0] =	vst v12;
	v12 =	vmax.f32 v13, $0.0e+00;
	v13 =	vadd.f32 v27, v17;
	v17 =	vld [tilespmem:s13+$0x18F40]  }
0x212: {  	[tilespmem:s13+$0x18ED0] =	vst v12;
	v12 =	vmax.f32 v14, $0.0e+00;
	v14 =	vadd.f32 v28, v18;
	v18 =	vld [tilespmem:s13+$0x18F50]  }
0x213: {  	[tilespmem:s13+$0x18EE0] =	vst v12;
	v12 =	vmax.f32 v13, $0.0e+00;
	v13 =	vadd.f32 v29, v19;
	v19 =	vld [tilespmem:s13+$0x18F60]  }
0x214: {  	[tilespmem:s13+$0x18EF0] =	vst v12;
	v12 =	vmax.f32 v14, $0.0e+00;
	v14 =	vadd.f32 v30, v15;
	v15 =	vld [tilespmem:s13+$0x18F70]  }
0x215: {  	[tilespmem:s13+$0x18F00] =	vst v12;
	v12 =	vmax.f32 v13, $0.0e+00;
	v13 =	vadd.f32 v31, v16;
	v16 =	vld [tilespmem:s13+$0x18F80]  }
0x216: {  	[tilespmem:s13+$0x18F10] =	vst v12;
	v12 =	vmax.f32 v14, $0.0e+00;
	v11 =	vadd.f32 v11, v17;
	v14 =	vld [tilespmem:s13+$0x18F90]  }
.Ltmp7:
0x217: {  	[tilespmem:s13+$0x18F20] =	vst v12;
	v12 =	vmax.f32 v13, $0.0e+00;
	v13 =	vadd.f32 v10, v18;
	v10 =	vld [tilespmem:s13+$0x18FA0];
	(pc) =	sbr.rel @p1 .LBB2_12-.Ltmp7, $4  }
0x218: {  	[tilespmem:s13+$0x18F30] =	vst v12;
	v11 =	vmax.f32 v11, $0.0e+00;
	v12 =	vadd.f32 v9, v19;
	v9 =	vld [tilespmem:s13+$0x18FB0]  }
0x219: {  	[tilespmem:s13+$0x18F40] =	vst v11;
	v11 =	vmax.f32 v13, $0.0e+00;
	v13 =	vadd.f32 v8, v15;
	v8 =	vld [tilespmem:s13+$0x18FC0]  }
0x21a: {  	[tilespmem:s13+$0x18F50] =	vst v11;
	v11 =	vmax.f32 v12, $0.0e+00;
	v12 =	vadd.f32 v7, v16;
	v7 =	vld [tilespmem:s13+$0x18FD0]  }
0x21b: {  	s30 =	sadd.s32 $0x800, s30;
	[tilespmem:s13+$0x18F60] =	vst v11;
	v13 =	vmax.f32 v13, $0.0e+00;
	v11 =	vadd.f32 v6, v14;
	v6 =	vld [tilespmem:s13+$0x18FE0]  }
0x21c: {  	[tilespmem:s13+$0x18F70] =	vst v13;
	v12 =	vmax.f32 v12, $0.0e+00;
	v5 =	vadd.f32 v5, v10;
	v10 =	vld [tilespmem:s13+$0x18FF0]  }
0x21d: {  	[tilespmem:s13+$0x18F80] =	vst v12;
	v11 =	vmax.f32 v11, $0.0e+00;
	v4 =	vadd.f32 v4, v9  }
0x21e: {  	[tilespmem:s13+$0x18F90] =	vst v11;
	v5 =	vmax.f32 v5, $0.0e+00;
	v3 =	vadd.f32 v3, v8  }
0x21f: {  	[tilespmem:s13+$0x18FA0] =	vst v5;
	v4 =	vmax.f32 v4, $0.0e+00;
	v2 =	vadd.f32 v2, v7  }
0x220: {  	[tilespmem:s13+$0x18FB0] =	vst v4;
	v3 =	vmax.f32 v3, $0.0e+00;
	v1 =	vadd.f32 v1, v6  }
0x221: {  	[tilespmem:s13+$0x18FC0] =	vst v3;
	v2 =	vmax.f32 v2, $0.0e+00;
	v0 =	vadd.f32 v0, v10  }
0x222: {  	[tilespmem:s13+$0x18FD0] =	vst v2;
	v1 =	vmax.f32 v1, $0.0e+00  }
0x223: {  	[tilespmem:s13+$0x18FE0] =	vst v1;
	v0 =	vmax.f32 v0, $0.0e+00  }
0x224: {  	[tilespmem:s13+$0x18FF0] =	vst v0  }
0x225: {  	_ =	swait.ge [sflag:s10], $0x50  }
0x226: {  	[sflag:s10] =	ssyncset.done $0x0  }
0x227: {  	p1 =	seq.s32 s19, $0x7C;
	[sflag:s10] =	ssyncadd.s32 $0xFFFFFFB0  }
0x228: {  	[spmem:s1] =	stream.indirect.scatter.add.f32 [tilespmem:s18], [sflag:$0x7], $0x80, s6, s16, $0xb8;
	[tilespmem:$0x1DE00] =	vst v63  }
0x229: {  	s0 =	sadd.s32 @!p1 s25, s20;
	s14 =	simm.s32 @!p1 $0x0;
	_ =	swait.ge [sflag:s28], $0x2800  }
0x22a: {  	s30 =	simm.s32 @!p1 $0x13C00;
	s12 =	sshrl.u32 @!p1 s0, $0x3;
	[sflag:s28] =	ssyncset.done $0x0  }
0x22b: {  	s0 =	sshll.u32 @!p1 s0, $0x4;
	s13 =	sadd.s32 @!p1 s8, s12;
	[sflag:s28] =	ssyncadd.s32 $0xFFFFD800  }
0x22c: {  	[tilespmem:s30], [sflag:$0x1] =	stream.linear.gather @!p1 [hbm4b:s13+s14], $0x50, $0x38;
	[tilespmem:$0x1DE00] =	vst v63  }
0x22d: {  	s0 =	sadd.s32 @!p1 s7, s0;
	s13 =	simm.s32 @!p1 $0x13E00  }
0x22e: {  	[tilespmem:s13], [sflag:$0x1] =	stream.linear.gather @!p1 [hbm4b:s0+s14], $0x2800, $0x38;
	[tilespmem:$0x1DE00] =	vst v63  }
0x22f: {  	s0 =	simm.s32 @!p1 $0x1  }
0x230: {  	_ =	swait.ge @!p1 [sflag:s0], $0x50  }
0x231: {  	[sflag:s0] =	ssyncset.done @!p1 $0x0  }
0x232: {  	[sflag:s0] =	ssyncadd.s32 @!p1 $0xFFFFFFB0  }
0x233: {  	_ =	swait.ge @!p1 [sflag:s0], $0x2800  }
0x234: {  	[sflag:s0] =	ssyncset.done @!p1 $0x0  }
0x235: {  	[sflag:s0] =	ssyncadd.s32 @!p1 $0xFFFFD800;
	s0 =	sadd.s32 @!p1 s9, s12;
	s12 =	simm.s32 @!p1 $0x13D00  }
0x236: {  	[tilespmem:s12], [sflag:$0x5] =	stream.linear.gather @!p1 [hbm4b:s0+s14], $0x50, $0x38;
	[tilespmem:$0x1DE00] =	vst v63  }
0x237: {  	s0 =	simm.s32 @!p1 $0x50;
	s12 =	simm.s32 @!p1 $0x18E00  }
0x238: {  	[tilespmem:s12], [sflag:$0x3] =	stream.indirect.gather @!p1 [hbm4b:s4+s0], $0x80, s30, s0, $0xb8;
	[tilespmem:$0x1DE00] =	vst v63  }
0x239: {  	_ =	swait.ge [sflag:s11], $0x2800  }
0x23a: {  	[sflag:s11] =	ssyncset.done $0x0  }
0x23b: {  	s13 =	simm.s32 $0x0;
	[sflag:s11] =	ssyncadd.s32 $0xFFFFD800  }
0x23c: {  	v6 =	vld [tilespmem:s13+$0x16600]  }
0x23d: {  	v7 =	vld [tilespmem:s13+$0x16610]  }
0x23e: {  	v8 =	vld [tilespmem:s13+$0x16620]  }
0x23f: {  	v9 =	vld [tilespmem:s13+$0x16630]  }
0x240: {  	v10 =	vld [tilespmem:s13+$0x16640]  }
0x241: {  	v11 =	vld [tilespmem:s13+$0x16650]  }
0x242: {  	v12 =	vld [tilespmem:s13+$0x16660]  }
0x243: {  	v13 =	vld [tilespmem:s13+$0x16670]  }
0x244: {  	v14 =	vld [tilespmem:s13+$0x16680]  }
0x245: {  	v15 =	vld [tilespmem:s13+$0x16690]  }
0x246: {  	v16 =	vld [tilespmem:s13+$0x166A0]  }
0x247: {  	v17 =	vld [tilespmem:s13+$0x166B0]  }
0x248: {  	v18 =	vld [tilespmem:s13+$0x166C0]  }
0x249: {  	v19 =	vld [tilespmem:s13+$0x166D0]  }
0x24a: {  	v20 =	vld [tilespmem:s13+$0x166E0]  }
0x24b: {  	v21 =	vld [tilespmem:s13+$0x166F0]  }
0x24c: {  	v22 =	vld [tilespmem:s13+$0x16700]  }
0x24d: {  	v23 =	vld [tilespmem:s13+$0x16710]  }
0x24e: {  	v24 =	vld [tilespmem:s13+$0x16720]  }
0x24f: {  	v25 =	vld [tilespmem:s13+$0x16730]  }
0x250: {  	v26 =	vld [tilespmem:s13+$0x16740]  }
0x251: {  	v32 =	vld [tilespmem:s13+$0x1B600]  }
0x252: {  	v27 =	vld [tilespmem:s13+$0x16750]  }
0x253: {  	v33 =	vld [tilespmem:s13+$0x1B610]  }
0x254: {  	v34 =	vld [tilespmem:s13+$0x1B620]  }
0x255: {  	v28 =	vld [tilespmem:s13+$0x16760]  }
0x256: {  	v35 =	vld [tilespmem:s13+$0x1B630];
	v6 =	vadd.f32 v6, v32  }
0x257: {  	v36 =	vld [tilespmem:s13+$0x1B640]  }
0x258: {  	v29 =	vld [tilespmem:s13+$0x16770];
	v7 =	vadd.f32 v7, v33;
	v6 =	vmax.f32 v6, $0.0e+00  }
0x259: {  	v62 =	vld [tilespmem:s13+$0x1B650];
	[tilespmem:s13+$0x1B600] =	vst v6;
	v6 =	vadd.f32 v8, v34  }
0x25a: {  	v37 =	vld [tilespmem:s13+$0x1B660];
	v7 =	vmax.f32 v7, $0.0e+00  }
0x25b: {  	v30 =	vld [tilespmem:s13+$0x16780];
	[tilespmem:s13+$0x1B610] =	vst v7;
	v7 =	vadd.f32 v9, v35;
	v6 =	vmax.f32 v6, $0.0e+00  }
0x25c: {  	v63 =	vld [tilespmem:s13+$0x1B670];
	[tilespmem:s13+$0x1B620] =	vst v6;
	v6 =	vadd.f32 v10, v36  }
0x25d: {  	v8 =	vld [tilespmem:s13+$0x1B680];
	v7 =	vmax.f32 v7, $0.0e+00  }
0x25e: {  	v31 =	vld [tilespmem:s13+$0x16790];
	[tilespmem:s13+$0x1B630] =	vst v7;
	v7 =	vadd.f32 v11, v62;
	v6 =	vmax.f32 v6, $0.0e+00  }
0x25f: {  	v9 =	vld [tilespmem:s13+$0x1B690];
	[tilespmem:s13+$0x1B640] =	vst v6;
	v6 =	vadd.f32 v12, v37  }
0x260: {  	v10 =	vld [tilespmem:s13+$0x1B6A0];
	v7 =	vmax.f32 v7, $0.0e+00  }
0x261: {  	v5 =	vld [tilespmem:s13+$0x167A0];
	[tilespmem:s13+$0x1B650] =	vst v7;
	v7 =	vadd.f32 v13, v63;
	v6 =	vmax.f32 v6, $0.0e+00  }
0x262: {  	v11 =	vld [tilespmem:s13+$0x1B6B0];
	[tilespmem:s13+$0x1B660] =	vst v6;
	v6 =	vadd.f32 v14, v8  }
0x263: {  	v12 =	vld [tilespmem:s13+$0x1B6C0];
	v7 =	vmax.f32 v7, $0.0e+00  }
0x264: {  	v4 =	vld [tilespmem:s13+$0x167B0];
	[tilespmem:s13+$0x1B670] =	vst v7;
	v7 =	vadd.f32 v15, v9;
	v6 =	vmax.f32 v6, $0.0e+00  }
0x265: {  	v13 =	vld [tilespmem:s13+$0x1B6D0];
	[tilespmem:s13+$0x1B680] =	vst v6;
	v6 =	vadd.f32 v16, v10  }
0x266: {  	v8 =	vld [tilespmem:s13+$0x1B6E0];
	v7 =	vmax.f32 v7, $0.0e+00  }
0x267: {  	v3 =	vld [tilespmem:s13+$0x167C0];
	[tilespmem:s13+$0x1B690] =	vst v7;
	v7 =	vadd.f32 v17, v11;
	v6 =	vmax.f32 v6, $0.0e+00  }
0x268: {  	v9 =	vld [tilespmem:s13+$0x1B6F0];
	[tilespmem:s13+$0x1B6A0] =	vst v6;
	v6 =	vadd.f32 v18, v12  }
0x269: {  	v10 =	vld [tilespmem:s13+$0x1B700];
	v7 =	vmax.f32 v7, $0.0e+00  }
0x26a: {  	v2 =	vld [tilespmem:s13+$0x167D0];
	[tilespmem:s13+$0x1B6B0] =	vst v7;
	v7 =	vadd.f32 v19, v13;
	v6 =	vmax.f32 v6, $0.0e+00  }
0x26b: {  	v11 =	vld [tilespmem:s13+$0x1B710];
	[tilespmem:s13+$0x1B6C0] =	vst v6;
	v6 =	vadd.f32 v20, v8  }
0x26c: {  	v12 =	vld [tilespmem:s13+$0x1B720];
	v7 =	vmax.f32 v7, $0.0e+00  }
0x26d: {  	v1 =	vld [tilespmem:s13+$0x167E0];
	[tilespmem:s13+$0x1B6D0] =	vst v7;
	v7 =	vadd.f32 v21, v9;
	v6 =	vmax.f32 v6, $0.0e+00  }
0x26e: {  	v13 =	vld [tilespmem:s13+$0x1B730];
	[tilespmem:s13+$0x1B6E0] =	vst v6;
	v6 =	vadd.f32 v22, v10  }
0x26f: {  	v8 =	vld [tilespmem:s13+$0x1B740];
	v7 =	vmax.f32 v7, $0.0e+00  }
0x270: {  	v0 =	vld [tilespmem:s13+$0x167F0];
	[tilespmem:s13+$0x1B6F0] =	vst v7;
	v7 =	vadd.f32 v23, v11;
	v6 =	vmax.f32 v6, $0.0e+00  }
0x271: {  	v9 =	vld [tilespmem:s13+$0x1B750];
	[tilespmem:s13+$0x1B700] =	vst v6;
	v6 =	vadd.f32 v24, v12  }
0x272: {  	v14 =	vld [tilespmem:s13+$0x1B760];
	v7 =	vmax.f32 v7, $0.0e+00  }
0x273: {  	v11 =	vld [tilespmem:s13+$0x1B770];
	[tilespmem:s13+$0x1B710] =	vst v7;
	v7 =	vadd.f32 v25, v13;
	v6 =	vmax.f32 v6, $0.0e+00  }
0x274: {  	v12 =	vld [tilespmem:s13+$0x1B780];
	[tilespmem:s13+$0x1B720] =	vst v6;
	v6 =	vadd.f32 v26, v8  }
0x275: {  	v15 =	vld [tilespmem:s13+$0x1B790];
	v7 =	vmax.f32 v7, $0.0e+00  }
0x276: {  	v10 =	vld [tilespmem:s13+$0x1B7A0];
	[tilespmem:s13+$0x1B730] =	vst v7;
	v7 =	vadd.f32 v27, v9;
	v6 =	vmax.f32 v6, $0.0e+00  }
0x277: {  	v9 =	vld [tilespmem:s13+$0x1B7B0];
	[tilespmem:s13+$0x1B740] =	vst v6;
	v6 =	vadd.f32 v28, v14  }
0x278: {  	v11 =	vadd.f32 v29, v11;
	v8 =	vld [tilespmem:s13+$0x1B7C0];
	v7 =	vmax.f32 v7, $0.0e+00  }
0x279: {  	v12 =	vadd.f32 v30, v12;
	[tilespmem:s13+$0x1B750] =	vst v7;
	v7 =	vld [tilespmem:s13+$0x1B7D0];
	v6 =	vmax.f32 v6, $0.0e+00  }
0x27a: {  	s30 =	simm.s32 $0x800;
	v13 =	vmax.f32 v11, $0.0e+00;
	v11 =	vadd.f32 v31, v15;
	[tilespmem:s13+$0x1B760] =	vst v6;
	v6 =	vld [tilespmem:s13+$0x1B7E0]  }
.LBB2_14:
0x27b: {  	s0 =	sshra.s32 s30, $0x2;
	p2 =	sne.s32 s30, $0x9800;
	[tilespmem:s13+$0x1B770] =	vst v13;
	v12 =	vmax.f32 v12, $0.0e+00;
	v5 =	vadd.f32 v5, v10;
	v10 =	vld [tilespmem:s13+$0x1B7F0]  }
0x27c: {  	v13 =	vld [tilespmem:s0+$0x16600];
	[tilespmem:s13+$0x1B780] =	vst v12;
	v11 =	vmax.f32 v11, $0.0e+00;
	v4 =	vadd.f32 v4, v9  }
0x27d: {  	v12 =	vld [tilespmem:s0+$0x16610];
	[tilespmem:s13+$0x1B790] =	vst v11;
	v5 =	vmax.f32 v5, $0.0e+00;
	v3 =	vadd.f32 v3, v8  }
0x27e: {  	v14 =	vld [tilespmem:s0+$0x16620];
	[tilespmem:s13+$0x1B7A0] =	vst v5;
	v4 =	vmax.f32 v4, $0.0e+00;
	v2 =	vadd.f32 v2, v7  }
0x27f: {  	v15 =	vld [tilespmem:s0+$0x16630];
	[tilespmem:s13+$0x1B7B0] =	vst v4;
	v3 =	vmax.f32 v3, $0.0e+00;
	v1 =	vadd.f32 v1, v6  }
0x280: {  	v16 =	vld [tilespmem:s0+$0x16640];
	[tilespmem:s13+$0x1B7C0] =	vst v3;
	v2 =	vmax.f32 v2, $0.0e+00;
	v0 =	vadd.f32 v0, v10  }
0x281: {  	v17 =	vld [tilespmem:s0+$0x16650];
	[tilespmem:s13+$0x1B7D0] =	vst v2;
	v1 =	vmax.f32 v1, $0.0e+00  }
0x282: {  	v18 =	vld [tilespmem:s0+$0x16660];
	[tilespmem:s13+$0x1B7E0] =	vst v1;
	v0 =	vmax.f32 v0, $0.0e+00  }
0x283: {  	v19 =	vld [tilespmem:s0+$0x16670];
	[tilespmem:s13+$0x1B7F0] =	vst v0;
	s13 =	smov.u32 s0  }
0x284: {  	v20 =	vld [tilespmem:s13+$0x16680]  }
0x285: {  	v21 =	vld [tilespmem:s13+$0x16690]  }
0x286: {  	v22 =	vld [tilespmem:s13+$0x166A0]  }
0x287: {  	v23 =	vld [tilespmem:s13+$0x166B0]  }
0x288: {  	v24 =	vld [tilespmem:s13+$0x166C0]  }
0x289: {  	v25 =	vld [tilespmem:s13+$0x166D0]  }
0x28a: {  	v26 =	vld [tilespmem:s13+$0x166E0]  }
0x28b: {  	v27 =	vld [tilespmem:s13+$0x166F0]  }
0x28c: {  	v28 =	vld [tilespmem:s13+$0x16700]  }
0x28d: {  	v29 =	vld [tilespmem:s13+$0x16710]  }
0x28e: {  	v30 =	vld [tilespmem:s13+$0x16720]  }
0x28f: {  	v31 =	vld [tilespmem:s13+$0x16730]  }
0x290: {  	v11 =	vld [tilespmem:s13+$0x16740]  }
0x291: {  	v10 =	vld [tilespmem:s13+$0x16750]  }
0x292: {  	v9 =	vld [tilespmem:s13+$0x16760]  }
0x293: {  	v8 =	vld [tilespmem:s13+$0x16770]  }
0x294: {  	v7 =	vld [tilespmem:s13+$0x16780]  }
0x295: {  	v6 =	vld [tilespmem:s13+$0x16790]  }
0x296: {  	v5 =	vld [tilespmem:s13+$0x167A0]  }
0x297: {  	v4 =	vld [tilespmem:s13+$0x167B0]  }
0x298: {  	v3 =	vld [tilespmem:s13+$0x167C0]  }
0x299: {  	v2 =	vld [tilespmem:s13+$0x167D0]  }
0x29a: {  	v1 =	vld [tilespmem:s13+$0x167E0]  }
0x29b: {  	v0 =	vld [tilespmem:s13+$0x167F0]  }
0x29c: {  	v32 =	vld [tilespmem:s13+$0x1B600]  }
0x29d: {  	v33 =	vld [tilespmem:s13+$0x1B610]  }
0x29e: {  	v34 =	vld [tilespmem:s13+$0x1B620]  }
0x29f: {  	v35 =	vld [tilespmem:s13+$0x1B630]  }
0x2a0: {  	v36 =	vld [tilespmem:s13+$0x1B640]  }
0x2a1: {  	v13 =	vadd.f32 v13, v32;
	v32 =	vld [tilespmem:s13+$0x1B650]  }
0x2a2: {  	v12 =	vadd.f32 v12, v33;
	v33 =	vld [tilespmem:s13+$0x1B660]  }
0x2a3: {  	v13 =	vmax.f32 v13, $0.0e+00;
	v14 =	vadd.f32 v14, v34;
	v34 =	vld [tilespmem:s13+$0x1B670]  }
0x2a4: {  	[tilespmem:s13+$0x1B600] =	vst v13;
	v12 =	vmax.f32 v12, $0.0e+00;
	v13 =	vadd.f32 v15, v35;
	v15 =	vld [tilespmem:s13+$0x1B680]  }
0x2a5: {  	[tilespmem:s13+$0x1B610] =	vst v12;
	v12 =	vmax.f32 v14, $0.0e+00;
	v14 =	vadd.f32 v16, v36;
	v16 =	vld [tilespmem:s13+$0x1B690]  }
0x2a6: {  	[tilespmem:s13+$0x1B620] =	vst v12;
	v12 =	vmax.f32 v13, $0.0e+00;
	v13 =	vadd.f32 v17, v32;
	v17 =	vld [tilespmem:s13+$0x1B6A0]  }
0x2a7: {  	[tilespmem:s13+$0x1B630] =	vst v12;
	v12 =	vmax.f32 v14, $0.0e+00;
	v14 =	vadd.f32 v18, v33;
	v18 =	vld [tilespmem:s13+$0x1B6B0]  }
0x2a8: {  	[tilespmem:s13+$0x1B640] =	vst v12;
	v12 =	vmax.f32 v13, $0.0e+00;
	v13 =	vadd.f32 v19, v34;
	v19 =	vld [tilespmem:s13+$0x1B6C0]  }
0x2a9: {  	[tilespmem:s13+$0x1B650] =	vst v12;
	v12 =	vmax.f32 v14, $0.0e+00;
	v14 =	vadd.f32 v20, v15;
	v15 =	vld [tilespmem:s13+$0x1B6D0]  }
0x2aa: {  	[tilespmem:s13+$0x1B660] =	vst v12;
	v12 =	vmax.f32 v13, $0.0e+00;
	v13 =	vadd.f32 v21, v16;
	v16 =	vld [tilespmem:s13+$0x1B6E0]  }
0x2ab: {  	[tilespmem:s13+$0x1B670] =	vst v12;
	v12 =	vmax.f32 v14, $0.0e+00;
	v14 =	vadd.f32 v22, v17;
	v17 =	vld [tilespmem:s13+$0x1B6F0]  }
0x2ac: {  	[tilespmem:s13+$0x1B680] =	vst v12;
	v12 =	vmax.f32 v13, $0.0e+00;
	v13 =	vadd.f32 v23, v18;
	v18 =	vld [tilespmem:s13+$0x1B700]  }
0x2ad: {  	[tilespmem:s13+$0x1B690] =	vst v12;
	v12 =	vmax.f32 v14, $0.0e+00;
	v14 =	vadd.f32 v24, v19;
	v19 =	vld [tilespmem:s13+$0x1B710]  }
0x2ae: {  	[tilespmem:s13+$0x1B6A0] =	vst v12;
	v12 =	vmax.f32 v13, $0.0e+00;
	v13 =	vadd.f32 v25, v15;
	v15 =	vld [tilespmem:s13+$0x1B720]  }
0x2af: {  	[tilespmem:s13+$0x1B6B0] =	vst v12;
	v12 =	vmax.f32 v14, $0.0e+00;
	v14 =	vadd.f32 v26, v16;
	v16 =	vld [tilespmem:s13+$0x1B730]  }
0x2b0: {  	[tilespmem:s13+$0x1B6C0] =	vst v12;
	v12 =	vmax.f32 v13, $0.0e+00;
	v13 =	vadd.f32 v27, v17;
	v17 =	vld [tilespmem:s13+$0x1B740]  }
0x2b1: {  	[tilespmem:s13+$0x1B6D0] =	vst v12;
	v12 =	vmax.f32 v14, $0.0e+00;
	v14 =	vadd.f32 v28, v18;
	v18 =	vld [tilespmem:s13+$0x1B750]  }
0x2b2: {  	[tilespmem:s13+$0x1B6E0] =	vst v12;
	v12 =	vmax.f32 v13, $0.0e+00;
	v13 =	vadd.f32 v29, v19;
	v19 =	vld [tilespmem:s13+$0x1B760]  }
0x2b3: {  	[tilespmem:s13+$0x1B6F0] =	vst v12;
	v12 =	vmax.f32 v14, $0.0e+00;
	v14 =	vadd.f32 v30, v15;
	v15 =	vld [tilespmem:s13+$0x1B770]  }
0x2b4: {  	[tilespmem:s13+$0x1B700] =	vst v12;
	v12 =	vmax.f32 v13, $0.0e+00;
	v13 =	vadd.f32 v31, v16;
	v16 =	vld [tilespmem:s13+$0x1B780]  }
0x2b5: {  	[tilespmem:s13+$0x1B710] =	vst v12;
	v12 =	vmax.f32 v14, $0.0e+00;
	v11 =	vadd.f32 v11, v17;
	v14 =	vld [tilespmem:s13+$0x1B790]  }
.Ltmp8:
0x2b6: {  	[tilespmem:s13+$0x1B720] =	vst v12;
	v12 =	vmax.f32 v13, $0.0e+00;
	v13 =	vadd.f32 v10, v18;
	v10 =	vld [tilespmem:s13+$0x1B7A0];
	(pc) =	sbr.rel @p2 .LBB2_14-.Ltmp8, $4  }
0x2b7: {  	[tilespmem:s13+$0x1B730] =	vst v12;
	v11 =	vmax.f32 v11, $0.0e+00;
	v12 =	vadd.f32 v9, v19;
	v9 =	vld [tilespmem:s13+$0x1B7B0]  }
0x2b8: {  	[tilespmem:s13+$0x1B740] =	vst v11;
	v11 =	vmax.f32 v13, $0.0e+00;
	v13 =	vadd.f32 v8, v15;
	v8 =	vld [tilespmem:s13+$0x1B7C0]  }
0x2b9: {  	[tilespmem:s13+$0x1B750] =	vst v11;
	v11 =	vmax.f32 v12, $0.0e+00;
	v12 =	vadd.f32 v7, v16;
	v7 =	vld [tilespmem:s13+$0x1B7D0]  }
0x2ba: {  	s30 =	sadd.s32 $0x800, s30;
	[tilespmem:s13+$0x1B760] =	vst v11;
	v13 =	vmax.f32 v13, $0.0e+00;
	v11 =	vadd.f32 v6, v14;
	v6 =	vld [tilespmem:s13+$0x1B7E0]  }
0x2bb: {  	[tilespmem:s13+$0x1B770] =	vst v13;
	v12 =	vmax.f32 v12, $0.0e+00;
	v5 =	vadd.f32 v5, v10;
	v63 =	vld [tilespmem:s13+$0x1B7F0]  }
0x2bc: {  	[tilespmem:s13+$0x1B780] =	vst v12;
	v11 =	vmax.f32 v11, $0.0e+00;
	v4 =	vadd.f32 v4, v9  }
0x2bd: {  	[tilespmem:s13+$0x1B790] =	vst v11;
	v5 =	vmax.f32 v5, $0.0e+00;
	v3 =	vadd.f32 v3, v8  }
0x2be: {  	[tilespmem:s13+$0x1B7A0] =	vst v5;
	v4 =	vmax.f32 v4, $0.0e+00;
	v2 =	vadd.f32 v2, v7  }
0x2bf: {  	[tilespmem:s13+$0x1B7B0] =	vst v4;
	v3 =	vmax.f32 v3, $0.0e+00;
	v1 =	vadd.f32 v1, v6  }
0x2c0: {  	[tilespmem:s13+$0x1B7C0] =	vst v3;
	v2 =	vmax.f32 v2, $0.0e+00;
	v0 =	vadd.f32 v0, v63  }
0x2c1: {  	[tilespmem:s13+$0x1B7D0] =	vst v2;
	v1 =	vmax.f32 v1, $0.0e+00  }
0x2c2: {  	[tilespmem:s13+$0x1B7E0] =	vst v1;
	v0 =	vmax.f32 v0, $0.0e+00  }
0x2c3: {  	[tilespmem:s13+$0x1B7F0] =	vst v0  }
0x2c4: {  	_ =	swait.ge [sflag:s29], $0x50  }
0x2c5: {  	[sflag:s29] =	ssyncset.done $0x0  }
.Ltmp9:
0x2c6: {  	[sflag:s29] =	ssyncadd.s32 $0xFFFFFFB0;
	(pc) =	sbr.rel @p1 .LBB2_16-.Ltmp9, $4  }
0x2c7: {  	[spmem:s1] =	stream.indirect.scatter.add.f32 [tilespmem:s22], [sflag:$0x7], $0x80, s24, s16, $0xb8;
	[tilespmem:$0x1DE00] =	vst v63  }
0x2c8: {  	_ =	swait.ge [sflag:s28], $0x2800  }
0x2c9: {  	[sflag:s28] =	ssyncset.done $0x0  }
0x2ca: {  	[sflag:s28] =	ssyncadd.s32 $0xFFFFD800  }
0x2cb: {  	s0 =	sadd.s32 s25, s21  }
.Ltmp10:
0x2cc: {  	s12 =	sshrl.u32 s0, $0x3;
	(pc) =	sbr.rel .LBB2_11-.Ltmp10, $4  }
0x2cd: {  	s0 =	sshll.u32 s0, $0x4;
	s12 =	sadd.s32 s8, s12  }
0x2ce: {  	[tilespmem:s31], [sflag:$0x2] =	stream.linear.gather [hbm4b:s12+s2], $0x50, $0x38;
	[tilespmem:$0x1DE00] =	vst v63  }
0x2cf: {  	s30 =	simm.s32 $0x16600;
	s19 =	sadd.s32 $0x1, s19;
	s0 =	sadd.s32 s7, s0  }
0x2d0: {  	[tilespmem:s30], [sflag:$0x2] =	stream.linear.gather [hbm4b:s0+s2], $0x2800, $0x38;
	[tilespmem:$0x1DE00] =	vst v63  }
.LBB2_8:
.Ltmp11:
0x2d1: {  	(pc) =	sbr.rel .LBB2_17-.Ltmp11, $3  }
0x2d2: {  	_ =	sdelay $0x1  }
0x2d3: {  	s13 =	rddreg [dreg:$0x10]  }
0x2d4: {  	s14 =	rddreg [dreg:$0x11]  }
.LBB2_18:
0x2d5: {  	_ =	sfence.sel $0x180000  }
0x2d6: {  	[bflag:$0x0] =	sbarrier.arrive $0xFFFF  }
0x2d7: {  	_ =	strace $0x90000047  }
0x2d8: {  	s0 =	stileid.u32;
	[bflag:$0x2] =	sbarrier.arrive $0xFFFF  }
0x2d9: {  	p0 =	sne.s32 s0, $0x0;
	s0 =	rddreg [dreg:$0x2]  }
0x2da: {  	s0 =	sadd.s32 @!p0 $0x100000, s0  }
0x2db: {  	[sflag:s0] =	ssyncadd.tile.s32 @!p0 $0x1;
	_ =	shalt  }
.Lfunc_end2:
_tile_overlayer_lowered:
.L_overlay_start_2:
0x2dc: {  	(tag) =	ssettag $0x2  }
0x2dd: {  	s0 =	rddreg [dreg:$0x0];
	s2 =	stileid.u32  }
0x2de: {  	s1 =	rddreg [dreg:$0x1];
	p0 =	sne.s32 s2, $0x0  }
0x2df: {  	s3 =	rddreg [dreg:$0x2];
	[bflag:$0x3] =	sbarrier.arrive $0xFFFF;
	s2 =	simm.s32 @!p0 $0x1C07  }
0x2e0: {  	[timem:s3], [sflag:s2] =	dma.local @!p0 [hbm:s0], s1  }
0x2e1: {  	s0 =	simm.s32 @!p0 $0x7  }
0x2e2: {  	_ =	swait.ge @!p0 [sflag:s0], s1  }
0x2e3: {  	s1 =	ssub.s32 @!p0 $0x0, s1;
	[sflag:s0] =	ssyncset.done @!p0 $0x0  }
0x2e4: {  	[sflag:s0] =	ssyncadd.s32 @!p0 s1  }
0x2e5: {  	[bflag:$0x3] =	sbarrier.arrive $0xFFFF  }
0x2e6: {  	_ =	shalt  }

</sc_bundles>
